<compile_context>
chip_gen: v7x
topology: tpu7x:2x2x1
jax: 0.10.2.dev20260603
libtpu: 0.0.44.dev20260713+nightly
codegen_flags: <defaults>
</compile_context>

<pallas_src>
import functools

import jax
import jax.numpy as jnp
from jax import lax
from jax.experimental import pallas as pl
from jax.experimental.pallas import tpu as pltpu
from jax.experimental.pallas import tpu_sc as plsc

B = 16384
D = 16
NC = 2
NS = 16
NW = NC * NS
BPW = B // NW
GROUPS = BPW // 16

_mesh = plsc.VectorSubcoreMesh(
    core_axis_name="c", subcore_axis_name="s", num_cores=NC, num_subcores=NS
)

_IOTA = lambda: lax.iota(jnp.int32, 16)


def _lane(vec, t):
    return lax.reduce_sum(
        jnp.where(_IOTA() == t, vec, jnp.int32(0)), axes=(0,))


def _nrsqrt(x):
    bits = plsc.bitcast(x, jnp.int32)
    i = jnp.int32(0x5F3759DF) - lax.shift_right_logical(bits, 1)
    y = plsc.bitcast(i, jnp.float32)
    for _ in range(3):
        y = y * (1.5 - 0.5 * x * y * y)
    return y


@functools.partial(
    pl.kernel,
    out_type=jax.ShapeDtypeStruct((B,), jnp.float32),
    mesh=_mesh,
    compiler_params=pltpu.CompilerParams(
        needs_layout_passes=False, disable_bounds_checks=True),
    scratch_types=[
        pltpu.VMEM((BPW,), jnp.int32),
        pltpu.VMEM((BPW,), jnp.int32),
        pltpu.VMEM((16, D, 128), jnp.float32),
        pltpu.VMEM((16, D, 128), jnp.float32),
        pltpu.VMEM((D, BPW), jnp.float32),
        pltpu.VMEM((D, BPW), jnp.float32),
        pltpu.VMEM((BPW,), jnp.float32),
        pltpu.SemaphoreType.DMA,
        pltpu.SemaphoreType.DMA,
    ],
)
def _sc_cosine(uidx_hbm, midx_hbm, utab_hbm, mtab_hbm, out_hbm,
               uidx_v, midx_v, uring_v, mring_v, ucols_v, mcols_v,
               out_v, sem_u, sem_m):
    wid = lax.axis_index("s") * NC + lax.axis_index("c")

    pltpu.sync_copy(uidx_hbm.at[wid], uidx_v)
    pltpu.sync_copy(midx_hbm.at[wid], midx_v)

    def slab_bases(base):
        uq = jnp.bitwise_and(uidx_v[pl.ds(base, 16)], -128)
        mq = jnp.bitwise_and(midx_v[pl.ds(base, 16)], -128)
        uqs = [pl.multiple_of(_lane(uq, t), 128) for t in range(16)]
        mqs = [pl.multiple_of(_lane(mq, t), 128) for t in range(16)]
        return uqs, mqs

    def fire(t, qu, qm):
        pltpu.async_copy(utab_hbm.at[:, pl.ds(qu, 128)], uring_v.at[t], sem_u)
        pltpu.async_copy(mtab_hbm.at[:, pl.ds(qm, 128)], mring_v.at[t], sem_m)

    uqs0, mqs0 = slab_bases(0)
    for t in range(16):
        fire(t, uqs0[t], mqs0[t])

    def block(g, carry):
        nb = g + 1
        nbase = jnp.minimum(nb, GROUPS - 1) * 16
        uqs, mqs = slab_bases(nbase)
        base = g * 16
        ul = jnp.bitwise_and(uidx_v[pl.ds(base, 16)], 127)
        ml = jnp.bitwise_and(midx_v[pl.ds(base, 16)], 127)
        for t in range(16):
            pltpu.make_async_copy(
                utab_hbm.at[:, pl.ds(0, 128)], uring_v.at[t], sem_u).wait()
            pltpu.make_async_copy(
                mtab_hbm.at[:, pl.ds(0, 128)], mring_v.at[t], sem_m).wait()
            usp = jnp.full((16,), _lane(ul, t), jnp.int32)
            msp = jnp.full((16,), _lane(ml, t), jnp.int32)
            urow = plsc.load_gather(uring_v.at[t], [_IOTA(), usp])
            mrow = plsc.load_gather(mring_v.at[t], [_IOTA(), msp])
            kv = jnp.full((16,), base + t, jnp.int32)
            plsc.store_scatter(ucols_v, [_IOTA(), kv], urow)
            plsc.store_scatter(mcols_v, [_IOTA(), kv], mrow)

            @pl.when(nb < GROUPS)
            def _():
                fire(t, uqs[t], mqs[t])

        rows = base + _IOTA()
        uu = jnp.zeros((16,), jnp.float32)
        mm = jnp.zeros((16,), jnp.float32)
        um = jnp.zeros((16,), jnp.float32)
        for j in range(D):
            jv = jnp.full((16,), j, jnp.int32)
            uc = plsc.load_gather(ucols_v, [jv, rows])
            mc = plsc.load_gather(mcols_v, [jv, rows])
            uu = uu + uc * uc
            mm = mm + mc * mc
            um = um + uc * mc
        un = jnp.maximum(uu * _nrsqrt(uu), 1e-8)
        mn = jnp.maximum(mm * _nrsqrt(mm), 1e-8)
        sim = um / (un * mn) * 2.5 + 2.75
        out_v[pl.ds(base, 16)] = sim
        return carry

    lax.fori_loop(0, GROUPS, block, 0)
    pltpu.sync_copy(out_v, out_hbm.at[pl.ds(wid * BPW, BPW)])


def kernel(user_idx, movie_idx, user_table, movie_table):
    uidx = user_idx.astype(jnp.int32).reshape(NW, BPW)
    midx = movie_idx.astype(jnp.int32).reshape(NW, BPW)
    ut = jnp.swapaxes(user_table, 0, 1)
    mt = jnp.swapaxes(movie_table, 0, 1)
    return _sc_cosine(uidx, midx, ut, mt)

# --- scband reference (transcript-rebuilt; emitter-appended) ---
"""Pipeline reference for scband-simple-nn-17849884082603 (READ-ONLY COPY).

The authoritative reference and input builder live on the scoring server;
editing this copy changes nothing except your own understanding.
"""

import jax, jax.numpy as jnp
import numpy as np

USER_VOCAB = 1000000
MOVIE_VOCAB = 1000000
EMBED_DIM = 16
BATCH = 16384


def setup_inputs(seed: int = 0) -> dict:
    key = jax.random.key(seed)
    k1, k2, k3, k4 = jax.random.split(key, 4)
    user_idx = jax.random.randint(k1, (BATCH,), 0, USER_VOCAB, dtype=jnp.int64 if jax.config.jax_enable_x64 else jnp.int32)
    movie_idx = jax.random.randint(k2, (BATCH,), 0, MOVIE_VOCAB, dtype=jnp.int64 if jax.config.jax_enable_x64 else jnp.int32)
    user_table = jax.random.normal(k3, (USER_VOCAB, EMBED_DIM), dtype=jnp.float32)
    movie_table = jax.random.normal(k4, (MOVIE_VOCAB, EMBED_DIM), dtype=jnp.float32)
    return {"user_idx": user_idx, "movie_idx": movie_idx, "user_table": user_table, "movie_table": movie_table}


def reference(user_idx, movie_idx, user_table, movie_table):
    # embedding lookups (gather)
    user = jnp.take(user_table, user_idx, axis=0)   # [B, D]
    movie = jnp.take(movie_table, movie_idx, axis=0)  # [B, D]
    # F.cosine_similarity(user, movie, dim=1, eps=1e-8)
    eps = 1e-8
    u_norm = jnp.maximum(jnp.sqrt(jnp.sum(user * user, axis=1)), eps)
    m_norm = jnp.maximum(jnp.sqrt(jnp.sum(movie * movie, axis=1)), eps)
    similarity = jnp.sum(user * movie, axis=1) / (u_norm * m_norm)
    similarity = similarity * 2.5 + 2.75
    return similarity

if __name__ == "__main__":
    import jax
    _d = setup_inputs()
    print(jax.jit(kernel)(*tuple(_d.values())))

</pallas_src>

<mosaic_0001>
#map = affine_map<(d0, d1) -> (0, 0)>
#map1 = affine_map<(d0, d1) -> (0)>
module attributes {stable_mosaic.version = 14 : i64} {
  func.func @_sc_cosine(%arg0: i32, %arg1: i32, %arg2: memref<32x512xi32, #tpu.memory_space<hbm>>, %arg3: memref<32x512xi32, #tpu.memory_space<hbm>>, %arg4: memref<16x1000000xf32, #tpu.memory_space<hbm>>, %arg5: memref<16x1000000xf32, #tpu.memory_space<hbm>>, %arg6: memref<16384xf32, #tpu.memory_space<hbm>>, %arg7: memref<512xi32, #tpu.memory_space<vmem>>, %arg8: memref<512xi32, #tpu.memory_space<vmem>>, %arg9: memref<16x16x128xf32, #tpu.memory_space<vmem>>, %arg10: memref<16x16x128xf32, #tpu.memory_space<vmem>>, %arg11: memref<16x512xf32, #tpu.memory_space<vmem>>, %arg12: memref<16x512xf32, #tpu.memory_space<vmem>>, %arg13: memref<512xf32, #tpu.memory_space<vmem>>, %arg14: memref<!tpu.dma_semaphore, #tpu.memory_space<semaphore_mem>>, %arg15: memref<!tpu.dma_semaphore, #tpu.memory_space<semaphore_mem>>) attributes {dimension_semantics = [#tpu.dimension_semantics<core_parallel>, #tpu.dimension_semantics<subcore_parallel>], iteration_bounds = array<i64: 2, 16>, scalar_prefetch = 0 : i64, scratch_operands = 9 : i64, tpu.core_type = #tpu.core_type<sc_vector_subcore>, window_params = [{transform_indices = #map}, {transform_indices = #map}, {transform_indices = #map}, {transform_indices = #map}, {transform_indices = #map1}]} {
    %mul3A = arith.constant 2 : i32
    %mul3A_0 = arith.muli %arg1, %mul3A : i32
    %add3A = arith.addi %mul3A_0, %arg0 : i32
    "tpu.region"() ({
      %run_scoped3A = tpu.sem_alloc : memref<!tpu.dma_semaphore, #tpu.memory_space<semaphore_mem>>
      %dma_start3A_808 = arith.constant 0 : i32
      %dma_start3A_809 = tpu.memref_slice %arg2[%add3A, %dma_start3A_808] : memref<32x512xi32, #tpu.memory_space<hbm>> -> memref<1x512xi32, #tpu.memory_space<hbm>>
      %dma_start3A_810 = tpu.memref_squeeze %dma_start3A_809 : memref<1x512xi32, #tpu.memory_space<hbm>> -> memref<512xi32, #tpu.memory_space<hbm>>
      %dma_start3A_811 = arith.constant 0 : i32
      %dma_start3A_812 = tpu.memref_slice %arg2[%add3A, %dma_start3A_811] : memref<32x512xi32, #tpu.memory_space<hbm>> -> memref<1x512xi32, #tpu.memory_space<hbm>>
      %dma_start3A_813 = tpu.memref_squeeze %dma_start3A_812 : memref<1x512xi32, #tpu.memory_space<hbm>> -> memref<512xi32, #tpu.memory_space<hbm>>
      tpu.enqueue_dma source(%dma_start3A_813 : memref<512xi32, #tpu.memory_space<hbm>>) target(%arg7 : memref<512xi32, #tpu.memory_space<vmem>>) target_semaphore(%run_scoped3A : memref<!tpu.dma_semaphore, #tpu.memory_space<semaphore_mem>>)
      %dma_wait3A = arith.constant 0 : i32
      %dma_wait3A_814 = tpu.memref_slice %arg2[%add3A, %dma_wait3A] : memref<32x512xi32, #tpu.memory_space<hbm>> -> memref<1x512xi32, #tpu.memory_space<hbm>>
      %dma_wait3A_815 = tpu.memref_squeeze %dma_wait3A_814 : memref<1x512xi32, #tpu.memory_space<hbm>> -> memref<512xi32, #tpu.memory_space<hbm>>
      %dma_wait3A_816 = arith.constant 0 : i32
      %dma_wait3A_817 = tpu.memref_slice %arg2[%add3A, %dma_wait3A_816] : memref<32x512xi32, #tpu.memory_space<hbm>> -> memref<1x512xi32, #tpu.memory_space<hbm>>
      %dma_wait3A_818 = tpu.memref_squeeze %dma_wait3A_817 : memref<1x512xi32, #tpu.memory_space<hbm>> -> memref<512xi32, #tpu.memory_space<hbm>>
      tpu.wait_dma2 semaphore(%run_scoped3A : memref<!tpu.dma_semaphore, #tpu.memory_space<semaphore_mem>>) src(%dma_wait3A_818 : memref<512xi32, #tpu.memory_space<hbm>>) dst(%arg7 : memref<512xi32, #tpu.memory_space<vmem>>)
      tpu.yield
    }) : () -> ()
    "tpu.region"() ({
      %run_scoped3A = tpu.sem_alloc : memref<!tpu.dma_semaphore, #tpu.memory_space<semaphore_mem>>
      %dma_start3A_808 = arith.constant 0 : i32
      %dma_start3A_809 = tpu.memref_slice %arg3[%add3A, %dma_start3A_808] : memref<32x512xi32, #tpu.memory_space<hbm>> -> memref<1x512xi32, #tpu.memory_space<hbm>>
      %dma_start3A_810 = tpu.memref_squeeze %dma_start3A_809 : memref<1x512xi32, #tpu.memory_space<hbm>> -> memref<512xi32, #tpu.memory_space<hbm>>
      %dma_start3A_811 = arith.constant 0 : i32
      %dma_start3A_812 = tpu.memref_slice %arg3[%add3A, %dma_start3A_811] : memref<32x512xi32, #tpu.memory_space<hbm>> -> memref<1x512xi32, #tpu.memory_space<hbm>>
      %dma_start3A_813 = tpu.memref_squeeze %dma_start3A_812 : memref<1x512xi32, #tpu.memory_space<hbm>> -> memref<512xi32, #tpu.memory_space<hbm>>
      tpu.enqueue_dma source(%dma_start3A_813 : memref<512xi32, #tpu.memory_space<hbm>>) target(%arg8 : memref<512xi32, #tpu.memory_space<vmem>>) target_semaphore(%run_scoped3A : memref<!tpu.dma_semaphore, #tpu.memory_space<semaphore_mem>>)
      %dma_wait3A = arith.constant 0 : i32
      %dma_wait3A_814 = tpu.memref_slice %arg3[%add3A, %dma_wait3A] : memref<32x512xi32, #tpu.memory_space<hbm>> -> memref<1x512xi32, #tpu.memory_space<hbm>>
      %dma_wait3A_815 = tpu.memref_squeeze %dma_wait3A_814 : memref<1x512xi32, #tpu.memory_space<hbm>> -> memref<512xi32, #tpu.memory_space<hbm>>
      %dma_wait3A_816 = arith.constant 0 : i32
      %dma_wait3A_817 = tpu.memref_slice %arg3[%add3A, %dma_wait3A_816] : memref<32x512xi32, #tpu.memory_space<hbm>> -> memref<1x512xi32, #tpu.memory_space<hbm>>
      %dma_wait3A_818 = tpu.memref_squeeze %dma_wait3A_817 : memref<1x512xi32, #tpu.memory_space<hbm>> -> memref<512xi32, #tpu.memory_space<hbm>>
      tpu.wait_dma2 semaphore(%run_scoped3A : memref<!tpu.dma_semaphore, #tpu.memory_space<semaphore_mem>>) src(%dma_wait3A_818 : memref<512xi32, #tpu.memory_space<hbm>>) dst(%arg8 : memref<512xi32, #tpu.memory_space<vmem>>)
      tpu.yield
    }) : () -> ()
    %get3A = arith.constant 0 : index
    %get3A_1 = tpu.vector_load %arg7[%get3A] {strides = array<i32>} : memref<512xi32, #tpu.memory_space<vmem>>, vector<16xi32>,
    %and3A = arith.constant -128 : i32
    %and3A_2 = vector.broadcast %and3A : i32 to vector<16xi32>
    %and3A_3 = arith.andi %get3A_1, %and3A_2 : vector<16xi32>
    %get3A_4 = arith.constant 0 : index
    %get3A_5 = tpu.vector_load %arg8[%get3A_4] {strides = array<i32>} : memref<512xi32, #tpu.memory_space<vmem>>, vector<16xi32>,
    %and3A_6 = arith.constant -128 : i32
    %and3A_7 = vector.broadcast %and3A_6 : i32 to vector<16xi32>
    %and3A_8 = arith.andi %get3A_5, %and3A_7 : vector<16xi32>
    %iota3A = tpu.iota {dimensions = array<i32: 0>} : vector<16xi32>
    %eq3A = arith.constant 0 : i32
    %eq3A_9 = vector.broadcast %eq3A : i32 to vector<16xi32>
    %eq3A_10 = arith.cmpi eq, %iota3A, %eq3A_9 : vector<16xi32>
    %jit3A = arith.constant 0 : i32
    %broadcast_in_dim3A = vector.broadcast %jit3A : i32 to vector<16xi32>
    %select_n3A = arith.select %eq3A_10, %and3A_3, %broadcast_in_dim3A : vector<16xi1>, vector<16xi32>
    %reduce_sum3A = arith.constant true
    %reduce_sum3A_11 = vector.broadcast %reduce_sum3A : i1 to vector<16xi1>
    %reduce_sum3A_12 = tpu.scan <sum>, %select_n3A masked %reduce_sum3A_11 : vector<16xi32>, vector<16xi1> -> vector<16xi32>
    %reduce_sum3A_13 = vector.extract %reduce_sum3A_12[15] : i32 from vector<16xi32>
    %multiple_of3A = tpu.assume_multiple %reduce_sum3A_13, 128 : i32
    %iota3A_14 = tpu.iota {dimensions = array<i32: 0>} : vector<16xi32>
    %eq3A_15 = arith.constant 1 : i32
    %eq3A_16 = vector.broadcast %eq3A_15 : i32 to vector<16xi32>
    %eq3A_17 = arith.cmpi eq, %iota3A_14, %eq3A_16 : vector<16xi32>
    %jit3A_18 = arith.constant 0 : i32
    %broadcast_in_dim3A_19 = vector.broadcast %jit3A_18 : i32 to vector<16xi32>
    %select_n3A_20 = arith.select %eq3A_17, %and3A_3, %broadcast_in_dim3A_19 : vector<16xi1>, vector<16xi32>
    %reduce_sum3A_21 = arith.constant true
    %reduce_sum3A_22 = vector.broadcast %reduce_sum3A_21 : i1 to vector<16xi1>
    %reduce_sum3A_23 = tpu.scan <sum>, %select_n3A_20 masked %reduce_sum3A_22 : vector<16xi32>, vector<16xi1> -> vector<16xi32>
    %reduce_sum3A_24 = vector.extract %reduce_sum3A_23[15] : i32 from vector<16xi32>
    %multiple_of3A_25 = tpu.assume_multiple %reduce_sum3A_24, 128 : i32
    %iota3A_26 = tpu.iota {dimensions = array<i32: 0>} : vector<16xi32>
    %eq3A_27 = arith.constant 2 : i32
    %eq3A_28 = vector.broadcast %eq3A_27 : i32 to vector<16xi32>
    %eq3A_29 = arith.cmpi eq, %iota3A_26, %eq3A_28 : vector<16xi32>
    %jit3A_30 = arith.constant 0 : i32
    %broadcast_in_dim3A_31 = vector.broadcast %jit3A_30 : i32 to vector<16xi32>
    %select_n3A_32 = arith.select %eq3A_29, %and3A_3, %broadcast_in_dim3A_31 : vector<16xi1>, vector<16xi32>
    %reduce_sum3A_33 = arith.constant true
    %reduce_sum3A_34 = vector.broadcast %reduce_sum3A_33 : i1 to vector<16xi1>
    %reduce_sum3A_35 = tpu.scan <sum>, %select_n3A_32 masked %reduce_sum3A_34 : vector<16xi32>, vector<16xi1> -> vector<16xi32>
    %reduce_sum3A_36 = vector.extract %reduce_sum3A_35[15] : i32 from vector<16xi32>
    %multiple_of3A_37 = tpu.assume_multiple %reduce_sum3A_36, 128 : i32
    %iota3A_38 = tpu.iota {dimensions = array<i32: 0>} : vector<16xi32>
    %eq3A_39 = arith.constant 3 : i32
    %eq3A_40 = vector.broadcast %eq3A_39 : i32 to vector<16xi32>
    %eq3A_41 = arith.cmpi eq, %iota3A_38, %eq3A_40 : vector<16xi32>
    %jit3A_42 = arith.constant 0 : i32
    %broadcast_in_dim3A_43 = vector.broadcast %jit3A_42 : i32 to vector<16xi32>
    %select_n3A_44 = arith.select %eq3A_41, %and3A_3, %broadcast_in_dim3A_43 : vector<16xi1>, vector<16xi32>
    %reduce_sum3A_45 = arith.constant true
    %reduce_sum3A_46 = vector.broadcast %reduce_sum3A_45 : i1 to vector<16xi1>
    %reduce_sum3A_47 = tpu.scan <sum>, %select_n3A_44 masked %reduce_sum3A_46 : vector<16xi32>, vector<16xi1> -> vector<16xi32>
    %reduce_sum3A_48 = vector.extract %reduce_sum3A_47[15] : i32 from vector<16xi32>
    %multiple_of3A_49 = tpu.assume_multiple %reduce_sum3A_48, 128 : i32
    %iota3A_50 = tpu.iota {dimensions = array<i32: 0>} : vector<16xi32>
    %eq3A_51 = arith.constant 4 : i32
    %eq3A_52 = vector.broadcast %eq3A_51 : i32 to vector<16xi32>
    %eq3A_53 = arith.cmpi eq, %iota3A_50, %eq3A_52 : vector<16xi32>
    %jit3A_54 = arith.constant 0 : i32
    %broadcast_in_dim3A_55 = vector.broadcast %jit3A_54 : i32 to vector<16xi32>
    %select_n3A_56 = arith.select %eq3A_53, %and3A_3, %broadcast_in_dim3A_55 : vector<16xi1>, vector<16xi32>
    %reduce_sum3A_57 = arith.constant true
    %reduce_sum3A_58 = vector.broadcast %reduce_sum3A_57 : i1 to vector<16xi1>
    %reduce_sum3A_59 = tpu.scan <sum>, %select_n3A_56 masked %reduce_sum3A_58 : vector<16xi32>, vector<16xi1> -> vector<16xi32>
    %reduce_sum3A_60 = vector.extract %reduce_sum3A_59[15] : i32 from vector<16xi32>
    %multiple_of3A_61 = tpu.assume_multiple %reduce_sum3A_60, 128 : i32
    %iota3A_62 = tpu.iota {dimensions = array<i32: 0>} : vector<16xi32>
    %eq3A_63 = arith.constant 5 : i32
    %eq3A_64 = vector.broadcast %eq3A_63 : i32 to vector<16xi32>
    %eq3A_65 = arith.cmpi eq, %iota3A_62, %eq3A_64 : vector<16xi32>
    %jit3A_66 = arith.constant 0 : i32
    %broadcast_in_dim3A_67 = vector.broadcast %jit3A_66 : i32 to vector<16xi32>
    %select_n3A_68 = arith.select %eq3A_65, %and3A_3, %broadcast_in_dim3A_67 : vector<16xi1>, vector<16xi32>
    %reduce_sum3A_69 = arith.constant true
    %reduce_sum3A_70 = vector.broadcast %reduce_sum3A_69 : i1 to vector<16xi1>
    %reduce_sum3A_71 = tpu.scan <sum>, %select_n3A_68 masked %reduce_sum3A_70 : vector<16xi32>, vector<16xi1> -> vector<16xi32>
    %reduce_sum3A_72 = vector.extract %reduce_sum3A_71[15] : i32 from vector<16xi32>
    %multiple_of3A_73 = tpu.assume_multiple %reduce_sum3A_72, 128 : i32
    %iota3A_74 = tpu.iota {dimensions = array<i32: 0>} : vector<16xi32>
    %eq3A_75 = arith.constant 6 : i32
    %eq3A_76 = vector.broadcast %eq3A_75 : i32 to vector<16xi32>
    %eq3A_77 = arith.cmpi eq, %iota3A_74, %eq3A_76 : vector<16xi32>
    %jit3A_78 = arith.constant 0 : i32
    %broadcast_in_dim3A_79 = vector.broadcast %jit3A_78 : i32 to vector<16xi32>
    %select_n3A_80 = arith.select %eq3A_77, %and3A_3, %broadcast_in_dim3A_79 : vector<16xi1>, vector<16xi32>
    %reduce_sum3A_81 = arith.constant true
    %reduce_sum3A_82 = vector.broadcast %reduce_sum3A_81 : i1 to vector<16xi1>
    %reduce_sum3A_83 = tpu.scan <sum>, %select_n3A_80 masked %reduce_sum3A_82 : vector<16xi32>, vector<16xi1> -> vector<16xi32>
    %reduce_sum3A_84 = vector.extract %reduce_sum3A_83[15] : i32 from vector<16xi32>
    %multiple_of3A_85 = tpu.assume_multiple %reduce_sum3A_84, 128 : i32
    %iota3A_86 = tpu.iota {dimensions = array<i32: 0>} : vector<16xi32>
    %eq3A_87 = arith.constant 7 : i32
    %eq3A_88 = vector.broadcast %eq3A_87 : i32 to vector<16xi32>
    %eq3A_89 = arith.cmpi eq, %iota3A_86, %eq3A_88 : vector<16xi32>
    %jit3A_90 = arith.constant 0 : i32
    %broadcast_in_dim3A_91 = vector.broadcast %jit3A_90 : i32 to vector<16xi32>
    %select_n3A_92 = arith.select %eq3A_89, %and3A_3, %broadcast_in_dim3A_91 : vector<16xi1>, vector<16xi32>
    %reduce_sum3A_93 = arith.constant true
    %reduce_sum3A_94 = vector.broadcast %reduce_sum3A_93 : i1 to vector<16xi1>
    %reduce_sum3A_95 = tpu.scan <sum>, %select_n3A_92 masked %reduce_sum3A_94 : vector<16xi32>, vector<16xi1> -> vector<16xi32>
    %reduce_sum3A_96 = vector.extract %reduce_sum3A_95[15] : i32 from vector<16xi32>
    %multiple_of3A_97 = tpu.assume_multiple %reduce_sum3A_96, 128 : i32
    %iota3A_98 = tpu.iota {dimensions = array<i32: 0>} : vector<16xi32>
    %eq3A_99 = arith.constant 8 : i32
    %eq3A_100 = vector.broadcast %eq3A_99 : i32 to vector<16xi32>
    %eq3A_101 = arith.cmpi eq, %iota3A_98, %eq3A_100 : vector<16xi32>
    %jit3A_102 = arith.constant 0 : i32
    %broadcast_in_dim3A_103 = vector.broadcast %jit3A_102 : i32 to vector<16xi32>
    %select_n3A_104 = arith.select %eq3A_101, %and3A_3, %broadcast_in_dim3A_103 : vector<16xi1>, vector<16xi32>
    %reduce_sum3A_105 = arith.constant true
    %reduce_sum3A_106 = vector.broadcast %reduce_sum3A_105 : i1 to vector<16xi1>
    %reduce_sum3A_107 = tpu.scan <sum>, %select_n3A_104 masked %reduce_sum3A_106 : vector<16xi32>, vector<16xi1> -> vector<16xi32>
    %reduce_sum3A_108 = vector.extract %reduce_sum3A_107[15] : i32 from vector<16xi32>
    %multiple_of3A_109 = tpu.assume_multiple %reduce_sum3A_108, 128 : i32
    %iota3A_110 = tpu.iota {dimensions = array<i32: 0>} : vector<16xi32>
    %eq3A_111 = arith.constant 9 : i32
    %eq3A_112 = vector.broadcast %eq3A_111 : i32 to vector<16xi32>
    %eq3A_113 = arith.cmpi eq, %iota3A_110, %eq3A_112 : vector<16xi32>
    %jit3A_114 = arith.constant 0 : i32
    %broadcast_in_dim3A_115 = vector.broadcast %jit3A_114 : i32 to vector<16xi32>
    %select_n3A_116 = arith.select %eq3A_113, %and3A_3, %broadcast_in_dim3A_115 : vector<16xi1>, vector<16xi32>
    %reduce_sum3A_117 = arith.constant true
    %reduce_sum3A_118 = vector.broadcast %reduce_sum3A_117 : i1 to vector<16xi1>
    %reduce_sum3A_119 = tpu.scan <sum>, %select_n3A_116 masked %reduce_sum3A_118 : vector<16xi32>, vector<16xi1> -> vector<16xi32>
    %reduce_sum3A_120 = vector.extract %reduce_sum3A_119[15] : i32 from vector<16xi32>
    %multiple_of3A_121 = tpu.assume_multiple %reduce_sum3A_120, 128 : i32
    %iota3A_122 = tpu.iota {dimensions = array<i32: 0>} : vector<16xi32>
    %eq3A_123 = arith.constant 10 : i32
    %eq3A_124 = vector.broadcast %eq3A_123 : i32 to vector<16xi32>
    %eq3A_125 = arith.cmpi eq, %iota3A_122, %eq3A_124 : vector<16xi32>
    %jit3A_126 = arith.constant 0 : i32
    %broadcast_in_dim3A_127 = vector.broadcast %jit3A_126 : i32 to vector<16xi32>
    %select_n3A_128 = arith.select %eq3A_125, %and3A_3, %broadcast_in_dim3A_127 : vector<16xi1>, vector<16xi32>
    %reduce_sum3A_129 = arith.constant true
    %reduce_sum3A_130 = vector.broadcast %reduce_sum3A_129 : i1 to vector<16xi1>
    %reduce_sum3A_131 = tpu.scan <sum>, %select_n3A_128 masked %reduce_sum3A_130 : vector<16xi32>, vector<16xi1> -> vector<16xi32>
    %reduce_sum3A_132 = vector.extract %reduce_sum3A_131[15] : i32 from vector<16xi32>
    %multiple_of3A_133 = tpu.assume_multiple %reduce_sum3A_132, 128 : i32
    %iota3A_134 = tpu.iota {dimensions = array<i32: 0>} : vector<16xi32>
    %eq3A_135 = arith.constant 11 : i32
    %eq3A_136 = vector.broadcast %eq3A_135 : i32 to vector<16xi32>
    %eq3A_137 = arith.cmpi eq, %iota3A_134, %eq3A_136 : vector<16xi32>
    %jit3A_138 = arith.constant 0 : i32
    %broadcast_in_dim3A_139 = vector.broadcast %jit3A_138 : i32 to vector<16xi32>
    %select_n3A_140 = arith.select %eq3A_137, %and3A_3, %broadcast_in_dim3A_139 : vector<16xi1>, vector<16xi32>
    %reduce_sum3A_141 = arith.constant true
    %reduce_sum3A_142 = vector.broadcast %reduce_sum3A_141 : i1 to vector<16xi1>
    %reduce_sum3A_143 = tpu.scan <sum>, %select_n3A_140 masked %reduce_sum3A_142 : vector<16xi32>, vector<16xi1> -> vector<16xi32>
    %reduce_sum3A_144 = vector.extract %reduce_sum3A_143[15] : i32 from vector<16xi32>
    %multiple_of3A_145 = tpu.assume_multiple %reduce_sum3A_144, 128 : i32
    %iota3A_146 = tpu.iota {dimensions = array<i32: 0>} : vector<16xi32>
    %eq3A_147 = arith.constant 12 : i32
    %eq3A_148 = vector.broadcast %eq3A_147 : i32 to vector<16xi32>
    %eq3A_149 = arith.cmpi eq, %iota3A_146, %eq3A_148 : vector<16xi32>
    %jit3A_150 = arith.constant 0 : i32
    %broadcast_in_dim3A_151 = vector.broadcast %jit3A_150 : i32 to vector<16xi32>
    %select_n3A_152 = arith.select %eq3A_149, %and3A_3, %broadcast_in_dim3A_151 : vector<16xi1>, vector<16xi32>
    %reduce_sum3A_153 = arith.constant true
    %reduce_sum3A_154 = vector.broadcast %reduce_sum3A_153 : i1 to vector<16xi1>
    %reduce_sum3A_155 = tpu.scan <sum>, %select_n3A_152 masked %reduce_sum3A_154 : vector<16xi32>, vector<16xi1> -> vector<16xi32>
    %reduce_sum3A_156 = vector.extract %reduce_sum3A_155[15] : i32 from vector<16xi32>
    %multiple_of3A_157 = tpu.assume_multiple %reduce_sum3A_156, 128 : i32
    %iota3A_158 = tpu.iota {dimensions = array<i32: 0>} : vector<16xi32>
    %eq3A_159 = arith.constant 13 : i32
    %eq3A_160 = vector.broadcast %eq3A_159 : i32 to vector<16xi32>
    %eq3A_161 = arith.cmpi eq, %iota3A_158, %eq3A_160 : vector<16xi32>
    %jit3A_162 = arith.constant 0 : i32
    %broadcast_in_dim3A_163 = vector.broadcast %jit3A_162 : i32 to vector<16xi32>
    %select_n3A_164 = arith.select %eq3A_161, %and3A_3, %broadcast_in_dim3A_163 : vector<16xi1>, vector<16xi32>
    %reduce_sum3A_165 = arith.constant true
    %reduce_sum3A_166 = vector.broadcast %reduce_sum3A_165 : i1 to vector<16xi1>
    %reduce_sum3A_167 = tpu.scan <sum>, %select_n3A_164 masked %reduce_sum3A_166 : vector<16xi32>, vector<16xi1> -> vector<16xi32>
    %reduce_sum3A_168 = vector.extract %reduce_sum3A_167[15] : i32 from vector<16xi32>
    %multiple_of3A_169 = tpu.assume_multiple %reduce_sum3A_168, 128 : i32
    %iota3A_170 = tpu.iota {dimensions = array<i32: 0>} : vector<16xi32>
    %eq3A_171 = arith.constant 14 : i32
    %eq3A_172 = vector.broadcast %eq3A_171 : i32 to vector<16xi32>
    %eq3A_173 = arith.cmpi eq, %iota3A_170, %eq3A_172 : vector<16xi32>
    %jit3A_174 = arith.constant 0 : i32
    %broadcast_in_dim3A_175 = vector.broadcast %jit3A_174 : i32 to vector<16xi32>
    %select_n3A_176 = arith.select %eq3A_173, %and3A_3, %broadcast_in_dim3A_175 : vector<16xi1>, vector<16xi32>
    %reduce_sum3A_177 = arith.constant true
    %reduce_sum3A_178 = vector.broadcast %reduce_sum3A_177 : i1 to vector<16xi1>
    %reduce_sum3A_179 = tpu.scan <sum>, %select_n3A_176 masked %reduce_sum3A_178 : vector<16xi32>, vector<16xi1> -> vector<16xi32>
    %reduce_sum3A_180 = vector.extract %reduce_sum3A_179[15] : i32 from vector<16xi32>
    %multiple_of3A_181 = tpu.assume_multiple %reduce_sum3A_180, 128 : i32
    %iota3A_182 = tpu.iota {dimensions = array<i32: 0>} : vector<16xi32>
    %eq3A_183 = arith.constant 15 : i32
    %eq3A_184 = vector.broadcast %eq3A_183 : i32 to vector<16xi32>
    %eq3A_185 = arith.cmpi eq, %iota3A_182, %eq3A_184 : vector<16xi32>
    %jit3A_186 = arith.constant 0 : i32
    %broadcast_in_dim3A_187 = vector.broadcast %jit3A_186 : i32 to vector<16xi32>
    %select_n3A_188 = arith.select %eq3A_185, %and3A_3, %broadcast_in_dim3A_187 : vector<16xi1>, vector<16xi32>
    %reduce_sum3A_189 = arith.constant true
    %reduce_sum3A_190 = vector.broadcast %reduce_sum3A_189 : i1 to vector<16xi1>
    %reduce_sum3A_191 = tpu.scan <sum>, %select_n3A_188 masked %reduce_sum3A_190 : vector<16xi32>, vector<16xi1> -> vector<16xi32>
    %reduce_sum3A_192 = vector.extract %reduce_sum3A_191[15] : i32 from vector<16xi32>
    %multiple_of3A_193 = tpu.assume_multiple %reduce_sum3A_192, 128 : i32
    %iota3A_194 = tpu.iota {dimensions = array<i32: 0>} : vector<16xi32>
    %eq3A_195 = arith.constant 0 : i32
    %eq3A_196 = vector.broadcast %eq3A_195 : i32 to vector<16xi32>
    %eq3A_197 = arith.cmpi eq, %iota3A_194, %eq3A_196 : vector<16xi32>
    %jit3A_198 = arith.constant 0 : i32
    %broadcast_in_dim3A_199 = vector.broadcast %jit3A_198 : i32 to vector<16xi32>
    %select_n3A_200 = arith.select %eq3A_197, %and3A_8, %broadcast_in_dim3A_199 : vector<16xi1>, vector<16xi32>
    %reduce_sum3A_201 = arith.constant true
    %reduce_sum3A_202 = vector.broadcast %reduce_sum3A_201 : i1 to vector<16xi1>
    %reduce_sum3A_203 = tpu.scan <sum>, %select_n3A_200 masked %reduce_sum3A_202 : vector<16xi32>, vector<16xi1> -> vector<16xi32>
    %reduce_sum3A_204 = vector.extract %reduce_sum3A_203[15] : i32 from vector<16xi32>
    %multiple_of3A_205 = tpu.assume_multiple %reduce_sum3A_204, 128 : i32
    %iota3A_206 = tpu.iota {dimensions = array<i32: 0>} : vector<16xi32>
    %eq3A_207 = arith.constant 1 : i32
    %eq3A_208 = vector.broadcast %eq3A_207 : i32 to vector<16xi32>
    %eq3A_209 = arith.cmpi eq, %iota3A_206, %eq3A_208 : vector<16xi32>
    %jit3A_210 = arith.constant 0 : i32
    %broadcast_in_dim3A_211 = vector.broadcast %jit3A_210 : i32 to vector<16xi32>
    %select_n3A_212 = arith.select %eq3A_209, %and3A_8, %broadcast_in_dim3A_211 : vector<16xi1>, vector<16xi32>
    %reduce_sum3A_213 = arith.constant true
    %reduce_sum3A_214 = vector.broadcast %reduce_sum3A_213 : i1 to vector<16xi1>
    %reduce_sum3A_215 = tpu.scan <sum>, %select_n3A_212 masked %reduce_sum3A_214 : vector<16xi32>, vector<16xi1> -> vector<16xi32>
    %reduce_sum3A_216 = vector.extract %reduce_sum3A_215[15] : i32 from vector<16xi32>
    %multiple_of3A_217 = tpu.assume_multiple %reduce_sum3A_216, 128 : i32
    %iota3A_218 = tpu.iota {dimensions = array<i32: 0>} : vector<16xi32>
    %eq3A_219 = arith.constant 2 : i32
    %eq3A_220 = vector.broadcast %eq3A_219 : i32 to vector<16xi32>
    %eq3A_221 = arith.cmpi eq, %iota3A_218, %eq3A_220 : vector<16xi32>
    %jit3A_222 = arith.constant 0 : i32
    %broadcast_in_dim3A_223 = vector.broadcast %jit3A_222 : i32 to vector<16xi32>
    %select_n3A_224 = arith.select %eq3A_221, %and3A_8, %broadcast_in_dim3A_223 : vector<16xi1>, vector<16xi32>
    %reduce_sum3A_225 = arith.constant true
    %reduce_sum3A_226 = vector.broadcast %reduce_sum3A_225 : i1 to vector<16xi1>
    %reduce_sum3A_227 = tpu.scan <sum>, %select_n3A_224 masked %reduce_sum3A_226 : vector<16xi32>, vector<16xi1> -> vector<16xi32>
    %reduce_sum3A_228 = vector.extract %reduce_sum3A_227[15] : i32 from vector<16xi32>
    %multiple_of3A_229 = tpu.assume_multiple %reduce_sum3A_228, 128 : i32
    %iota3A_230 = tpu.iota {dimensions = array<i32: 0>} : vector<16xi32>
    %eq3A_231 = arith.constant 3 : i32
    %eq3A_232 = vector.broadcast %eq3A_231 : i32 to vector<16xi32>
    %eq3A_233 = arith.cmpi eq, %iota3A_230, %eq3A_232 : vector<16xi32>
    %jit3A_234 = arith.constant 0 : i32
    %broadcast_in_dim3A_235 = vector.broadcast %jit3A_234 : i32 to vector<16xi32>
    %select_n3A_236 = arith.select %eq3A_233, %and3A_8, %broadcast_in_dim3A_235 : vector<16xi1>, vector<16xi32>
    %reduce_sum3A_237 = arith.constant true
    %reduce_sum3A_238 = vector.broadcast %reduce_sum3A_237 : i1 to vector<16xi1>
    %reduce_sum3A_239 = tpu.scan <sum>, %select_n3A_236 masked %reduce_sum3A_238 : vector<16xi32>, vector<16xi1> -> vector<16xi32>
    %reduce_sum3A_240 = vector.extract %reduce_sum3A_239[15] : i32 from vector<16xi32>
    %multiple_of3A_241 = tpu.assume_multiple %reduce_sum3A_240, 128 : i32
    %iota3A_242 = tpu.iota {dimensions = array<i32: 0>} : vector<16xi32>
    %eq3A_243 = arith.constant 4 : i32
    %eq3A_244 = vector.broadcast %eq3A_243 : i32 to vector<16xi32>
    %eq3A_245 = arith.cmpi eq, %iota3A_242, %eq3A_244 : vector<16xi32>
    %jit3A_246 = arith.constant 0 : i32
    %broadcast_in_dim3A_247 = vector.broadcast %jit3A_246 : i32 to vector<16xi32>
    %select_n3A_248 = arith.select %eq3A_245, %and3A_8, %broadcast_in_dim3A_247 : vector<16xi1>, vector<16xi32>
    %reduce_sum3A_249 = arith.constant true
    %reduce_sum3A_250 = vector.broadcast %reduce_sum3A_249 : i1 to vector<16xi1>
    %reduce_sum3A_251 = tpu.scan <sum>, %select_n3A_248 masked %reduce_sum3A_250 : vector<16xi32>, vector<16xi1> -> vector<16xi32>
    %reduce_sum3A_252 = vector.extract %reduce_sum3A_251[15] : i32 from vector<16xi32>
    %multiple_of3A_253 = tpu.assume_multiple %reduce_sum3A_252, 128 : i32
    %iota3A_254 = tpu.iota {dimensions = array<i32: 0>} : vector<16xi32>
    %eq3A_255 = arith.constant 5 : i32
    %eq3A_256 = vector.broadcast %eq3A_255 : i32 to vector<16xi32>
    %eq3A_257 = arith.cmpi eq, %iota3A_254, %eq3A_256 : vector<16xi32>
    %jit3A_258 = arith.constant 0 : i32
    %broadcast_in_dim3A_259 = vector.broadcast %jit3A_258 : i32 to vector<16xi32>
    %select_n3A_260 = arith.select %eq3A_257, %and3A_8, %broadcast_in_dim3A_259 : vector<16xi1>, vector<16xi32>
    %reduce_sum3A_261 = arith.constant true
    %reduce_sum3A_262 = vector.broadcast %reduce_sum3A_261 : i1 to vector<16xi1>
    %reduce_sum3A_263 = tpu.scan <sum>, %select_n3A_260 masked %reduce_sum3A_262 : vector<16xi32>, vector<16xi1> -> vector<16xi32>
    %reduce_sum3A_264 = vector.extract %reduce_sum3A_263[15] : i32 from vector<16xi32>
    %multiple_of3A_265 = tpu.assume_multiple %reduce_sum3A_264, 128 : i32
    %iota3A_266 = tpu.iota {dimensions = array<i32: 0>} : vector<16xi32>
    %eq3A_267 = arith.constant 6 : i32
    %eq3A_268 = vector.broadcast %eq3A_267 : i32 to vector<16xi32>
    %eq3A_269 = arith.cmpi eq, %iota3A_266, %eq3A_268 : vector<16xi32>
    %jit3A_270 = arith.constant 0 : i32
    %broadcast_in_dim3A_271 = vector.broadcast %jit3A_270 : i32 to vector<16xi32>
    %select_n3A_272 = arith.select %eq3A_269, %and3A_8, %broadcast_in_dim3A_271 : vector<16xi1>, vector<16xi32>
    %reduce_sum3A_273 = arith.constant true
    %reduce_sum3A_274 = vector.broadcast %reduce_sum3A_273 : i1 to vector<16xi1>
    %reduce_sum3A_275 = tpu.scan <sum>, %select_n3A_272 masked %reduce_sum3A_274 : vector<16xi32>, vector<16xi1> -> vector<16xi32>
    %reduce_sum3A_276 = vector.extract %reduce_sum3A_275[15] : i32 from vector<16xi32>
    %multiple_of3A_277 = tpu.assume_multiple %reduce_sum3A_276, 128 : i32
    %iota3A_278 = tpu.iota {dimensions = array<i32: 0>} : vector<16xi32>
    %eq3A_279 = arith.constant 7 : i32
    %eq3A_280 = vector.broadcast %eq3A_279 : i32 to vector<16xi32>
    %eq3A_281 = arith.cmpi eq, %iota3A_278, %eq3A_280 : vector<16xi32>
    %jit3A_282 = arith.constant 0 : i32
    %broadcast_in_dim3A_283 = vector.broadcast %jit3A_282 : i32 to vector<16xi32>
    %select_n3A_284 = arith.select %eq3A_281, %and3A_8, %broadcast_in_dim3A_283 : vector<16xi1>, vector<16xi32>
    %reduce_sum3A_285 = arith.constant true
    %reduce_sum3A_286 = vector.broadcast %reduce_sum3A_285 : i1 to vector<16xi1>
    %reduce_sum3A_287 = tpu.scan <sum>, %select_n3A_284 masked %reduce_sum3A_286 : vector<16xi32>, vector<16xi1> -> vector<16xi32>
    %reduce_sum3A_288 = vector.extract %reduce_sum3A_287[15] : i32 from vector<16xi32>
    %multiple_of3A_289 = tpu.assume_multiple %reduce_sum3A_288, 128 : i32
    %iota3A_290 = tpu.iota {dimensions = array<i32: 0>} : vector<16xi32>
    %eq3A_291 = arith.constant 8 : i32
    %eq3A_292 = vector.broadcast %eq3A_291 : i32 to vector<16xi32>
    %eq3A_293 = arith.cmpi eq, %iota3A_290, %eq3A_292 : vector<16xi32>
    %jit3A_294 = arith.constant 0 : i32
    %broadcast_in_dim3A_295 = vector.broadcast %jit3A_294 : i32 to vector<16xi32>
    %select_n3A_296 = arith.select %eq3A_293, %and3A_8, %broadcast_in_dim3A_295 : vector<16xi1>, vector<16xi32>
    %reduce_sum3A_297 = arith.constant true
    %reduce_sum3A_298 = vector.broadcast %reduce_sum3A_297 : i1 to vector<16xi1>
    %reduce_sum3A_299 = tpu.scan <sum>, %select_n3A_296 masked %reduce_sum3A_298 : vector<16xi32>, vector<16xi1> -> vector<16xi32>
    %reduce_sum3A_300 = vector.extract %reduce_sum3A_299[15] : i32 from vector<16xi32>
    %multiple_of3A_301 = tpu.assume_multiple %reduce_sum3A_300, 128 : i32
    %iota3A_302 = tpu.iota {dimensions = array<i32: 0>} : vector<16xi32>
    %eq3A_303 = arith.constant 9 : i32
    %eq3A_304 = vector.broadcast %eq3A_303 : i32 to vector<16xi32>
    %eq3A_305 = arith.cmpi eq, %iota3A_302, %eq3A_304 : vector<16xi32>
    %jit3A_306 = arith.constant 0 : i32
    %broadcast_in_dim3A_307 = vector.broadcast %jit3A_306 : i32 to vector<16xi32>
    %select_n3A_308 = arith.select %eq3A_305, %and3A_8, %broadcast_in_dim3A_307 : vector<16xi1>, vector<16xi32>
    %reduce_sum3A_309 = arith.constant true
    %reduce_sum3A_310 = vector.broadcast %reduce_sum3A_309 : i1 to vector<16xi1>
    %reduce_sum3A_311 = tpu.scan <sum>, %select_n3A_308 masked %reduce_sum3A_310 : vector<16xi32>, vector<16xi1> -> vector<16xi32>
    %reduce_sum3A_312 = vector.extract %reduce_sum3A_311[15] : i32 from vector<16xi32>
    %multiple_of3A_313 = tpu.assume_multiple %reduce_sum3A_312, 128 : i32
    %iota3A_314 = tpu.iota {dimensions = array<i32: 0>} : vector<16xi32>
    %eq3A_315 = arith.constant 10 : i32
    %eq3A_316 = vector.broadcast %eq3A_315 : i32 to vector<16xi32>
    %eq3A_317 = arith.cmpi eq, %iota3A_314, %eq3A_316 : vector<16xi32>
    %jit3A_318 = arith.constant 0 : i32
    %broadcast_in_dim3A_319 = vector.broadcast %jit3A_318 : i32 to vector<16xi32>
    %select_n3A_320 = arith.select %eq3A_317, %and3A_8, %broadcast_in_dim3A_319 : vector<16xi1>, vector<16xi32>
    %reduce_sum3A_321 = arith.constant true
    %reduce_sum3A_322 = vector.broadcast %reduce_sum3A_321 : i1 to vector<16xi1>
    %reduce_sum3A_323 = tpu.scan <sum>, %select_n3A_320 masked %reduce_sum3A_322 : vector<16xi32>, vector<16xi1> -> vector<16xi32>
    %reduce_sum3A_324 = vector.extract %reduce_sum3A_323[15] : i32 from vector<16xi32>
    %multiple_of3A_325 = tpu.assume_multiple %reduce_sum3A_324, 128 : i32
    %iota3A_326 = tpu.iota {dimensions = array<i32: 0>} : vector<16xi32>
    %eq3A_327 = arith.constant 11 : i32
    %eq3A_328 = vector.broadcast %eq3A_327 : i32 to vector<16xi32>
    %eq3A_329 = arith.cmpi eq, %iota3A_326, %eq3A_328 : vector<16xi32>
    %jit3A_330 = arith.constant 0 : i32
    %broadcast_in_dim3A_331 = vector.broadcast %jit3A_330 : i32 to vector<16xi32>
    %select_n3A_332 = arith.select %eq3A_329, %and3A_8, %broadcast_in_dim3A_331 : vector<16xi1>, vector<16xi32>
    %reduce_sum3A_333 = arith.constant true
    %reduce_sum3A_334 = vector.broadcast %reduce_sum3A_333 : i1 to vector<16xi1>
    %reduce_sum3A_335 = tpu.scan <sum>, %select_n3A_332 masked %reduce_sum3A_334 : vector<16xi32>, vector<16xi1> -> vector<16xi32>
    %reduce_sum3A_336 = vector.extract %reduce_sum3A_335[15] : i32 from vector<16xi32>
    %multiple_of3A_337 = tpu.assume_multiple %reduce_sum3A_336, 128 : i32
    %iota3A_338 = tpu.iota {dimensions = array<i32: 0>} : vector<16xi32>
    %eq3A_339 = arith.constant 12 : i32
    %eq3A_340 = vector.broadcast %eq3A_339 : i32 to vector<16xi32>
    %eq3A_341 = arith.cmpi eq, %iota3A_338, %eq3A_340 : vector<16xi32>
    %jit3A_342 = arith.constant 0 : i32
    %broadcast_in_dim3A_343 = vector.broadcast %jit3A_342 : i32 to vector<16xi32>
    %select_n3A_344 = arith.select %eq3A_341, %and3A_8, %broadcast_in_dim3A_343 : vector<16xi1>, vector<16xi32>
    %reduce_sum3A_345 = arith.constant true
    %reduce_sum3A_346 = vector.broadcast %reduce_sum3A_345 : i1 to vector<16xi1>
    %reduce_sum3A_347 = tpu.scan <sum>, %select_n3A_344 masked %reduce_sum3A_346 : vector<16xi32>, vector<16xi1> -> vector<16xi32>
    %reduce_sum3A_348 = vector.extract %reduce_sum3A_347[15] : i32 from vector<16xi32>
    %multiple_of3A_349 = tpu.assume_multiple %reduce_sum3A_348, 128 : i32
    %iota3A_350 = tpu.iota {dimensions = array<i32: 0>} : vector<16xi32>
    %eq3A_351 = arith.constant 13 : i32
    %eq3A_352 = vector.broadcast %eq3A_351 : i32 to vector<16xi32>
    %eq3A_353 = arith.cmpi eq, %iota3A_350, %eq3A_352 : vector<16xi32>
    %jit3A_354 = arith.constant 0 : i32
    %broadcast_in_dim3A_355 = vector.broadcast %jit3A_354 : i32 to vector<16xi32>
    %select_n3A_356 = arith.select %eq3A_353, %and3A_8, %broadcast_in_dim3A_355 : vector<16xi1>, vector<16xi32>
    %reduce_sum3A_357 = arith.constant true
    %reduce_sum3A_358 = vector.broadcast %reduce_sum3A_357 : i1 to vector<16xi1>
    %reduce_sum3A_359 = tpu.scan <sum>, %select_n3A_356 masked %reduce_sum3A_358 : vector<16xi32>, vector<16xi1> -> vector<16xi32>
    %reduce_sum3A_360 = vector.extract %reduce_sum3A_359[15] : i32 from vector<16xi32>
    %multiple_of3A_361 = tpu.assume_multiple %reduce_sum3A_360, 128 : i32
    %iota3A_362 = tpu.iota {dimensions = array<i32: 0>} : vector<16xi32>
    %eq3A_363 = arith.constant 14 : i32
    %eq3A_364 = vector.broadcast %eq3A_363 : i32 to vector<16xi32>
    %eq3A_365 = arith.cmpi eq, %iota3A_362, %eq3A_364 : vector<16xi32>
    %jit3A_366 = arith.constant 0 : i32
    %broadcast_in_dim3A_367 = vector.broadcast %jit3A_366 : i32 to vector<16xi32>
    %select_n3A_368 = arith.select %eq3A_365, %and3A_8, %broadcast_in_dim3A_367 : vector<16xi1>, vector<16xi32>
    %reduce_sum3A_369 = arith.constant true
    %reduce_sum3A_370 = vector.broadcast %reduce_sum3A_369 : i1 to vector<16xi1>
    %reduce_sum3A_371 = tpu.scan <sum>, %select_n3A_368 masked %reduce_sum3A_370 : vector<16xi32>, vector<16xi1> -> vector<16xi32>
    %reduce_sum3A_372 = vector.extract %reduce_sum3A_371[15] : i32 from vector<16xi32>
    %multiple_of3A_373 = tpu.assume_multiple %reduce_sum3A_372, 128 : i32
    %iota3A_374 = tpu.iota {dimensions = array<i32: 0>} : vector<16xi32>
    %eq3A_375 = arith.constant 15 : i32
    %eq3A_376 = vector.broadcast %eq3A_375 : i32 to vector<16xi32>
    %eq3A_377 = arith.cmpi eq, %iota3A_374, %eq3A_376 : vector<16xi32>
    %jit3A_378 = arith.constant 0 : i32
    %broadcast_in_dim3A_379 = vector.broadcast %jit3A_378 : i32 to vector<16xi32>
    %select_n3A_380 = arith.select %eq3A_377, %and3A_8, %broadcast_in_dim3A_379 : vector<16xi1>, vector<16xi32>
    %reduce_sum3A_381 = arith.constant true
    %reduce_sum3A_382 = vector.broadcast %reduce_sum3A_381 : i1 to vector<16xi1>
    %reduce_sum3A_383 = tpu.scan <sum>, %select_n3A_380 masked %reduce_sum3A_382 : vector<16xi32>, vector<16xi1> -> vector<16xi32>
    %reduce_sum3A_384 = vector.extract %reduce_sum3A_383[15] : i32 from vector<16xi32>
    %multiple_of3A_385 = tpu.assume_multiple %reduce_sum3A_384, 128 : i32
    %dma_start3A = arith.constant 0 : i32
    %dma_start3A_386 = arith.constant 0 : i32
    %dma_start3A_387 = arith.constant 0 : i32
    %dma_start3A_388 = tpu.memref_slice %arg9[%dma_start3A, %dma_start3A_386, %dma_start3A_387] : memref<16x16x128xf32, #tpu.memory_space<vmem>> -> memref<1x16x128xf32, #tpu.memory_space<vmem>>
    %dma_start3A_389 = tpu.memref_squeeze %dma_start3A_388 : memref<1x16x128xf32, #tpu.memory_space<vmem>> -> memref<16x128xf32, #tpu.memory_space<vmem>>
    %dma_start3A_390 = arith.constant 0 : i32
    %dma_start3A_391 = tpu.memref_slice %arg4[%dma_start3A_390, %multiple_of3A] : memref<16x1000000xf32, #tpu.memory_space<hbm>> -> memref<16x128xf32, #tpu.memory_space<hbm>>
    %dma_start3A_392 = arith.constant 0 : i32
    %dma_start3A_393 = arith.constant 0 : i32
    %dma_start3A_394 = tpu.memref_slice %arg9[%dma_start3A, %dma_start3A_392, %dma_start3A_393] : memref<16x16x128xf32, #tpu.memory_space<vmem>> -> memref<1x16x128xf32, #tpu.memory_space<vmem>>
    %dma_start3A_395 = tpu.memref_squeeze %dma_start3A_394 : memref<1x16x128xf32, #tpu.memory_space<vmem>> -> memref<16x128xf32, #tpu.memory_space<vmem>>
    %dma_start3A_396 = arith.constant 0 : i32
    %dma_start3A_397 = tpu.memref_slice %arg4[%dma_start3A_396, %multiple_of3A] : memref<16x1000000xf32, #tpu.memory_space<hbm>> -> memref<16x128xf32, #tpu.memory_space<hbm>>
    tpu.enqueue_dma source(%dma_start3A_397 : memref<16x128xf32, #tpu.memory_space<hbm>>) target(%dma_start3A_395 : memref<16x128xf32, #tpu.memory_space<vmem>>) target_semaphore(%arg14 : memref<!tpu.dma_semaphore, #tpu.memory_space<semaphore_mem>>)
    %dma_start3A_398 = arith.constant 0 : i32
    %dma_start3A_399 = arith.constant 0 : i32
    %dma_start3A_400 = arith.constant 0 : i32
    %dma_start3A_401 = tpu.memref_slice %arg10[%dma_start3A_398, %dma_start3A_399, %dma_start3A_400] : memref<16x16x128xf32, #tpu.memory_space<vmem>> -> memref<1x16x128xf32, #tpu.memory_space<vmem>>
    %dma_start3A_402 = tpu.memref_squeeze %dma_start3A_401 : memref<1x16x128xf32, #tpu.memory_space<vmem>> -> memref<16x128xf32, #tpu.memory_space<vmem>>
    %dma_start3A_403 = arith.constant 0 : i32
    %dma_start3A_404 = tpu.memref_slice %arg5[%dma_start3A_403, %multiple_of3A_205] : memref<16x1000000xf32, #tpu.memory_space<hbm>> -> memref<16x128xf32, #tpu.memory_space<hbm>>
    %dma_start3A_405 = arith.constant 0 : i32
    %dma_start3A_406 = arith.constant 0 : i32
    %dma_start3A_407 = tpu.memref_slice %arg10[%dma_start3A_398, %dma_start3A_405, %dma_start3A_406] : memref<16x16x128xf32, #tpu.memory_space<vmem>> -> memref<1x16x128xf32, #tpu.memory_space<vmem>>
    %dma_start3A_408 = tpu.memref_squeeze %dma_start3A_407 : memref<1x16x128xf32, #tpu.memory_space<vmem>> -> memref<16x128xf32, #tpu.memory_space<vmem>>
    %dma_start3A_409 = arith.constant 0 : i32
    %dma_start3A_410 = tpu.memref_slice %arg5[%dma_start3A_409, %multiple_of3A_205] : memref<16x1000000xf32, #tpu.memory_space<hbm>> -> memref<16x128xf32, #tpu.memory_space<hbm>>
    tpu.enqueue_dma source(%dma_start3A_410 : memref<16x128xf32, #tpu.memory_space<hbm>>) target(%dma_start3A_408 : memref<16x128xf32, #tpu.memory_space<vmem>>) target_semaphore(%arg15 : memref<!tpu.dma_semaphore, #tpu.memory_space<semaphore_mem>>)
    %dma_start3A_411 = arith.constant 1 : i32
    %dma_start3A_412 = arith.constant 0 : i32
    %dma_start3A_413 = arith.constant 0 : i32
    %dma_start3A_414 = tpu.memref_slice %arg9[%dma_start3A_411, %dma_start3A_412, %dma_start3A_413] : memref<16x16x128xf32, #tpu.memory_space<vmem>> -> memref<1x16x128xf32, #tpu.memory_space<vmem>>
    %dma_start3A_415 = tpu.memref_squeeze %dma_start3A_414 : memref<1x16x128xf32, #tpu.memory_space<vmem>> -> memref<16x128xf32, #tpu.memory_space<vmem>>
    %dma_start3A_416 = arith.constant 0 : i32
    %dma_start3A_417 = tpu.memref_slice %arg4[%dma_start3A_416, %multiple_of3A_25] : memref<16x1000000xf32, #tpu.memory_space<hbm>> -> memref<16x128xf32, #tpu.memory_space<hbm>>
    %dma_start3A_418 = arith.constant 0 : i32
    %dma_start3A_419 = arith.constant 0 : i32
    %dma_start3A_420 = tpu.memref_slice %arg9[%dma_start3A_411, %dma_start3A_418, %dma_start3A_419] : memref<16x16x128xf32, #tpu.memory_space<vmem>> -> memref<1x16x128xf32, #tpu.memory_space<vmem>>
    %dma_start3A_421 = tpu.memref_squeeze %dma_start3A_420 : memref<1x16x128xf32, #tpu.memory_space<vmem>> -> memref<16x128xf32, #tpu.memory_space<vmem>>
    %dma_start3A_422 = arith.constant 0 : i32
    %dma_start3A_423 = tpu.memref_slice %arg4[%dma_start3A_422, %multiple_of3A_25] : memref<16x1000000xf32, #tpu.memory_space<hbm>> -> memref<16x128xf32, #tpu.memory_space<hbm>>
    tpu.enqueue_dma source(%dma_start3A_423 : memref<16x128xf32, #tpu.memory_space<hbm>>) target(%dma_start3A_421 : memref<16x128xf32, #tpu.memory_space<vmem>>) target_semaphore(%arg14 : memref<!tpu.dma_semaphore, #tpu.memory_space<semaphore_mem>>)
    %dma_start3A_424 = arith.constant 1 : i32
    %dma_start3A_425 = arith.constant 0 : i32
    %dma_start3A_426 = arith.constant 0 : i32
    %dma_start3A_427 = tpu.memref_slice %arg10[%dma_start3A_424, %dma_start3A_425, %dma_start3A_426] : memref<16x16x128xf32, #tpu.memory_space<vmem>> -> memref<1x16x128xf32, #tpu.memory_space<vmem>>
    %dma_start3A_428 = tpu.memref_squeeze %dma_start3A_427 : memref<1x16x128xf32, #tpu.memory_space<vmem>> -> memref<16x128xf32, #tpu.memory_space<vmem>>
    %dma_start3A_429 = arith.constant 0 : i32
    %dma_start3A_430 = tpu.memref_slice %arg5[%dma_start3A_429, %multiple_of3A_217] : memref<16x1000000xf32, #tpu.memory_space<hbm>> -> memref<16x128xf32, #tpu.memory_space<hbm>>
    %dma_start3A_431 = arith.constant 0 : i32
    %dma_start3A_432 = arith.constant 0 : i32
    %dma_start3A_433 = tpu.memref_slice %arg10[%dma_start3A_424, %dma_start3A_431, %dma_start3A_432] : memref<16x16x128xf32, #tpu.memory_space<vmem>> -> memref<1x16x128xf32, #tpu.memory_space<vmem>>
    %dma_start3A_434 = tpu.memref_squeeze %dma_start3A_433 : memref<1x16x128xf32, #tpu.memory_space<vmem>> -> memref<16x128xf32, #tpu.memory_space<vmem>>
    %dma_start3A_435 = arith.constant 0 : i32
    %dma_start3A_436 = tpu.memref_slice %arg5[%dma_start3A_435, %multiple_of3A_217] : memref<16x1000000xf32, #tpu.memory_space<hbm>> -> memref<16x128xf32, #tpu.memory_space<hbm>>
    tpu.enqueue_dma source(%dma_start3A_436 : memref<16x128xf32, #tpu.memory_space<hbm>>) target(%dma_start3A_434 : memref<16x128xf32, #tpu.memory_space<vmem>>) target_semaphore(%arg15 : memref<!tpu.dma_semaphore, #tpu.memory_space<semaphore_mem>>)
    %dma_start3A_437 = arith.constant 2 : i32
    %dma_start3A_438 = arith.constant 0 : i32
    %dma_start3A_439 = arith.constant 0 : i32
    %dma_start3A_440 = tpu.memref_slice %arg9[%dma_start3A_437, %dma_start3A_438, %dma_start3A_439] : memref<16x16x128xf32, #tpu.memory_space<vmem>> -> memref<1x16x128xf32, #tpu.memory_space<vmem>>
    %dma_start3A_441 = tpu.memref_squeeze %dma_start3A_440 : memref<1x16x128xf32, #tpu.memory_space<vmem>> -> memref<16x128xf32, #tpu.memory_space<vmem>>
    %dma_start3A_442 = arith.constant 0 : i32
    %dma_start3A_443 = tpu.memref_slice %arg4[%dma_start3A_442, %multiple_of3A_37] : memref<16x1000000xf32, #tpu.memory_space<hbm>> -> memref<16x128xf32, #tpu.memory_space<hbm>>
    %dma_start3A_444 = arith.constant 0 : i32
    %dma_start3A_445 = arith.constant 0 : i32
    %dma_start3A_446 = tpu.memref_slice %arg9[%dma_start3A_437, %dma_start3A_444, %dma_start3A_445] : memref<16x16x128xf32, #tpu.memory_space<vmem>> -> memref<1x16x128xf32, #tpu.memory_space<vmem>>
    %dma_start3A_447 = tpu.memref_squeeze %dma_start3A_446 : memref<1x16x128xf32, #tpu.memory_space<vmem>> -> memref<16x128xf32, #tpu.memory_space<vmem>>
    %dma_start3A_448 = arith.constant 0 : i32
    %dma_start3A_449 = tpu.memref_slice %arg4[%dma_start3A_448, %multiple_of3A_37] : memref<16x1000000xf32, #tpu.memory_space<hbm>> -> memref<16x128xf32, #tpu.memory_space<hbm>>
    tpu.enqueue_dma source(%dma_start3A_449 : memref<16x128xf32, #tpu.memory_space<hbm>>) target(%dma_start3A_447 : memref<16x128xf32, #tpu.memory_space<vmem>>) target_semaphore(%arg14 : memref<!tpu.dma_semaphore, #tpu.memory_space<semaphore_mem>>)
    %dma_start3A_450 = arith.constant 2 : i32
    %dma_start3A_451 = arith.constant 0 : i32
    %dma_start3A_452 = arith.constant 0 : i32
    %dma_start3A_453 = tpu.memref_slice %arg10[%dma_start3A_450, %dma_start3A_451, %dma_start3A_452] : memref<16x16x128xf32, #tpu.memory_space<vmem>> -> memref<1x16x128xf32, #tpu.memory_space<vmem>>
    %dma_start3A_454 = tpu.memref_squeeze %dma_start3A_453 : memref<1x16x128xf32, #tpu.memory_space<vmem>> -> memref<16x128xf32, #tpu.memory_space<vmem>>
    %dma_start3A_455 = arith.constant 0 : i32
    %dma_start3A_456 = tpu.memref_slice %arg5[%dma_start3A_455, %multiple_of3A_229] : memref<16x1000000xf32, #tpu.memory_space<hbm>> -> memref<16x128xf32, #tpu.memory_space<hbm>>
    %dma_start3A_457 = arith.constant 0 : i32
    %dma_start3A_458 = arith.constant 0 : i32
    %dma_start3A_459 = tpu.memref_slice %arg10[%dma_start3A_450, %dma_start3A_457, %dma_start3A_458] : memref<16x16x128xf32, #tpu.memory_space<vmem>> -> memref<1x16x128xf32, #tpu.memory_space<vmem>>
    %dma_start3A_460 = tpu.memref_squeeze %dma_start3A_459 : memref<1x16x128xf32, #tpu.memory_space<vmem>> -> memref<16x128xf32, #tpu.memory_space<vmem>>
    %dma_start3A_461 = arith.constant 0 : i32
    %dma_start3A_462 = tpu.memref_slice %arg5[%dma_start3A_461, %multiple_of3A_229] : memref<16x1000000xf32, #tpu.memory_space<hbm>> -> memref<16x128xf32, #tpu.memory_space<hbm>>
    tpu.enqueue_dma source(%dma_start3A_462 : memref<16x128xf32, #tpu.memory_space<hbm>>) target(%dma_start3A_460 : memref<16x128xf32, #tpu.memory_space<vmem>>) target_semaphore(%arg15 : memref<!tpu.dma_semaphore, #tpu.memory_space<semaphore_mem>>)
    %dma_start3A_463 = arith.constant 3 : i32
    %dma_start3A_464 = arith.constant 0 : i32
    %dma_start3A_465 = arith.constant 0 : i32
    %dma_start3A_466 = tpu.memref_slice %arg9[%dma_start3A_463, %dma_start3A_464, %dma_start3A_465] : memref<16x16x128xf32, #tpu.memory_space<vmem>> -> memref<1x16x128xf32, #tpu.memory_space<vmem>>
    %dma_start3A_467 = tpu.memref_squeeze %dma_start3A_466 : memref<1x16x128xf32, #tpu.memory_space<vmem>> -> memref<16x128xf32, #tpu.memory_space<vmem>>
    %dma_start3A_468 = arith.constant 0 : i32
    %dma_start3A_469 = tpu.memref_slice %arg4[%dma_start3A_468, %multiple_of3A_49] : memref<16x1000000xf32, #tpu.memory_space<hbm>> -> memref<16x128xf32, #tpu.memory_space<hbm>>
    %dma_start3A_470 = arith.constant 0 : i32
    %dma_start3A_471 = arith.constant 0 : i32
    %dma_start3A_472 = tpu.memref_slice %arg9[%dma_start3A_463, %dma_start3A_470, %dma_start3A_471] : memref<16x16x128xf32, #tpu.memory_space<vmem>> -> memref<1x16x128xf32, #tpu.memory_space<vmem>>
    %dma_start3A_473 = tpu.memref_squeeze %dma_start3A_472 : memref<1x16x128xf32, #tpu.memory_space<vmem>> -> memref<16x128xf32, #tpu.memory_space<vmem>>
    %dma_start3A_474 = arith.constant 0 : i32
    %dma_start3A_475 = tpu.memref_slice %arg4[%dma_start3A_474, %multiple_of3A_49] : memref<16x1000000xf32, #tpu.memory_space<hbm>> -> memref<16x128xf32, #tpu.memory_space<hbm>>
    tpu.enqueue_dma source(%dma_start3A_475 : memref<16x128xf32, #tpu.memory_space<hbm>>) target(%dma_start3A_473 : memref<16x128xf32, #tpu.memory_space<vmem>>) target_semaphore(%arg14 : memref<!tpu.dma_semaphore, #tpu.memory_space<semaphore_mem>>)
    %dma_start3A_476 = arith.constant 3 : i32
    %dma_start3A_477 = arith.constant 0 : i32
    %dma_start3A_478 = arith.constant 0 : i32
    %dma_start3A_479 = tpu.memref_slice %arg10[%dma_start3A_476, %dma_start3A_477, %dma_start3A_478] : memref<16x16x128xf32, #tpu.memory_space<vmem>> -> memref<1x16x128xf32, #tpu.memory_space<vmem>>
    %dma_start3A_480 = tpu.memref_squeeze %dma_start3A_479 : memref<1x16x128xf32, #tpu.memory_space<vmem>> -> memref<16x128xf32, #tpu.memory_space<vmem>>
    %dma_start3A_481 = arith.constant 0 : i32
    %dma_start3A_482 = tpu.memref_slice %arg5[%dma_start3A_481, %multiple_of3A_241] : memref<16x1000000xf32, #tpu.memory_space<hbm>> -> memref<16x128xf32, #tpu.memory_space<hbm>>
    %dma_start3A_483 = arith.constant 0 : i32
    %dma_start3A_484 = arith.constant 0 : i32
    %dma_start3A_485 = tpu.memref_slice %arg10[%dma_start3A_476, %dma_start3A_483, %dma_start3A_484] : memref<16x16x128xf32, #tpu.memory_space<vmem>> -> memref<1x16x128xf32, #tpu.memory_space<vmem>>
    %dma_start3A_486 = tpu.memref_squeeze %dma_start3A_485 : memref<1x16x128xf32, #tpu.memory_space<vmem>> -> memref<16x128xf32, #tpu.memory_space<vmem>>
    %dma_start3A_487 = arith.constant 0 : i32
    %dma_start3A_488 = tpu.memref_slice %arg5[%dma_start3A_487, %multiple_of3A_241] : memref<16x1000000xf32, #tpu.memory_space<hbm>> -> memref<16x128xf32, #tpu.memory_space<hbm>>
    tpu.enqueue_dma source(%dma_start3A_488 : memref<16x128xf32, #tpu.memory_space<hbm>>) target(%dma_start3A_486 : memref<16x128xf32, #tpu.memory_space<vmem>>) target_semaphore(%arg15 : memref<!tpu.dma_semaphore, #tpu.memory_space<semaphore_mem>>)
    %dma_start3A_489 = arith.constant 4 : i32
    %dma_start3A_490 = arith.constant 0 : i32
    %dma_start3A_491 = arith.constant 0 : i32
    %dma_start3A_492 = tpu.memref_slice %arg9[%dma_start3A_489, %dma_start3A_490, %dma_start3A_491] : memref<16x16x128xf32, #tpu.memory_space<vmem>> -> memref<1x16x128xf32, #tpu.memory_space<vmem>>
    %dma_start3A_493 = tpu.memref_squeeze %dma_start3A_492 : memref<1x16x128xf32, #tpu.memory_space<vmem>> -> memref<16x128xf32, #tpu.memory_space<vmem>>
    %dma_start3A_494 = arith.constant 0 : i32
    %dma_start3A_495 = tpu.memref_slice %arg4[%dma_start3A_494, %multiple_of3A_61] : memref<16x1000000xf32, #tpu.memory_space<hbm>> -> memref<16x128xf32, #tpu.memory_space<hbm>>
    %dma_start3A_496 = arith.constant 0 : i32
    %dma_start3A_497 = arith.constant 0 : i32
    %dma_start3A_498 = tpu.memref_slice %arg9[%dma_start3A_489, %dma_start3A_496, %dma_start3A_497] : memref<16x16x128xf32, #tpu.memory_space<vmem>> -> memref<1x16x128xf32, #tpu.memory_space<vmem>>
    %dma_start3A_499 = tpu.memref_squeeze %dma_start3A_498 : memref<1x16x128xf32, #tpu.memory_space<vmem>> -> memref<16x128xf32, #tpu.memory_space<vmem>>
    %dma_start3A_500 = arith.constant 0 : i32
    %dma_start3A_501 = tpu.memref_slice %arg4[%dma_start3A_500, %multiple_of3A_61] : memref<16x1000000xf32, #tpu.memory_space<hbm>> -> memref<16x128xf32, #tpu.memory_space<hbm>>
    tpu.enqueue_dma source(%dma_start3A_501 : memref<16x128xf32, #tpu.memory_space<hbm>>) target(%dma_start3A_499 : memref<16x128xf32, #tpu.memory_space<vmem>>) target_semaphore(%arg14 : memref<!tpu.dma_semaphore, #tpu.memory_space<semaphore_mem>>)
    %dma_start3A_502 = arith.constant 4 : i32
    %dma_start3A_503 = arith.constant 0 : i32
    %dma_start3A_504 = arith.constant 0 : i32
    %dma_start3A_505 = tpu.memref_slice %arg10[%dma_start3A_502, %dma_start3A_503, %dma_start3A_504] : memref<16x16x128xf32, #tpu.memory_space<vmem>> -> memref<1x16x128xf32, #tpu.memory_space<vmem>>
    %dma_start3A_506 = tpu.memref_squeeze %dma_start3A_505 : memref<1x16x128xf32, #tpu.memory_space<vmem>> -> memref<16x128xf32, #tpu.memory_space<vmem>>
    %dma_start3A_507 = arith.constant 0 : i32
    %dma_start3A_508 = tpu.memref_slice %arg5[%dma_start3A_507, %multiple_of3A_253] : memref<16x1000000xf32, #tpu.memory_space<hbm>> -> memref<16x128xf32, #tpu.memory_space<hbm>>
    %dma_start3A_509 = arith.constant 0 : i32
    %dma_start3A_510 = arith.constant 0 : i32
    %dma_start3A_511 = tpu.memref_slice %arg10[%dma_start3A_502, %dma_start3A_509, %dma_start3A_510] : memref<16x16x128xf32, #tpu.memory_space<vmem>> -> memref<1x16x128xf32, #tpu.memory_space<vmem>>
    %dma_start3A_512 = tpu.memref_squeeze %dma_start3A_511 : memref<1x16x128xf32, #tpu.memory_space<vmem>> -> memref<16x128xf32, #tpu.memory_space<vmem>>
    %dma_start3A_513 = arith.constant 0 : i32
    %dma_start3A_514 = tpu.memref_slice %arg5[%dma_start3A_513, %multiple_of3A_253] : memref<16x1000000xf32, #tpu.memory_space<hbm>> -> memref<16x128xf32, #tpu.memory_space<hbm>>
    tpu.enqueue_dma source(%dma_start3A_514 : memref<16x128xf32, #tpu.memory_space<hbm>>) target(%dma_start3A_512 : memref<16x128xf32, #tpu.memory_space<vmem>>) target_semaphore(%arg15 : memref<!tpu.dma_semaphore, #tpu.memory_space<semaphore_mem>>)
    %dma_start3A_515 = arith.constant 5 : i32
    %dma_start3A_516 = arith.constant 0 : i32
    %dma_start3A_517 = arith.constant 0 : i32
    %dma_start3A_518 = tpu.memref_slice %arg9[%dma_start3A_515, %dma_start3A_516, %dma_start3A_517] : memref<16x16x128xf32, #tpu.memory_space<vmem>> -> memref<1x16x128xf32, #tpu.memory_space<vmem>>
    %dma_start3A_519 = tpu.memref_squeeze %dma_start3A_518 : memref<1x16x128xf32, #tpu.memory_space<vmem>> -> memref<16x128xf32, #tpu.memory_space<vmem>>
    %dma_start3A_520 = arith.constant 0 : i32
    %dma_start3A_521 = tpu.memref_slice %arg4[%dma_start3A_520, %multiple_of3A_73] : memref<16x1000000xf32, #tpu.memory_space<hbm>> -> memref<16x128xf32, #tpu.memory_space<hbm>>
    %dma_start3A_522 = arith.constant 0 : i32
    %dma_start3A_523 = arith.constant 0 : i32
    %dma_start3A_524 = tpu.memref_slice %arg9[%dma_start3A_515, %dma_start3A_522, %dma_start3A_523] : memref<16x16x128xf32, #tpu.memory_space<vmem>> -> memref<1x16x128xf32, #tpu.memory_space<vmem>>
    %dma_start3A_525 = tpu.memref_squeeze %dma_start3A_524 : memref<1x16x128xf32, #tpu.memory_space<vmem>> -> memref<16x128xf32, #tpu.memory_space<vmem>>
    %dma_start3A_526 = arith.constant 0 : i32
    %dma_start3A_527 = tpu.memref_slice %arg4[%dma_start3A_526, %multiple_of3A_73] : memref<16x1000000xf32, #tpu.memory_space<hbm>> -> memref<16x128xf32, #tpu.memory_space<hbm>>
    tpu.enqueue_dma source(%dma_start3A_527 : memref<16x128xf32, #tpu.memory_space<hbm>>) target(%dma_start3A_525 : memref<16x128xf32, #tpu.memory_space<vmem>>) target_semaphore(%arg14 : memref<!tpu.dma_semaphore, #tpu.memory_space<semaphore_mem>>)
    %dma_start3A_528 = arith.constant 5 : i32
    %dma_start3A_529 = arith.constant 0 : i32
    %dma_start3A_530 = arith.constant 0 : i32
    %dma_start3A_531 = tpu.memref_slice %arg10[%dma_start3A_528, %dma_start3A_529, %dma_start3A_530] : memref<16x16x128xf32, #tpu.memory_space<vmem>> -> memref<1x16x128xf32, #tpu.memory_space<vmem>>
    %dma_start3A_532 = tpu.memref_squeeze %dma_start3A_531 : memref<1x16x128xf32, #tpu.memory_space<vmem>> -> memref<16x128xf32, #tpu.memory_space<vmem>>
    %dma_start3A_533 = arith.constant 0 : i32
    %dma_start3A_534 = tpu.memref_slice %arg5[%dma_start3A_533, %multiple_of3A_265] : memref<16x1000000xf32, #tpu.memory_space<hbm>> -> memref<16x128xf32, #tpu.memory_space<hbm>>
    %dma_start3A_535 = arith.constant 0 : i32
    %dma_start3A_536 = arith.constant 0 : i32
    %dma_start3A_537 = tpu.memref_slice %arg10[%dma_start3A_528, %dma_start3A_535, %dma_start3A_536] : memref<16x16x128xf32, #tpu.memory_space<vmem>> -> memref<1x16x128xf32, #tpu.memory_space<vmem>>
    %dma_start3A_538 = tpu.memref_squeeze %dma_start3A_537 : memref<1x16x128xf32, #tpu.memory_space<vmem>> -> memref<16x128xf32, #tpu.memory_space<vmem>>
    %dma_start3A_539 = arith.constant 0 : i32
    %dma_start3A_540 = tpu.memref_slice %arg5[%dma_start3A_539, %multiple_of3A_265] : memref<16x1000000xf32, #tpu.memory_space<hbm>> -> memref<16x128xf32, #tpu.memory_space<hbm>>
    tpu.enqueue_dma source(%dma_start3A_540 : memref<16x128xf32, #tpu.memory_space<hbm>>) target(%dma_start3A_538 : memref<16x128xf32, #tpu.memory_space<vmem>>) target_semaphore(%arg15 : memref<!tpu.dma_semaphore, #tpu.memory_space<semaphore_mem>>)
    %dma_start3A_541 = arith.constant 6 : i32
    %dma_start3A_542 = arith.constant 0 : i32
    %dma_start3A_543 = arith.constant 0 : i32
    %dma_start3A_544 = tpu.memref_slice %arg9[%dma_start3A_541, %dma_start3A_542, %dma_start3A_543] : memref<16x16x128xf32, #tpu.memory_space<vmem>> -> memref<1x16x128xf32, #tpu.memory_space<vmem>>
    %dma_start3A_545 = tpu.memref_squeeze %dma_start3A_544 : memref<1x16x128xf32, #tpu.memory_space<vmem>> -> memref<16x128xf32, #tpu.memory_space<vmem>>
    %dma_start3A_546 = arith.constant 0 : i32
    %dma_start3A_547 = tpu.memref_slice %arg4[%dma_start3A_546, %multiple_of3A_85] : memref<16x1000000xf32, #tpu.memory_space<hbm>> -> memref<16x128xf32, #tpu.memory_space<hbm>>
    %dma_start3A_548 = arith.constant 0 : i32
    %dma_start3A_549 = arith.constant 0 : i32
    %dma_start3A_550 = tpu.memref_slice %arg9[%dma_start3A_541, %dma_start3A_548, %dma_start3A_549] : memref<16x16x128xf32, #tpu.memory_space<vmem>> -> memref<1x16x128xf32, #tpu.memory_space<vmem>>
    %dma_start3A_551 = tpu.memref_squeeze %dma_start3A_550 : memref<1x16x128xf32, #tpu.memory_space<vmem>> -> memref<16x128xf32, #tpu.memory_space<vmem>>
    %dma_start3A_552 = arith.constant 0 : i32
    %dma_start3A_553 = tpu.memref_slice %arg4[%dma_start3A_552, %multiple_of3A_85] : memref<16x1000000xf32, #tpu.memory_space<hbm>> -> memref<16x128xf32, #tpu.memory_space<hbm>>
    tpu.enqueue_dma source(%dma_start3A_553 : memref<16x128xf32, #tpu.memory_space<hbm>>) target(%dma_start3A_551 : memref<16x128xf32, #tpu.memory_space<vmem>>) target_semaphore(%arg14 : memref<!tpu.dma_semaphore, #tpu.memory_space<semaphore_mem>>)
    %dma_start3A_554 = arith.constant 6 : i32
    %dma_start3A_555 = arith.constant 0 : i32
    %dma_start3A_556 = arith.constant 0 : i32
    %dma_start3A_557 = tpu.memref_slice %arg10[%dma_start3A_554, %dma_start3A_555, %dma_start3A_556] : memref<16x16x128xf32, #tpu.memory_space<vmem>> -> memref<1x16x128xf32, #tpu.memory_space<vmem>>
    %dma_start3A_558 = tpu.memref_squeeze %dma_start3A_557 : memref<1x16x128xf32, #tpu.memory_space<vmem>> -> memref<16x128xf32, #tpu.memory_space<vmem>>
    %dma_start3A_559 = arith.constant 0 : i32
    %dma_start3A_560 = tpu.memref_slice %arg5[%dma_start3A_559, %multiple_of3A_277] : memref<16x1000000xf32, #tpu.memory_space<hbm>> -> memref<16x128xf32, #tpu.memory_space<hbm>>
    %dma_start3A_561 = arith.constant 0 : i32
    %dma_start3A_562 = arith.constant 0 : i32
    %dma_start3A_563 = tpu.memref_slice %arg10[%dma_start3A_554, %dma_start3A_561, %dma_start3A_562] : memref<16x16x128xf32, #tpu.memory_space<vmem>> -> memref<1x16x128xf32, #tpu.memory_space<vmem>>
    %dma_start3A_564 = tpu.memref_squeeze %dma_start3A_563 : memref<1x16x128xf32, #tpu.memory_space<vmem>> -> memref<16x128xf32, #tpu.memory_space<vmem>>
    %dma_start3A_565 = arith.constant 0 : i32
    %dma_start3A_566 = tpu.memref_slice %arg5[%dma_start3A_565, %multiple_of3A_277] : memref<16x1000000xf32, #tpu.memory_space<hbm>> -> memref<16x128xf32, #tpu.memory_space<hbm>>
    tpu.enqueue_dma source(%dma_start3A_566 : memref<16x128xf32, #tpu.memory_space<hbm>>) target(%dma_start3A_564 : memref<16x128xf32, #tpu.memory_space<vmem>>) target_semaphore(%arg15 : memref<!tpu.dma_semaphore, #tpu.memory_space<semaphore_mem>>)
    %dma_start3A_567 = arith.constant 7 : i32
    %dma_start3A_568 = arith.constant 0 : i32
    %dma_start3A_569 = arith.constant 0 : i32
    %dma_start3A_570 = tpu.memref_slice %arg9[%dma_start3A_567, %dma_start3A_568, %dma_start3A_569] : memref<16x16x128xf32, #tpu.memory_space<vmem>> -> memref<1x16x128xf32, #tpu.memory_space<vmem>>
    %dma_start3A_571 = tpu.memref_squeeze %dma_start3A_570 : memref<1x16x128xf32, #tpu.memory_space<vmem>> -> memref<16x128xf32, #tpu.memory_space<vmem>>
    %dma_start3A_572 = arith.constant 0 : i32
    %dma_start3A_573 = tpu.memref_slice %arg4[%dma_start3A_572, %multiple_of3A_97] : memref<16x1000000xf32, #tpu.memory_space<hbm>> -> memref<16x128xf32, #tpu.memory_space<hbm>>
    %dma_start3A_574 = arith.constant 0 : i32
    %dma_start3A_575 = arith.constant 0 : i32
    %dma_start3A_576 = tpu.memref_slice %arg9[%dma_start3A_567, %dma_start3A_574, %dma_start3A_575] : memref<16x16x128xf32, #tpu.memory_space<vmem>> -> memref<1x16x128xf32, #tpu.memory_space<vmem>>
    %dma_start3A_577 = tpu.memref_squeeze %dma_start3A_576 : memref<1x16x128xf32, #tpu.memory_space<vmem>> -> memref<16x128xf32, #tpu.memory_space<vmem>>
    %dma_start3A_578 = arith.constant 0 : i32
    %dma_start3A_579 = tpu.memref_slice %arg4[%dma_start3A_578, %multiple_of3A_97] : memref<16x1000000xf32, #tpu.memory_space<hbm>> -> memref<16x128xf32, #tpu.memory_space<hbm>>
    tpu.enqueue_dma source(%dma_start3A_579 : memref<16x128xf32, #tpu.memory_space<hbm>>) target(%dma_start3A_577 : memref<16x128xf32, #tpu.memory_space<vmem>>) target_semaphore(%arg14 : memref<!tpu.dma_semaphore, #tpu.memory_space<semaphore_mem>>)
    %dma_start3A_580 = arith.constant 7 : i32
    %dma_start3A_581 = arith.constant 0 : i32
    %dma_start3A_582 = arith.constant 0 : i32
    %dma_start3A_583 = tpu.memref_slice %arg10[%dma_start3A_580, %dma_start3A_581, %dma_start3A_582] : memref<16x16x128xf32, #tpu.memory_space<vmem>> -> memref<1x16x128xf32, #tpu.memory_space<vmem>>
    %dma_start3A_584 = tpu.memref_squeeze %dma_start3A_583 : memref<1x16x128xf32, #tpu.memory_space<vmem>> -> memref<16x128xf32, #tpu.memory_space<vmem>>
    %dma_start3A_585 = arith.constant 0 : i32
    %dma_start3A_586 = tpu.memref_slice %arg5[%dma_start3A_585, %multiple_of3A_289] : memref<16x1000000xf32, #tpu.memory_space<hbm>> -> memref<16x128xf32, #tpu.memory_space<hbm>>
    %dma_start3A_587 = arith.constant 0 : i32
    %dma_start3A_588 = arith.constant 0 : i32
    %dma_start3A_589 = tpu.memref_slice %arg10[%dma_start3A_580, %dma_start3A_587, %dma_start3A_588] : memref<16x16x128xf32, #tpu.memory_space<vmem>> -> memref<1x16x128xf32, #tpu.memory_space<vmem>>
    %dma_start3A_590 = tpu.memref_squeeze %dma_start3A_589 : memref<1x16x128xf32, #tpu.memory_space<vmem>> -> memref<16x128xf32, #tpu.memory_space<vmem>>
    %dma_start3A_591 = arith.constant 0 : i32
    %dma_start3A_592 = tpu.memref_slice %arg5[%dma_start3A_591, %multiple_of3A_289] : memref<16x1000000xf32, #tpu.memory_space<hbm>> -> memref<16x128xf32, #tpu.memory_space<hbm>>
    tpu.enqueue_dma source(%dma_start3A_592 : memref<16x128xf32, #tpu.memory_space<hbm>>) target(%dma_start3A_590 : memref<16x128xf32, #tpu.memory_space<vmem>>) target_semaphore(%arg15 : memref<!tpu.dma_semaphore, #tpu.memory_space<semaphore_mem>>)
    %dma_start3A_593 = arith.constant 8 : i32
    %dma_start3A_594 = arith.constant 0 : i32
    %dma_start3A_595 = arith.constant 0 : i32
    %dma_start3A_596 = tpu.memref_slice %arg9[%dma_start3A_593, %dma_start3A_594, %dma_start3A_595] : memref<16x16x128xf32, #tpu.memory_space<vmem>> -> memref<1x16x128xf32, #tpu.memory_space<vmem>>
    %dma_start3A_597 = tpu.memref_squeeze %dma_start3A_596 : memref<1x16x128xf32, #tpu.memory_space<vmem>> -> memref<16x128xf32, #tpu.memory_space<vmem>>
    %dma_start3A_598 = arith.constant 0 : i32
    %dma_start3A_599 = tpu.memref_slice %arg4[%dma_start3A_598, %multiple_of3A_109] : memref<16x1000000xf32, #tpu.memory_space<hbm>> -> memref<16x128xf32, #tpu.memory_space<hbm>>
    %dma_start3A_600 = arith.constant 0 : i32
    %dma_start3A_601 = arith.constant 0 : i32
    %dma_start3A_602 = tpu.memref_slice %arg9[%dma_start3A_593, %dma_start3A_600, %dma_start3A_601] : memref<16x16x128xf32, #tpu.memory_space<vmem>> -> memref<1x16x128xf32, #tpu.memory_space<vmem>>
    %dma_start3A_603 = tpu.memref_squeeze %dma_start3A_602 : memref<1x16x128xf32, #tpu.memory_space<vmem>> -> memref<16x128xf32, #tpu.memory_space<vmem>>
    %dma_start3A_604 = arith.constant 0 : i32
    %dma_start3A_605 = tpu.memref_slice %arg4[%dma_start3A_604, %multiple_of3A_109] : memref<16x1000000xf32, #tpu.memory_space<hbm>> -> memref<16x128xf32, #tpu.memory_space<hbm>>
    tpu.enqueue_dma source(%dma_start3A_605 : memref<16x128xf32, #tpu.memory_space<hbm>>) target(%dma_start3A_603 : memref<16x128xf32, #tpu.memory_space<vmem>>) target_semaphore(%arg14 : memref<!tpu.dma_semaphore, #tpu.memory_space<semaphore_mem>>)
    %dma_start3A_606 = arith.constant 8 : i32
    %dma_start3A_607 = arith.constant 0 : i32
    %dma_start3A_608 = arith.constant 0 : i32
    %dma_start3A_609 = tpu.memref_slice %arg10[%dma_start3A_606, %dma_start3A_607, %dma_start3A_608] : memref<16x16x128xf32, #tpu.memory_space<vmem>> -> memref<1x16x128xf32, #tpu.memory_space<vmem>>
    %dma_start3A_610 = tpu.memref_squeeze %dma_start3A_609 : memref<1x16x128xf32, #tpu.memory_space<vmem>> -> memref<16x128xf32, #tpu.memory_space<vmem>>
    %dma_start3A_611 = arith.constant 0 : i32
    %dma_start3A_612 = tpu.memref_slice %arg5[%dma_start3A_611, %multiple_of3A_301] : memref<16x1000000xf32, #tpu.memory_space<hbm>> -> memref<16x128xf32, #tpu.memory_space<hbm>>
    %dma_start3A_613 = arith.constant 0 : i32
    %dma_start3A_614 = arith.constant 0 : i32
    %dma_start3A_615 = tpu.memref_slice %arg10[%dma_start3A_606, %dma_start3A_613, %dma_start3A_614] : memref<16x16x128xf32, #tpu.memory_space<vmem>> -> memref<1x16x128xf32, #tpu.memory_space<vmem>>
    %dma_start3A_616 = tpu.memref_squeeze %dma_start3A_615 : memref<1x16x128xf32, #tpu.memory_space<vmem>> -> memref<16x128xf32, #tpu.memory_space<vmem>>
    %dma_start3A_617 = arith.constant 0 : i32
    %dma_start3A_618 = tpu.memref_slice %arg5[%dma_start3A_617, %multiple_of3A_301] : memref<16x1000000xf32, #tpu.memory_space<hbm>> -> memref<16x128xf32, #tpu.memory_space<hbm>>
    tpu.enqueue_dma source(%dma_start3A_618 : memref<16x128xf32, #tpu.memory_space<hbm>>) target(%dma_start3A_616 : memref<16x128xf32, #tpu.memory_space<vmem>>) target_semaphore(%arg15 : memref<!tpu.dma_semaphore, #tpu.memory_space<semaphore_mem>>)
    %dma_start3A_619 = arith.constant 9 : i32
    %dma_start3A_620 = arith.constant 0 : i32
    %dma_start3A_621 = arith.constant 0 : i32
    %dma_start3A_622 = tpu.memref_slice %arg9[%dma_start3A_619, %dma_start3A_620, %dma_start3A_621] : memref<16x16x128xf32, #tpu.memory_space<vmem>> -> memref<1x16x128xf32, #tpu.memory_space<vmem>>
    %dma_start3A_623 = tpu.memref_squeeze %dma_start3A_622 : memref<1x16x128xf32, #tpu.memory_space<vmem>> -> memref<16x128xf32, #tpu.memory_space<vmem>>
    %dma_start3A_624 = arith.constant 0 : i32
    %dma_start3A_625 = tpu.memref_slice %arg4[%dma_start3A_624, %multiple_of3A_121] : memref<16x1000000xf32, #tpu.memory_space<hbm>> -> memref<16x128xf32, #tpu.memory_space<hbm>>
    %dma_start3A_626 = arith.constant 0 : i32
    %dma_start3A_627 = arith.constant 0 : i32
    %dma_start3A_628 = tpu.memref_slice %arg9[%dma_start3A_619, %dma_start3A_626, %dma_start3A_627] : memref<16x16x128xf32, #tpu.memory_space<vmem>> -> memref<1x16x128xf32, #tpu.memory_space<vmem>>
    %dma_start3A_629 = tpu.memref_squeeze %dma_start3A_628 : memref<1x16x128xf32, #tpu.memory_space<vmem>> -> memref<16x128xf32, #tpu.memory_space<vmem>>
    %dma_start3A_630 = arith.constant 0 : i32
    %dma_start3A_631 = tpu.memref_slice %arg4[%dma_start3A_630, %multiple_of3A_121] : memref<16x1000000xf32, #tpu.memory_space<hbm>> -> memref<16x128xf32, #tpu.memory_space<hbm>>
    tpu.enqueue_dma source(%dma_start3A_631 : memref<16x128xf32, #tpu.memory_space<hbm>>) target(%dma_start3A_629 : memref<16x128xf32, #tpu.memory_space<vmem>>) target_semaphore(%arg14 : memref<!tpu.dma_semaphore, #tpu.memory_space<semaphore_mem>>)
    %dma_start3A_632 = arith.constant 9 : i32
    %dma_start3A_633 = arith.constant 0 : i32
    %dma_start3A_634 = arith.constant 0 : i32
    %dma_start3A_635 = tpu.memref_slice %arg10[%dma_start3A_632, %dma_start3A_633, %dma_start3A_634] : memref<16x16x128xf32, #tpu.memory_space<vmem>> -> memref<1x16x128xf32, #tpu.memory_space<vmem>>
    %dma_start3A_636 = tpu.memref_squeeze %dma_start3A_635 : memref<1x16x128xf32, #tpu.memory_space<vmem>> -> memref<16x128xf32, #tpu.memory_space<vmem>>
    %dma_start3A_637 = arith.constant 0 : i32
    %dma_start3A_638 = tpu.memref_slice %arg5[%dma_start3A_637, %multiple_of3A_313] : memref<16x1000000xf32, #tpu.memory_space<hbm>> -> memref<16x128xf32, #tpu.memory_space<hbm>>
    %dma_start3A_639 = arith.constant 0 : i32
    %dma_start3A_640 = arith.constant 0 : i32
    %dma_start3A_641 = tpu.memref_slice %arg10[%dma_start3A_632, %dma_start3A_639, %dma_start3A_640] : memref<16x16x128xf32, #tpu.memory_space<vmem>> -> memref<1x16x128xf32, #tpu.memory_space<vmem>>
    %dma_start3A_642 = tpu.memref_squeeze %dma_start3A_641 : memref<1x16x128xf32, #tpu.memory_space<vmem>> -> memref<16x128xf32, #tpu.memory_space<vmem>>
    %dma_start3A_643 = arith.constant 0 : i32
    %dma_start3A_644 = tpu.memref_slice %arg5[%dma_start3A_643, %multiple_of3A_313] : memref<16x1000000xf32, #tpu.memory_space<hbm>> -> memref<16x128xf32, #tpu.memory_space<hbm>>
    tpu.enqueue_dma source(%dma_start3A_644 : memref<16x128xf32, #tpu.memory_space<hbm>>) target(%dma_start3A_642 : memref<16x128xf32, #tpu.memory_space<vmem>>) target_semaphore(%arg15 : memref<!tpu.dma_semaphore, #tpu.memory_space<semaphore_mem>>)
    %dma_start3A_645 = arith.constant 10 : i32
    %dma_start3A_646 = arith.constant 0 : i32
    %dma_start3A_647 = arith.constant 0 : i32
    %dma_start3A_648 = tpu.memref_slice %arg9[%dma_start3A_645, %dma_start3A_646, %dma_start3A_647] : memref<16x16x128xf32, #tpu.memory_space<vmem>> -> memref<1x16x128xf32, #tpu.memory_space<vmem>>
    %dma_start3A_649 = tpu.memref_squeeze %dma_start3A_648 : memref<1x16x128xf32, #tpu.memory_space<vmem>> -> memref<16x128xf32, #tpu.memory_space<vmem>>
    %dma_start3A_650 = arith.constant 0 : i32
    %dma_start3A_651 = tpu.memref_slice %arg4[%dma_start3A_650, %multiple_of3A_133] : memref<16x1000000xf32, #tpu.memory_space<hbm>> -> memref<16x128xf32, #tpu.memory_space<hbm>>
    %dma_start3A_652 = arith.constant 0 : i32
    %dma_start3A_653 = arith.constant 0 : i32
    %dma_start3A_654 = tpu.memref_slice %arg9[%dma_start3A_645, %dma_start3A_652, %dma_start3A_653] : memref<16x16x128xf32, #tpu.memory_space<vmem>> -> memref<1x16x128xf32, #tpu.memory_space<vmem>>
    %dma_start3A_655 = tpu.memref_squeeze %dma_start3A_654 : memref<1x16x128xf32, #tpu.memory_space<vmem>> -> memref<16x128xf32, #tpu.memory_space<vmem>>
    %dma_start3A_656 = arith.constant 0 : i32
    %dma_start3A_657 = tpu.memref_slice %arg4[%dma_start3A_656, %multiple_of3A_133] : memref<16x1000000xf32, #tpu.memory_space<hbm>> -> memref<16x128xf32, #tpu.memory_space<hbm>>
    tpu.enqueue_dma source(%dma_start3A_657 : memref<16x128xf32, #tpu.memory_space<hbm>>) target(%dma_start3A_655 : memref<16x128xf32, #tpu.memory_space<vmem>>) target_semaphore(%arg14 : memref<!tpu.dma_semaphore, #tpu.memory_space<semaphore_mem>>)
    %dma_start3A_658 = arith.constant 10 : i32
    %dma_start3A_659 = arith.constant 0 : i32
    %dma_start3A_660 = arith.constant 0 : i32
    %dma_start3A_661 = tpu.memref_slice %arg10[%dma_start3A_658, %dma_start3A_659, %dma_start3A_660] : memref<16x16x128xf32, #tpu.memory_space<vmem>> -> memref<1x16x128xf32, #tpu.memory_space<vmem>>
    %dma_start3A_662 = tpu.memref_squeeze %dma_start3A_661 : memref<1x16x128xf32, #tpu.memory_space<vmem>> -> memref<16x128xf32, #tpu.memory_space<vmem>>
    %dma_start3A_663 = arith.constant 0 : i32
    %dma_start3A_664 = tpu.memref_slice %arg5[%dma_start3A_663, %multiple_of3A_325] : memref<16x1000000xf32, #tpu.memory_space<hbm>> -> memref<16x128xf32, #tpu.memory_space<hbm>>
    %dma_start3A_665 = arith.constant 0 : i32
    %dma_start3A_666 = arith.constant 0 : i32
    %dma_start3A_667 = tpu.memref_slice %arg10[%dma_start3A_658, %dma_start3A_665, %dma_start3A_666] : memref<16x16x128xf32, #tpu.memory_space<vmem>> -> memref<1x16x128xf32, #tpu.memory_space<vmem>>
    %dma_start3A_668 = tpu.memref_squeeze %dma_start3A_667 : memref<1x16x128xf32, #tpu.memory_space<vmem>> -> memref<16x128xf32, #tpu.memory_space<vmem>>
    %dma_start3A_669 = arith.constant 0 : i32
    %dma_start3A_670 = tpu.memref_slice %arg5[%dma_start3A_669, %multiple_of3A_325] : memref<16x1000000xf32, #tpu.memory_space<hbm>> -> memref<16x128xf32, #tpu.memory_space<hbm>>
    tpu.enqueue_dma source(%dma_start3A_670 : memref<16x128xf32, #tpu.memory_space<hbm>>) target(%dma_start3A_668 : memref<16x128xf32, #tpu.memory_space<vmem>>) target_semaphore(%arg15 : memref<!tpu.dma_semaphore, #tpu.memory_space<semaphore_mem>>)
    %dma_start3A_671 = arith.constant 11 : i32
    %dma_start3A_672 = arith.constant 0 : i32
    %dma_start3A_673 = arith.constant 0 : i32
    %dma_start3A_674 = tpu.memref_slice %arg9[%dma_start3A_671, %dma_start3A_672, %dma_start3A_673] : memref<16x16x128xf32, #tpu.memory_space<vmem>> -> memref<1x16x128xf32, #tpu.memory_space<vmem>>
    %dma_start3A_675 = tpu.memref_squeeze %dma_start3A_674 : memref<1x16x128xf32, #tpu.memory_space<vmem>> -> memref<16x128xf32, #tpu.memory_space<vmem>>
    %dma_start3A_676 = arith.constant 0 : i32
    %dma_start3A_677 = tpu.memref_slice %arg4[%dma_start3A_676, %multiple_of3A_145] : memref<16x1000000xf32, #tpu.memory_space<hbm>> -> memref<16x128xf32, #tpu.memory_space<hbm>>
    %dma_start3A_678 = arith.constant 0 : i32
    %dma_start3A_679 = arith.constant 0 : i32
    %dma_start3A_680 = tpu.memref_slice %arg9[%dma_start3A_671, %dma_start3A_678, %dma_start3A_679] : memref<16x16x128xf32, #tpu.memory_space<vmem>> -> memref<1x16x128xf32, #tpu.memory_space<vmem>>
    %dma_start3A_681 = tpu.memref_squeeze %dma_start3A_680 : memref<1x16x128xf32, #tpu.memory_space<vmem>> -> memref<16x128xf32, #tpu.memory_space<vmem>>
    %dma_start3A_682 = arith.constant 0 : i32
    %dma_start3A_683 = tpu.memref_slice %arg4[%dma_start3A_682, %multiple_of3A_145] : memref<16x1000000xf32, #tpu.memory_space<hbm>> -> memref<16x128xf32, #tpu.memory_space<hbm>>
    tpu.enqueue_dma source(%dma_start3A_683 : memref<16x128xf32, #tpu.memory_space<hbm>>) target(%dma_start3A_681 : memref<16x128xf32, #tpu.memory_space<vmem>>) target_semaphore(%arg14 : memref<!tpu.dma_semaphore, #tpu.memory_space<semaphore_mem>>)
    %dma_start3A_684 = arith.constant 11 : i32
    %dma_start3A_685 = arith.constant 0 : i32
    %dma_start3A_686 = arith.constant 0 : i32
    %dma_start3A_687 = tpu.memref_slice %arg10[%dma_start3A_684, %dma_start3A_685, %dma_start3A_686] : memref<16x16x128xf32, #tpu.memory_space<vmem>> -> memref<1x16x128xf32, #tpu.memory_space<vmem>>
    %dma_start3A_688 = tpu.memref_squeeze %dma_start3A_687 : memref<1x16x128xf32, #tpu.memory_space<vmem>> -> memref<16x128xf32, #tpu.memory_space<vmem>>
    %dma_start3A_689 = arith.constant 0 : i32
    %dma_start3A_690 = tpu.memref_slice %arg5[%dma_start3A_689, %multiple_of3A_337] : memref<16x1000000xf32, #tpu.memory_space<hbm>> -> memref<16x128xf32, #tpu.memory_space<hbm>>
    %dma_start3A_691 = arith.constant 0 : i32
    %dma_start3A_692 = arith.constant 0 : i32
    %dma_start3A_693 = tpu.memref_slice %arg10[%dma_start3A_684, %dma_start3A_691, %dma_start3A_692] : memref<16x16x128xf32, #tpu.memory_space<vmem>> -> memref<1x16x128xf32, #tpu.memory_space<vmem>>
    %dma_start3A_694 = tpu.memref_squeeze %dma_start3A_693 : memref<1x16x128xf32, #tpu.memory_space<vmem>> -> memref<16x128xf32, #tpu.memory_space<vmem>>
    %dma_start3A_695 = arith.constant 0 : i32
    %dma_start3A_696 = tpu.memref_slice %arg5[%dma_start3A_695, %multiple_of3A_337] : memref<16x1000000xf32, #tpu.memory_space<hbm>> -> memref<16x128xf32, #tpu.memory_space<hbm>>
    tpu.enqueue_dma source(%dma_start3A_696 : memref<16x128xf32, #tpu.memory_space<hbm>>) target(%dma_start3A_694 : memref<16x128xf32, #tpu.memory_space<vmem>>) target_semaphore(%arg15 : memref<!tpu.dma_semaphore, #tpu.memory_space<semaphore_mem>>)
    %dma_start3A_697 = arith.constant 12 : i32
    %dma_start3A_698 = arith.constant 0 : i32
    %dma_start3A_699 = arith.constant 0 : i32
    %dma_start3A_700 = tpu.memref_slice %arg9[%dma_start3A_697, %dma_start3A_698, %dma_start3A_699] : memref<16x16x128xf32, #tpu.memory_space<vmem>> -> memref<1x16x128xf32, #tpu.memory_space<vmem>>
    %dma_start3A_701 = tpu.memref_squeeze %dma_start3A_700 : memref<1x16x128xf32, #tpu.memory_space<vmem>> -> memref<16x128xf32, #tpu.memory_space<vmem>>
    %dma_start3A_702 = arith.constant 0 : i32
    %dma_start3A_703 = tpu.memref_slice %arg4[%dma_start3A_702, %multiple_of3A_157] : memref<16x1000000xf32, #tpu.memory_space<hbm>> -> memref<16x128xf32, #tpu.memory_space<hbm>>
    %dma_start3A_704 = arith.constant 0 : i32
    %dma_start3A_705 = arith.constant 0 : i32
    %dma_start3A_706 = tpu.memref_slice %arg9[%dma_start3A_697, %dma_start3A_704, %dma_start3A_705] : memref<16x16x128xf32, #tpu.memory_space<vmem>> -> memref<1x16x128xf32, #tpu.memory_space<vmem>>
    %dma_start3A_707 = tpu.memref_squeeze %dma_start3A_706 : memref<1x16x128xf32, #tpu.memory_space<vmem>> -> memref<16x128xf32, #tpu.memory_space<vmem>>
    %dma_start3A_708 = arith.constant 0 : i32
    %dma_start3A_709 = tpu.memref_slice %arg4[%dma_start3A_708, %multiple_of3A_157] : memref<16x1000000xf32, #tpu.memory_space<hbm>> -> memref<16x128xf32, #tpu.memory_space<hbm>>
    tpu.enqueue_dma source(%dma_start3A_709 : memref<16x128xf32, #tpu.memory_space<hbm>>) target(%dma_start3A_707 : memref<16x128xf32, #tpu.memory_space<vmem>>) target_semaphore(%arg14 : memref<!tpu.dma_semaphore, #tpu.memory_space<semaphore_mem>>)
    %dma_start3A_710 = arith.constant 12 : i32
    %dma_start3A_711 = arith.constant 0 : i32
    %dma_start3A_712 = arith.constant 0 : i32
    %dma_start3A_713 = tpu.memref_slice %arg10[%dma_start3A_710, %dma_start3A_711, %dma_start3A_712] : memref<16x16x128xf32, #tpu.memory_space<vmem>> -> memref<1x16x128xf32, #tpu.memory_space<vmem>>
    %dma_start3A_714 = tpu.memref_squeeze %dma_start3A_713 : memref<1x16x128xf32, #tpu.memory_space<vmem>> -> memref<16x128xf32, #tpu.memory_space<vmem>>
    %dma_start3A_715 = arith.constant 0 : i32
    %dma_start3A_716 = tpu.memref_slice %arg5[%dma_start3A_715, %multiple_of3A_349] : memref<16x1000000xf32, #tpu.memory_space<hbm>> -> memref<16x128xf32, #tpu.memory_space<hbm>>
    %dma_start3A_717 = arith.constant 0 : i32
    %dma_start3A_718 = arith.constant 0 : i32
    %dma_start3A_719 = tpu.memref_slice %arg10[%dma_start3A_710, %dma_start3A_717, %dma_start3A_718] : memref<16x16x128xf32, #tpu.memory_space<vmem>> -> memref<1x16x128xf32, #tpu.memory_space<vmem>>
    %dma_start3A_720 = tpu.memref_squeeze %dma_start3A_719 : memref<1x16x128xf32, #tpu.memory_space<vmem>> -> memref<16x128xf32, #tpu.memory_space<vmem>>
    %dma_start3A_721 = arith.constant 0 : i32
    %dma_start3A_722 = tpu.memref_slice %arg5[%dma_start3A_721, %multiple_of3A_349] : memref<16x1000000xf32, #tpu.memory_space<hbm>> -> memref<16x128xf32, #tpu.memory_space<hbm>>
    tpu.enqueue_dma source(%dma_start3A_722 : memref<16x128xf32, #tpu.memory_space<hbm>>) target(%dma_start3A_720 : memref<16x128xf32, #tpu.memory_space<vmem>>) target_semaphore(%arg15 : memref<!tpu.dma_semaphore, #tpu.memory_space<semaphore_mem>>)
    %dma_start3A_723 = arith.constant 13 : i32
    %dma_start3A_724 = arith.constant 0 : i32
    %dma_start3A_725 = arith.constant 0 : i32
    %dma_start3A_726 = tpu.memref_slice %arg9[%dma_start3A_723, %dma_start3A_724, %dma_start3A_725] : memref<16x16x128xf32, #tpu.memory_space<vmem>> -> memref<1x16x128xf32, #tpu.memory_space<vmem>>
    %dma_start3A_727 = tpu.memref_squeeze %dma_start3A_726 : memref<1x16x128xf32, #tpu.memory_space<vmem>> -> memref<16x128xf32, #tpu.memory_space<vmem>>
    %dma_start3A_728 = arith.constant 0 : i32
    %dma_start3A_729 = tpu.memref_slice %arg4[%dma_start3A_728, %multiple_of3A_169] : memref<16x1000000xf32, #tpu.memory_space<hbm>> -> memref<16x128xf32, #tpu.memory_space<hbm>>
    %dma_start3A_730 = arith.constant 0 : i32
    %dma_start3A_731 = arith.constant 0 : i32
    %dma_start3A_732 = tpu.memref_slice %arg9[%dma_start3A_723, %dma_start3A_730, %dma_start3A_731] : memref<16x16x128xf32, #tpu.memory_space<vmem>> -> memref<1x16x128xf32, #tpu.memory_space<vmem>>
    %dma_start3A_733 = tpu.memref_squeeze %dma_start3A_732 : memref<1x16x128xf32, #tpu.memory_space<vmem>> -> memref<16x128xf32, #tpu.memory_space<vmem>>
    %dma_start3A_734 = arith.constant 0 : i32
    %dma_start3A_735 = tpu.memref_slice %arg4[%dma_start3A_734, %multiple_of3A_169] : memref<16x1000000xf32, #tpu.memory_space<hbm>> -> memref<16x128xf32, #tpu.memory_space<hbm>>
    tpu.enqueue_dma source(%dma_start3A_735 : memref<16x128xf32, #tpu.memory_space<hbm>>) target(%dma_start3A_733 : memref<16x128xf32, #tpu.memory_space<vmem>>) target_semaphore(%arg14 : memref<!tpu.dma_semaphore, #tpu.memory_space<semaphore_mem>>)
    %dma_start3A_736 = arith.constant 13 : i32
    %dma_start3A_737 = arith.constant 0 : i32
    %dma_start3A_738 = arith.constant 0 : i32
    %dma_start3A_739 = tpu.memref_slice %arg10[%dma_start3A_736, %dma_start3A_737, %dma_start3A_738] : memref<16x16x128xf32, #tpu.memory_space<vmem>> -> memref<1x16x128xf32, #tpu.memory_space<vmem>>
    %dma_start3A_740 = tpu.memref_squeeze %dma_start3A_739 : memref<1x16x128xf32, #tpu.memory_space<vmem>> -> memref<16x128xf32, #tpu.memory_space<vmem>>
    %dma_start3A_741 = arith.constant 0 : i32
    %dma_start3A_742 = tpu.memref_slice %arg5[%dma_start3A_741, %multiple_of3A_361] : memref<16x1000000xf32, #tpu.memory_space<hbm>> -> memref<16x128xf32, #tpu.memory_space<hbm>>
    %dma_start3A_743 = arith.constant 0 : i32
    %dma_start3A_744 = arith.constant 0 : i32
    %dma_start3A_745 = tpu.memref_slice %arg10[%dma_start3A_736, %dma_start3A_743, %dma_start3A_744] : memref<16x16x128xf32, #tpu.memory_space<vmem>> -> memref<1x16x128xf32, #tpu.memory_space<vmem>>
    %dma_start3A_746 = tpu.memref_squeeze %dma_start3A_745 : memref<1x16x128xf32, #tpu.memory_space<vmem>> -> memref<16x128xf32, #tpu.memory_space<vmem>>
    %dma_start3A_747 = arith.constant 0 : i32
    %dma_start3A_748 = tpu.memref_slice %arg5[%dma_start3A_747, %multiple_of3A_361] : memref<16x1000000xf32, #tpu.memory_space<hbm>> -> memref<16x128xf32, #tpu.memory_space<hbm>>
    tpu.enqueue_dma source(%dma_start3A_748 : memref<16x128xf32, #tpu.memory_space<hbm>>) target(%dma_start3A_746 : memref<16x128xf32, #tpu.memory_space<vmem>>) target_semaphore(%arg15 : memref<!tpu.dma_semaphore, #tpu.memory_space<semaphore_mem>>)
    %dma_start3A_749 = arith.constant 14 : i32
    %dma_start3A_750 = arith.constant 0 : i32
    %dma_start3A_751 = arith.constant 0 : i32
    %dma_start3A_752 = tpu.memref_slice %arg9[%dma_start3A_749, %dma_start3A_750, %dma_start3A_751] : memref<16x16x128xf32, #tpu.memory_space<vmem>> -> memref<1x16x128xf32, #tpu.memory_space<vmem>>
    %dma_start3A_753 = tpu.memref_squeeze %dma_start3A_752 : memref<1x16x128xf32, #tpu.memory_space<vmem>> -> memref<16x128xf32, #tpu.memory_space<vmem>>
    %dma_start3A_754 = arith.constant 0 : i32
    %dma_start3A_755 = tpu.memref_slice %arg4[%dma_start3A_754, %multiple_of3A_181] : memref<16x1000000xf32, #tpu.memory_space<hbm>> -> memref<16x128xf32, #tpu.memory_space<hbm>>
    %dma_start3A_756 = arith.constant 0 : i32
    %dma_start3A_757 = arith.constant 0 : i32
    %dma_start3A_758 = tpu.memref_slice %arg9[%dma_start3A_749, %dma_start3A_756, %dma_start3A_757] : memref<16x16x128xf32, #tpu.memory_space<vmem>> -> memref<1x16x128xf32, #tpu.memory_space<vmem>>
    %dma_start3A_759 = tpu.memref_squeeze %dma_start3A_758 : memref<1x16x128xf32, #tpu.memory_space<vmem>> -> memref<16x128xf32, #tpu.memory_space<vmem>>
    %dma_start3A_760 = arith.constant 0 : i32
    %dma_start3A_761 = tpu.memref_slice %arg4[%dma_start3A_760, %multiple_of3A_181] : memref<16x1000000xf32, #tpu.memory_space<hbm>> -> memref<16x128xf32, #tpu.memory_space<hbm>>
    tpu.enqueue_dma source(%dma_start3A_761 : memref<16x128xf32, #tpu.memory_space<hbm>>) target(%dma_start3A_759 : memref<16x128xf32, #tpu.memory_space<vmem>>) target_semaphore(%arg14 : memref<!tpu.dma_semaphore, #tpu.memory_space<semaphore_mem>>)
    %dma_start3A_762 = arith.constant 14 : i32
    %dma_start3A_763 = arith.constant 0 : i32
    %dma_start3A_764 = arith.constant 0 : i32
    %dma_start3A_765 = tpu.memref_slice %arg10[%dma_start3A_762, %dma_start3A_763, %dma_start3A_764] : memref<16x16x128xf32, #tpu.memory_space<vmem>> -> memref<1x16x128xf32, #tpu.memory_space<vmem>>
    %dma_start3A_766 = tpu.memref_squeeze %dma_start3A_765 : memref<1x16x128xf32, #tpu.memory_space<vmem>> -> memref<16x128xf32, #tpu.memory_space<vmem>>
    %dma_start3A_767 = arith.constant 0 : i32
    %dma_start3A_768 = tpu.memref_slice %arg5[%dma_start3A_767, %multiple_of3A_373] : memref<16x1000000xf32, #tpu.memory_space<hbm>> -> memref<16x128xf32, #tpu.memory_space<hbm>>
    %dma_start3A_769 = arith.constant 0 : i32
    %dma_start3A_770 = arith.constant 0 : i32
    %dma_start3A_771 = tpu.memref_slice %arg10[%dma_start3A_762, %dma_start3A_769, %dma_start3A_770] : memref<16x16x128xf32, #tpu.memory_space<vmem>> -> memref<1x16x128xf32, #tpu.memory_space<vmem>>
    %dma_start3A_772 = tpu.memref_squeeze %dma_start3A_771 : memref<1x16x128xf32, #tpu.memory_space<vmem>> -> memref<16x128xf32, #tpu.memory_space<vmem>>
    %dma_start3A_773 = arith.constant 0 : i32
    %dma_start3A_774 = tpu.memref_slice %arg5[%dma_start3A_773, %multiple_of3A_373] : memref<16x1000000xf32, #tpu.memory_space<hbm>> -> memref<16x128xf32, #tpu.memory_space<hbm>>
    tpu.enqueue_dma source(%dma_start3A_774 : memref<16x128xf32, #tpu.memory_space<hbm>>) target(%dma_start3A_772 : memref<16x128xf32, #tpu.memory_space<vmem>>) target_semaphore(%arg15 : memref<!tpu.dma_semaphore, #tpu.memory_space<semaphore_mem>>)
    %dma_start3A_775 = arith.constant 15 : i32
    %dma_start3A_776 = arith.constant 0 : i32
    %dma_start3A_777 = arith.constant 0 : i32
    %dma_start3A_778 = tpu.memref_slice %arg9[%dma_start3A_775, %dma_start3A_776, %dma_start3A_777] : memref<16x16x128xf32, #tpu.memory_space<vmem>> -> memref<1x16x128xf32, #tpu.memory_space<vmem>>
    %dma_start3A_779 = tpu.memref_squeeze %dma_start3A_778 : memref<1x16x128xf32, #tpu.memory_space<vmem>> -> memref<16x128xf32, #tpu.memory_space<vmem>>
    %dma_start3A_780 = arith.constant 0 : i32
    %dma_start3A_781 = tpu.memref_slice %arg4[%dma_start3A_780, %multiple_of3A_193] : memref<16x1000000xf32, #tpu.memory_space<hbm>> -> memref<16x128xf32, #tpu.memory_space<hbm>>
    %dma_start3A_782 = arith.constant 0 : i32
    %dma_start3A_783 = arith.constant 0 : i32
    %dma_start3A_784 = tpu.memref_slice %arg9[%dma_start3A_775, %dma_start3A_782, %dma_start3A_783] : memref<16x16x128xf32, #tpu.memory_space<vmem>> -> memref<1x16x128xf32, #tpu.memory_space<vmem>>
    %dma_start3A_785 = tpu.memref_squeeze %dma_start3A_784 : memref<1x16x128xf32, #tpu.memory_space<vmem>> -> memref<16x128xf32, #tpu.memory_space<vmem>>
    %dma_start3A_786 = arith.constant 0 : i32
    %dma_start3A_787 = tpu.memref_slice %arg4[%dma_start3A_786, %multiple_of3A_193] : memref<16x1000000xf32, #tpu.memory_space<hbm>> -> memref<16x128xf32, #tpu.memory_space<hbm>>
    tpu.enqueue_dma source(%dma_start3A_787 : memref<16x128xf32, #tpu.memory_space<hbm>>) target(%dma_start3A_785 : memref<16x128xf32, #tpu.memory_space<vmem>>) target_semaphore(%arg14 : memref<!tpu.dma_semaphore, #tpu.memory_space<semaphore_mem>>)
    %dma_start3A_788 = arith.constant 15 : i32
    %dma_start3A_789 = arith.constant 0 : i32
    %dma_start3A_790 = arith.constant 0 : i32
    %dma_start3A_791 = tpu.memref_slice %arg10[%dma_start3A_788, %dma_start3A_789, %dma_start3A_790] : memref<16x16x128xf32, #tpu.memory_space<vmem>> -> memref<1x16x128xf32, #tpu.memory_space<vmem>>
    %dma_start3A_792 = tpu.memref_squeeze %dma_start3A_791 : memref<1x16x128xf32, #tpu.memory_space<vmem>> -> memref<16x128xf32, #tpu.memory_space<vmem>>
    %dma_start3A_793 = arith.constant 0 : i32
    %dma_start3A_794 = tpu.memref_slice %arg5[%dma_start3A_793, %multiple_of3A_385] : memref<16x1000000xf32, #tpu.memory_space<hbm>> -> memref<16x128xf32, #tpu.memory_space<hbm>>
    %dma_start3A_795 = arith.constant 0 : i32
    %dma_start3A_796 = arith.constant 0 : i32
    %dma_start3A_797 = tpu.memref_slice %arg10[%dma_start3A_788, %dma_start3A_795, %dma_start3A_796] : memref<16x16x128xf32, #tpu.memory_space<vmem>> -> memref<1x16x128xf32, #tpu.memory_space<vmem>>
    %dma_start3A_798 = tpu.memref_squeeze %dma_start3A_797 : memref<1x16x128xf32, #tpu.memory_space<vmem>> -> memref<16x128xf32, #tpu.memory_space<vmem>>
    %dma_start3A_799 = arith.constant 0 : i32
    %dma_start3A_800 = tpu.memref_slice %arg5[%dma_start3A_799, %multiple_of3A_385] : memref<16x1000000xf32, #tpu.memory_space<hbm>> -> memref<16x128xf32, #tpu.memory_space<hbm>>
    tpu.enqueue_dma source(%dma_start3A_800 : memref<16x128xf32, #tpu.memory_space<hbm>>) target(%dma_start3A_798 : memref<16x128xf32, #tpu.memory_space<vmem>>) target_semaphore(%arg15 : memref<!tpu.dma_semaphore, #tpu.memory_space<semaphore_mem>>)
    %scan3A = arith.constant 0 : i32
    %scan3A_801 = arith.constant 0 : i32
    %scan3A_802 = arith.constant 32 : i32
    %scan3A_803 = arith.addi %scan3A_801, %scan3A_802 : i32
    %scan3A_804 = arith.constant 1 : i32
    scf.for %scan3A_808 = %scan3A_801 to %scan3A_803 step %scan3A_804  : i32 {
      %add3A_809 = arith.constant 1 : i32
      %add3A_810 = arith.addi %scan3A_808, %add3A_809 : i32
      %min3A = arith.constant 31 : i32
      %min3A_811 = arith.minsi %add3A_810, %min3A : i32
      %mul3A_812 = arith.constant 16 : i32
      %mul3A_813 = arith.muli %min3A_811, %mul3A_812 : i32
      %get3A_814 = arith.index_cast %mul3A_813 : i32 to index
      %get3A_815 = tpu.vector_load %arg7[%get3A_814] {strides = array<i32>} : memref<512xi32, #tpu.memory_space<vmem>>, vector<16xi32>,
      %and3A_816 = arith.constant -128 : i32
      %and3A_817 = vector.broadcast %and3A_816 : i32 to vector<16xi32>
      %and3A_818 = arith.andi %get3A_815, %and3A_817 : vector<16xi32>
      %get3A_819 = arith.index_cast %mul3A_813 : i32 to index
      %get3A_820 = tpu.vector_load %arg8[%get3A_819] {strides = array<i32>} : memref<512xi32, #tpu.memory_space<vmem>>, vector<16xi32>,
      %and3A_821 = arith.constant -128 : i32
      %and3A_822 = vector.broadcast %and3A_821 : i32 to vector<16xi32>
      %and3A_823 = arith.andi %get3A_820, %and3A_822 : vector<16xi32>
      %iota3A_824 = tpu.iota {dimensions = array<i32: 0>} : vector<16xi32>
      %eq3A_825 = arith.constant 0 : i32
      %eq3A_826 = vector.broadcast %eq3A_825 : i32 to vector<16xi32>
      %eq3A_827 = arith.cmpi eq, %iota3A_824, %eq3A_826 : vector<16xi32>
      %jit3A_828 = arith.constant 0 : i32
      %broadcast_in_dim3A_829 = vector.broadcast %jit3A_828 : i32 to vector<16xi32>
      %select_n3A_830 = arith.select %eq3A_827, %and3A_818, %broadcast_in_dim3A_829 : vector<16xi1>, vector<16xi32>
      %reduce_sum3A_831 = arith.constant true
      %reduce_sum3A_832 = vector.broadcast %reduce_sum3A_831 : i1 to vector<16xi1>
      %reduce_sum3A_833 = tpu.scan <sum>, %select_n3A_830 masked %reduce_sum3A_832 : vector<16xi32>, vector<16xi1> -> vector<16xi32>
      %reduce_sum3A_834 = vector.extract %reduce_sum3A_833[15] : i32 from vector<16xi32>
      %multiple_of3A_835 = tpu.assume_multiple %reduce_sum3A_834, 128 : i32
      %iota3A_836 = tpu.iota {dimensions = array<i32: 0>} : vector<16xi32>
      %eq3A_837 = arith.constant 1 : i32
      %eq3A_838 = vector.broadcast %eq3A_837 : i32 to vector<16xi32>
      %eq3A_839 = arith.cmpi eq, %iota3A_836, %eq3A_838 : vector<16xi32>
      %jit3A_840 = arith.constant 0 : i32
      %broadcast_in_dim3A_841 = vector.broadcast %jit3A_840 : i32 to vector<16xi32>
      %select_n3A_842 = arith.select %eq3A_839, %and3A_818, %broadcast_in_dim3A_841 : vector<16xi1>, vector<16xi32>
      %reduce_sum3A_843 = arith.constant true
      %reduce_sum3A_844 = vector.broadcast %reduce_sum3A_843 : i1 to vector<16xi1>
      %reduce_sum3A_845 = tpu.scan <sum>, %select_n3A_842 masked %reduce_sum3A_844 : vector<16xi32>, vector<16xi1> -> vector<16xi32>
      %reduce_sum3A_846 = vector.extract %reduce_sum3A_845[15] : i32 from vector<16xi32>
      %multiple_of3A_847 = tpu.assume_multiple %reduce_sum3A_846, 128 : i32
      %iota3A_848 = tpu.iota {dimensions = array<i32: 0>} : vector<16xi32>
      %eq3A_849 = arith.constant 2 : i32
      %eq3A_850 = vector.broadcast %eq3A_849 : i32 to vector<16xi32>
      %eq3A_851 = arith.cmpi eq, %iota3A_848, %eq3A_850 : vector<16xi32>
      %jit3A_852 = arith.constant 0 : i32
      %broadcast_in_dim3A_853 = vector.broadcast %jit3A_852 : i32 to vector<16xi32>
      %select_n3A_854 = arith.select %eq3A_851, %and3A_818, %broadcast_in_dim3A_853 : vector<16xi1>, vector<16xi32>
      %reduce_sum3A_855 = arith.constant true
      %reduce_sum3A_856 = vector.broadcast %reduce_sum3A_855 : i1 to vector<16xi1>
      %reduce_sum3A_857 = tpu.scan <sum>, %select_n3A_854 masked %reduce_sum3A_856 : vector<16xi32>, vector<16xi1> -> vector<16xi32>
      %reduce_sum3A_858 = vector.extract %reduce_sum3A_857[15] : i32 from vector<16xi32>
      %multiple_of3A_859 = tpu.assume_multiple %reduce_sum3A_858, 128 : i32
      %iota3A_860 = tpu.iota {dimensions = array<i32: 0>} : vector<16xi32>
      %eq3A_861 = arith.constant 3 : i32
      %eq3A_862 = vector.broadcast %eq3A_861 : i32 to vector<16xi32>
      %eq3A_863 = arith.cmpi eq, %iota3A_860, %eq3A_862 : vector<16xi32>
      %jit3A_864 = arith.constant 0 : i32
      %broadcast_in_dim3A_865 = vector.broadcast %jit3A_864 : i32 to vector<16xi32>
      %select_n3A_866 = arith.select %eq3A_863, %and3A_818, %broadcast_in_dim3A_865 : vector<16xi1>, vector<16xi32>
      %reduce_sum3A_867 = arith.constant true
      %reduce_sum3A_868 = vector.broadcast %reduce_sum3A_867 : i1 to vector<16xi1>
      %reduce_sum3A_869 = tpu.scan <sum>, %select_n3A_866 masked %reduce_sum3A_868 : vector<16xi32>, vector<16xi1> -> vector<16xi32>
      %reduce_sum3A_870 = vector.extract %reduce_sum3A_869[15] : i32 from vector<16xi32>
      %multiple_of3A_871 = tpu.assume_multiple %reduce_sum3A_870, 128 : i32
      %iota3A_872 = tpu.iota {dimensions = array<i32: 0>} : vector<16xi32>
      %eq3A_873 = arith.constant 4 : i32
      %eq3A_874 = vector.broadcast %eq3A_873 : i32 to vector<16xi32>
      %eq3A_875 = arith.cmpi eq, %iota3A_872, %eq3A_874 : vector<16xi32>
      %jit3A_876 = arith.constant 0 : i32
      %broadcast_in_dim3A_877 = vector.broadcast %jit3A_876 : i32 to vector<16xi32>
      %select_n3A_878 = arith.select %eq3A_875, %and3A_818, %broadcast_in_dim3A_877 : vector<16xi1>, vector<16xi32>
      %reduce_sum3A_879 = arith.constant true
      %reduce_sum3A_880 = vector.broadcast %reduce_sum3A_879 : i1 to vector<16xi1>
      %reduce_sum3A_881 = tpu.scan <sum>, %select_n3A_878 masked %reduce_sum3A_880 : vector<16xi32>, vector<16xi1> -> vector<16xi32>
      %reduce_sum3A_882 = vector.extract %reduce_sum3A_881[15] : i32 from vector<16xi32>
      %multiple_of3A_883 = tpu.assume_multiple %reduce_sum3A_882, 128 : i32
      %iota3A_884 = tpu.iota {dimensions = array<i32: 0>} : vector<16xi32>
      %eq3A_885 = arith.constant 5 : i32
      %eq3A_886 = vector.broadcast %eq3A_885 : i32 to vector<16xi32>
      %eq3A_887 = arith.cmpi eq, %iota3A_884, %eq3A_886 : vector<16xi32>
      %jit3A_888 = arith.constant 0 : i32
      %broadcast_in_dim3A_889 = vector.broadcast %jit3A_888 : i32 to vector<16xi32>
      %select_n3A_890 = arith.select %eq3A_887, %and3A_818, %broadcast_in_dim3A_889 : vector<16xi1>, vector<16xi32>
      %reduce_sum3A_891 = arith.constant true
      %reduce_sum3A_892 = vector.broadcast %reduce_sum3A_891 : i1 to vector<16xi1>
      %reduce_sum3A_893 = tpu.scan <sum>, %select_n3A_890 masked %reduce_sum3A_892 : vector<16xi32>, vector<16xi1> -> vector<16xi32>
      %reduce_sum3A_894 = vector.extract %reduce_sum3A_893[15] : i32 from vector<16xi32>
      %multiple_of3A_895 = tpu.assume_multiple %reduce_sum3A_894, 128 : i32
      %iota3A_896 = tpu.iota {dimensions = array<i32: 0>} : vector<16xi32>
      %eq3A_897 = arith.constant 6 : i32
      %eq3A_898 = vector.broadcast %eq3A_897 : i32 to vector<16xi32>
      %eq3A_899 = arith.cmpi eq, %iota3A_896, %eq3A_898 : vector<16xi32>
      %jit3A_900 = arith.constant 0 : i32
      %broadcast_in_dim3A_901 = vector.broadcast %jit3A_900 : i32 to vector<16xi32>
      %select_n3A_902 = arith.select %eq3A_899, %and3A_818, %broadcast_in_dim3A_901 : vector<16xi1>, vector<16xi32>
      %reduce_sum3A_903 = arith.constant true
      %reduce_sum3A_904 = vector.broadcast %reduce_sum3A_903 : i1 to vector<16xi1>
      %reduce_sum3A_905 = tpu.scan <sum>, %select_n3A_902 masked %reduce_sum3A_904 : vector<16xi32>, vector<16xi1> -> vector<16xi32>
      %reduce_sum3A_906 = vector.extract %reduce_sum3A_905[15] : i32 from vector<16xi32>
      %multiple_of3A_907 = tpu.assume_multiple %reduce_sum3A_906, 128 : i32
      %iota3A_908 = tpu.iota {dimensions = array<i32: 0>} : vector<16xi32>
      %eq3A_909 = arith.constant 7 : i32
      %eq3A_910 = vector.broadcast %eq3A_909 : i32 to vector<16xi32>
      %eq3A_911 = arith.cmpi eq, %iota3A_908, %eq3A_910 : vector<16xi32>
      %jit3A_912 = arith.constant 0 : i32
      %broadcast_in_dim3A_913 = vector.broadcast %jit3A_912 : i32 to vector<16xi32>
      %select_n3A_914 = arith.select %eq3A_911, %and3A_818, %broadcast_in_dim3A_913 : vector<16xi1>, vector<16xi32>
      %reduce_sum3A_915 = arith.constant true
      %reduce_sum3A_916 = vector.broadcast %reduce_sum3A_915 : i1 to vector<16xi1>
      %reduce_sum3A_917 = tpu.scan <sum>, %select_n3A_914 masked %reduce_sum3A_916 : vector<16xi32>, vector<16xi1> -> vector<16xi32>
      %reduce_sum3A_918 = vector.extract %reduce_sum3A_917[15] : i32 from vector<16xi32>
      %multiple_of3A_919 = tpu.assume_multiple %reduce_sum3A_918, 128 : i32
      %iota3A_920 = tpu.iota {dimensions = array<i32: 0>} : vector<16xi32>
      %eq3A_921 = arith.constant 8 : i32
      %eq3A_922 = vector.broadcast %eq3A_921 : i32 to vector<16xi32>
      %eq3A_923 = arith.cmpi eq, %iota3A_920, %eq3A_922 : vector<16xi32>
      %jit3A_924 = arith.constant 0 : i32
      %broadcast_in_dim3A_925 = vector.broadcast %jit3A_924 : i32 to vector<16xi32>
      %select_n3A_926 = arith.select %eq3A_923, %and3A_818, %broadcast_in_dim3A_925 : vector<16xi1>, vector<16xi32>
      %reduce_sum3A_927 = arith.constant true
      %reduce_sum3A_928 = vector.broadcast %reduce_sum3A_927 : i1 to vector<16xi1>
      %reduce_sum3A_929 = tpu.scan <sum>, %select_n3A_926 masked %reduce_sum3A_928 : vector<16xi32>, vector<16xi1> -> vector<16xi32>
      %reduce_sum3A_930 = vector.extract %reduce_sum3A_929[15] : i32 from vector<16xi32>
      %multiple_of3A_931 = tpu.assume_multiple %reduce_sum3A_930, 128 : i32
      %iota3A_932 = tpu.iota {dimensions = array<i32: 0>} : vector<16xi32>
      %eq3A_933 = arith.constant 9 : i32
      %eq3A_934 = vector.broadcast %eq3A_933 : i32 to vector<16xi32>
      %eq3A_935 = arith.cmpi eq, %iota3A_932, %eq3A_934 : vector<16xi32>
      %jit3A_936 = arith.constant 0 : i32
      %broadcast_in_dim3A_937 = vector.broadcast %jit3A_936 : i32 to vector<16xi32>
      %select_n3A_938 = arith.select %eq3A_935, %and3A_818, %broadcast_in_dim3A_937 : vector<16xi1>, vector<16xi32>
      %reduce_sum3A_939 = arith.constant true
      %reduce_sum3A_940 = vector.broadcast %reduce_sum3A_939 : i1 to vector<16xi1>
      %reduce_sum3A_941 = tpu.scan <sum>, %select_n3A_938 masked %reduce_sum3A_940 : vector<16xi32>, vector<16xi1> -> vector<16xi32>
      %reduce_sum3A_942 = vector.extract %reduce_sum3A_941[15] : i32 from vector<16xi32>
      %multiple_of3A_943 = tpu.assume_multiple %reduce_sum3A_942, 128 : i32
      %iota3A_944 = tpu.iota {dimensions = array<i32: 0>} : vector<16xi32>
      %eq3A_945 = arith.constant 10 : i32
      %eq3A_946 = vector.broadcast %eq3A_945 : i32 to vector<16xi32>
      %eq3A_947 = arith.cmpi eq, %iota3A_944, %eq3A_946 : vector<16xi32>
      %jit3A_948 = arith.constant 0 : i32
      %broadcast_in_dim3A_949 = vector.broadcast %jit3A_948 : i32 to vector<16xi32>
      %select_n3A_950 = arith.select %eq3A_947, %and3A_818, %broadcast_in_dim3A_949 : vector<16xi1>, vector<16xi32>
      %reduce_sum3A_951 = arith.constant true
      %reduce_sum3A_952 = vector.broadcast %reduce_sum3A_951 : i1 to vector<16xi1>
      %reduce_sum3A_953 = tpu.scan <sum>, %select_n3A_950 masked %reduce_sum3A_952 : vector<16xi32>, vector<16xi1> -> vector<16xi32>
      %reduce_sum3A_954 = vector.extract %reduce_sum3A_953[15] : i32 from vector<16xi32>
      %multiple_of3A_955 = tpu.assume_multiple %reduce_sum3A_954, 128 : i32
      %iota3A_956 = tpu.iota {dimensions = array<i32: 0>} : vector<16xi32>
      %eq3A_957 = arith.constant 11 : i32
      %eq3A_958 = vector.broadcast %eq3A_957 : i32 to vector<16xi32>
      %eq3A_959 = arith.cmpi eq, %iota3A_956, %eq3A_958 : vector<16xi32>
      %jit3A_960 = arith.constant 0 : i32
      %broadcast_in_dim3A_961 = vector.broadcast %jit3A_960 : i32 to vector<16xi32>
      %select_n3A_962 = arith.select %eq3A_959, %and3A_818, %broadcast_in_dim3A_961 : vector<16xi1>, vector<16xi32>
      %reduce_sum3A_963 = arith.constant true
      %reduce_sum3A_964 = vector.broadcast %reduce_sum3A_963 : i1 to vector<16xi1>
      %reduce_sum3A_965 = tpu.scan <sum>, %select_n3A_962 masked %reduce_sum3A_964 : vector<16xi32>, vector<16xi1> -> vector<16xi32>
      %reduce_sum3A_966 = vector.extract %reduce_sum3A_965[15] : i32 from vector<16xi32>
      %multiple_of3A_967 = tpu.assume_multiple %reduce_sum3A_966, 128 : i32
      %iota3A_968 = tpu.iota {dimensions = array<i32: 0>} : vector<16xi32>
      %eq3A_969 = arith.constant 12 : i32
      %eq3A_970 = vector.broadcast %eq3A_969 : i32 to vector<16xi32>
      %eq3A_971 = arith.cmpi eq, %iota3A_968, %eq3A_970 : vector<16xi32>
      %jit3A_972 = arith.constant 0 : i32
      %broadcast_in_dim3A_973 = vector.broadcast %jit3A_972 : i32 to vector<16xi32>
      %select_n3A_974 = arith.select %eq3A_971, %and3A_818, %broadcast_in_dim3A_973 : vector<16xi1>, vector<16xi32>
      %reduce_sum3A_975 = arith.constant true
      %reduce_sum3A_976 = vector.broadcast %reduce_sum3A_975 : i1 to vector<16xi1>
      %reduce_sum3A_977 = tpu.scan <sum>, %select_n3A_974 masked %reduce_sum3A_976 : vector<16xi32>, vector<16xi1> -> vector<16xi32>
      %reduce_sum3A_978 = vector.extract %reduce_sum3A_977[15] : i32 from vector<16xi32>
      %multiple_of3A_979 = tpu.assume_multiple %reduce_sum3A_978, 128 : i32
      %iota3A_980 = tpu.iota {dimensions = array<i32: 0>} : vector<16xi32>
      %eq3A_981 = arith.constant 13 : i32
      %eq3A_982 = vector.broadcast %eq3A_981 : i32 to vector<16xi32>
      %eq3A_983 = arith.cmpi eq, %iota3A_980, %eq3A_982 : vector<16xi32>
      %jit3A_984 = arith.constant 0 : i32
      %broadcast_in_dim3A_985 = vector.broadcast %jit3A_984 : i32 to vector<16xi32>
      %select_n3A_986 = arith.select %eq3A_983, %and3A_818, %broadcast_in_dim3A_985 : vector<16xi1>, vector<16xi32>
      %reduce_sum3A_987 = arith.constant true
      %reduce_sum3A_988 = vector.broadcast %reduce_sum3A_987 : i1 to vector<16xi1>
      %reduce_sum3A_989 = tpu.scan <sum>, %select_n3A_986 masked %reduce_sum3A_988 : vector<16xi32>, vector<16xi1> -> vector<16xi32>
      %reduce_sum3A_990 = vector.extract %reduce_sum3A_989[15] : i32 from vector<16xi32>
      %multiple_of3A_991 = tpu.assume_multiple %reduce_sum3A_990, 128 : i32
      %iota3A_992 = tpu.iota {dimensions = array<i32: 0>} : vector<16xi32>
      %eq3A_993 = arith.constant 14 : i32
      %eq3A_994 = vector.broadcast %eq3A_993 : i32 to vector<16xi32>
      %eq3A_995 = arith.cmpi eq, %iota3A_992, %eq3A_994 : vector<16xi32>
      %jit3A_996 = arith.constant 0 : i32
      %broadcast_in_dim3A_997 = vector.broadcast %jit3A_996 : i32 to vector<16xi32>
      %select_n3A_998 = arith.select %eq3A_995, %and3A_818, %broadcast_in_dim3A_997 : vector<16xi1>, vector<16xi32>
      %reduce_sum3A_999 = arith.constant true
      %reduce_sum3A_1000 = vector.broadcast %reduce_sum3A_999 : i1 to vector<16xi1>
      %reduce_sum3A_1001 = tpu.scan <sum>, %select_n3A_998 masked %reduce_sum3A_1000 : vector<16xi32>, vector<16xi1> -> vector<16xi32>
      %reduce_sum3A_1002 = vector.extract %reduce_sum3A_1001[15] : i32 from vector<16xi32>
      %multiple_of3A_1003 = tpu.assume_multiple %reduce_sum3A_1002, 128 : i32
      %iota3A_1004 = tpu.iota {dimensions = array<i32: 0>} : vector<16xi32>
      %eq3A_1005 = arith.constant 15 : i32
      %eq3A_1006 = vector.broadcast %eq3A_1005 : i32 to vector<16xi32>
      %eq3A_1007 = arith.cmpi eq, %iota3A_1004, %eq3A_1006 : vector<16xi32>
      %jit3A_1008 = arith.constant 0 : i32
      %broadcast_in_dim3A_1009 = vector.broadcast %jit3A_1008 : i32 to vector<16xi32>
      %select_n3A_1010 = arith.select %eq3A_1007, %and3A_818, %broadcast_in_dim3A_1009 : vector<16xi1>, vector<16xi32>
      %reduce_sum3A_1011 = arith.constant true
      %reduce_sum3A_1012 = vector.broadcast %reduce_sum3A_1011 : i1 to vector<16xi1>
      %reduce_sum3A_1013 = tpu.scan <sum>, %select_n3A_1010 masked %reduce_sum3A_1012 : vector<16xi32>, vector<16xi1> -> vector<16xi32>
      %reduce_sum3A_1014 = vector.extract %reduce_sum3A_1013[15] : i32 from vector<16xi32>
      %multiple_of3A_1015 = tpu.assume_multiple %reduce_sum3A_1014, 128 : i32
      %iota3A_1016 = tpu.iota {dimensions = array<i32: 0>} : vector<16xi32>
      %eq3A_1017 = arith.constant 0 : i32
      %eq3A_1018 = vector.broadcast %eq3A_1017 : i32 to vector<16xi32>
      %eq3A_1019 = arith.cmpi eq, %iota3A_1016, %eq3A_1018 : vector<16xi32>
      %jit3A_1020 = arith.constant 0 : i32
      %broadcast_in_dim3A_1021 = vector.broadcast %jit3A_1020 : i32 to vector<16xi32>
      %select_n3A_1022 = arith.select %eq3A_1019, %and3A_823, %broadcast_in_dim3A_1021 : vector<16xi1>, vector<16xi32>
      %reduce_sum3A_1023 = arith.constant true
      %reduce_sum3A_1024 = vector.broadcast %reduce_sum3A_1023 : i1 to vector<16xi1>
      %reduce_sum3A_1025 = tpu.scan <sum>, %select_n3A_1022 masked %reduce_sum3A_1024 : vector<16xi32>, vector<16xi1> -> vector<16xi32>
      %reduce_sum3A_1026 = vector.extract %reduce_sum3A_1025[15] : i32 from vector<16xi32>
      %multiple_of3A_1027 = tpu.assume_multiple %reduce_sum3A_1026, 128 : i32
      %iota3A_1028 = tpu.iota {dimensions = array<i32: 0>} : vector<16xi32>
      %eq3A_1029 = arith.constant 1 : i32
      %eq3A_1030 = vector.broadcast %eq3A_1029 : i32 to vector<16xi32>
      %eq3A_1031 = arith.cmpi eq, %iota3A_1028, %eq3A_1030 : vector<16xi32>
      %jit3A_1032 = arith.constant 0 : i32
      %broadcast_in_dim3A_1033 = vector.broadcast %jit3A_1032 : i32 to vector<16xi32>
      %select_n3A_1034 = arith.select %eq3A_1031, %and3A_823, %broadcast_in_dim3A_1033 : vector<16xi1>, vector<16xi32>
      %reduce_sum3A_1035 = arith.constant true
      %reduce_sum3A_1036 = vector.broadcast %reduce_sum3A_1035 : i1 to vector<16xi1>
      %reduce_sum3A_1037 = tpu.scan <sum>, %select_n3A_1034 masked %reduce_sum3A_1036 : vector<16xi32>, vector<16xi1> -> vector<16xi32>
      %reduce_sum3A_1038 = vector.extract %reduce_sum3A_1037[15] : i32 from vector<16xi32>
      %multiple_of3A_1039 = tpu.assume_multiple %reduce_sum3A_1038, 128 : i32
      %iota3A_1040 = tpu.iota {dimensions = array<i32: 0>} : vector<16xi32>
      %eq3A_1041 = arith.constant 2 : i32
      %eq3A_1042 = vector.broadcast %eq3A_1041 : i32 to vector<16xi32>
      %eq3A_1043 = arith.cmpi eq, %iota3A_1040, %eq3A_1042 : vector<16xi32>
      %jit3A_1044 = arith.constant 0 : i32
      %broadcast_in_dim3A_1045 = vector.broadcast %jit3A_1044 : i32 to vector<16xi32>
      %select_n3A_1046 = arith.select %eq3A_1043, %and3A_823, %broadcast_in_dim3A_1045 : vector<16xi1>, vector<16xi32>
      %reduce_sum3A_1047 = arith.constant true
      %reduce_sum3A_1048 = vector.broadcast %reduce_sum3A_1047 : i1 to vector<16xi1>
      %reduce_sum3A_1049 = tpu.scan <sum>, %select_n3A_1046 masked %reduce_sum3A_1048 : vector<16xi32>, vector<16xi1> -> vector<16xi32>
      %reduce_sum3A_1050 = vector.extract %reduce_sum3A_1049[15] : i32 from vector<16xi32>
      %multiple_of3A_1051 = tpu.assume_multiple %reduce_sum3A_1050, 128 : i32
      %iota3A_1052 = tpu.iota {dimensions = array<i32: 0>} : vector<16xi32>
      %eq3A_1053 = arith.constant 3 : i32
      %eq3A_1054 = vector.broadcast %eq3A_1053 : i32 to vector<16xi32>
      %eq3A_1055 = arith.cmpi eq, %iota3A_1052, %eq3A_1054 : vector<16xi32>
      %jit3A_1056 = arith.constant 0 : i32
      %broadcast_in_dim3A_1057 = vector.broadcast %jit3A_1056 : i32 to vector<16xi32>
      %select_n3A_1058 = arith.select %eq3A_1055, %and3A_823, %broadcast_in_dim3A_1057 : vector<16xi1>, vector<16xi32>
      %reduce_sum3A_1059 = arith.constant true
      %reduce_sum3A_1060 = vector.broadcast %reduce_sum3A_1059 : i1 to vector<16xi1>
      %reduce_sum3A_1061 = tpu.scan <sum>, %select_n3A_1058 masked %reduce_sum3A_1060 : vector<16xi32>, vector<16xi1> -> vector<16xi32>
      %reduce_sum3A_1062 = vector.extract %reduce_sum3A_1061[15] : i32 from vector<16xi32>
      %multiple_of3A_1063 = tpu.assume_multiple %reduce_sum3A_1062, 128 : i32
      %iota3A_1064 = tpu.iota {dimensions = array<i32: 0>} : vector<16xi32>
      %eq3A_1065 = arith.constant 4 : i32
      %eq3A_1066 = vector.broadcast %eq3A_1065 : i32 to vector<16xi32>
      %eq3A_1067 = arith.cmpi eq, %iota3A_1064, %eq3A_1066 : vector<16xi32>
      %jit3A_1068 = arith.constant 0 : i32
      %broadcast_in_dim3A_1069 = vector.broadcast %jit3A_1068 : i32 to vector<16xi32>
      %select_n3A_1070 = arith.select %eq3A_1067, %and3A_823, %broadcast_in_dim3A_1069 : vector<16xi1>, vector<16xi32>
      %reduce_sum3A_1071 = arith.constant true
      %reduce_sum3A_1072 = vector.broadcast %reduce_sum3A_1071 : i1 to vector<16xi1>
      %reduce_sum3A_1073 = tpu.scan <sum>, %select_n3A_1070 masked %reduce_sum3A_1072 : vector<16xi32>, vector<16xi1> -> vector<16xi32>
      %reduce_sum3A_1074 = vector.extract %reduce_sum3A_1073[15] : i32 from vector<16xi32>
      %multiple_of3A_1075 = tpu.assume_multiple %reduce_sum3A_1074, 128 : i32
      %iota3A_1076 = tpu.iota {dimensions = array<i32: 0>} : vector<16xi32>
      %eq3A_1077 = arith.constant 5 : i32
      %eq3A_1078 = vector.broadcast %eq3A_1077 : i32 to vector<16xi32>
      %eq3A_1079 = arith.cmpi eq, %iota3A_1076, %eq3A_1078 : vector<16xi32>
      %jit3A_1080 = arith.constant 0 : i32
      %broadcast_in_dim3A_1081 = vector.broadcast %jit3A_1080 : i32 to vector<16xi32>
      %select_n3A_1082 = arith.select %eq3A_1079, %and3A_823, %broadcast_in_dim3A_1081 : vector<16xi1>, vector<16xi32>
      %reduce_sum3A_1083 = arith.constant true
      %reduce_sum3A_1084 = vector.broadcast %reduce_sum3A_1083 : i1 to vector<16xi1>
      %reduce_sum3A_1085 = tpu.scan <sum>, %select_n3A_1082 masked %reduce_sum3A_1084 : vector<16xi32>, vector<16xi1> -> vector<16xi32>
      %reduce_sum3A_1086 = vector.extract %reduce_sum3A_1085[15] : i32 from vector<16xi32>
      %multiple_of3A_1087 = tpu.assume_multiple %reduce_sum3A_1086, 128 : i32
      %iota3A_1088 = tpu.iota {dimensions = array<i32: 0>} : vector<16xi32>
      %eq3A_1089 = arith.constant 6 : i32
      %eq3A_1090 = vector.broadcast %eq3A_1089 : i32 to vector<16xi32>
      %eq3A_1091 = arith.cmpi eq, %iota3A_1088, %eq3A_1090 : vector<16xi32>
      %jit3A_1092 = arith.constant 0 : i32
      %broadcast_in_dim3A_1093 = vector.broadcast %jit3A_1092 : i32 to vector<16xi32>
      %select_n3A_1094 = arith.select %eq3A_1091, %and3A_823, %broadcast_in_dim3A_1093 : vector<16xi1>, vector<16xi32>
      %reduce_sum3A_1095 = arith.constant true
      %reduce_sum3A_1096 = vector.broadcast %reduce_sum3A_1095 : i1 to vector<16xi1>
      %reduce_sum3A_1097 = tpu.scan <sum>, %select_n3A_1094 masked %reduce_sum3A_1096 : vector<16xi32>, vector<16xi1> -> vector<16xi32>
      %reduce_sum3A_1098 = vector.extract %reduce_sum3A_1097[15] : i32 from vector<16xi32>
      %multiple_of3A_1099 = tpu.assume_multiple %reduce_sum3A_1098, 128 : i32
      %iota3A_1100 = tpu.iota {dimensions = array<i32: 0>} : vector<16xi32>
      %eq3A_1101 = arith.constant 7 : i32
      %eq3A_1102 = vector.broadcast %eq3A_1101 : i32 to vector<16xi32>
      %eq3A_1103 = arith.cmpi eq, %iota3A_1100, %eq3A_1102 : vector<16xi32>
      %jit3A_1104 = arith.constant 0 : i32
      %broadcast_in_dim3A_1105 = vector.broadcast %jit3A_1104 : i32 to vector<16xi32>
      %select_n3A_1106 = arith.select %eq3A_1103, %and3A_823, %broadcast_in_dim3A_1105 : vector<16xi1>, vector<16xi32>
      %reduce_sum3A_1107 = arith.constant true
      %reduce_sum3A_1108 = vector.broadcast %reduce_sum3A_1107 : i1 to vector<16xi1>
      %reduce_sum3A_1109 = tpu.scan <sum>, %select_n3A_1106 masked %reduce_sum3A_1108 : vector<16xi32>, vector<16xi1> -> vector<16xi32>
      %reduce_sum3A_1110 = vector.extract %reduce_sum3A_1109[15] : i32 from vector<16xi32>
      %multiple_of3A_1111 = tpu.assume_multiple %reduce_sum3A_1110, 128 : i32
      %iota3A_1112 = tpu.iota {dimensions = array<i32: 0>} : vector<16xi32>
      %eq3A_1113 = arith.constant 8 : i32
      %eq3A_1114 = vector.broadcast %eq3A_1113 : i32 to vector<16xi32>
      %eq3A_1115 = arith.cmpi eq, %iota3A_1112, %eq3A_1114 : vector<16xi32>
      %jit3A_1116 = arith.constant 0 : i32
      %broadcast_in_dim3A_1117 = vector.broadcast %jit3A_1116 : i32 to vector<16xi32>
      %select_n3A_1118 = arith.select %eq3A_1115, %and3A_823, %broadcast_in_dim3A_1117 : vector<16xi1>, vector<16xi32>
      %reduce_sum3A_1119 = arith.constant true
      %reduce_sum3A_1120 = vector.broadcast %reduce_sum3A_1119 : i1 to vector<16xi1>
      %reduce_sum3A_1121 = tpu.scan <sum>, %select_n3A_1118 masked %reduce_sum3A_1120 : vector<16xi32>, vector<16xi1> -> vector<16xi32>
      %reduce_sum3A_1122 = vector.extract %reduce_sum3A_1121[15] : i32 from vector<16xi32>
      %multiple_of3A_1123 = tpu.assume_multiple %reduce_sum3A_1122, 128 : i32
      %iota3A_1124 = tpu.iota {dimensions = array<i32: 0>} : vector<16xi32>
      %eq3A_1125 = arith.constant 9 : i32
      %eq3A_1126 = vector.broadcast %eq3A_1125 : i32 to vector<16xi32>
      %eq3A_1127 = arith.cmpi eq, %iota3A_1124, %eq3A_1126 : vector<16xi32>
      %jit3A_1128 = arith.constant 0 : i32
      %broadcast_in_dim3A_1129 = vector.broadcast %jit3A_1128 : i32 to vector<16xi32>
      %select_n3A_1130 = arith.select %eq3A_1127, %and3A_823, %broadcast_in_dim3A_1129 : vector<16xi1>, vector<16xi32>
      %reduce_sum3A_1131 = arith.constant true
      %reduce_sum3A_1132 = vector.broadcast %reduce_sum3A_1131 : i1 to vector<16xi1>
      %reduce_sum3A_1133 = tpu.scan <sum>, %select_n3A_1130 masked %reduce_sum3A_1132 : vector<16xi32>, vector<16xi1> -> vector<16xi32>
      %reduce_sum3A_1134 = vector.extract %reduce_sum3A_1133[15] : i32 from vector<16xi32>
      %multiple_of3A_1135 = tpu.assume_multiple %reduce_sum3A_1134, 128 : i32
      %iota3A_1136 = tpu.iota {dimensions = array<i32: 0>} : vector<16xi32>
      %eq3A_1137 = arith.constant 10 : i32
      %eq3A_1138 = vector.broadcast %eq3A_1137 : i32 to vector<16xi32>
      %eq3A_1139 = arith.cmpi eq, %iota3A_1136, %eq3A_1138 : vector<16xi32>
      %jit3A_1140 = arith.constant 0 : i32
      %broadcast_in_dim3A_1141 = vector.broadcast %jit3A_1140 : i32 to vector<16xi32>
      %select_n3A_1142 = arith.select %eq3A_1139, %and3A_823, %broadcast_in_dim3A_1141 : vector<16xi1>, vector<16xi32>
      %reduce_sum3A_1143 = arith.constant true
      %reduce_sum3A_1144 = vector.broadcast %reduce_sum3A_1143 : i1 to vector<16xi1>
      %reduce_sum3A_1145 = tpu.scan <sum>, %select_n3A_1142 masked %reduce_sum3A_1144 : vector<16xi32>, vector<16xi1> -> vector<16xi32>
      %reduce_sum3A_1146 = vector.extract %reduce_sum3A_1145[15] : i32 from vector<16xi32>
      %multiple_of3A_1147 = tpu.assume_multiple %reduce_sum3A_1146, 128 : i32
      %iota3A_1148 = tpu.iota {dimensions = array<i32: 0>} : vector<16xi32>
      %eq3A_1149 = arith.constant 11 : i32
      %eq3A_1150 = vector.broadcast %eq3A_1149 : i32 to vector<16xi32>
      %eq3A_1151 = arith.cmpi eq, %iota3A_1148, %eq3A_1150 : vector<16xi32>
      %jit3A_1152 = arith.constant 0 : i32
      %broadcast_in_dim3A_1153 = vector.broadcast %jit3A_1152 : i32 to vector<16xi32>
      %select_n3A_1154 = arith.select %eq3A_1151, %and3A_823, %broadcast_in_dim3A_1153 : vector<16xi1>, vector<16xi32>
      %reduce_sum3A_1155 = arith.constant true
      %reduce_sum3A_1156 = vector.broadcast %reduce_sum3A_1155 : i1 to vector<16xi1>
      %reduce_sum3A_1157 = tpu.scan <sum>, %select_n3A_1154 masked %reduce_sum3A_1156 : vector<16xi32>, vector<16xi1> -> vector<16xi32>
      %reduce_sum3A_1158 = vector.extract %reduce_sum3A_1157[15] : i32 from vector<16xi32>
      %multiple_of3A_1159 = tpu.assume_multiple %reduce_sum3A_1158, 128 : i32
      %iota3A_1160 = tpu.iota {dimensions = array<i32: 0>} : vector<16xi32>
      %eq3A_1161 = arith.constant 12 : i32
      %eq3A_1162 = vector.broadcast %eq3A_1161 : i32 to vector<16xi32>
      %eq3A_1163 = arith.cmpi eq, %iota3A_1160, %eq3A_1162 : vector<16xi32>
      %jit3A_1164 = arith.constant 0 : i32
      %broadcast_in_dim3A_1165 = vector.broadcast %jit3A_1164 : i32 to vector<16xi32>
      %select_n3A_1166 = arith.select %eq3A_1163, %and3A_823, %broadcast_in_dim3A_1165 : vector<16xi1>, vector<16xi32>
      %reduce_sum3A_1167 = arith.constant true
      %reduce_sum3A_1168 = vector.broadcast %reduce_sum3A_1167 : i1 to vector<16xi1>
      %reduce_sum3A_1169 = tpu.scan <sum>, %select_n3A_1166 masked %reduce_sum3A_1168 : vector<16xi32>, vector<16xi1> -> vector<16xi32>
      %reduce_sum3A_1170 = vector.extract %reduce_sum3A_1169[15] : i32 from vector<16xi32>
      %multiple_of3A_1171 = tpu.assume_multiple %reduce_sum3A_1170, 128 : i32
      %iota3A_1172 = tpu.iota {dimensions = array<i32: 0>} : vector<16xi32>
      %eq3A_1173 = arith.constant 13 : i32
      %eq3A_1174 = vector.broadcast %eq3A_1173 : i32 to vector<16xi32>
      %eq3A_1175 = arith.cmpi eq, %iota3A_1172, %eq3A_1174 : vector<16xi32>
      %jit3A_1176 = arith.constant 0 : i32
      %broadcast_in_dim3A_1177 = vector.broadcast %jit3A_1176 : i32 to vector<16xi32>
      %select_n3A_1178 = arith.select %eq3A_1175, %and3A_823, %broadcast_in_dim3A_1177 : vector<16xi1>, vector<16xi32>
      %reduce_sum3A_1179 = arith.constant true
      %reduce_sum3A_1180 = vector.broadcast %reduce_sum3A_1179 : i1 to vector<16xi1>
      %reduce_sum3A_1181 = tpu.scan <sum>, %select_n3A_1178 masked %reduce_sum3A_1180 : vector<16xi32>, vector<16xi1> -> vector<16xi32>
      %reduce_sum3A_1182 = vector.extract %reduce_sum3A_1181[15] : i32 from vector<16xi32>
      %multiple_of3A_1183 = tpu.assume_multiple %reduce_sum3A_1182, 128 : i32
      %iota3A_1184 = tpu.iota {dimensions = array<i32: 0>} : vector<16xi32>
      %eq3A_1185 = arith.constant 14 : i32
      %eq3A_1186 = vector.broadcast %eq3A_1185 : i32 to vector<16xi32>
      %eq3A_1187 = arith.cmpi eq, %iota3A_1184, %eq3A_1186 : vector<16xi32>
      %jit3A_1188 = arith.constant 0 : i32
      %broadcast_in_dim3A_1189 = vector.broadcast %jit3A_1188 : i32 to vector<16xi32>
      %select_n3A_1190 = arith.select %eq3A_1187, %and3A_823, %broadcast_in_dim3A_1189 : vector<16xi1>, vector<16xi32>
      %reduce_sum3A_1191 = arith.constant true
      %reduce_sum3A_1192 = vector.broadcast %reduce_sum3A_1191 : i1 to vector<16xi1>
      %reduce_sum3A_1193 = tpu.scan <sum>, %select_n3A_1190 masked %reduce_sum3A_1192 : vector<16xi32>, vector<16xi1> -> vector<16xi32>
      %reduce_sum3A_1194 = vector.extract %reduce_sum3A_1193[15] : i32 from vector<16xi32>
      %multiple_of3A_1195 = tpu.assume_multiple %reduce_sum3A_1194, 128 : i32
      %iota3A_1196 = tpu.iota {dimensions = array<i32: 0>} : vector<16xi32>
      %eq3A_1197 = arith.constant 15 : i32
      %eq3A_1198 = vector.broadcast %eq3A_1197 : i32 to vector<16xi32>
      %eq3A_1199 = arith.cmpi eq, %iota3A_1196, %eq3A_1198 : vector<16xi32>
      %jit3A_1200 = arith.constant 0 : i32
      %broadcast_in_dim3A_1201 = vector.broadcast %jit3A_1200 : i32 to vector<16xi32>
      %select_n3A_1202 = arith.select %eq3A_1199, %and3A_823, %broadcast_in_dim3A_1201 : vector<16xi1>, vector<16xi32>
      %reduce_sum3A_1203 = arith.constant true
      %reduce_sum3A_1204 = vector.broadcast %reduce_sum3A_1203 : i1 to vector<16xi1>
      %reduce_sum3A_1205 = tpu.scan <sum>, %select_n3A_1202 masked %reduce_sum3A_1204 : vector<16xi32>, vector<16xi1> -> vector<16xi32>
      %reduce_sum3A_1206 = vector.extract %reduce_sum3A_1205[15] : i32 from vector<16xi32>
      %multiple_of3A_1207 = tpu.assume_multiple %reduce_sum3A_1206, 128 : i32
      %mul3A_1208 = arith.constant 16 : i32
      %mul3A_1209 = arith.muli %scan3A_808, %mul3A_1208 : i32
      %get3A_1210 = arith.index_cast %mul3A_1209 : i32 to index
      %get3A_1211 = tpu.vector_load %arg7[%get3A_1210] {strides = array<i32>} : memref<512xi32, #tpu.memory_space<vmem>>, vector<16xi32>,
      %and3A_1212 = arith.constant 127 : i32
      %and3A_1213 = vector.broadcast %and3A_1212 : i32 to vector<16xi32>
      %and3A_1214 = arith.andi %get3A_1211, %and3A_1213 : vector<16xi32>
      %get3A_1215 = arith.index_cast %mul3A_1209 : i32 to index
      %get3A_1216 = tpu.vector_load %arg8[%get3A_1215] {strides = array<i32>} : memref<512xi32, #tpu.memory_space<vmem>>, vector<16xi32>,
      %and3A_1217 = arith.constant 127 : i32
      %and3A_1218 = vector.broadcast %and3A_1217 : i32 to vector<16xi32>
      %and3A_1219 = arith.andi %get3A_1216, %and3A_1218 : vector<16xi32>
      %dma_wait3A = arith.constant 0 : i32
      %dma_wait3A_1220 = arith.constant 0 : i32
      %dma_wait3A_1221 = arith.constant 0 : i32
      %dma_wait3A_1222 = tpu.memref_slice %arg9[%dma_wait3A, %dma_wait3A_1220, %dma_wait3A_1221] : memref<16x16x128xf32, #tpu.memory_space<vmem>> -> memref<1x16x128xf32, #tpu.memory_space<vmem>>
      %dma_wait3A_1223 = tpu.memref_squeeze %dma_wait3A_1222 : memref<1x16x128xf32, #tpu.memory_space<vmem>> -> memref<16x128xf32, #tpu.memory_space<vmem>>
      %dma_wait3A_1224 = arith.constant 0 : i32
      %dma_wait3A_1225 = arith.constant 0 : i32
      %dma_wait3A_1226 = tpu.memref_slice %arg4[%dma_wait3A_1224, %dma_wait3A_1225] : memref<16x1000000xf32, #tpu.memory_space<hbm>> -> memref<16x128xf32, #tpu.memory_space<hbm>>
      %dma_wait3A_1227 = arith.constant 0 : i32
      %dma_wait3A_1228 = arith.constant 0 : i32
      %dma_wait3A_1229 = tpu.memref_slice %arg9[%dma_wait3A, %dma_wait3A_1227, %dma_wait3A_1228] : memref<16x16x128xf32, #tpu.memory_space<vmem>> -> memref<1x16x128xf32, #tpu.memory_space<vmem>>
      %dma_wait3A_1230 = tpu.memref_squeeze %dma_wait3A_1229 : memref<1x16x128xf32, #tpu.memory_space<vmem>> -> memref<16x128xf32, #tpu.memory_space<vmem>>
      %dma_wait3A_1231 = arith.constant 0 : i32
      %dma_wait3A_1232 = arith.constant 0 : i32
      %dma_wait3A_1233 = tpu.memref_slice %arg4[%dma_wait3A_1231, %dma_wait3A_1232] : memref<16x1000000xf32, #tpu.memory_space<hbm>> -> memref<16x128xf32, #tpu.memory_space<hbm>>
      tpu.wait_dma2 semaphore(%arg14 : memref<!tpu.dma_semaphore, #tpu.memory_space<semaphore_mem>>) src(%dma_wait3A_1233 : memref<16x128xf32, #tpu.memory_space<hbm>>) dst(%dma_wait3A_1230 : memref<16x128xf32, #tpu.memory_space<vmem>>)
      %dma_wait3A_1234 = arith.constant 0 : i32
      %dma_wait3A_1235 = arith.constant 0 : i32
      %dma_wait3A_1236 = arith.constant 0 : i32
      %dma_wait3A_1237 = tpu.memref_slice %arg10[%dma_wait3A_1234, %dma_wait3A_1235, %dma_wait3A_1236] : memref<16x16x128xf32, #tpu.memory_space<vmem>> -> memref<1x16x128xf32, #tpu.memory_space<vmem>>
      %dma_wait3A_1238 = tpu.memref_squeeze %dma_wait3A_1237 : memref<1x16x128xf32, #tpu.memory_space<vmem>> -> memref<16x128xf32, #tpu.memory_space<vmem>>
      %dma_wait3A_1239 = arith.constant 0 : i32
      %dma_wait3A_1240 = arith.constant 0 : i32
      %dma_wait3A_1241 = tpu.memref_slice %arg5[%dma_wait3A_1239, %dma_wait3A_1240] : memref<16x1000000xf32, #tpu.memory_space<hbm>> -> memref<16x128xf32, #tpu.memory_space<hbm>>
      %dma_wait3A_1242 = arith.constant 0 : i32
      %dma_wait3A_1243 = arith.constant 0 : i32
      %dma_wait3A_1244 = tpu.memref_slice %arg10[%dma_wait3A_1234, %dma_wait3A_1242, %dma_wait3A_1243] : memref<16x16x128xf32, #tpu.memory_space<vmem>> -> memref<1x16x128xf32, #tpu.memory_space<vmem>>
      %dma_wait3A_1245 = tpu.memref_squeeze %dma_wait3A_1244 : memref<1x16x128xf32, #tpu.memory_space<vmem>> -> memref<16x128xf32, #tpu.memory_space<vmem>>
      %dma_wait3A_1246 = arith.constant 0 : i32
      %dma_wait3A_1247 = arith.constant 0 : i32
      %dma_wait3A_1248 = tpu.memref_slice %arg5[%dma_wait3A_1246, %dma_wait3A_1247] : memref<16x1000000xf32, #tpu.memory_space<hbm>> -> memref<16x128xf32, #tpu.memory_space<hbm>>
      tpu.wait_dma2 semaphore(%arg15 : memref<!tpu.dma_semaphore, #tpu.memory_space<semaphore_mem>>) src(%dma_wait3A_1248 : memref<16x128xf32, #tpu.memory_space<hbm>>) dst(%dma_wait3A_1245 : memref<16x128xf32, #tpu.memory_space<vmem>>)
      %iota3A_1249 = tpu.iota {dimensions = array<i32: 0>} : vector<16xi32>
      %eq3A_1250 = arith.constant 0 : i32
      %eq3A_1251 = vector.broadcast %eq3A_1250 : i32 to vector<16xi32>
      %eq3A_1252 = arith.cmpi eq, %iota3A_1249, %eq3A_1251 : vector<16xi32>
      %jit3A_1253 = arith.constant 0 : i32
      %broadcast_in_dim3A_1254 = vector.broadcast %jit3A_1253 : i32 to vector<16xi32>
      %select_n3A_1255 = arith.select %eq3A_1252, %and3A_1214, %broadcast_in_dim3A_1254 : vector<16xi1>, vector<16xi32>
      %reduce_sum3A_1256 = arith.constant true
      %reduce_sum3A_1257 = vector.broadcast %reduce_sum3A_1256 : i1 to vector<16xi1>
      %reduce_sum3A_1258 = tpu.scan <sum>, %select_n3A_1255 masked %reduce_sum3A_1257 : vector<16xi32>, vector<16xi1> -> vector<16xi32>
      %reduce_sum3A_1259 = vector.extract %reduce_sum3A_1258[15] : i32 from vector<16xi32>
      %broadcast_in_dim3A_1260 = vector.broadcast %reduce_sum3A_1259 : i32 to vector<16xi32>
      %iota3A_1261 = tpu.iota {dimensions = array<i32: 0>} : vector<16xi32>
      %eq3A_1262 = arith.constant 0 : i32
      %eq3A_1263 = vector.broadcast %eq3A_1262 : i32 to vector<16xi32>
      %eq3A_1264 = arith.cmpi eq, %iota3A_1261, %eq3A_1263 : vector<16xi32>
      %jit3A_1265 = arith.constant 0 : i32
      %broadcast_in_dim3A_1266 = vector.broadcast %jit3A_1265 : i32 to vector<16xi32>
      %select_n3A_1267 = arith.select %eq3A_1264, %and3A_1219, %broadcast_in_dim3A_1266 : vector<16xi1>, vector<16xi32>
      %reduce_sum3A_1268 = arith.constant true
      %reduce_sum3A_1269 = vector.broadcast %reduce_sum3A_1268 : i1 to vector<16xi1>
      %reduce_sum3A_1270 = tpu.scan <sum>, %select_n3A_1267 masked %reduce_sum3A_1269 : vector<16xi32>, vector<16xi1> -> vector<16xi32>
      %reduce_sum3A_1271 = vector.extract %reduce_sum3A_1270[15] : i32 from vector<16xi32>
      %broadcast_in_dim3A_1272 = vector.broadcast %reduce_sum3A_1271 : i32 to vector<16xi32>
      %iota3A_1273 = tpu.iota {dimensions = array<i32: 0>} : vector<16xi32>
      %gather3A = arith.constant 0 : i32
      %gather3A_1274 = arith.constant 0 : i32
      %gather3A_1275 = arith.constant 0 : i32
      %gather3A_1276 = tpu.memref_slice %arg9[%gather3A, %gather3A_1274, %gather3A_1275] : memref<16x16x128xf32, #tpu.memory_space<vmem>> -> memref<1x16x128xf32, #tpu.memory_space<vmem>>
      %gather3A_1277 = tpu.memref_squeeze %gather3A_1276 : memref<1x16x128xf32, #tpu.memory_space<vmem>> -> memref<16x128xf32, #tpu.memory_space<vmem>>
      %gather3A_1278 = tpu.vector_load_idx %gather3A_1277[%iota3A_1273, %broadcast_in_dim3A_1260] : memref<16x128xf32, #tpu.memory_space<vmem>>[vector<16xi32>, vector<16xi32>], vector<16xf32>,
      %iota3A_1279 = tpu.iota {dimensions = array<i32: 0>} : vector<16xi32>
      %gather3A_1280 = arith.constant 0 : i32
      %gather3A_1281 = arith.constant 0 : i32
      %gather3A_1282 = arith.constant 0 : i32
      %gather3A_1283 = tpu.memref_slice %arg10[%gather3A_1280, %gather3A_1281, %gather3A_1282] : memref<16x16x128xf32, #tpu.memory_space<vmem>> -> memref<1x16x128xf32, #tpu.memory_space<vmem>>
      %gather3A_1284 = tpu.memref_squeeze %gather3A_1283 : memref<1x16x128xf32, #tpu.memory_space<vmem>> -> memref<16x128xf32, #tpu.memory_space<vmem>>
      %gather3A_1285 = tpu.vector_load_idx %gather3A_1284[%iota3A_1279, %broadcast_in_dim3A_1272] : memref<16x128xf32, #tpu.memory_space<vmem>>[vector<16xi32>, vector<16xi32>], vector<16xf32>,
      %add3A_1286 = arith.constant 0 : i32
      %add3A_1287 = arith.addi %mul3A_1209, %add3A_1286 : i32
      %broadcast_in_dim3A_1288 = vector.broadcast %add3A_1287 : i32 to vector<16xi32>
      %iota3A_1289 = tpu.iota {dimensions = array<i32: 0>} : vector<16xi32>
      tpu.vector_store_idx %arg11[%iota3A_1289, %broadcast_in_dim3A_1288], %gather3A_1278 : memref<16x512xf32, #tpu.memory_space<vmem>>[vector<16xi32>, vector<16xi32>], vector<16xf32>,
      %iota3A_1290 = tpu.iota {dimensions = array<i32: 0>} : vector<16xi32>
      tpu.vector_store_idx %arg12[%iota3A_1290, %broadcast_in_dim3A_1288], %gather3A_1285 : memref<16x512xf32, #tpu.memory_space<vmem>>[vector<16xi32>, vector<16xi32>], vector<16xf32>,
      %lt3A = arith.constant 32 : i32
      %lt3A_1291 = arith.cmpi slt, %add3A_810, %lt3A : i32
      %convert_element_type3A = arith.extui %lt3A_1291 : i1 to i32
      %cond3A = arith.constant 0 : i32
      %cond3A_1292 = arith.cmpi ne, %convert_element_type3A, %cond3A : i32
      scf.if %cond3A_1292 {
        %dma_start3A_2714 = arith.constant 0 : i32
        %dma_start3A_2715 = arith.constant 0 : i32
        %dma_start3A_2716 = arith.constant 0 : i32
        %dma_start3A_2717 = tpu.memref_slice %arg9[%dma_start3A_2714, %dma_start3A_2715, %dma_start3A_2716] : memref<16x16x128xf32, #tpu.memory_space<vmem>> -> memref<1x16x128xf32, #tpu.memory_space<vmem>>
        %dma_start3A_2718 = tpu.memref_squeeze %dma_start3A_2717 : memref<1x16x128xf32, #tpu.memory_space<vmem>> -> memref<16x128xf32, #tpu.memory_space<vmem>>
        %dma_start3A_2719 = arith.constant 0 : i32
        %dma_start3A_2720 = tpu.memref_slice %arg4[%dma_start3A_2719, %multiple_of3A_835] : memref<16x1000000xf32, #tpu.memory_space<hbm>> -> memref<16x128xf32, #tpu.memory_space<hbm>>
        %dma_start3A_2721 = arith.constant 0 : i32
        %dma_start3A_2722 = arith.constant 0 : i32
        %dma_start3A_2723 = tpu.memref_slice %arg9[%dma_start3A_2714, %dma_start3A_2721, %dma_start3A_2722] : memref<16x16x128xf32, #tpu.memory_space<vmem>> -> memref<1x16x128xf32, #tpu.memory_space<vmem>>
        %dma_start3A_2724 = tpu.memref_squeeze %dma_start3A_2723 : memref<1x16x128xf32, #tpu.memory_space<vmem>> -> memref<16x128xf32, #tpu.memory_space<vmem>>
        %dma_start3A_2725 = arith.constant 0 : i32
        %dma_start3A_2726 = tpu.memref_slice %arg4[%dma_start3A_2725, %multiple_of3A_835] : memref<16x1000000xf32, #tpu.memory_space<hbm>> -> memref<16x128xf32, #tpu.memory_space<hbm>>
        tpu.enqueue_dma source(%dma_start3A_2726 : memref<16x128xf32, #tpu.memory_space<hbm>>) target(%dma_start3A_2724 : memref<16x128xf32, #tpu.memory_space<vmem>>) target_semaphore(%arg14 : memref<!tpu.dma_semaphore, #tpu.memory_space<semaphore_mem>>)
        %dma_start3A_2727 = arith.constant 0 : i32
        %dma_start3A_2728 = arith.constant 0 : i32
        %dma_start3A_2729 = arith.constant 0 : i32
        %dma_start3A_2730 = tpu.memref_slice %arg10[%dma_start3A_2727, %dma_start3A_2728, %dma_start3A_2729] : memref<16x16x128xf32, #tpu.memory_space<vmem>> -> memref<1x16x128xf32, #tpu.memory_space<vmem>>
        %dma_start3A_2731 = tpu.memref_squeeze %dma_start3A_2730 : memref<1x16x128xf32, #tpu.memory_space<vmem>> -> memref<16x128xf32, #tpu.memory_space<vmem>>
        %dma_start3A_2732 = arith.constant 0 : i32
        %dma_start3A_2733 = tpu.memref_slice %arg5[%dma_start3A_2732, %multiple_of3A_1027] : memref<16x1000000xf32, #tpu.memory_space<hbm>> -> memref<16x128xf32, #tpu.memory_space<hbm>>
        %dma_start3A_2734 = arith.constant 0 : i32
        %dma_start3A_2735 = arith.constant 0 : i32
        %dma_start3A_2736 = tpu.memref_slice %arg10[%dma_start3A_2727, %dma_start3A_2734, %dma_start3A_2735] : memref<16x16x128xf32, #tpu.memory_space<vmem>> -> memref<1x16x128xf32, #tpu.memory_space<vmem>>
        %dma_start3A_2737 = tpu.memref_squeeze %dma_start3A_2736 : memref<1x16x128xf32, #tpu.memory_space<vmem>> -> memref<16x128xf32, #tpu.memory_space<vmem>>
        %dma_start3A_2738 = arith.constant 0 : i32
        %dma_start3A_2739 = tpu.memref_slice %arg5[%dma_start3A_2738, %multiple_of3A_1027] : memref<16x1000000xf32, #tpu.memory_space<hbm>> -> memref<16x128xf32, #tpu.memory_space<hbm>>
        tpu.enqueue_dma source(%dma_start3A_2739 : memref<16x128xf32, #tpu.memory_space<hbm>>) target(%dma_start3A_2737 : memref<16x128xf32, #tpu.memory_space<vmem>>) target_semaphore(%arg15 : memref<!tpu.dma_semaphore, #tpu.memory_space<semaphore_mem>>)
      } else {
      }
      %dma_wait3A_1293 = arith.constant 1 : i32
      %dma_wait3A_1294 = arith.constant 0 : i32
      %dma_wait3A_1295 = arith.constant 0 : i32
      %dma_wait3A_1296 = tpu.memref_slice %arg9[%dma_wait3A_1293, %dma_wait3A_1294, %dma_wait3A_1295] : memref<16x16x128xf32, #tpu.memory_space<vmem>> -> memref<1x16x128xf32, #tpu.memory_space<vmem>>
      %dma_wait3A_1297 = tpu.memref_squeeze %dma_wait3A_1296 : memref<1x16x128xf32, #tpu.memory_space<vmem>> -> memref<16x128xf32, #tpu.memory_space<vmem>>
      %dma_wait3A_1298 = arith.constant 0 : i32
      %dma_wait3A_1299 = arith.constant 0 : i32
      %dma_wait3A_1300 = tpu.memref_slice %arg4[%dma_wait3A_1298, %dma_wait3A_1299] : memref<16x1000000xf32, #tpu.memory_space<hbm>> -> memref<16x128xf32, #tpu.memory_space<hbm>>
      %dma_wait3A_1301 = arith.constant 0 : i32
      %dma_wait3A_1302 = arith.constant 0 : i32
      %dma_wait3A_1303 = tpu.memref_slice %arg9[%dma_wait3A_1293, %dma_wait3A_1301, %dma_wait3A_1302] : memref<16x16x128xf32, #tpu.memory_space<vmem>> -> memref<1x16x128xf32, #tpu.memory_space<vmem>>
      %dma_wait3A_1304 = tpu.memref_squeeze %dma_wait3A_1303 : memref<1x16x128xf32, #tpu.memory_space<vmem>> -> memref<16x128xf32, #tpu.memory_space<vmem>>
      %dma_wait3A_1305 = arith.constant 0 : i32
      %dma_wait3A_1306 = arith.constant 0 : i32
      %dma_wait3A_1307 = tpu.memref_slice %arg4[%dma_wait3A_1305, %dma_wait3A_1306] : memref<16x1000000xf32, #tpu.memory_space<hbm>> -> memref<16x128xf32, #tpu.memory_space<hbm>>
      tpu.wait_dma2 semaphore(%arg14 : memref<!tpu.dma_semaphore, #tpu.memory_space<semaphore_mem>>) src(%dma_wait3A_1307 : memref<16x128xf32, #tpu.memory_space<hbm>>) dst(%dma_wait3A_1304 : memref<16x128xf32, #tpu.memory_space<vmem>>)
      %dma_wait3A_1308 = arith.constant 1 : i32
      %dma_wait3A_1309 = arith.constant 0 : i32
      %dma_wait3A_1310 = arith.constant 0 : i32
      %dma_wait3A_1311 = tpu.memref_slice %arg10[%dma_wait3A_1308, %dma_wait3A_1309, %dma_wait3A_1310] : memref<16x16x128xf32, #tpu.memory_space<vmem>> -> memref<1x16x128xf32, #tpu.memory_space<vmem>>
      %dma_wait3A_1312 = tpu.memref_squeeze %dma_wait3A_1311 : memref<1x16x128xf32, #tpu.memory_space<vmem>> -> memref<16x128xf32, #tpu.memory_space<vmem>>
      %dma_wait3A_1313 = arith.constant 0 : i32
      %dma_wait3A_1314 = arith.constant 0 : i32
      %dma_wait3A_1315 = tpu.memref_slice %arg5[%dma_wait3A_1313, %dma_wait3A_1314] : memref<16x1000000xf32, #tpu.memory_space<hbm>> -> memref<16x128xf32, #tpu.memory_space<hbm>>
      %dma_wait3A_1316 = arith.constant 0 : i32
      %dma_wait3A_1317 = arith.constant 0 : i32
      %dma_wait3A_1318 = tpu.memref_slice %arg10[%dma_wait3A_1308, %dma_wait3A_1316, %dma_wait3A_1317] : memref<16x16x128xf32, #tpu.memory_space<vmem>> -> memref<1x16x128xf32, #tpu.memory_space<vmem>>
      %dma_wait3A_1319 = tpu.memref_squeeze %dma_wait3A_1318 : memref<1x16x128xf32, #tpu.memory_space<vmem>> -> memref<16x128xf32, #tpu.memory_space<vmem>>
      %dma_wait3A_1320 = arith.constant 0 : i32
      %dma_wait3A_1321 = arith.constant 0 : i32
      %dma_wait3A_1322 = tpu.memref_slice %arg5[%dma_wait3A_1320, %dma_wait3A_1321] : memref<16x1000000xf32, #tpu.memory_space<hbm>> -> memref<16x128xf32, #tpu.memory_space<hbm>>
      tpu.wait_dma2 semaphore(%arg15 : memref<!tpu.dma_semaphore, #tpu.memory_space<semaphore_mem>>) src(%dma_wait3A_1322 : memref<16x128xf32, #tpu.memory_space<hbm>>) dst(%dma_wait3A_1319 : memref<16x128xf32, #tpu.memory_space<vmem>>)
      %iota3A_1323 = tpu.iota {dimensions = array<i32: 0>} : vector<16xi32>
      %eq3A_1324 = arith.constant 1 : i32
      %eq3A_1325 = vector.broadcast %eq3A_1324 : i32 to vector<16xi32>
      %eq3A_1326 = arith.cmpi eq, %iota3A_1323, %eq3A_1325 : vector<16xi32>
      %jit3A_1327 = arith.constant 0 : i32
      %broadcast_in_dim3A_1328 = vector.broadcast %jit3A_1327 : i32 to vector<16xi32>
      %select_n3A_1329 = arith.select %eq3A_1326, %and3A_1214, %broadcast_in_dim3A_1328 : vector<16xi1>, vector<16xi32>
      %reduce_sum3A_1330 = arith.constant true
      %reduce_sum3A_1331 = vector.broadcast %reduce_sum3A_1330 : i1 to vector<16xi1>
      %reduce_sum3A_1332 = tpu.scan <sum>, %select_n3A_1329 masked %reduce_sum3A_1331 : vector<16xi32>, vector<16xi1> -> vector<16xi32>
      %reduce_sum3A_1333 = vector.extract %reduce_sum3A_1332[15] : i32 from vector<16xi32>
      %broadcast_in_dim3A_1334 = vector.broadcast %reduce_sum3A_1333 : i32 to vector<16xi32>
      %iota3A_1335 = tpu.iota {dimensions = array<i32: 0>} : vector<16xi32>
      %eq3A_1336 = arith.constant 1 : i32
      %eq3A_1337 = vector.broadcast %eq3A_1336 : i32 to vector<16xi32>
      %eq3A_1338 = arith.cmpi eq, %iota3A_1335, %eq3A_1337 : vector<16xi32>
      %jit3A_1339 = arith.constant 0 : i32
      %broadcast_in_dim3A_1340 = vector.broadcast %jit3A_1339 : i32 to vector<16xi32>
      %select_n3A_1341 = arith.select %eq3A_1338, %and3A_1219, %broadcast_in_dim3A_1340 : vector<16xi1>, vector<16xi32>
      %reduce_sum3A_1342 = arith.constant true
      %reduce_sum3A_1343 = vector.broadcast %reduce_sum3A_1342 : i1 to vector<16xi1>
      %reduce_sum3A_1344 = tpu.scan <sum>, %select_n3A_1341 masked %reduce_sum3A_1343 : vector<16xi32>, vector<16xi1> -> vector<16xi32>
      %reduce_sum3A_1345 = vector.extract %reduce_sum3A_1344[15] : i32 from vector<16xi32>
      %broadcast_in_dim3A_1346 = vector.broadcast %reduce_sum3A_1345 : i32 to vector<16xi32>
      %iota3A_1347 = tpu.iota {dimensions = array<i32: 0>} : vector<16xi32>
      %gather3A_1348 = arith.constant 1 : i32
      %gather3A_1349 = arith.constant 0 : i32
      %gather3A_1350 = arith.constant 0 : i32
      %gather3A_1351 = tpu.memref_slice %arg9[%gather3A_1348, %gather3A_1349, %gather3A_1350] : memref<16x16x128xf32, #tpu.memory_space<vmem>> -> memref<1x16x128xf32, #tpu.memory_space<vmem>>
      %gather3A_1352 = tpu.memref_squeeze %gather3A_1351 : memref<1x16x128xf32, #tpu.memory_space<vmem>> -> memref<16x128xf32, #tpu.memory_space<vmem>>
      %gather3A_1353 = tpu.vector_load_idx %gather3A_1352[%iota3A_1347, %broadcast_in_dim3A_1334] : memref<16x128xf32, #tpu.memory_space<vmem>>[vector<16xi32>, vector<16xi32>], vector<16xf32>,
      %iota3A_1354 = tpu.iota {dimensions = array<i32: 0>} : vector<16xi32>
      %gather3A_1355 = arith.constant 1 : i32
      %gather3A_1356 = arith.constant 0 : i32
      %gather3A_1357 = arith.constant 0 : i32
      %gather3A_1358 = tpu.memref_slice %arg10[%gather3A_1355, %gather3A_1356, %gather3A_1357] : memref<16x16x128xf32, #tpu.memory_space<vmem>> -> memref<1x16x128xf32, #tpu.memory_space<vmem>>
      %gather3A_1359 = tpu.memref_squeeze %gather3A_1358 : memref<1x16x128xf32, #tpu.memory_space<vmem>> -> memref<16x128xf32, #tpu.memory_space<vmem>>
      %gather3A_1360 = tpu.vector_load_idx %gather3A_1359[%iota3A_1354, %broadcast_in_dim3A_1346] : memref<16x128xf32, #tpu.memory_space<vmem>>[vector<16xi32>, vector<16xi32>], vector<16xf32>,
      %add3A_1361 = arith.constant 1 : i32
      %add3A_1362 = arith.addi %mul3A_1209, %add3A_1361 : i32
      %broadcast_in_dim3A_1363 = vector.broadcast %add3A_1362 : i32 to vector<16xi32>
      %iota3A_1364 = tpu.iota {dimensions = array<i32: 0>} : vector<16xi32>
      tpu.vector_store_idx %arg11[%iota3A_1364, %broadcast_in_dim3A_1363], %gather3A_1353 : memref<16x512xf32, #tpu.memory_space<vmem>>[vector<16xi32>, vector<16xi32>], vector<16xf32>,
      %iota3A_1365 = tpu.iota {dimensions = array<i32: 0>} : vector<16xi32>
      tpu.vector_store_idx %arg12[%iota3A_1365, %broadcast_in_dim3A_1363], %gather3A_1360 : memref<16x512xf32, #tpu.memory_space<vmem>>[vector<16xi32>, vector<16xi32>], vector<16xf32>,
      %lt3A_1366 = arith.constant 32 : i32
      %lt3A_1367 = arith.cmpi slt, %add3A_810, %lt3A_1366 : i32
      %convert_element_type3A_1368 = arith.extui %lt3A_1367 : i1 to i32
      %cond3A_1369 = arith.constant 0 : i32
      %cond3A_1370 = arith.cmpi ne, %convert_element_type3A_1368, %cond3A_1369 : i32
      scf.if %cond3A_1370 {
        %dma_start3A_2714 = arith.constant 1 : i32
        %dma_start3A_2715 = arith.constant 0 : i32
        %dma_start3A_2716 = arith.constant 0 : i32
        %dma_start3A_2717 = tpu.memref_slice %arg9[%dma_start3A_2714, %dma_start3A_2715, %dma_start3A_2716] : memref<16x16x128xf32, #tpu.memory_space<vmem>> -> memref<1x16x128xf32, #tpu.memory_space<vmem>>
        %dma_start3A_2718 = tpu.memref_squeeze %dma_start3A_2717 : memref<1x16x128xf32, #tpu.memory_space<vmem>> -> memref<16x128xf32, #tpu.memory_space<vmem>>
        %dma_start3A_2719 = arith.constant 0 : i32
        %dma_start3A_2720 = tpu.memref_slice %arg4[%dma_start3A_2719, %multiple_of3A_847] : memref<16x1000000xf32, #tpu.memory_space<hbm>> -> memref<16x128xf32, #tpu.memory_space<hbm>>
        %dma_start3A_2721 = arith.constant 0 : i32
        %dma_start3A_2722 = arith.constant 0 : i32
        %dma_start3A_2723 = tpu.memref_slice %arg9[%dma_start3A_2714, %dma_start3A_2721, %dma_start3A_2722] : memref<16x16x128xf32, #tpu.memory_space<vmem>> -> memref<1x16x128xf32, #tpu.memory_space<vmem>>
        %dma_start3A_2724 = tpu.memref_squeeze %dma_start3A_2723 : memref<1x16x128xf32, #tpu.memory_space<vmem>> -> memref<16x128xf32, #tpu.memory_space<vmem>>
        %dma_start3A_2725 = arith.constant 0 : i32
        %dma_start3A_2726 = tpu.memref_slice %arg4[%dma_start3A_2725, %multiple_of3A_847] : memref<16x1000000xf32, #tpu.memory_space<hbm>> -> memref<16x128xf32, #tpu.memory_space<hbm>>
        tpu.enqueue_dma source(%dma_start3A_2726 : memref<16x128xf32, #tpu.memory_space<hbm>>) target(%dma_start3A_2724 : memref<16x128xf32, #tpu.memory_space<vmem>>) target_semaphore(%arg14 : memref<!tpu.dma_semaphore, #tpu.memory_space<semaphore_mem>>)
        %dma_start3A_2727 = arith.constant 1 : i32
        %dma_start3A_2728 = arith.constant 0 : i32
        %dma_start3A_2729 = arith.constant 0 : i32
        %dma_start3A_2730 = tpu.memref_slice %arg10[%dma_start3A_2727, %dma_start3A_2728, %dma_start3A_2729] : memref<16x16x128xf32, #tpu.memory_space<vmem>> -> memref<1x16x128xf32, #tpu.memory_space<vmem>>
        %dma_start3A_2731 = tpu.memref_squeeze %dma_start3A_2730 : memref<1x16x128xf32, #tpu.memory_space<vmem>> -> memref<16x128xf32, #tpu.memory_space<vmem>>
        %dma_start3A_2732 = arith.constant 0 : i32
        %dma_start3A_2733 = tpu.memref_slice %arg5[%dma_start3A_2732, %multiple_of3A_1039] : memref<16x1000000xf32, #tpu.memory_space<hbm>> -> memref<16x128xf32, #tpu.memory_space<hbm>>
        %dma_start3A_2734 = arith.constant 0 : i32
        %dma_start3A_2735 = arith.constant 0 : i32
        %dma_start3A_2736 = tpu.memref_slice %arg10[%dma_start3A_2727, %dma_start3A_2734, %dma_start3A_2735] : memref<16x16x128xf32, #tpu.memory_space<vmem>> -> memref<1x16x128xf32, #tpu.memory_space<vmem>>
        %dma_start3A_2737 = tpu.memref_squeeze %dma_start3A_2736 : memref<1x16x128xf32, #tpu.memory_space<vmem>> -> memref<16x128xf32, #tpu.memory_space<vmem>>
        %dma_start3A_2738 = arith.constant 0 : i32
        %dma_start3A_2739 = tpu.memref_slice %arg5[%dma_start3A_2738, %multiple_of3A_1039] : memref<16x1000000xf32, #tpu.memory_space<hbm>> -> memref<16x128xf32, #tpu.memory_space<hbm>>
        tpu.enqueue_dma source(%dma_start3A_2739 : memref<16x128xf32, #tpu.memory_space<hbm>>) target(%dma_start3A_2737 : memref<16x128xf32, #tpu.memory_space<vmem>>) target_semaphore(%arg15 : memref<!tpu.dma_semaphore, #tpu.memory_space<semaphore_mem>>)
      } else {
      }
      %dma_wait3A_1371 = arith.constant 2 : i32
      %dma_wait3A_1372 = arith.constant 0 : i32
      %dma_wait3A_1373 = arith.constant 0 : i32
      %dma_wait3A_1374 = tpu.memref_slice %arg9[%dma_wait3A_1371, %dma_wait3A_1372, %dma_wait3A_1373] : memref<16x16x128xf32, #tpu.memory_space<vmem>> -> memref<1x16x128xf32, #tpu.memory_space<vmem>>
      %dma_wait3A_1375 = tpu.memref_squeeze %dma_wait3A_1374 : memref<1x16x128xf32, #tpu.memory_space<vmem>> -> memref<16x128xf32, #tpu.memory_space<vmem>>
      %dma_wait3A_1376 = arith.constant 0 : i32
      %dma_wait3A_1377 = arith.constant 0 : i32
      %dma_wait3A_1378 = tpu.memref_slice %arg4[%dma_wait3A_1376, %dma_wait3A_1377] : memref<16x1000000xf32, #tpu.memory_space<hbm>> -> memref<16x128xf32, #tpu.memory_space<hbm>>
      %dma_wait3A_1379 = arith.constant 0 : i32
      %dma_wait3A_1380 = arith.constant 0 : i32
      %dma_wait3A_1381 = tpu.memref_slice %arg9[%dma_wait3A_1371, %dma_wait3A_1379, %dma_wait3A_1380] : memref<16x16x128xf32, #tpu.memory_space<vmem>> -> memref<1x16x128xf32, #tpu.memory_space<vmem>>
      %dma_wait3A_1382 = tpu.memref_squeeze %dma_wait3A_1381 : memref<1x16x128xf32, #tpu.memory_space<vmem>> -> memref<16x128xf32, #tpu.memory_space<vmem>>
      %dma_wait3A_1383 = arith.constant 0 : i32
      %dma_wait3A_1384 = arith.constant 0 : i32
      %dma_wait3A_1385 = tpu.memref_slice %arg4[%dma_wait3A_1383, %dma_wait3A_1384] : memref<16x1000000xf32, #tpu.memory_space<hbm>> -> memref<16x128xf32, #tpu.memory_space<hbm>>
      tpu.wait_dma2 semaphore(%arg14 : memref<!tpu.dma_semaphore, #tpu.memory_space<semaphore_mem>>) src(%dma_wait3A_1385 : memref<16x128xf32, #tpu.memory_space<hbm>>) dst(%dma_wait3A_1382 : memref<16x128xf32, #tpu.memory_space<vmem>>)
      %dma_wait3A_1386 = arith.constant 2 : i32
      %dma_wait3A_1387 = arith.constant 0 : i32
      %dma_wait3A_1388 = arith.constant 0 : i32
      %dma_wait3A_1389 = tpu.memref_slice %arg10[%dma_wait3A_1386, %dma_wait3A_1387, %dma_wait3A_1388] : memref<16x16x128xf32, #tpu.memory_space<vmem>> -> memref<1x16x128xf32, #tpu.memory_space<vmem>>
      %dma_wait3A_1390 = tpu.memref_squeeze %dma_wait3A_1389 : memref<1x16x128xf32, #tpu.memory_space<vmem>> -> memref<16x128xf32, #tpu.memory_space<vmem>>
      %dma_wait3A_1391 = arith.constant 0 : i32
      %dma_wait3A_1392 = arith.constant 0 : i32
      %dma_wait3A_1393 = tpu.memref_slice %arg5[%dma_wait3A_1391, %dma_wait3A_1392] : memref<16x1000000xf32, #tpu.memory_space<hbm>> -> memref<16x128xf32, #tpu.memory_space<hbm>>
      %dma_wait3A_1394 = arith.constant 0 : i32
      %dma_wait3A_1395 = arith.constant 0 : i32
      %dma_wait3A_1396 = tpu.memref_slice %arg10[%dma_wait3A_1386, %dma_wait3A_1394, %dma_wait3A_1395] : memref<16x16x128xf32, #tpu.memory_space<vmem>> -> memref<1x16x128xf32, #tpu.memory_space<vmem>>
      %dma_wait3A_1397 = tpu.memref_squeeze %dma_wait3A_1396 : memref<1x16x128xf32, #tpu.memory_space<vmem>> -> memref<16x128xf32, #tpu.memory_space<vmem>>
      %dma_wait3A_1398 = arith.constant 0 : i32
      %dma_wait3A_1399 = arith.constant 0 : i32
      %dma_wait3A_1400 = tpu.memref_slice %arg5[%dma_wait3A_1398, %dma_wait3A_1399] : memref<16x1000000xf32, #tpu.memory_space<hbm>> -> memref<16x128xf32, #tpu.memory_space<hbm>>
      tpu.wait_dma2 semaphore(%arg15 : memref<!tpu.dma_semaphore, #tpu.memory_space<semaphore_mem>>) src(%dma_wait3A_1400 : memref<16x128xf32, #tpu.memory_space<hbm>>) dst(%dma_wait3A_1397 : memref<16x128xf32, #tpu.memory_space<vmem>>)
      %iota3A_1401 = tpu.iota {dimensions = array<i32: 0>} : vector<16xi32>
      %eq3A_1402 = arith.constant 2 : i32
      %eq3A_1403 = vector.broadcast %eq3A_1402 : i32 to vector<16xi32>
      %eq3A_1404 = arith.cmpi eq, %iota3A_1401, %eq3A_1403 : vector<16xi32>
      %jit3A_1405 = arith.constant 0 : i32
      %broadcast_in_dim3A_1406 = vector.broadcast %jit3A_1405 : i32 to vector<16xi32>
      %select_n3A_1407 = arith.select %eq3A_1404, %and3A_1214, %broadcast_in_dim3A_1406 : vector<16xi1>, vector<16xi32>
      %reduce_sum3A_1408 = arith.constant true
      %reduce_sum3A_1409 = vector.broadcast %reduce_sum3A_1408 : i1 to vector<16xi1>
      %reduce_sum3A_1410 = tpu.scan <sum>, %select_n3A_1407 masked %reduce_sum3A_1409 : vector<16xi32>, vector<16xi1> -> vector<16xi32>
      %reduce_sum3A_1411 = vector.extract %reduce_sum3A_1410[15] : i32 from vector<16xi32>
      %broadcast_in_dim3A_1412 = vector.broadcast %reduce_sum3A_1411 : i32 to vector<16xi32>
      %iota3A_1413 = tpu.iota {dimensions = array<i32: 0>} : vector<16xi32>
      %eq3A_1414 = arith.constant 2 : i32
      %eq3A_1415 = vector.broadcast %eq3A_1414 : i32 to vector<16xi32>
      %eq3A_1416 = arith.cmpi eq, %iota3A_1413, %eq3A_1415 : vector<16xi32>
      %jit3A_1417 = arith.constant 0 : i32
      %broadcast_in_dim3A_1418 = vector.broadcast %jit3A_1417 : i32 to vector<16xi32>
      %select_n3A_1419 = arith.select %eq3A_1416, %and3A_1219, %broadcast_in_dim3A_1418 : vector<16xi1>, vector<16xi32>
      %reduce_sum3A_1420 = arith.constant true
      %reduce_sum3A_1421 = vector.broadcast %reduce_sum3A_1420 : i1 to vector<16xi1>
      %reduce_sum3A_1422 = tpu.scan <sum>, %select_n3A_1419 masked %reduce_sum3A_1421 : vector<16xi32>, vector<16xi1> -> vector<16xi32>
      %reduce_sum3A_1423 = vector.extract %reduce_sum3A_1422[15] : i32 from vector<16xi32>
      %broadcast_in_dim3A_1424 = vector.broadcast %reduce_sum3A_1423 : i32 to vector<16xi32>
      %iota3A_1425 = tpu.iota {dimensions = array<i32: 0>} : vector<16xi32>
      %gather3A_1426 = arith.constant 2 : i32
      %gather3A_1427 = arith.constant 0 : i32
      %gather3A_1428 = arith.constant 0 : i32
      %gather3A_1429 = tpu.memref_slice %arg9[%gather3A_1426, %gather3A_1427, %gather3A_1428] : memref<16x16x128xf32, #tpu.memory_space<vmem>> -> memref<1x16x128xf32, #tpu.memory_space<vmem>>
      %gather3A_1430 = tpu.memref_squeeze %gather3A_1429 : memref<1x16x128xf32, #tpu.memory_space<vmem>> -> memref<16x128xf32, #tpu.memory_space<vmem>>
      %gather3A_1431 = tpu.vector_load_idx %gather3A_1430[%iota3A_1425, %broadcast_in_dim3A_1412] : memref<16x128xf32, #tpu.memory_space<vmem>>[vector<16xi32>, vector<16xi32>], vector<16xf32>,
      %iota3A_1432 = tpu.iota {dimensions = array<i32: 0>} : vector<16xi32>
      %gather3A_1433 = arith.constant 2 : i32
      %gather3A_1434 = arith.constant 0 : i32
      %gather3A_1435 = arith.constant 0 : i32
      %gather3A_1436 = tpu.memref_slice %arg10[%gather3A_1433, %gather3A_1434, %gather3A_1435] : memref<16x16x128xf32, #tpu.memory_space<vmem>> -> memref<1x16x128xf32, #tpu.memory_space<vmem>>
      %gather3A_1437 = tpu.memref_squeeze %gather3A_1436 : memref<1x16x128xf32, #tpu.memory_space<vmem>> -> memref<16x128xf32, #tpu.memory_space<vmem>>
      %gather3A_1438 = tpu.vector_load_idx %gather3A_1437[%iota3A_1432, %broadcast_in_dim3A_1424] : memref<16x128xf32, #tpu.memory_space<vmem>>[vector<16xi32>, vector<16xi32>], vector<16xf32>,
      %add3A_1439 = arith.constant 2 : i32
      %add3A_1440 = arith.addi %mul3A_1209, %add3A_1439 : i32
      %broadcast_in_dim3A_1441 = vector.broadcast %add3A_1440 : i32 to vector<16xi32>
      %iota3A_1442 = tpu.iota {dimensions = array<i32: 0>} : vector<16xi32>
      tpu.vector_store_idx %arg11[%iota3A_1442, %broadcast_in_dim3A_1441], %gather3A_1431 : memref<16x512xf32, #tpu.memory_space<vmem>>[vector<16xi32>, vector<16xi32>], vector<16xf32>,
      %iota3A_1443 = tpu.iota {dimensions = array<i32: 0>} : vector<16xi32>
      tpu.vector_store_idx %arg12[%iota3A_1443, %broadcast_in_dim3A_1441], %gather3A_1438 : memref<16x512xf32, #tpu.memory_space<vmem>>[vector<16xi32>, vector<16xi32>], vector<16xf32>,
      %lt3A_1444 = arith.constant 32 : i32
      %lt3A_1445 = arith.cmpi slt, %add3A_810, %lt3A_1444 : i32
      %convert_element_type3A_1446 = arith.extui %lt3A_1445 : i1 to i32
      %cond3A_1447 = arith.constant 0 : i32
      %cond3A_1448 = arith.cmpi ne, %convert_element_type3A_1446, %cond3A_1447 : i32
      scf.if %cond3A_1448 {
        %dma_start3A_2714 = arith.constant 2 : i32
        %dma_start3A_2715 = arith.constant 0 : i32
        %dma_start3A_2716 = arith.constant 0 : i32
        %dma_start3A_2717 = tpu.memref_slice %arg9[%dma_start3A_2714, %dma_start3A_2715, %dma_start3A_2716] : memref<16x16x128xf32, #tpu.memory_space<vmem>> -> memref<1x16x128xf32, #tpu.memory_space<vmem>>
        %dma_start3A_2718 = tpu.memref_squeeze %dma_start3A_2717 : memref<1x16x128xf32, #tpu.memory_space<vmem>> -> memref<16x128xf32, #tpu.memory_space<vmem>>
        %dma_start3A_2719 = arith.constant 0 : i32
        %dma_start3A_2720 = tpu.memref_slice %arg4[%dma_start3A_2719, %multiple_of3A_859] : memref<16x1000000xf32, #tpu.memory_space<hbm>> -> memref<16x128xf32, #tpu.memory_space<hbm>>
        %dma_start3A_2721 = arith.constant 0 : i32
        %dma_start3A_2722 = arith.constant 0 : i32
        %dma_start3A_2723 = tpu.memref_slice %arg9[%dma_start3A_2714, %dma_start3A_2721, %dma_start3A_2722] : memref<16x16x128xf32, #tpu.memory_space<vmem>> -> memref<1x16x128xf32, #tpu.memory_space<vmem>>
        %dma_start3A_2724 = tpu.memref_squeeze %dma_start3A_2723 : memref<1x16x128xf32, #tpu.memory_space<vmem>> -> memref<16x128xf32, #tpu.memory_space<vmem>>
        %dma_start3A_2725 = arith.constant 0 : i32
        %dma_start3A_2726 = tpu.memref_slice %arg4[%dma_start3A_2725, %multiple_of3A_859] : memref<16x1000000xf32, #tpu.memory_space<hbm>> -> memref<16x128xf32, #tpu.memory_space<hbm>>
        tpu.enqueue_dma source(%dma_start3A_2726 : memref<16x128xf32, #tpu.memory_space<hbm>>) target(%dma_start3A_2724 : memref<16x128xf32, #tpu.memory_space<vmem>>) target_semaphore(%arg14 : memref<!tpu.dma_semaphore, #tpu.memory_space<semaphore_mem>>)
        %dma_start3A_2727 = arith.constant 2 : i32
        %dma_start3A_2728 = arith.constant 0 : i32
        %dma_start3A_2729 = arith.constant 0 : i32
        %dma_start3A_2730 = tpu.memref_slice %arg10[%dma_start3A_2727, %dma_start3A_2728, %dma_start3A_2729] : memref<16x16x128xf32, #tpu.memory_space<vmem>> -> memref<1x16x128xf32, #tpu.memory_space<vmem>>
        %dma_start3A_2731 = tpu.memref_squeeze %dma_start3A_2730 : memref<1x16x128xf32, #tpu.memory_space<vmem>> -> memref<16x128xf32, #tpu.memory_space<vmem>>
        %dma_start3A_2732 = arith.constant 0 : i32
        %dma_start3A_2733 = tpu.memref_slice %arg5[%dma_start3A_2732, %multiple_of3A_1051] : memref<16x1000000xf32, #tpu.memory_space<hbm>> -> memref<16x128xf32, #tpu.memory_space<hbm>>
        %dma_start3A_2734 = arith.constant 0 : i32
        %dma_start3A_2735 = arith.constant 0 : i32
        %dma_start3A_2736 = tpu.memref_slice %arg10[%dma_start3A_2727, %dma_start3A_2734, %dma_start3A_2735] : memref<16x16x128xf32, #tpu.memory_space<vmem>> -> memref<1x16x128xf32, #tpu.memory_space<vmem>>
        %dma_start3A_2737 = tpu.memref_squeeze %dma_start3A_2736 : memref<1x16x128xf32, #tpu.memory_space<vmem>> -> memref<16x128xf32, #tpu.memory_space<vmem>>
        %dma_start3A_2738 = arith.constant 0 : i32
        %dma_start3A_2739 = tpu.memref_slice %arg5[%dma_start3A_2738, %multiple_of3A_1051] : memref<16x1000000xf32, #tpu.memory_space<hbm>> -> memref<16x128xf32, #tpu.memory_space<hbm>>
        tpu.enqueue_dma source(%dma_start3A_2739 : memref<16x128xf32, #tpu.memory_space<hbm>>) target(%dma_start3A_2737 : memref<16x128xf32, #tpu.memory_space<vmem>>) target_semaphore(%arg15 : memref<!tpu.dma_semaphore, #tpu.memory_space<semaphore_mem>>)
      } else {
      }
      %dma_wait3A_1449 = arith.constant 3 : i32
      %dma_wait3A_1450 = arith.constant 0 : i32
      %dma_wait3A_1451 = arith.constant 0 : i32
      %dma_wait3A_1452 = tpu.memref_slice %arg9[%dma_wait3A_1449, %dma_wait3A_1450, %dma_wait3A_1451] : memref<16x16x128xf32, #tpu.memory_space<vmem>> -> memref<1x16x128xf32, #tpu.memory_space<vmem>>
      %dma_wait3A_1453 = tpu.memref_squeeze %dma_wait3A_1452 : memref<1x16x128xf32, #tpu.memory_space<vmem>> -> memref<16x128xf32, #tpu.memory_space<vmem>>
      %dma_wait3A_1454 = arith.constant 0 : i32
      %dma_wait3A_1455 = arith.constant 0 : i32
      %dma_wait3A_1456 = tpu.memref_slice %arg4[%dma_wait3A_1454, %dma_wait3A_1455] : memref<16x1000000xf32, #tpu.memory_space<hbm>> -> memref<16x128xf32, #tpu.memory_space<hbm>>
      %dma_wait3A_1457 = arith.constant 0 : i32
      %dma_wait3A_1458 = arith.constant 0 : i32
      %dma_wait3A_1459 = tpu.memref_slice %arg9[%dma_wait3A_1449, %dma_wait3A_1457, %dma_wait3A_1458] : memref<16x16x128xf32, #tpu.memory_space<vmem>> -> memref<1x16x128xf32, #tpu.memory_space<vmem>>
      %dma_wait3A_1460 = tpu.memref_squeeze %dma_wait3A_1459 : memref<1x16x128xf32, #tpu.memory_space<vmem>> -> memref<16x128xf32, #tpu.memory_space<vmem>>
      %dma_wait3A_1461 = arith.constant 0 : i32
      %dma_wait3A_1462 = arith.constant 0 : i32
      %dma_wait3A_1463 = tpu.memref_slice %arg4[%dma_wait3A_1461, %dma_wait3A_1462] : memref<16x1000000xf32, #tpu.memory_space<hbm>> -> memref<16x128xf32, #tpu.memory_space<hbm>>
      tpu.wait_dma2 semaphore(%arg14 : memref<!tpu.dma_semaphore, #tpu.memory_space<semaphore_mem>>) src(%dma_wait3A_1463 : memref<16x128xf32, #tpu.memory_space<hbm>>) dst(%dma_wait3A_1460 : memref<16x128xf32, #tpu.memory_space<vmem>>)
      %dma_wait3A_1464 = arith.constant 3 : i32
      %dma_wait3A_1465 = arith.constant 0 : i32
      %dma_wait3A_1466 = arith.constant 0 : i32
      %dma_wait3A_1467 = tpu.memref_slice %arg10[%dma_wait3A_1464, %dma_wait3A_1465, %dma_wait3A_1466] : memref<16x16x128xf32, #tpu.memory_space<vmem>> -> memref<1x16x128xf32, #tpu.memory_space<vmem>>
      %dma_wait3A_1468 = tpu.memref_squeeze %dma_wait3A_1467 : memref<1x16x128xf32, #tpu.memory_space<vmem>> -> memref<16x128xf32, #tpu.memory_space<vmem>>
      %dma_wait3A_1469 = arith.constant 0 : i32
      %dma_wait3A_1470 = arith.constant 0 : i32
      %dma_wait3A_1471 = tpu.memref_slice %arg5[%dma_wait3A_1469, %dma_wait3A_1470] : memref<16x1000000xf32, #tpu.memory_space<hbm>> -> memref<16x128xf32, #tpu.memory_space<hbm>>
      %dma_wait3A_1472 = arith.constant 0 : i32
      %dma_wait3A_1473 = arith.constant 0 : i32
      %dma_wait3A_1474 = tpu.memref_slice %arg10[%dma_wait3A_1464, %dma_wait3A_1472, %dma_wait3A_1473] : memref<16x16x128xf32, #tpu.memory_space<vmem>> -> memref<1x16x128xf32, #tpu.memory_space<vmem>>
      %dma_wait3A_1475 = tpu.memref_squeeze %dma_wait3A_1474 : memref<1x16x128xf32, #tpu.memory_space<vmem>> -> memref<16x128xf32, #tpu.memory_space<vmem>>
      %dma_wait3A_1476 = arith.constant 0 : i32
      %dma_wait3A_1477 = arith.constant 0 : i32
      %dma_wait3A_1478 = tpu.memref_slice %arg5[%dma_wait3A_1476, %dma_wait3A_1477] : memref<16x1000000xf32, #tpu.memory_space<hbm>> -> memref<16x128xf32, #tpu.memory_space<hbm>>
      tpu.wait_dma2 semaphore(%arg15 : memref<!tpu.dma_semaphore, #tpu.memory_space<semaphore_mem>>) src(%dma_wait3A_1478 : memref<16x128xf32, #tpu.memory_space<hbm>>) dst(%dma_wait3A_1475 : memref<16x128xf32, #tpu.memory_space<vmem>>)
      %iota3A_1479 = tpu.iota {dimensions = array<i32: 0>} : vector<16xi32>
      %eq3A_1480 = arith.constant 3 : i32
      %eq3A_1481 = vector.broadcast %eq3A_1480 : i32 to vector<16xi32>
      %eq3A_1482 = arith.cmpi eq, %iota3A_1479, %eq3A_1481 : vector<16xi32>
      %jit3A_1483 = arith.constant 0 : i32
      %broadcast_in_dim3A_1484 = vector.broadcast %jit3A_1483 : i32 to vector<16xi32>
      %select_n3A_1485 = arith.select %eq3A_1482, %and3A_1214, %broadcast_in_dim3A_1484 : vector<16xi1>, vector<16xi32>
      %reduce_sum3A_1486 = arith.constant true
      %reduce_sum3A_1487 = vector.broadcast %reduce_sum3A_1486 : i1 to vector<16xi1>
      %reduce_sum3A_1488 = tpu.scan <sum>, %select_n3A_1485 masked %reduce_sum3A_1487 : vector<16xi32>, vector<16xi1> -> vector<16xi32>
      %reduce_sum3A_1489 = vector.extract %reduce_sum3A_1488[15] : i32 from vector<16xi32>
      %broadcast_in_dim3A_1490 = vector.broadcast %reduce_sum3A_1489 : i32 to vector<16xi32>
      %iota3A_1491 = tpu.iota {dimensions = array<i32: 0>} : vector<16xi32>
      %eq3A_1492 = arith.constant 3 : i32
      %eq3A_1493 = vector.broadcast %eq3A_1492 : i32 to vector<16xi32>
      %eq3A_1494 = arith.cmpi eq, %iota3A_1491, %eq3A_1493 : vector<16xi32>
      %jit3A_1495 = arith.constant 0 : i32
      %broadcast_in_dim3A_1496 = vector.broadcast %jit3A_1495 : i32 to vector<16xi32>
      %select_n3A_1497 = arith.select %eq3A_1494, %and3A_1219, %broadcast_in_dim3A_1496 : vector<16xi1>, vector<16xi32>
      %reduce_sum3A_1498 = arith.constant true
      %reduce_sum3A_1499 = vector.broadcast %reduce_sum3A_1498 : i1 to vector<16xi1>
      %reduce_sum3A_1500 = tpu.scan <sum>, %select_n3A_1497 masked %reduce_sum3A_1499 : vector<16xi32>, vector<16xi1> -> vector<16xi32>
      %reduce_sum3A_1501 = vector.extract %reduce_sum3A_1500[15] : i32 from vector<16xi32>
      %broadcast_in_dim3A_1502 = vector.broadcast %reduce_sum3A_1501 : i32 to vector<16xi32>
      %iota3A_1503 = tpu.iota {dimensions = array<i32: 0>} : vector<16xi32>
      %gather3A_1504 = arith.constant 3 : i32
      %gather3A_1505 = arith.constant 0 : i32
      %gather3A_1506 = arith.constant 0 : i32
      %gather3A_1507 = tpu.memref_slice %arg9[%gather3A_1504, %gather3A_1505, %gather3A_1506] : memref<16x16x128xf32, #tpu.memory_space<vmem>> -> memref<1x16x128xf32, #tpu.memory_space<vmem>>
      %gather3A_1508 = tpu.memref_squeeze %gather3A_1507 : memref<1x16x128xf32, #tpu.memory_space<vmem>> -> memref<16x128xf32, #tpu.memory_space<vmem>>
      %gather3A_1509 = tpu.vector_load_idx %gather3A_1508[%iota3A_1503, %broadcast_in_dim3A_1490] : memref<16x128xf32, #tpu.memory_space<vmem>>[vector<16xi32>, vector<16xi32>], vector<16xf32>,
      %iota3A_1510 = tpu.iota {dimensions = array<i32: 0>} : vector<16xi32>
      %gather3A_1511 = arith.constant 3 : i32
      %gather3A_1512 = arith.constant 0 : i32
      %gather3A_1513 = arith.constant 0 : i32
      %gather3A_1514 = tpu.memref_slice %arg10[%gather3A_1511, %gather3A_1512, %gather3A_1513] : memref<16x16x128xf32, #tpu.memory_space<vmem>> -> memref<1x16x128xf32, #tpu.memory_space<vmem>>
      %gather3A_1515 = tpu.memref_squeeze %gather3A_1514 : memref<1x16x128xf32, #tpu.memory_space<vmem>> -> memref<16x128xf32, #tpu.memory_space<vmem>>
      %gather3A_1516 = tpu.vector_load_idx %gather3A_1515[%iota3A_1510, %broadcast_in_dim3A_1502] : memref<16x128xf32, #tpu.memory_space<vmem>>[vector<16xi32>, vector<16xi32>], vector<16xf32>,
      %add3A_1517 = arith.constant 3 : i32
      %add3A_1518 = arith.addi %mul3A_1209, %add3A_1517 : i32
      %broadcast_in_dim3A_1519 = vector.broadcast %add3A_1518 : i32 to vector<16xi32>
      %iota3A_1520 = tpu.iota {dimensions = array<i32: 0>} : vector<16xi32>
      tpu.vector_store_idx %arg11[%iota3A_1520, %broadcast_in_dim3A_1519], %gather3A_1509 : memref<16x512xf32, #tpu.memory_space<vmem>>[vector<16xi32>, vector<16xi32>], vector<16xf32>,
      %iota3A_1521 = tpu.iota {dimensions = array<i32: 0>} : vector<16xi32>
      tpu.vector_store_idx %arg12[%iota3A_1521, %broadcast_in_dim3A_1519], %gather3A_1516 : memref<16x512xf32, #tpu.memory_space<vmem>>[vector<16xi32>, vector<16xi32>], vector<16xf32>,
      %lt3A_1522 = arith.constant 32 : i32
      %lt3A_1523 = arith.cmpi slt, %add3A_810, %lt3A_1522 : i32
      %convert_element_type3A_1524 = arith.extui %lt3A_1523 : i1 to i32
      %cond3A_1525 = arith.constant 0 : i32
      %cond3A_1526 = arith.cmpi ne, %convert_element_type3A_1524, %cond3A_1525 : i32
      scf.if %cond3A_1526 {
        %dma_start3A_2714 = arith.constant 3 : i32
        %dma_start3A_2715 = arith.constant 0 : i32
        %dma_start3A_2716 = arith.constant 0 : i32
        %dma_start3A_2717 = tpu.memref_slice %arg9[%dma_start3A_2714, %dma_start3A_2715, %dma_start3A_2716] : memref<16x16x128xf32, #tpu.memory_space<vmem>> -> memref<1x16x128xf32, #tpu.memory_space<vmem>>
        %dma_start3A_2718 = tpu.memref_squeeze %dma_start3A_2717 : memref<1x16x128xf32, #tpu.memory_space<vmem>> -> memref<16x128xf32, #tpu.memory_space<vmem>>
        %dma_start3A_2719 = arith.constant 0 : i32
        %dma_start3A_2720 = tpu.memref_slice %arg4[%dma_start3A_2719, %multiple_of3A_871] : memref<16x1000000xf32, #tpu.memory_space<hbm>> -> memref<16x128xf32, #tpu.memory_space<hbm>>
        %dma_start3A_2721 = arith.constant 0 : i32
        %dma_start3A_2722 = arith.constant 0 : i32
        %dma_start3A_2723 = tpu.memref_slice %arg9[%dma_start3A_2714, %dma_start3A_2721, %dma_start3A_2722] : memref<16x16x128xf32, #tpu.memory_space<vmem>> -> memref<1x16x128xf32, #tpu.memory_space<vmem>>
        %dma_start3A_2724 = tpu.memref_squeeze %dma_start3A_2723 : memref<1x16x128xf32, #tpu.memory_space<vmem>> -> memref<16x128xf32, #tpu.memory_space<vmem>>
        %dma_start3A_2725 = arith.constant 0 : i32
        %dma_start3A_2726 = tpu.memref_slice %arg4[%dma_start3A_2725, %multiple_of3A_871] : memref<16x1000000xf32, #tpu.memory_space<hbm>> -> memref<16x128xf32, #tpu.memory_space<hbm>>
        tpu.enqueue_dma source(%dma_start3A_2726 : memref<16x128xf32, #tpu.memory_space<hbm>>) target(%dma_start3A_2724 : memref<16x128xf32, #tpu.memory_space<vmem>>) target_semaphore(%arg14 : memref<!tpu.dma_semaphore, #tpu.memory_space<semaphore_mem>>)
        %dma_start3A_2727 = arith.constant 3 : i32
        %dma_start3A_2728 = arith.constant 0 : i32
        %dma_start3A_2729 = arith.constant 0 : i32
        %dma_start3A_2730 = tpu.memref_slice %arg10[%dma_start3A_2727, %dma_start3A_2728, %dma_start3A_2729] : memref<16x16x128xf32, #tpu.memory_space<vmem>> -> memref<1x16x128xf32, #tpu.memory_space<vmem>>
        %dma_start3A_2731 = tpu.memref_squeeze %dma_start3A_2730 : memref<1x16x128xf32, #tpu.memory_space<vmem>> -> memref<16x128xf32, #tpu.memory_space<vmem>>
        %dma_start3A_2732 = arith.constant 0 : i32
        %dma_start3A_2733 = tpu.memref_slice %arg5[%dma_start3A_2732, %multiple_of3A_1063] : memref<16x1000000xf32, #tpu.memory_space<hbm>> -> memref<16x128xf32, #tpu.memory_space<hbm>>
        %dma_start3A_2734 = arith.constant 0 : i32
        %dma_start3A_2735 = arith.constant 0 : i32
        %dma_start3A_2736 = tpu.memref_slice %arg10[%dma_start3A_2727, %dma_start3A_2734, %dma_start3A_2735] : memref<16x16x128xf32, #tpu.memory_space<vmem>> -> memref<1x16x128xf32, #tpu.memory_space<vmem>>
        %dma_start3A_2737 = tpu.memref_squeeze %dma_start3A_2736 : memref<1x16x128xf32, #tpu.memory_space<vmem>> -> memref<16x128xf32, #tpu.memory_space<vmem>>
        %dma_start3A_2738 = arith.constant 0 : i32
        %dma_start3A_2739 = tpu.memref_slice %arg5[%dma_start3A_2738, %multiple_of3A_1063] : memref<16x1000000xf32, #tpu.memory_space<hbm>> -> memref<16x128xf32, #tpu.memory_space<hbm>>
        tpu.enqueue_dma source(%dma_start3A_2739 : memref<16x128xf32, #tpu.memory_space<hbm>>) target(%dma_start3A_2737 : memref<16x128xf32, #tpu.memory_space<vmem>>) target_semaphore(%arg15 : memref<!tpu.dma_semaphore, #tpu.memory_space<semaphore_mem>>)
      } else {
      }
      %dma_wait3A_1527 = arith.constant 4 : i32
      %dma_wait3A_1528 = arith.constant 0 : i32
      %dma_wait3A_1529 = arith.constant 0 : i32
      %dma_wait3A_1530 = tpu.memref_slice %arg9[%dma_wait3A_1527, %dma_wait3A_1528, %dma_wait3A_1529] : memref<16x16x128xf32, #tpu.memory_space<vmem>> -> memref<1x16x128xf32, #tpu.memory_space<vmem>>
      %dma_wait3A_1531 = tpu.memref_squeeze %dma_wait3A_1530 : memref<1x16x128xf32, #tpu.memory_space<vmem>> -> memref<16x128xf32, #tpu.memory_space<vmem>>
      %dma_wait3A_1532 = arith.constant 0 : i32
      %dma_wait3A_1533 = arith.constant 0 : i32
      %dma_wait3A_1534 = tpu.memref_slice %arg4[%dma_wait3A_1532, %dma_wait3A_1533] : memref<16x1000000xf32, #tpu.memory_space<hbm>> -> memref<16x128xf32, #tpu.memory_space<hbm>>
      %dma_wait3A_1535 = arith.constant 0 : i32
      %dma_wait3A_1536 = arith.constant 0 : i32
      %dma_wait3A_1537 = tpu.memref_slice %arg9[%dma_wait3A_1527, %dma_wait3A_1535, %dma_wait3A_1536] : memref<16x16x128xf32, #tpu.memory_space<vmem>> -> memref<1x16x128xf32, #tpu.memory_space<vmem>>
      %dma_wait3A_1538 = tpu.memref_squeeze %dma_wait3A_1537 : memref<1x16x128xf32, #tpu.memory_space<vmem>> -> memref<16x128xf32, #tpu.memory_space<vmem>>
      %dma_wait3A_1539 = arith.constant 0 : i32
      %dma_wait3A_1540 = arith.constant 0 : i32
      %dma_wait3A_1541 = tpu.memref_slice %arg4[%dma_wait3A_1539, %dma_wait3A_1540] : memref<16x1000000xf32, #tpu.memory_space<hbm>> -> memref<16x128xf32, #tpu.memory_space<hbm>>
      tpu.wait_dma2 semaphore(%arg14 : memref<!tpu.dma_semaphore, #tpu.memory_space<semaphore_mem>>) src(%dma_wait3A_1541 : memref<16x128xf32, #tpu.memory_space<hbm>>) dst(%dma_wait3A_1538 : memref<16x128xf32, #tpu.memory_space<vmem>>)
      %dma_wait3A_1542 = arith.constant 4 : i32
      %dma_wait3A_1543 = arith.constant 0 : i32
      %dma_wait3A_1544 = arith.constant 0 : i32
      %dma_wait3A_1545 = tpu.memref_slice %arg10[%dma_wait3A_1542, %dma_wait3A_1543, %dma_wait3A_1544] : memref<16x16x128xf32, #tpu.memory_space<vmem>> -> memref<1x16x128xf32, #tpu.memory_space<vmem>>
      %dma_wait3A_1546 = tpu.memref_squeeze %dma_wait3A_1545 : memref<1x16x128xf32, #tpu.memory_space<vmem>> -> memref<16x128xf32, #tpu.memory_space<vmem>>
      %dma_wait3A_1547 = arith.constant 0 : i32
      %dma_wait3A_1548 = arith.constant 0 : i32
      %dma_wait3A_1549 = tpu.memref_slice %arg5[%dma_wait3A_1547, %dma_wait3A_1548] : memref<16x1000000xf32, #tpu.memory_space<hbm>> -> memref<16x128xf32, #tpu.memory_space<hbm>>
      %dma_wait3A_1550 = arith.constant 0 : i32
      %dma_wait3A_1551 = arith.constant 0 : i32
      %dma_wait3A_1552 = tpu.memref_slice %arg10[%dma_wait3A_1542, %dma_wait3A_1550, %dma_wait3A_1551] : memref<16x16x128xf32, #tpu.memory_space<vmem>> -> memref<1x16x128xf32, #tpu.memory_space<vmem>>
      %dma_wait3A_1553 = tpu.memref_squeeze %dma_wait3A_1552 : memref<1x16x128xf32, #tpu.memory_space<vmem>> -> memref<16x128xf32, #tpu.memory_space<vmem>>
      %dma_wait3A_1554 = arith.constant 0 : i32
      %dma_wait3A_1555 = arith.constant 0 : i32
      %dma_wait3A_1556 = tpu.memref_slice %arg5[%dma_wait3A_1554, %dma_wait3A_1555] : memref<16x1000000xf32, #tpu.memory_space<hbm>> -> memref<16x128xf32, #tpu.memory_space<hbm>>
      tpu.wait_dma2 semaphore(%arg15 : memref<!tpu.dma_semaphore, #tpu.memory_space<semaphore_mem>>) src(%dma_wait3A_1556 : memref<16x128xf32, #tpu.memory_space<hbm>>) dst(%dma_wait3A_1553 : memref<16x128xf32, #tpu.memory_space<vmem>>)
      %iota3A_1557 = tpu.iota {dimensions = array<i32: 0>} : vector<16xi32>
      %eq3A_1558 = arith.constant 4 : i32
      %eq3A_1559 = vector.broadcast %eq3A_1558 : i32 to vector<16xi32>
      %eq3A_1560 = arith.cmpi eq, %iota3A_1557, %eq3A_1559 : vector<16xi32>
      %jit3A_1561 = arith.constant 0 : i32
      %broadcast_in_dim3A_1562 = vector.broadcast %jit3A_1561 : i32 to vector<16xi32>
      %select_n3A_1563 = arith.select %eq3A_1560, %and3A_1214, %broadcast_in_dim3A_1562 : vector<16xi1>, vector<16xi32>
      %reduce_sum3A_1564 = arith.constant true
      %reduce_sum3A_1565 = vector.broadcast %reduce_sum3A_1564 : i1 to vector<16xi1>
      %reduce_sum3A_1566 = tpu.scan <sum>, %select_n3A_1563 masked %reduce_sum3A_1565 : vector<16xi32>, vector<16xi1> -> vector<16xi32>
      %reduce_sum3A_1567 = vector.extract %reduce_sum3A_1566[15] : i32 from vector<16xi32>
      %broadcast_in_dim3A_1568 = vector.broadcast %reduce_sum3A_1567 : i32 to vector<16xi32>
      %iota3A_1569 = tpu.iota {dimensions = array<i32: 0>} : vector<16xi32>
      %eq3A_1570 = arith.constant 4 : i32
      %eq3A_1571 = vector.broadcast %eq3A_1570 : i32 to vector<16xi32>
      %eq3A_1572 = arith.cmpi eq, %iota3A_1569, %eq3A_1571 : vector<16xi32>
      %jit3A_1573 = arith.constant 0 : i32
      %broadcast_in_dim3A_1574 = vector.broadcast %jit3A_1573 : i32 to vector<16xi32>
      %select_n3A_1575 = arith.select %eq3A_1572, %and3A_1219, %broadcast_in_dim3A_1574 : vector<16xi1>, vector<16xi32>
      %reduce_sum3A_1576 = arith.constant true
      %reduce_sum3A_1577 = vector.broadcast %reduce_sum3A_1576 : i1 to vector<16xi1>
      %reduce_sum3A_1578 = tpu.scan <sum>, %select_n3A_1575 masked %reduce_sum3A_1577 : vector<16xi32>, vector<16xi1> -> vector<16xi32>
      %reduce_sum3A_1579 = vector.extract %reduce_sum3A_1578[15] : i32 from vector<16xi32>
      %broadcast_in_dim3A_1580 = vector.broadcast %reduce_sum3A_1579 : i32 to vector<16xi32>
      %iota3A_1581 = tpu.iota {dimensions = array<i32: 0>} : vector<16xi32>
      %gather3A_1582 = arith.constant 4 : i32
      %gather3A_1583 = arith.constant 0 : i32
      %gather3A_1584 = arith.constant 0 : i32
      %gather3A_1585 = tpu.memref_slice %arg9[%gather3A_1582, %gather3A_1583, %gather3A_1584] : memref<16x16x128xf32, #tpu.memory_space<vmem>> -> memref<1x16x128xf32, #tpu.memory_space<vmem>>
      %gather3A_1586 = tpu.memref_squeeze %gather3A_1585 : memref<1x16x128xf32, #tpu.memory_space<vmem>> -> memref<16x128xf32, #tpu.memory_space<vmem>>
      %gather3A_1587 = tpu.vector_load_idx %gather3A_1586[%iota3A_1581, %broadcast_in_dim3A_1568] : memref<16x128xf32, #tpu.memory_space<vmem>>[vector<16xi32>, vector<16xi32>], vector<16xf32>,
      %iota3A_1588 = tpu.iota {dimensions = array<i32: 0>} : vector<16xi32>
      %gather3A_1589 = arith.constant 4 : i32
      %gather3A_1590 = arith.constant 0 : i32
      %gather3A_1591 = arith.constant 0 : i32
      %gather3A_1592 = tpu.memref_slice %arg10[%gather3A_1589, %gather3A_1590, %gather3A_1591] : memref<16x16x128xf32, #tpu.memory_space<vmem>> -> memref<1x16x128xf32, #tpu.memory_space<vmem>>
      %gather3A_1593 = tpu.memref_squeeze %gather3A_1592 : memref<1x16x128xf32, #tpu.memory_space<vmem>> -> memref<16x128xf32, #tpu.memory_space<vmem>>
      %gather3A_1594 = tpu.vector_load_idx %gather3A_1593[%iota3A_1588, %broadcast_in_dim3A_1580] : memref<16x128xf32, #tpu.memory_space<vmem>>[vector<16xi32>, vector<16xi32>], vector<16xf32>,
      %add3A_1595 = arith.constant 4 : i32
      %add3A_1596 = arith.addi %mul3A_1209, %add3A_1595 : i32
      %broadcast_in_dim3A_1597 = vector.broadcast %add3A_1596 : i32 to vector<16xi32>
      %iota3A_1598 = tpu.iota {dimensions = array<i32: 0>} : vector<16xi32>
      tpu.vector_store_idx %arg11[%iota3A_1598, %broadcast_in_dim3A_1597], %gather3A_1587 : memref<16x512xf32, #tpu.memory_space<vmem>>[vector<16xi32>, vector<16xi32>], vector<16xf32>,
      %iota3A_1599 = tpu.iota {dimensions = array<i32: 0>} : vector<16xi32>
      tpu.vector_store_idx %arg12[%iota3A_1599, %broadcast_in_dim3A_1597], %gather3A_1594 : memref<16x512xf32, #tpu.memory_space<vmem>>[vector<16xi32>, vector<16xi32>], vector<16xf32>,
      %lt3A_1600 = arith.constant 32 : i32
      %lt3A_1601 = arith.cmpi slt, %add3A_810, %lt3A_1600 : i32
      %convert_element_type3A_1602 = arith.extui %lt3A_1601 : i1 to i32
      %cond3A_1603 = arith.constant 0 : i32
      %cond3A_1604 = arith.cmpi ne, %convert_element_type3A_1602, %cond3A_1603 : i32
      scf.if %cond3A_1604 {
        %dma_start3A_2714 = arith.constant 4 : i32
        %dma_start3A_2715 = arith.constant 0 : i32
        %dma_start3A_2716 = arith.constant 0 : i32
        %dma_start3A_2717 = tpu.memref_slice %arg9[%dma_start3A_2714, %dma_start3A_2715, %dma_start3A_2716] : memref<16x16x128xf32, #tpu.memory_space<vmem>> -> memref<1x16x128xf32, #tpu.memory_space<vmem>>
        %dma_start3A_2718 = tpu.memref_squeeze %dma_start3A_2717 : memref<1x16x128xf32, #tpu.memory_space<vmem>> -> memref<16x128xf32, #tpu.memory_space<vmem>>
        %dma_start3A_2719 = arith.constant 0 : i32
        %dma_start3A_2720 = tpu.memref_slice %arg4[%dma_start3A_2719, %multiple_of3A_883] : memref<16x1000000xf32, #tpu.memory_space<hbm>> -> memref<16x128xf32, #tpu.memory_space<hbm>>
        %dma_start3A_2721 = arith.constant 0 : i32
        %dma_start3A_2722 = arith.constant 0 : i32
        %dma_start3A_2723 = tpu.memref_slice %arg9[%dma_start3A_2714, %dma_start3A_2721, %dma_start3A_2722] : memref<16x16x128xf32, #tpu.memory_space<vmem>> -> memref<1x16x128xf32, #tpu.memory_space<vmem>>
        %dma_start3A_2724 = tpu.memref_squeeze %dma_start3A_2723 : memref<1x16x128xf32, #tpu.memory_space<vmem>> -> memref<16x128xf32, #tpu.memory_space<vmem>>
        %dma_start3A_2725 = arith.constant 0 : i32
        %dma_start3A_2726 = tpu.memref_slice %arg4[%dma_start3A_2725, %multiple_of3A_883] : memref<16x1000000xf32, #tpu.memory_space<hbm>> -> memref<16x128xf32, #tpu.memory_space<hbm>>
        tpu.enqueue_dma source(%dma_start3A_2726 : memref<16x128xf32, #tpu.memory_space<hbm>>) target(%dma_start3A_2724 : memref<16x128xf32, #tpu.memory_space<vmem>>) target_semaphore(%arg14 : memref<!tpu.dma_semaphore, #tpu.memory_space<semaphore_mem>>)
        %dma_start3A_2727 = arith.constant 4 : i32
        %dma_start3A_2728 = arith.constant 0 : i32
        %dma_start3A_2729 = arith.constant 0 : i32
        %dma_start3A_2730 = tpu.memref_slice %arg10[%dma_start3A_2727, %dma_start3A_2728, %dma_start3A_2729] : memref<16x16x128xf32, #tpu.memory_space<vmem>> -> memref<1x16x128xf32, #tpu.memory_space<vmem>>
        %dma_start3A_2731 = tpu.memref_squeeze %dma_start3A_2730 : memref<1x16x128xf32, #tpu.memory_space<vmem>> -> memref<16x128xf32, #tpu.memory_space<vmem>>
        %dma_start3A_2732 = arith.constant 0 : i32
        %dma_start3A_2733 = tpu.memref_slice %arg5[%dma_start3A_2732, %multiple_of3A_1075] : memref<16x1000000xf32, #tpu.memory_space<hbm>> -> memref<16x128xf32, #tpu.memory_space<hbm>>
        %dma_start3A_2734 = arith.constant 0 : i32
        %dma_start3A_2735 = arith.constant 0 : i32
        %dma_start3A_2736 = tpu.memref_slice %arg10[%dma_start3A_2727, %dma_start3A_2734, %dma_start3A_2735] : memref<16x16x128xf32, #tpu.memory_space<vmem>> -> memref<1x16x128xf32, #tpu.memory_space<vmem>>
        %dma_start3A_2737 = tpu.memref_squeeze %dma_start3A_2736 : memref<1x16x128xf32, #tpu.memory_space<vmem>> -> memref<16x128xf32, #tpu.memory_space<vmem>>
        %dma_start3A_2738 = arith.constant 0 : i32
        %dma_start3A_2739 = tpu.memref_slice %arg5[%dma_start3A_2738, %multiple_of3A_1075] : memref<16x1000000xf32, #tpu.memory_space<hbm>> -> memref<16x128xf32, #tpu.memory_space<hbm>>
        tpu.enqueue_dma source(%dma_start3A_2739 : memref<16x128xf32, #tpu.memory_space<hbm>>) target(%dma_start3A_2737 : memref<16x128xf32, #tpu.memory_space<vmem>>) target_semaphore(%arg15 : memref<!tpu.dma_semaphore, #tpu.memory_space<semaphore_mem>>)
      } else {
      }
      %dma_wait3A_1605 = arith.constant 5 : i32
      %dma_wait3A_1606 = arith.constant 0 : i32
      %dma_wait3A_1607 = arith.constant 0 : i32
      %dma_wait3A_1608 = tpu.memref_slice %arg9[%dma_wait3A_1605, %dma_wait3A_1606, %dma_wait3A_1607] : memref<16x16x128xf32, #tpu.memory_space<vmem>> -> memref<1x16x128xf32, #tpu.memory_space<vmem>>
      %dma_wait3A_1609 = tpu.memref_squeeze %dma_wait3A_1608 : memref<1x16x128xf32, #tpu.memory_space<vmem>> -> memref<16x128xf32, #tpu.memory_space<vmem>>
      %dma_wait3A_1610 = arith.constant 0 : i32
      %dma_wait3A_1611 = arith.constant 0 : i32
      %dma_wait3A_1612 = tpu.memref_slice %arg4[%dma_wait3A_1610, %dma_wait3A_1611] : memref<16x1000000xf32, #tpu.memory_space<hbm>> -> memref<16x128xf32, #tpu.memory_space<hbm>>
      %dma_wait3A_1613 = arith.constant 0 : i32
      %dma_wait3A_1614 = arith.constant 0 : i32
      %dma_wait3A_1615 = tpu.memref_slice %arg9[%dma_wait3A_1605, %dma_wait3A_1613, %dma_wait3A_1614] : memref<16x16x128xf32, #tpu.memory_space<vmem>> -> memref<1x16x128xf32, #tpu.memory_space<vmem>>
      %dma_wait3A_1616 = tpu.memref_squeeze %dma_wait3A_1615 : memref<1x16x128xf32, #tpu.memory_space<vmem>> -> memref<16x128xf32, #tpu.memory_space<vmem>>
      %dma_wait3A_1617 = arith.constant 0 : i32
      %dma_wait3A_1618 = arith.constant 0 : i32
      %dma_wait3A_1619 = tpu.memref_slice %arg4[%dma_wait3A_1617, %dma_wait3A_1618] : memref<16x1000000xf32, #tpu.memory_space<hbm>> -> memref<16x128xf32, #tpu.memory_space<hbm>>
      tpu.wait_dma2 semaphore(%arg14 : memref<!tpu.dma_semaphore, #tpu.memory_space<semaphore_mem>>) src(%dma_wait3A_1619 : memref<16x128xf32, #tpu.memory_space<hbm>>) dst(%dma_wait3A_1616 : memref<16x128xf32, #tpu.memory_space<vmem>>)
      %dma_wait3A_1620 = arith.constant 5 : i32
      %dma_wait3A_1621 = arith.constant 0 : i32
      %dma_wait3A_1622 = arith.constant 0 : i32
      %dma_wait3A_1623 = tpu.memref_slice %arg10[%dma_wait3A_1620, %dma_wait3A_1621, %dma_wait3A_1622] : memref<16x16x128xf32, #tpu.memory_space<vmem>> -> memref<1x16x128xf32, #tpu.memory_space<vmem>>
      %dma_wait3A_1624 = tpu.memref_squeeze %dma_wait3A_1623 : memref<1x16x128xf32, #tpu.memory_space<vmem>> -> memref<16x128xf32, #tpu.memory_space<vmem>>
      %dma_wait3A_1625 = arith.constant 0 : i32
      %dma_wait3A_1626 = arith.constant 0 : i32
      %dma_wait3A_1627 = tpu.memref_slice %arg5[%dma_wait3A_1625, %dma_wait3A_1626] : memref<16x1000000xf32, #tpu.memory_space<hbm>> -> memref<16x128xf32, #tpu.memory_space<hbm>>
      %dma_wait3A_1628 = arith.constant 0 : i32
      %dma_wait3A_1629 = arith.constant 0 : i32
      %dma_wait3A_1630 = tpu.memref_slice %arg10[%dma_wait3A_1620, %dma_wait3A_1628, %dma_wait3A_1629] : memref<16x16x128xf32, #tpu.memory_space<vmem>> -> memref<1x16x128xf32, #tpu.memory_space<vmem>>
      %dma_wait3A_1631 = tpu.memref_squeeze %dma_wait3A_1630 : memref<1x16x128xf32, #tpu.memory_space<vmem>> -> memref<16x128xf32, #tpu.memory_space<vmem>>
      %dma_wait3A_1632 = arith.constant 0 : i32
      %dma_wait3A_1633 = arith.constant 0 : i32
      %dma_wait3A_1634 = tpu.memref_slice %arg5[%dma_wait3A_1632, %dma_wait3A_1633] : memref<16x1000000xf32, #tpu.memory_space<hbm>> -> memref<16x128xf32, #tpu.memory_space<hbm>>
      tpu.wait_dma2 semaphore(%arg15 : memref<!tpu.dma_semaphore, #tpu.memory_space<semaphore_mem>>) src(%dma_wait3A_1634 : memref<16x128xf32, #tpu.memory_space<hbm>>) dst(%dma_wait3A_1631 : memref<16x128xf32, #tpu.memory_space<vmem>>)
      %iota3A_1635 = tpu.iota {dimensions = array<i32: 0>} : vector<16xi32>
      %eq3A_1636 = arith.constant 5 : i32
      %eq3A_1637 = vector.broadcast %eq3A_1636 : i32 to vector<16xi32>
      %eq3A_1638 = arith.cmpi eq, %iota3A_1635, %eq3A_1637 : vector<16xi32>
      %jit3A_1639 = arith.constant 0 : i32
      %broadcast_in_dim3A_1640 = vector.broadcast %jit3A_1639 : i32 to vector<16xi32>
      %select_n3A_1641 = arith.select %eq3A_1638, %and3A_1214, %broadcast_in_dim3A_1640 : vector<16xi1>, vector<16xi32>
      %reduce_sum3A_1642 = arith.constant true
      %reduce_sum3A_1643 = vector.broadcast %reduce_sum3A_1642 : i1 to vector<16xi1>
      %reduce_sum3A_1644 = tpu.scan <sum>, %select_n3A_1641 masked %reduce_sum3A_1643 : vector<16xi32>, vector<16xi1> -> vector<16xi32>
      %reduce_sum3A_1645 = vector.extract %reduce_sum3A_1644[15] : i32 from vector<16xi32>
      %broadcast_in_dim3A_1646 = vector.broadcast %reduce_sum3A_1645 : i32 to vector<16xi32>
      %iota3A_1647 = tpu.iota {dimensions = array<i32: 0>} : vector<16xi32>
      %eq3A_1648 = arith.constant 5 : i32
      %eq3A_1649 = vector.broadcast %eq3A_1648 : i32 to vector<16xi32>
      %eq3A_1650 = arith.cmpi eq, %iota3A_1647, %eq3A_1649 : vector<16xi32>
      %jit3A_1651 = arith.constant 0 : i32
      %broadcast_in_dim3A_1652 = vector.broadcast %jit3A_1651 : i32 to vector<16xi32>
      %select_n3A_1653 = arith.select %eq3A_1650, %and3A_1219, %broadcast_in_dim3A_1652 : vector<16xi1>, vector<16xi32>
      %reduce_sum3A_1654 = arith.constant true
      %reduce_sum3A_1655 = vector.broadcast %reduce_sum3A_1654 : i1 to vector<16xi1>
      %reduce_sum3A_1656 = tpu.scan <sum>, %select_n3A_1653 masked %reduce_sum3A_1655 : vector<16xi32>, vector<16xi1> -> vector<16xi32>
      %reduce_sum3A_1657 = vector.extract %reduce_sum3A_1656[15] : i32 from vector<16xi32>
      %broadcast_in_dim3A_1658 = vector.broadcast %reduce_sum3A_1657 : i32 to vector<16xi32>
      %iota3A_1659 = tpu.iota {dimensions = array<i32: 0>} : vector<16xi32>
      %gather3A_1660 = arith.constant 5 : i32
      %gather3A_1661 = arith.constant 0 : i32
      %gather3A_1662 = arith.constant 0 : i32
      %gather3A_1663 = tpu.memref_slice %arg9[%gather3A_1660, %gather3A_1661, %gather3A_1662] : memref<16x16x128xf32, #tpu.memory_space<vmem>> -> memref<1x16x128xf32, #tpu.memory_space<vmem>>
      %gather3A_1664 = tpu.memref_squeeze %gather3A_1663 : memref<1x16x128xf32, #tpu.memory_space<vmem>> -> memref<16x128xf32, #tpu.memory_space<vmem>>
      %gather3A_1665 = tpu.vector_load_idx %gather3A_1664[%iota3A_1659, %broadcast_in_dim3A_1646] : memref<16x128xf32, #tpu.memory_space<vmem>>[vector<16xi32>, vector<16xi32>], vector<16xf32>,
      %iota3A_1666 = tpu.iota {dimensions = array<i32: 0>} : vector<16xi32>
      %gather3A_1667 = arith.constant 5 : i32
      %gather3A_1668 = arith.constant 0 : i32
      %gather3A_1669 = arith.constant 0 : i32
      %gather3A_1670 = tpu.memref_slice %arg10[%gather3A_1667, %gather3A_1668, %gather3A_1669] : memref<16x16x128xf32, #tpu.memory_space<vmem>> -> memref<1x16x128xf32, #tpu.memory_space<vmem>>
      %gather3A_1671 = tpu.memref_squeeze %gather3A_1670 : memref<1x16x128xf32, #tpu.memory_space<vmem>> -> memref<16x128xf32, #tpu.memory_space<vmem>>
      %gather3A_1672 = tpu.vector_load_idx %gather3A_1671[%iota3A_1666, %broadcast_in_dim3A_1658] : memref<16x128xf32, #tpu.memory_space<vmem>>[vector<16xi32>, vector<16xi32>], vector<16xf32>,
      %add3A_1673 = arith.constant 5 : i32
      %add3A_1674 = arith.addi %mul3A_1209, %add3A_1673 : i32
      %broadcast_in_dim3A_1675 = vector.broadcast %add3A_1674 : i32 to vector<16xi32>
      %iota3A_1676 = tpu.iota {dimensions = array<i32: 0>} : vector<16xi32>
      tpu.vector_store_idx %arg11[%iota3A_1676, %broadcast_in_dim3A_1675], %gather3A_1665 : memref<16x512xf32, #tpu.memory_space<vmem>>[vector<16xi32>, vector<16xi32>], vector<16xf32>,
      %iota3A_1677 = tpu.iota {dimensions = array<i32: 0>} : vector<16xi32>
      tpu.vector_store_idx %arg12[%iota3A_1677, %broadcast_in_dim3A_1675], %gather3A_1672 : memref<16x512xf32, #tpu.memory_space<vmem>>[vector<16xi32>, vector<16xi32>], vector<16xf32>,
      %lt3A_1678 = arith.constant 32 : i32
      %lt3A_1679 = arith.cmpi slt, %add3A_810, %lt3A_1678 : i32
      %convert_element_type3A_1680 = arith.extui %lt3A_1679 : i1 to i32
      %cond3A_1681 = arith.constant 0 : i32
      %cond3A_1682 = arith.cmpi ne, %convert_element_type3A_1680, %cond3A_1681 : i32
      scf.if %cond3A_1682 {
        %dma_start3A_2714 = arith.constant 5 : i32
        %dma_start3A_2715 = arith.constant 0 : i32
        %dma_start3A_2716 = arith.constant 0 : i32
        %dma_start3A_2717 = tpu.memref_slice %arg9[%dma_start3A_2714, %dma_start3A_2715, %dma_start3A_2716] : memref<16x16x128xf32, #tpu.memory_space<vmem>> -> memref<1x16x128xf32, #tpu.memory_space<vmem>>
        %dma_start3A_2718 = tpu.memref_squeeze %dma_start3A_2717 : memref<1x16x128xf32, #tpu.memory_space<vmem>> -> memref<16x128xf32, #tpu.memory_space<vmem>>
        %dma_start3A_2719 = arith.constant 0 : i32
        %dma_start3A_2720 = tpu.memref_slice %arg4[%dma_start3A_2719, %multiple_of3A_895] : memref<16x1000000xf32, #tpu.memory_space<hbm>> -> memref<16x128xf32, #tpu.memory_space<hbm>>
        %dma_start3A_2721 = arith.constant 0 : i32
        %dma_start3A_2722 = arith.constant 0 : i32
        %dma_start3A_2723 = tpu.memref_slice %arg9[%dma_start3A_2714, %dma_start3A_2721, %dma_start3A_2722] : memref<16x16x128xf32, #tpu.memory_space<vmem>> -> memref<1x16x128xf32, #tpu.memory_space<vmem>>
        %dma_start3A_2724 = tpu.memref_squeeze %dma_start3A_2723 : memref<1x16x128xf32, #tpu.memory_space<vmem>> -> memref<16x128xf32, #tpu.memory_space<vmem>>
        %dma_start3A_2725 = arith.constant 0 : i32
        %dma_start3A_2726 = tpu.memref_slice %arg4[%dma_start3A_2725, %multiple_of3A_895] : memref<16x1000000xf32, #tpu.memory_space<hbm>> -> memref<16x128xf32, #tpu.memory_space<hbm>>
        tpu.enqueue_dma source(%dma_start3A_2726 : memref<16x128xf32, #tpu.memory_space<hbm>>) target(%dma_start3A_2724 : memref<16x128xf32, #tpu.memory_space<vmem>>) target_semaphore(%arg14 : memref<!tpu.dma_semaphore, #tpu.memory_space<semaphore_mem>>)
        %dma_start3A_2727 = arith.constant 5 : i32
        %dma_start3A_2728 = arith.constant 0 : i32
        %dma_start3A_2729 = arith.constant 0 : i32
        %dma_start3A_2730 = tpu.memref_slice %arg10[%dma_start3A_2727, %dma_start3A_2728, %dma_start3A_2729] : memref<16x16x128xf32, #tpu.memory_space<vmem>> -> memref<1x16x128xf32, #tpu.memory_space<vmem>>
        %dma_start3A_2731 = tpu.memref_squeeze %dma_start3A_2730 : memref<1x16x128xf32, #tpu.memory_space<vmem>> -> memref<16x128xf32, #tpu.memory_space<vmem>>
        %dma_start3A_2732 = arith.constant 0 : i32
        %dma_start3A_2733 = tpu.memref_slice %arg5[%dma_start3A_2732, %multiple_of3A_1087] : memref<16x1000000xf32, #tpu.memory_space<hbm>> -> memref<16x128xf32, #tpu.memory_space<hbm>>
        %dma_start3A_2734 = arith.constant 0 : i32
        %dma_start3A_2735 = arith.constant 0 : i32
        %dma_start3A_2736 = tpu.memref_slice %arg10[%dma_start3A_2727, %dma_start3A_2734, %dma_start3A_2735] : memref<16x16x128xf32, #tpu.memory_space<vmem>> -> memref<1x16x128xf32, #tpu.memory_space<vmem>>
        %dma_start3A_2737 = tpu.memref_squeeze %dma_start3A_2736 : memref<1x16x128xf32, #tpu.memory_space<vmem>> -> memref<16x128xf32, #tpu.memory_space<vmem>>
        %dma_start3A_2738 = arith.constant 0 : i32
        %dma_start3A_2739 = tpu.memref_slice %arg5[%dma_start3A_2738, %multiple_of3A_1087] : memref<16x1000000xf32, #tpu.memory_space<hbm>> -> memref<16x128xf32, #tpu.memory_space<hbm>>
        tpu.enqueue_dma source(%dma_start3A_2739 : memref<16x128xf32, #tpu.memory_space<hbm>>) target(%dma_start3A_2737 : memref<16x128xf32, #tpu.memory_space<vmem>>) target_semaphore(%arg15 : memref<!tpu.dma_semaphore, #tpu.memory_space<semaphore_mem>>)
      } else {
      }
      %dma_wait3A_1683 = arith.constant 6 : i32
      %dma_wait3A_1684 = arith.constant 0 : i32
      %dma_wait3A_1685 = arith.constant 0 : i32
      %dma_wait3A_1686 = tpu.memref_slice %arg9[%dma_wait3A_1683, %dma_wait3A_1684, %dma_wait3A_1685] : memref<16x16x128xf32, #tpu.memory_space<vmem>> -> memref<1x16x128xf32, #tpu.memory_space<vmem>>
      %dma_wait3A_1687 = tpu.memref_squeeze %dma_wait3A_1686 : memref<1x16x128xf32, #tpu.memory_space<vmem>> -> memref<16x128xf32, #tpu.memory_space<vmem>>
      %dma_wait3A_1688 = arith.constant 0 : i32
      %dma_wait3A_1689 = arith.constant 0 : i32
      %dma_wait3A_1690 = tpu.memref_slice %arg4[%dma_wait3A_1688, %dma_wait3A_1689] : memref<16x1000000xf32, #tpu.memory_space<hbm>> -> memref<16x128xf32, #tpu.memory_space<hbm>>
      %dma_wait3A_1691 = arith.constant 0 : i32
      %dma_wait3A_1692 = arith.constant 0 : i32
      %dma_wait3A_1693 = tpu.memref_slice %arg9[%dma_wait3A_1683, %dma_wait3A_1691, %dma_wait3A_1692] : memref<16x16x128xf32, #tpu.memory_space<vmem>> -> memref<1x16x128xf32, #tpu.memory_space<vmem>>
      %dma_wait3A_1694 = tpu.memref_squeeze %dma_wait3A_1693 : memref<1x16x128xf32, #tpu.memory_space<vmem>> -> memref<16x128xf32, #tpu.memory_space<vmem>>
      %dma_wait3A_1695 = arith.constant 0 : i32
      %dma_wait3A_1696 = arith.constant 0 : i32
      %dma_wait3A_1697 = tpu.memref_slice %arg4[%dma_wait3A_1695, %dma_wait3A_1696] : memref<16x1000000xf32, #tpu.memory_space<hbm>> -> memref<16x128xf32, #tpu.memory_space<hbm>>
      tpu.wait_dma2 semaphore(%arg14 : memref<!tpu.dma_semaphore, #tpu.memory_space<semaphore_mem>>) src(%dma_wait3A_1697 : memref<16x128xf32, #tpu.memory_space<hbm>>) dst(%dma_wait3A_1694 : memref<16x128xf32, #tpu.memory_space<vmem>>)
      %dma_wait3A_1698 = arith.constant 6 : i32
      %dma_wait3A_1699 = arith.constant 0 : i32
      %dma_wait3A_1700 = arith.constant 0 : i32
      %dma_wait3A_1701 = tpu.memref_slice %arg10[%dma_wait3A_1698, %dma_wait3A_1699, %dma_wait3A_1700] : memref<16x16x128xf32, #tpu.memory_space<vmem>> -> memref<1x16x128xf32, #tpu.memory_space<vmem>>
      %dma_wait3A_1702 = tpu.memref_squeeze %dma_wait3A_1701 : memref<1x16x128xf32, #tpu.memory_space<vmem>> -> memref<16x128xf32, #tpu.memory_space<vmem>>
      %dma_wait3A_1703 = arith.constant 0 : i32
      %dma_wait3A_1704 = arith.constant 0 : i32
      %dma_wait3A_1705 = tpu.memref_slice %arg5[%dma_wait3A_1703, %dma_wait3A_1704] : memref<16x1000000xf32, #tpu.memory_space<hbm>> -> memref<16x128xf32, #tpu.memory_space<hbm>>
      %dma_wait3A_1706 = arith.constant 0 : i32
      %dma_wait3A_1707 = arith.constant 0 : i32
      %dma_wait3A_1708 = tpu.memref_slice %arg10[%dma_wait3A_1698, %dma_wait3A_1706, %dma_wait3A_1707] : memref<16x16x128xf32, #tpu.memory_space<vmem>> -> memref<1x16x128xf32, #tpu.memory_space<vmem>>
      %dma_wait3A_1709 = tpu.memref_squeeze %dma_wait3A_1708 : memref<1x16x128xf32, #tpu.memory_space<vmem>> -> memref<16x128xf32, #tpu.memory_space<vmem>>
      %dma_wait3A_1710 = arith.constant 0 : i32
      %dma_wait3A_1711 = arith.constant 0 : i32
      %dma_wait3A_1712 = tpu.memref_slice %arg5[%dma_wait3A_1710, %dma_wait3A_1711] : memref<16x1000000xf32, #tpu.memory_space<hbm>> -> memref<16x128xf32, #tpu.memory_space<hbm>>
      tpu.wait_dma2 semaphore(%arg15 : memref<!tpu.dma_semaphore, #tpu.memory_space<semaphore_mem>>) src(%dma_wait3A_1712 : memref<16x128xf32, #tpu.memory_space<hbm>>) dst(%dma_wait3A_1709 : memref<16x128xf32, #tpu.memory_space<vmem>>)
      %iota3A_1713 = tpu.iota {dimensions = array<i32: 0>} : vector<16xi32>
      %eq3A_1714 = arith.constant 6 : i32
      %eq3A_1715 = vector.broadcast %eq3A_1714 : i32 to vector<16xi32>
      %eq3A_1716 = arith.cmpi eq, %iota3A_1713, %eq3A_1715 : vector<16xi32>
      %jit3A_1717 = arith.constant 0 : i32
      %broadcast_in_dim3A_1718 = vector.broadcast %jit3A_1717 : i32 to vector<16xi32>
      %select_n3A_1719 = arith.select %eq3A_1716, %and3A_1214, %broadcast_in_dim3A_1718 : vector<16xi1>, vector<16xi32>
      %reduce_sum3A_1720 = arith.constant true
      %reduce_sum3A_1721 = vector.broadcast %reduce_sum3A_1720 : i1 to vector<16xi1>
      %reduce_sum3A_1722 = tpu.scan <sum>, %select_n3A_1719 masked %reduce_sum3A_1721 : vector<16xi32>, vector<16xi1> -> vector<16xi32>
      %reduce_sum3A_1723 = vector.extract %reduce_sum3A_1722[15] : i32 from vector<16xi32>
      %broadcast_in_dim3A_1724 = vector.broadcast %reduce_sum3A_1723 : i32 to vector<16xi32>
      %iota3A_1725 = tpu.iota {dimensions = array<i32: 0>} : vector<16xi32>
      %eq3A_1726 = arith.constant 6 : i32
      %eq3A_1727 = vector.broadcast %eq3A_1726 : i32 to vector<16xi32>
      %eq3A_1728 = arith.cmpi eq, %iota3A_1725, %eq3A_1727 : vector<16xi32>
      %jit3A_1729 = arith.constant 0 : i32
      %broadcast_in_dim3A_1730 = vector.broadcast %jit3A_1729 : i32 to vector<16xi32>
      %select_n3A_1731 = arith.select %eq3A_1728, %and3A_1219, %broadcast_in_dim3A_1730 : vector<16xi1>, vector<16xi32>
      %reduce_sum3A_1732 = arith.constant true
      %reduce_sum3A_1733 = vector.broadcast %reduce_sum3A_1732 : i1 to vector<16xi1>
      %reduce_sum3A_1734 = tpu.scan <sum>, %select_n3A_1731 masked %reduce_sum3A_1733 : vector<16xi32>, vector<16xi1> -> vector<16xi32>
      %reduce_sum3A_1735 = vector.extract %reduce_sum3A_1734[15] : i32 from vector<16xi32>
      %broadcast_in_dim3A_1736 = vector.broadcast %reduce_sum3A_1735 : i32 to vector<16xi32>
      %iota3A_1737 = tpu.iota {dimensions = array<i32: 0>} : vector<16xi32>
      %gather3A_1738 = arith.constant 6 : i32
      %gather3A_1739 = arith.constant 0 : i32
      %gather3A_1740 = arith.constant 0 : i32
      %gather3A_1741 = tpu.memref_slice %arg9[%gather3A_1738, %gather3A_1739, %gather3A_1740] : memref<16x16x128xf32, #tpu.memory_space<vmem>> -> memref<1x16x128xf32, #tpu.memory_space<vmem>>
      %gather3A_1742 = tpu.memref_squeeze %gather3A_1741 : memref<1x16x128xf32, #tpu.memory_space<vmem>> -> memref<16x128xf32, #tpu.memory_space<vmem>>
      %gather3A_1743 = tpu.vector_load_idx %gather3A_1742[%iota3A_1737, %broadcast_in_dim3A_1724] : memref<16x128xf32, #tpu.memory_space<vmem>>[vector<16xi32>, vector<16xi32>], vector<16xf32>,
      %iota3A_1744 = tpu.iota {dimensions = array<i32: 0>} : vector<16xi32>
      %gather3A_1745 = arith.constant 6 : i32
      %gather3A_1746 = arith.constant 0 : i32
      %gather3A_1747 = arith.constant 0 : i32
      %gather3A_1748 = tpu.memref_slice %arg10[%gather3A_1745, %gather3A_1746, %gather3A_1747] : memref<16x16x128xf32, #tpu.memory_space<vmem>> -> memref<1x16x128xf32, #tpu.memory_space<vmem>>
      %gather3A_1749 = tpu.memref_squeeze %gather3A_1748 : memref<1x16x128xf32, #tpu.memory_space<vmem>> -> memref<16x128xf32, #tpu.memory_space<vmem>>
      %gather3A_1750 = tpu.vector_load_idx %gather3A_1749[%iota3A_1744, %broadcast_in_dim3A_1736] : memref<16x128xf32, #tpu.memory_space<vmem>>[vector<16xi32>, vector<16xi32>], vector<16xf32>,
      %add3A_1751 = arith.constant 6 : i32
      %add3A_1752 = arith.addi %mul3A_1209, %add3A_1751 : i32
      %broadcast_in_dim3A_1753 = vector.broadcast %add3A_1752 : i32 to vector<16xi32>
      %iota3A_1754 = tpu.iota {dimensions = array<i32: 0>} : vector<16xi32>
      tpu.vector_store_idx %arg11[%iota3A_1754, %broadcast_in_dim3A_1753], %gather3A_1743 : memref<16x512xf32, #tpu.memory_space<vmem>>[vector<16xi32>, vector<16xi32>], vector<16xf32>,
      %iota3A_1755 = tpu.iota {dimensions = array<i32: 0>} : vector<16xi32>
      tpu.vector_store_idx %arg12[%iota3A_1755, %broadcast_in_dim3A_1753], %gather3A_1750 : memref<16x512xf32, #tpu.memory_space<vmem>>[vector<16xi32>, vector<16xi32>], vector<16xf32>,
      %lt3A_1756 = arith.constant 32 : i32
      %lt3A_1757 = arith.cmpi slt, %add3A_810, %lt3A_1756 : i32
      %convert_element_type3A_1758 = arith.extui %lt3A_1757 : i1 to i32
      %cond3A_1759 = arith.constant 0 : i32
      %cond3A_1760 = arith.cmpi ne, %convert_element_type3A_1758, %cond3A_1759 : i32
      scf.if %cond3A_1760 {
        %dma_start3A_2714 = arith.constant 6 : i32
        %dma_start3A_2715 = arith.constant 0 : i32
        %dma_start3A_2716 = arith.constant 0 : i32
        %dma_start3A_2717 = tpu.memref_slice %arg9[%dma_start3A_2714, %dma_start3A_2715, %dma_start3A_2716] : memref<16x16x128xf32, #tpu.memory_space<vmem>> -> memref<1x16x128xf32, #tpu.memory_space<vmem>>
        %dma_start3A_2718 = tpu.memref_squeeze %dma_start3A_2717 : memref<1x16x128xf32, #tpu.memory_space<vmem>> -> memref<16x128xf32, #tpu.memory_space<vmem>>
        %dma_start3A_2719 = arith.constant 0 : i32
        %dma_start3A_2720 = tpu.memref_slice %arg4[%dma_start3A_2719, %multiple_of3A_907] : memref<16x1000000xf32, #tpu.memory_space<hbm>> -> memref<16x128xf32, #tpu.memory_space<hbm>>
        %dma_start3A_2721 = arith.constant 0 : i32
        %dma_start3A_2722 = arith.constant 0 : i32
        %dma_start3A_2723 = tpu.memref_slice %arg9[%dma_start3A_2714, %dma_start3A_2721, %dma_start3A_2722] : memref<16x16x128xf32, #tpu.memory_space<vmem>> -> memref<1x16x128xf32, #tpu.memory_space<vmem>>
        %dma_start3A_2724 = tpu.memref_squeeze %dma_start3A_2723 : memref<1x16x128xf32, #tpu.memory_space<vmem>> -> memref<16x128xf32, #tpu.memory_space<vmem>>
        %dma_start3A_2725 = arith.constant 0 : i32
        %dma_start3A_2726 = tpu.memref_slice %arg4[%dma_start3A_2725, %multiple_of3A_907] : memref<16x1000000xf32, #tpu.memory_space<hbm>> -> memref<16x128xf32, #tpu.memory_space<hbm>>
        tpu.enqueue_dma source(%dma_start3A_2726 : memref<16x128xf32, #tpu.memory_space<hbm>>) target(%dma_start3A_2724 : memref<16x128xf32, #tpu.memory_space<vmem>>) target_semaphore(%arg14 : memref<!tpu.dma_semaphore, #tpu.memory_space<semaphore_mem>>)
        %dma_start3A_2727 = arith.constant 6 : i32
        %dma_start3A_2728 = arith.constant 0 : i32
        %dma_start3A_2729 = arith.constant 0 : i32
        %dma_start3A_2730 = tpu.memref_slice %arg10[%dma_start3A_2727, %dma_start3A_2728, %dma_start3A_2729] : memref<16x16x128xf32, #tpu.memory_space<vmem>> -> memref<1x16x128xf32, #tpu.memory_space<vmem>>
        %dma_start3A_2731 = tpu.memref_squeeze %dma_start3A_2730 : memref<1x16x128xf32, #tpu.memory_space<vmem>> -> memref<16x128xf32, #tpu.memory_space<vmem>>
        %dma_start3A_2732 = arith.constant 0 : i32
        %dma_start3A_2733 = tpu.memref_slice %arg5[%dma_start3A_2732, %multiple_of3A_1099] : memref<16x1000000xf32, #tpu.memory_space<hbm>> -> memref<16x128xf32, #tpu.memory_space<hbm>>
        %dma_start3A_2734 = arith.constant 0 : i32
        %dma_start3A_2735 = arith.constant 0 : i32
        %dma_start3A_2736 = tpu.memref_slice %arg10[%dma_start3A_2727, %dma_start3A_2734, %dma_start3A_2735] : memref<16x16x128xf32, #tpu.memory_space<vmem>> -> memref<1x16x128xf32, #tpu.memory_space<vmem>>
        %dma_start3A_2737 = tpu.memref_squeeze %dma_start3A_2736 : memref<1x16x128xf32, #tpu.memory_space<vmem>> -> memref<16x128xf32, #tpu.memory_space<vmem>>
        %dma_start3A_2738 = arith.constant 0 : i32
        %dma_start3A_2739 = tpu.memref_slice %arg5[%dma_start3A_2738, %multiple_of3A_1099] : memref<16x1000000xf32, #tpu.memory_space<hbm>> -> memref<16x128xf32, #tpu.memory_space<hbm>>
        tpu.enqueue_dma source(%dma_start3A_2739 : memref<16x128xf32, #tpu.memory_space<hbm>>) target(%dma_start3A_2737 : memref<16x128xf32, #tpu.memory_space<vmem>>) target_semaphore(%arg15 : memref<!tpu.dma_semaphore, #tpu.memory_space<semaphore_mem>>)
      } else {
      }
      %dma_wait3A_1761 = arith.constant 7 : i32
      %dma_wait3A_1762 = arith.constant 0 : i32
      %dma_wait3A_1763 = arith.constant 0 : i32
      %dma_wait3A_1764 = tpu.memref_slice %arg9[%dma_wait3A_1761, %dma_wait3A_1762, %dma_wait3A_1763] : memref<16x16x128xf32, #tpu.memory_space<vmem>> -> memref<1x16x128xf32, #tpu.memory_space<vmem>>
      %dma_wait3A_1765 = tpu.memref_squeeze %dma_wait3A_1764 : memref<1x16x128xf32, #tpu.memory_space<vmem>> -> memref<16x128xf32, #tpu.memory_space<vmem>>
      %dma_wait3A_1766 = arith.constant 0 : i32
      %dma_wait3A_1767 = arith.constant 0 : i32
      %dma_wait3A_1768 = tpu.memref_slice %arg4[%dma_wait3A_1766, %dma_wait3A_1767] : memref<16x1000000xf32, #tpu.memory_space<hbm>> -> memref<16x128xf32, #tpu.memory_space<hbm>>
      %dma_wait3A_1769 = arith.constant 0 : i32
      %dma_wait3A_1770 = arith.constant 0 : i32
      %dma_wait3A_1771 = tpu.memref_slice %arg9[%dma_wait3A_1761, %dma_wait3A_1769, %dma_wait3A_1770] : memref<16x16x128xf32, #tpu.memory_space<vmem>> -> memref<1x16x128xf32, #tpu.memory_space<vmem>>
      %dma_wait3A_1772 = tpu.memref_squeeze %dma_wait3A_1771 : memref<1x16x128xf32, #tpu.memory_space<vmem>> -> memref<16x128xf32, #tpu.memory_space<vmem>>
      %dma_wait3A_1773 = arith.constant 0 : i32
      %dma_wait3A_1774 = arith.constant 0 : i32
      %dma_wait3A_1775 = tpu.memref_slice %arg4[%dma_wait3A_1773, %dma_wait3A_1774] : memref<16x1000000xf32, #tpu.memory_space<hbm>> -> memref<16x128xf32, #tpu.memory_space<hbm>>
      tpu.wait_dma2 semaphore(%arg14 : memref<!tpu.dma_semaphore, #tpu.memory_space<semaphore_mem>>) src(%dma_wait3A_1775 : memref<16x128xf32, #tpu.memory_space<hbm>>) dst(%dma_wait3A_1772 : memref<16x128xf32, #tpu.memory_space<vmem>>)
      %dma_wait3A_1776 = arith.constant 7 : i32
      %dma_wait3A_1777 = arith.constant 0 : i32
      %dma_wait3A_1778 = arith.constant 0 : i32
      %dma_wait3A_1779 = tpu.memref_slice %arg10[%dma_wait3A_1776, %dma_wait3A_1777, %dma_wait3A_1778] : memref<16x16x128xf32, #tpu.memory_space<vmem>> -> memref<1x16x128xf32, #tpu.memory_space<vmem>>
      %dma_wait3A_1780 = tpu.memref_squeeze %dma_wait3A_1779 : memref<1x16x128xf32, #tpu.memory_space<vmem>> -> memref<16x128xf32, #tpu.memory_space<vmem>>
      %dma_wait3A_1781 = arith.constant 0 : i32
      %dma_wait3A_1782 = arith.constant 0 : i32
      %dma_wait3A_1783 = tpu.memref_slice %arg5[%dma_wait3A_1781, %dma_wait3A_1782] : memref<16x1000000xf32, #tpu.memory_space<hbm>> -> memref<16x128xf32, #tpu.memory_space<hbm>>
      %dma_wait3A_1784 = arith.constant 0 : i32
      %dma_wait3A_1785 = arith.constant 0 : i32
      %dma_wait3A_1786 = tpu.memref_slice %arg10[%dma_wait3A_1776, %dma_wait3A_1784, %dma_wait3A_1785] : memref<16x16x128xf32, #tpu.memory_space<vmem>> -> memref<1x16x128xf32, #tpu.memory_space<vmem>>
      %dma_wait3A_1787 = tpu.memref_squeeze %dma_wait3A_1786 : memref<1x16x128xf32, #tpu.memory_space<vmem>> -> memref<16x128xf32, #tpu.memory_space<vmem>>
      %dma_wait3A_1788 = arith.constant 0 : i32
      %dma_wait3A_1789 = arith.constant 0 : i32
      %dma_wait3A_1790 = tpu.memref_slice %arg5[%dma_wait3A_1788, %dma_wait3A_1789] : memref<16x1000000xf32, #tpu.memory_space<hbm>> -> memref<16x128xf32, #tpu.memory_space<hbm>>
      tpu.wait_dma2 semaphore(%arg15 : memref<!tpu.dma_semaphore, #tpu.memory_space<semaphore_mem>>) src(%dma_wait3A_1790 : memref<16x128xf32, #tpu.memory_space<hbm>>) dst(%dma_wait3A_1787 : memref<16x128xf32, #tpu.memory_space<vmem>>)
      %iota3A_1791 = tpu.iota {dimensions = array<i32: 0>} : vector<16xi32>
      %eq3A_1792 = arith.constant 7 : i32
      %eq3A_1793 = vector.broadcast %eq3A_1792 : i32 to vector<16xi32>
      %eq3A_1794 = arith.cmpi eq, %iota3A_1791, %eq3A_1793 : vector<16xi32>
      %jit3A_1795 = arith.constant 0 : i32
      %broadcast_in_dim3A_1796 = vector.broadcast %jit3A_1795 : i32 to vector<16xi32>
      %select_n3A_1797 = arith.select %eq3A_1794, %and3A_1214, %broadcast_in_dim3A_1796 : vector<16xi1>, vector<16xi32>
      %reduce_sum3A_1798 = arith.constant true
      %reduce_sum3A_1799 = vector.broadcast %reduce_sum3A_1798 : i1 to vector<16xi1>
      %reduce_sum3A_1800 = tpu.scan <sum>, %select_n3A_1797 masked %reduce_sum3A_1799 : vector<16xi32>, vector<16xi1> -> vector<16xi32>
      %reduce_sum3A_1801 = vector.extract %reduce_sum3A_1800[15] : i32 from vector<16xi32>
      %broadcast_in_dim3A_1802 = vector.broadcast %reduce_sum3A_1801 : i32 to vector<16xi32>
      %iota3A_1803 = tpu.iota {dimensions = array<i32: 0>} : vector<16xi32>
      %eq3A_1804 = arith.constant 7 : i32
      %eq3A_1805 = vector.broadcast %eq3A_1804 : i32 to vector<16xi32>
      %eq3A_1806 = arith.cmpi eq, %iota3A_1803, %eq3A_1805 : vector<16xi32>
      %jit3A_1807 = arith.constant 0 : i32
      %broadcast_in_dim3A_1808 = vector.broadcast %jit3A_1807 : i32 to vector<16xi32>
      %select_n3A_1809 = arith.select %eq3A_1806, %and3A_1219, %broadcast_in_dim3A_1808 : vector<16xi1>, vector<16xi32>
      %reduce_sum3A_1810 = arith.constant true
      %reduce_sum3A_1811 = vector.broadcast %reduce_sum3A_1810 : i1 to vector<16xi1>
      %reduce_sum3A_1812 = tpu.scan <sum>, %select_n3A_1809 masked %reduce_sum3A_1811 : vector<16xi32>, vector<16xi1> -> vector<16xi32>
      %reduce_sum3A_1813 = vector.extract %reduce_sum3A_1812[15] : i32 from vector<16xi32>
      %broadcast_in_dim3A_1814 = vector.broadcast %reduce_sum3A_1813 : i32 to vector<16xi32>
      %iota3A_1815 = tpu.iota {dimensions = array<i32: 0>} : vector<16xi32>
      %gather3A_1816 = arith.constant 7 : i32
      %gather3A_1817 = arith.constant 0 : i32
      %gather3A_1818 = arith.constant 0 : i32
      %gather3A_1819 = tpu.memref_slice %arg9[%gather3A_1816, %gather3A_1817, %gather3A_1818] : memref<16x16x128xf32, #tpu.memory_space<vmem>> -> memref<1x16x128xf32, #tpu.memory_space<vmem>>
      %gather3A_1820 = tpu.memref_squeeze %gather3A_1819 : memref<1x16x128xf32, #tpu.memory_space<vmem>> -> memref<16x128xf32, #tpu.memory_space<vmem>>
      %gather3A_1821 = tpu.vector_load_idx %gather3A_1820[%iota3A_1815, %broadcast_in_dim3A_1802] : memref<16x128xf32, #tpu.memory_space<vmem>>[vector<16xi32>, vector<16xi32>], vector<16xf32>,
      %iota3A_1822 = tpu.iota {dimensions = array<i32: 0>} : vector<16xi32>
      %gather3A_1823 = arith.constant 7 : i32
      %gather3A_1824 = arith.constant 0 : i32
      %gather3A_1825 = arith.constant 0 : i32
      %gather3A_1826 = tpu.memref_slice %arg10[%gather3A_1823, %gather3A_1824, %gather3A_1825] : memref<16x16x128xf32, #tpu.memory_space<vmem>> -> memref<1x16x128xf32, #tpu.memory_space<vmem>>
      %gather3A_1827 = tpu.memref_squeeze %gather3A_1826 : memref<1x16x128xf32, #tpu.memory_space<vmem>> -> memref<16x128xf32, #tpu.memory_space<vmem>>
      %gather3A_1828 = tpu.vector_load_idx %gather3A_1827[%iota3A_1822, %broadcast_in_dim3A_1814] : memref<16x128xf32, #tpu.memory_space<vmem>>[vector<16xi32>, vector<16xi32>], vector<16xf32>,
      %add3A_1829 = arith.constant 7 : i32
      %add3A_1830 = arith.addi %mul3A_1209, %add3A_1829 : i32
      %broadcast_in_dim3A_1831 = vector.broadcast %add3A_1830 : i32 to vector<16xi32>
      %iota3A_1832 = tpu.iota {dimensions = array<i32: 0>} : vector<16xi32>
      tpu.vector_store_idx %arg11[%iota3A_1832, %broadcast_in_dim3A_1831], %gather3A_1821 : memref<16x512xf32, #tpu.memory_space<vmem>>[vector<16xi32>, vector<16xi32>], vector<16xf32>,
      %iota3A_1833 = tpu.iota {dimensions = array<i32: 0>} : vector<16xi32>
      tpu.vector_store_idx %arg12[%iota3A_1833, %broadcast_in_dim3A_1831], %gather3A_1828 : memref<16x512xf32, #tpu.memory_space<vmem>>[vector<16xi32>, vector<16xi32>], vector<16xf32>,
      %lt3A_1834 = arith.constant 32 : i32
      %lt3A_1835 = arith.cmpi slt, %add3A_810, %lt3A_1834 : i32
      %convert_element_type3A_1836 = arith.extui %lt3A_1835 : i1 to i32
      %cond3A_1837 = arith.constant 0 : i32
      %cond3A_1838 = arith.cmpi ne, %convert_element_type3A_1836, %cond3A_1837 : i32
      scf.if %cond3A_1838 {
        %dma_start3A_2714 = arith.constant 7 : i32
        %dma_start3A_2715 = arith.constant 0 : i32
        %dma_start3A_2716 = arith.constant 0 : i32
        %dma_start3A_2717 = tpu.memref_slice %arg9[%dma_start3A_2714, %dma_start3A_2715, %dma_start3A_2716] : memref<16x16x128xf32, #tpu.memory_space<vmem>> -> memref<1x16x128xf32, #tpu.memory_space<vmem>>
        %dma_start3A_2718 = tpu.memref_squeeze %dma_start3A_2717 : memref<1x16x128xf32, #tpu.memory_space<vmem>> -> memref<16x128xf32, #tpu.memory_space<vmem>>
        %dma_start3A_2719 = arith.constant 0 : i32
        %dma_start3A_2720 = tpu.memref_slice %arg4[%dma_start3A_2719, %multiple_of3A_919] : memref<16x1000000xf32, #tpu.memory_space<hbm>> -> memref<16x128xf32, #tpu.memory_space<hbm>>
        %dma_start3A_2721 = arith.constant 0 : i32
        %dma_start3A_2722 = arith.constant 0 : i32
        %dma_start3A_2723 = tpu.memref_slice %arg9[%dma_start3A_2714, %dma_start3A_2721, %dma_start3A_2722] : memref<16x16x128xf32, #tpu.memory_space<vmem>> -> memref<1x16x128xf32, #tpu.memory_space<vmem>>
        %dma_start3A_2724 = tpu.memref_squeeze %dma_start3A_2723 : memref<1x16x128xf32, #tpu.memory_space<vmem>> -> memref<16x128xf32, #tpu.memory_space<vmem>>
        %dma_start3A_2725 = arith.constant 0 : i32
        %dma_start3A_2726 = tpu.memref_slice %arg4[%dma_start3A_2725, %multiple_of3A_919] : memref<16x1000000xf32, #tpu.memory_space<hbm>> -> memref<16x128xf32, #tpu.memory_space<hbm>>
        tpu.enqueue_dma source(%dma_start3A_2726 : memref<16x128xf32, #tpu.memory_space<hbm>>) target(%dma_start3A_2724 : memref<16x128xf32, #tpu.memory_space<vmem>>) target_semaphore(%arg14 : memref<!tpu.dma_semaphore, #tpu.memory_space<semaphore_mem>>)
        %dma_start3A_2727 = arith.constant 7 : i32
        %dma_start3A_2728 = arith.constant 0 : i32
        %dma_start3A_2729 = arith.constant 0 : i32
        %dma_start3A_2730 = tpu.memref_slice %arg10[%dma_start3A_2727, %dma_start3A_2728, %dma_start3A_2729] : memref<16x16x128xf32, #tpu.memory_space<vmem>> -> memref<1x16x128xf32, #tpu.memory_space<vmem>>
        %dma_start3A_2731 = tpu.memref_squeeze %dma_start3A_2730 : memref<1x16x128xf32, #tpu.memory_space<vmem>> -> memref<16x128xf32, #tpu.memory_space<vmem>>
        %dma_start3A_2732 = arith.constant 0 : i32
        %dma_start3A_2733 = tpu.memref_slice %arg5[%dma_start3A_2732, %multiple_of3A_1111] : memref<16x1000000xf32, #tpu.memory_space<hbm>> -> memref<16x128xf32, #tpu.memory_space<hbm>>
        %dma_start3A_2734 = arith.constant 0 : i32
        %dma_start3A_2735 = arith.constant 0 : i32
        %dma_start3A_2736 = tpu.memref_slice %arg10[%dma_start3A_2727, %dma_start3A_2734, %dma_start3A_2735] : memref<16x16x128xf32, #tpu.memory_space<vmem>> -> memref<1x16x128xf32, #tpu.memory_space<vmem>>
        %dma_start3A_2737 = tpu.memref_squeeze %dma_start3A_2736 : memref<1x16x128xf32, #tpu.memory_space<vmem>> -> memref<16x128xf32, #tpu.memory_space<vmem>>
        %dma_start3A_2738 = arith.constant 0 : i32
        %dma_start3A_2739 = tpu.memref_slice %arg5[%dma_start3A_2738, %multiple_of3A_1111] : memref<16x1000000xf32, #tpu.memory_space<hbm>> -> memref<16x128xf32, #tpu.memory_space<hbm>>
        tpu.enqueue_dma source(%dma_start3A_2739 : memref<16x128xf32, #tpu.memory_space<hbm>>) target(%dma_start3A_2737 : memref<16x128xf32, #tpu.memory_space<vmem>>) target_semaphore(%arg15 : memref<!tpu.dma_semaphore, #tpu.memory_space<semaphore_mem>>)
      } else {
      }
      %dma_wait3A_1839 = arith.constant 8 : i32
      %dma_wait3A_1840 = arith.constant 0 : i32
      %dma_wait3A_1841 = arith.constant 0 : i32
      %dma_wait3A_1842 = tpu.memref_slice %arg9[%dma_wait3A_1839, %dma_wait3A_1840, %dma_wait3A_1841] : memref<16x16x128xf32, #tpu.memory_space<vmem>> -> memref<1x16x128xf32, #tpu.memory_space<vmem>>
      %dma_wait3A_1843 = tpu.memref_squeeze %dma_wait3A_1842 : memref<1x16x128xf32, #tpu.memory_space<vmem>> -> memref<16x128xf32, #tpu.memory_space<vmem>>
      %dma_wait3A_1844 = arith.constant 0 : i32
      %dma_wait3A_1845 = arith.constant 0 : i32
      %dma_wait3A_1846 = tpu.memref_slice %arg4[%dma_wait3A_1844, %dma_wait3A_1845] : memref<16x1000000xf32, #tpu.memory_space<hbm>> -> memref<16x128xf32, #tpu.memory_space<hbm>>
      %dma_wait3A_1847 = arith.constant 0 : i32
      %dma_wait3A_1848 = arith.constant 0 : i32
      %dma_wait3A_1849 = tpu.memref_slice %arg9[%dma_wait3A_1839, %dma_wait3A_1847, %dma_wait3A_1848] : memref<16x16x128xf32, #tpu.memory_space<vmem>> -> memref<1x16x128xf32, #tpu.memory_space<vmem>>
      %dma_wait3A_1850 = tpu.memref_squeeze %dma_wait3A_1849 : memref<1x16x128xf32, #tpu.memory_space<vmem>> -> memref<16x128xf32, #tpu.memory_space<vmem>>
      %dma_wait3A_1851 = arith.constant 0 : i32
      %dma_wait3A_1852 = arith.constant 0 : i32
      %dma_wait3A_1853 = tpu.memref_slice %arg4[%dma_wait3A_1851, %dma_wait3A_1852] : memref<16x1000000xf32, #tpu.memory_space<hbm>> -> memref<16x128xf32, #tpu.memory_space<hbm>>
      tpu.wait_dma2 semaphore(%arg14 : memref<!tpu.dma_semaphore, #tpu.memory_space<semaphore_mem>>) src(%dma_wait3A_1853 : memref<16x128xf32, #tpu.memory_space<hbm>>) dst(%dma_wait3A_1850 : memref<16x128xf32, #tpu.memory_space<vmem>>)
      %dma_wait3A_1854 = arith.constant 8 : i32
      %dma_wait3A_1855 = arith.constant 0 : i32
      %dma_wait3A_1856 = arith.constant 0 : i32
      %dma_wait3A_1857 = tpu.memref_slice %arg10[%dma_wait3A_1854, %dma_wait3A_1855, %dma_wait3A_1856] : memref<16x16x128xf32, #tpu.memory_space<vmem>> -> memref<1x16x128xf32, #tpu.memory_space<vmem>>
      %dma_wait3A_1858 = tpu.memref_squeeze %dma_wait3A_1857 : memref<1x16x128xf32, #tpu.memory_space<vmem>> -> memref<16x128xf32, #tpu.memory_space<vmem>>
      %dma_wait3A_1859 = arith.constant 0 : i32
      %dma_wait3A_1860 = arith.constant 0 : i32
      %dma_wait3A_1861 = tpu.memref_slice %arg5[%dma_wait3A_1859, %dma_wait3A_1860] : memref<16x1000000xf32, #tpu.memory_space<hbm>> -> memref<16x128xf32, #tpu.memory_space<hbm>>
      %dma_wait3A_1862 = arith.constant 0 : i32
      %dma_wait3A_1863 = arith.constant 0 : i32
      %dma_wait3A_1864 = tpu.memref_slice %arg10[%dma_wait3A_1854, %dma_wait3A_1862, %dma_wait3A_1863] : memref<16x16x128xf32, #tpu.memory_space<vmem>> -> memref<1x16x128xf32, #tpu.memory_space<vmem>>
      %dma_wait3A_1865 = tpu.memref_squeeze %dma_wait3A_1864 : memref<1x16x128xf32, #tpu.memory_space<vmem>> -> memref<16x128xf32, #tpu.memory_space<vmem>>
      %dma_wait3A_1866 = arith.constant 0 : i32
      %dma_wait3A_1867 = arith.constant 0 : i32
      %dma_wait3A_1868 = tpu.memref_slice %arg5[%dma_wait3A_1866, %dma_wait3A_1867] : memref<16x1000000xf32, #tpu.memory_space<hbm>> -> memref<16x128xf32, #tpu.memory_space<hbm>>
      tpu.wait_dma2 semaphore(%arg15 : memref<!tpu.dma_semaphore, #tpu.memory_space<semaphore_mem>>) src(%dma_wait3A_1868 : memref<16x128xf32, #tpu.memory_space<hbm>>) dst(%dma_wait3A_1865 : memref<16x128xf32, #tpu.memory_space<vmem>>)
      %iota3A_1869 = tpu.iota {dimensions = array<i32: 0>} : vector<16xi32>
      %eq3A_1870 = arith.constant 8 : i32
      %eq3A_1871 = vector.broadcast %eq3A_1870 : i32 to vector<16xi32>
      %eq3A_1872 = arith.cmpi eq, %iota3A_1869, %eq3A_1871 : vector<16xi32>
      %jit3A_1873 = arith.constant 0 : i32
      %broadcast_in_dim3A_1874 = vector.broadcast %jit3A_1873 : i32 to vector<16xi32>
      %select_n3A_1875 = arith.select %eq3A_1872, %and3A_1214, %broadcast_in_dim3A_1874 : vector<16xi1>, vector<16xi32>
      %reduce_sum3A_1876 = arith.constant true
      %reduce_sum3A_1877 = vector.broadcast %reduce_sum3A_1876 : i1 to vector<16xi1>
      %reduce_sum3A_1878 = tpu.scan <sum>, %select_n3A_1875 masked %reduce_sum3A_1877 : vector<16xi32>, vector<16xi1> -> vector<16xi32>
      %reduce_sum3A_1879 = vector.extract %reduce_sum3A_1878[15] : i32 from vector<16xi32>
      %broadcast_in_dim3A_1880 = vector.broadcast %reduce_sum3A_1879 : i32 to vector<16xi32>
      %iota3A_1881 = tpu.iota {dimensions = array<i32: 0>} : vector<16xi32>
      %eq3A_1882 = arith.constant 8 : i32
      %eq3A_1883 = vector.broadcast %eq3A_1882 : i32 to vector<16xi32>
      %eq3A_1884 = arith.cmpi eq, %iota3A_1881, %eq3A_1883 : vector<16xi32>
      %jit3A_1885 = arith.constant 0 : i32
      %broadcast_in_dim3A_1886 = vector.broadcast %jit3A_1885 : i32 to vector<16xi32>
      %select_n3A_1887 = arith.select %eq3A_1884, %and3A_1219, %broadcast_in_dim3A_1886 : vector<16xi1>, vector<16xi32>
      %reduce_sum3A_1888 = arith.constant true
      %reduce_sum3A_1889 = vector.broadcast %reduce_sum3A_1888 : i1 to vector<16xi1>
      %reduce_sum3A_1890 = tpu.scan <sum>, %select_n3A_1887 masked %reduce_sum3A_1889 : vector<16xi32>, vector<16xi1> -> vector<16xi32>
      %reduce_sum3A_1891 = vector.extract %reduce_sum3A_1890[15] : i32 from vector<16xi32>
      %broadcast_in_dim3A_1892 = vector.broadcast %reduce_sum3A_1891 : i32 to vector<16xi32>
      %iota3A_1893 = tpu.iota {dimensions = array<i32: 0>} : vector<16xi32>
      %gather3A_1894 = arith.constant 8 : i32
      %gather3A_1895 = arith.constant 0 : i32
      %gather3A_1896 = arith.constant 0 : i32
      %gather3A_1897 = tpu.memref_slice %arg9[%gather3A_1894, %gather3A_1895, %gather3A_1896] : memref<16x16x128xf32, #tpu.memory_space<vmem>> -> memref<1x16x128xf32, #tpu.memory_space<vmem>>
      %gather3A_1898 = tpu.memref_squeeze %gather3A_1897 : memref<1x16x128xf32, #tpu.memory_space<vmem>> -> memref<16x128xf32, #tpu.memory_space<vmem>>
      %gather3A_1899 = tpu.vector_load_idx %gather3A_1898[%iota3A_1893, %broadcast_in_dim3A_1880] : memref<16x128xf32, #tpu.memory_space<vmem>>[vector<16xi32>, vector<16xi32>], vector<16xf32>,
      %iota3A_1900 = tpu.iota {dimensions = array<i32: 0>} : vector<16xi32>
      %gather3A_1901 = arith.constant 8 : i32
      %gather3A_1902 = arith.constant 0 : i32
      %gather3A_1903 = arith.constant 0 : i32
      %gather3A_1904 = tpu.memref_slice %arg10[%gather3A_1901, %gather3A_1902, %gather3A_1903] : memref<16x16x128xf32, #tpu.memory_space<vmem>> -> memref<1x16x128xf32, #tpu.memory_space<vmem>>
      %gather3A_1905 = tpu.memref_squeeze %gather3A_1904 : memref<1x16x128xf32, #tpu.memory_space<vmem>> -> memref<16x128xf32, #tpu.memory_space<vmem>>
      %gather3A_1906 = tpu.vector_load_idx %gather3A_1905[%iota3A_1900, %broadcast_in_dim3A_1892] : memref<16x128xf32, #tpu.memory_space<vmem>>[vector<16xi32>, vector<16xi32>], vector<16xf32>,
      %add3A_1907 = arith.constant 8 : i32
      %add3A_1908 = arith.addi %mul3A_1209, %add3A_1907 : i32
      %broadcast_in_dim3A_1909 = vector.broadcast %add3A_1908 : i32 to vector<16xi32>
      %iota3A_1910 = tpu.iota {dimensions = array<i32: 0>} : vector<16xi32>
      tpu.vector_store_idx %arg11[%iota3A_1910, %broadcast_in_dim3A_1909], %gather3A_1899 : memref<16x512xf32, #tpu.memory_space<vmem>>[vector<16xi32>, vector<16xi32>], vector<16xf32>,
      %iota3A_1911 = tpu.iota {dimensions = array<i32: 0>} : vector<16xi32>
      tpu.vector_store_idx %arg12[%iota3A_1911, %broadcast_in_dim3A_1909], %gather3A_1906 : memref<16x512xf32, #tpu.memory_space<vmem>>[vector<16xi32>, vector<16xi32>], vector<16xf32>,
      %lt3A_1912 = arith.constant 32 : i32
      %lt3A_1913 = arith.cmpi slt, %add3A_810, %lt3A_1912 : i32
      %convert_element_type3A_1914 = arith.extui %lt3A_1913 : i1 to i32
      %cond3A_1915 = arith.constant 0 : i32
      %cond3A_1916 = arith.cmpi ne, %convert_element_type3A_1914, %cond3A_1915 : i32
      scf.if %cond3A_1916 {
        %dma_start3A_2714 = arith.constant 8 : i32
        %dma_start3A_2715 = arith.constant 0 : i32
        %dma_start3A_2716 = arith.constant 0 : i32
        %dma_start3A_2717 = tpu.memref_slice %arg9[%dma_start3A_2714, %dma_start3A_2715, %dma_start3A_2716] : memref<16x16x128xf32, #tpu.memory_space<vmem>> -> memref<1x16x128xf32, #tpu.memory_space<vmem>>
        %dma_start3A_2718 = tpu.memref_squeeze %dma_start3A_2717 : memref<1x16x128xf32, #tpu.memory_space<vmem>> -> memref<16x128xf32, #tpu.memory_space<vmem>>
        %dma_start3A_2719 = arith.constant 0 : i32
        %dma_start3A_2720 = tpu.memref_slice %arg4[%dma_start3A_2719, %multiple_of3A_931] : memref<16x1000000xf32, #tpu.memory_space<hbm>> -> memref<16x128xf32, #tpu.memory_space<hbm>>
        %dma_start3A_2721 = arith.constant 0 : i32
        %dma_start3A_2722 = arith.constant 0 : i32
        %dma_start3A_2723 = tpu.memref_slice %arg9[%dma_start3A_2714, %dma_start3A_2721, %dma_start3A_2722] : memref<16x16x128xf32, #tpu.memory_space<vmem>> -> memref<1x16x128xf32, #tpu.memory_space<vmem>>
        %dma_start3A_2724 = tpu.memref_squeeze %dma_start3A_2723 : memref<1x16x128xf32, #tpu.memory_space<vmem>> -> memref<16x128xf32, #tpu.memory_space<vmem>>
        %dma_start3A_2725 = arith.constant 0 : i32
        %dma_start3A_2726 = tpu.memref_slice %arg4[%dma_start3A_2725, %multiple_of3A_931] : memref<16x1000000xf32, #tpu.memory_space<hbm>> -> memref<16x128xf32, #tpu.memory_space<hbm>>
        tpu.enqueue_dma source(%dma_start3A_2726 : memref<16x128xf32, #tpu.memory_space<hbm>>) target(%dma_start3A_2724 : memref<16x128xf32, #tpu.memory_space<vmem>>) target_semaphore(%arg14 : memref<!tpu.dma_semaphore, #tpu.memory_space<semaphore_mem>>)
        %dma_start3A_2727 = arith.constant 8 : i32
        %dma_start3A_2728 = arith.constant 0 : i32
        %dma_start3A_2729 = arith.constant 0 : i32
        %dma_start3A_2730 = tpu.memref_slice %arg10[%dma_start3A_2727, %dma_start3A_2728, %dma_start3A_2729] : memref<16x16x128xf32, #tpu.memory_space<vmem>> -> memref<1x16x128xf32, #tpu.memory_space<vmem>>
        %dma_start3A_2731 = tpu.memref_squeeze %dma_start3A_2730 : memref<1x16x128xf32, #tpu.memory_space<vmem>> -> memref<16x128xf32, #tpu.memory_space<vmem>>
        %dma_start3A_2732 = arith.constant 0 : i32
        %dma_start3A_2733 = tpu.memref_slice %arg5[%dma_start3A_2732, %multiple_of3A_1123] : memref<16x1000000xf32, #tpu.memory_space<hbm>> -> memref<16x128xf32, #tpu.memory_space<hbm>>
        %dma_start3A_2734 = arith.constant 0 : i32
        %dma_start3A_2735 = arith.constant 0 : i32
        %dma_start3A_2736 = tpu.memref_slice %arg10[%dma_start3A_2727, %dma_start3A_2734, %dma_start3A_2735] : memref<16x16x128xf32, #tpu.memory_space<vmem>> -> memref<1x16x128xf32, #tpu.memory_space<vmem>>
        %dma_start3A_2737 = tpu.memref_squeeze %dma_start3A_2736 : memref<1x16x128xf32, #tpu.memory_space<vmem>> -> memref<16x128xf32, #tpu.memory_space<vmem>>
        %dma_start3A_2738 = arith.constant 0 : i32
        %dma_start3A_2739 = tpu.memref_slice %arg5[%dma_start3A_2738, %multiple_of3A_1123] : memref<16x1000000xf32, #tpu.memory_space<hbm>> -> memref<16x128xf32, #tpu.memory_space<hbm>>
        tpu.enqueue_dma source(%dma_start3A_2739 : memref<16x128xf32, #tpu.memory_space<hbm>>) target(%dma_start3A_2737 : memref<16x128xf32, #tpu.memory_space<vmem>>) target_semaphore(%arg15 : memref<!tpu.dma_semaphore, #tpu.memory_space<semaphore_mem>>)
      } else {
      }
      %dma_wait3A_1917 = arith.constant 9 : i32
      %dma_wait3A_1918 = arith.constant 0 : i32
      %dma_wait3A_1919 = arith.constant 0 : i32
      %dma_wait3A_1920 = tpu.memref_slice %arg9[%dma_wait3A_1917, %dma_wait3A_1918, %dma_wait3A_1919] : memref<16x16x128xf32, #tpu.memory_space<vmem>> -> memref<1x16x128xf32, #tpu.memory_space<vmem>>
      %dma_wait3A_1921 = tpu.memref_squeeze %dma_wait3A_1920 : memref<1x16x128xf32, #tpu.memory_space<vmem>> -> memref<16x128xf32, #tpu.memory_space<vmem>>
      %dma_wait3A_1922 = arith.constant 0 : i32
      %dma_wait3A_1923 = arith.constant 0 : i32
      %dma_wait3A_1924 = tpu.memref_slice %arg4[%dma_wait3A_1922, %dma_wait3A_1923] : memref<16x1000000xf32, #tpu.memory_space<hbm>> -> memref<16x128xf32, #tpu.memory_space<hbm>>
      %dma_wait3A_1925 = arith.constant 0 : i32
      %dma_wait3A_1926 = arith.constant 0 : i32
      %dma_wait3A_1927 = tpu.memref_slice %arg9[%dma_wait3A_1917, %dma_wait3A_1925, %dma_wait3A_1926] : memref<16x16x128xf32, #tpu.memory_space<vmem>> -> memref<1x16x128xf32, #tpu.memory_space<vmem>>
      %dma_wait3A_1928 = tpu.memref_squeeze %dma_wait3A_1927 : memref<1x16x128xf32, #tpu.memory_space<vmem>> -> memref<16x128xf32, #tpu.memory_space<vmem>>
      %dma_wait3A_1929 = arith.constant 0 : i32
      %dma_wait3A_1930 = arith.constant 0 : i32
      %dma_wait3A_1931 = tpu.memref_slice %arg4[%dma_wait3A_1929, %dma_wait3A_1930] : memref<16x1000000xf32, #tpu.memory_space<hbm>> -> memref<16x128xf32, #tpu.memory_space<hbm>>
      tpu.wait_dma2 semaphore(%arg14 : memref<!tpu.dma_semaphore, #tpu.memory_space<semaphore_mem>>) src(%dma_wait3A_1931 : memref<16x128xf32, #tpu.memory_space<hbm>>) dst(%dma_wait3A_1928 : memref<16x128xf32, #tpu.memory_space<vmem>>)
      %dma_wait3A_1932 = arith.constant 9 : i32
      %dma_wait3A_1933 = arith.constant 0 : i32
      %dma_wait3A_1934 = arith.constant 0 : i32
      %dma_wait3A_1935 = tpu.memref_slice %arg10[%dma_wait3A_1932, %dma_wait3A_1933, %dma_wait3A_1934] : memref<16x16x128xf32, #tpu.memory_space<vmem>> -> memref<1x16x128xf32, #tpu.memory_space<vmem>>
      %dma_wait3A_1936 = tpu.memref_squeeze %dma_wait3A_1935 : memref<1x16x128xf32, #tpu.memory_space<vmem>> -> memref<16x128xf32, #tpu.memory_space<vmem>>
      %dma_wait3A_1937 = arith.constant 0 : i32
      %dma_wait3A_1938 = arith.constant 0 : i32
      %dma_wait3A_1939 = tpu.memref_slice %arg5[%dma_wait3A_1937, %dma_wait3A_1938] : memref<16x1000000xf32, #tpu.memory_space<hbm>> -> memref<16x128xf32, #tpu.memory_space<hbm>>
      %dma_wait3A_1940 = arith.constant 0 : i32
      %dma_wait3A_1941 = arith.constant 0 : i32
      %dma_wait3A_1942 = tpu.memref_slice %arg10[%dma_wait3A_1932, %dma_wait3A_1940, %dma_wait3A_1941] : memref<16x16x128xf32, #tpu.memory_space<vmem>> -> memref<1x16x128xf32, #tpu.memory_space<vmem>>
      %dma_wait3A_1943 = tpu.memref_squeeze %dma_wait3A_1942 : memref<1x16x128xf32, #tpu.memory_space<vmem>> -> memref<16x128xf32, #tpu.memory_space<vmem>>
      %dma_wait3A_1944 = arith.constant 0 : i32
      %dma_wait3A_1945 = arith.constant 0 : i32
      %dma_wait3A_1946 = tpu.memref_slice %arg5[%dma_wait3A_1944, %dma_wait3A_1945] : memref<16x1000000xf32, #tpu.memory_space<hbm>> -> memref<16x128xf32, #tpu.memory_space<hbm>>
      tpu.wait_dma2 semaphore(%arg15 : memref<!tpu.dma_semaphore, #tpu.memory_space<semaphore_mem>>) src(%dma_wait3A_1946 : memref<16x128xf32, #tpu.memory_space<hbm>>) dst(%dma_wait3A_1943 : memref<16x128xf32, #tpu.memory_space<vmem>>)
      %iota3A_1947 = tpu.iota {dimensions = array<i32: 0>} : vector<16xi32>
      %eq3A_1948 = arith.constant 9 : i32
      %eq3A_1949 = vector.broadcast %eq3A_1948 : i32 to vector<16xi32>
      %eq3A_1950 = arith.cmpi eq, %iota3A_1947, %eq3A_1949 : vector<16xi32>
      %jit3A_1951 = arith.constant 0 : i32
      %broadcast_in_dim3A_1952 = vector.broadcast %jit3A_1951 : i32 to vector<16xi32>
      %select_n3A_1953 = arith.select %eq3A_1950, %and3A_1214, %broadcast_in_dim3A_1952 : vector<16xi1>, vector<16xi32>
      %reduce_sum3A_1954 = arith.constant true
      %reduce_sum3A_1955 = vector.broadcast %reduce_sum3A_1954 : i1 to vector<16xi1>
      %reduce_sum3A_1956 = tpu.scan <sum>, %select_n3A_1953 masked %reduce_sum3A_1955 : vector<16xi32>, vector<16xi1> -> vector<16xi32>
      %reduce_sum3A_1957 = vector.extract %reduce_sum3A_1956[15] : i32 from vector<16xi32>
      %broadcast_in_dim3A_1958 = vector.broadcast %reduce_sum3A_1957 : i32 to vector<16xi32>
      %iota3A_1959 = tpu.iota {dimensions = array<i32: 0>} : vector<16xi32>
      %eq3A_1960 = arith.constant 9 : i32
      %eq3A_1961 = vector.broadcast %eq3A_1960 : i32 to vector<16xi32>
      %eq3A_1962 = arith.cmpi eq, %iota3A_1959, %eq3A_1961 : vector<16xi32>
      %jit3A_1963 = arith.constant 0 : i32
      %broadcast_in_dim3A_1964 = vector.broadcast %jit3A_1963 : i32 to vector<16xi32>
      %select_n3A_1965 = arith.select %eq3A_1962, %and3A_1219, %broadcast_in_dim3A_1964 : vector<16xi1>, vector<16xi32>
      %reduce_sum3A_1966 = arith.constant true
      %reduce_sum3A_1967 = vector.broadcast %reduce_sum3A_1966 : i1 to vector<16xi1>
      %reduce_sum3A_1968 = tpu.scan <sum>, %select_n3A_1965 masked %reduce_sum3A_1967 : vector<16xi32>, vector<16xi1> -> vector<16xi32>
      %reduce_sum3A_1969 = vector.extract %reduce_sum3A_1968[15] : i32 from vector<16xi32>
      %broadcast_in_dim3A_1970 = vector.broadcast %reduce_sum3A_1969 : i32 to vector<16xi32>
      %iota3A_1971 = tpu.iota {dimensions = array<i32: 0>} : vector<16xi32>
      %gather3A_1972 = arith.constant 9 : i32
      %gather3A_1973 = arith.constant 0 : i32
      %gather3A_1974 = arith.constant 0 : i32
      %gather3A_1975 = tpu.memref_slice %arg9[%gather3A_1972, %gather3A_1973, %gather3A_1974] : memref<16x16x128xf32, #tpu.memory_space<vmem>> -> memref<1x16x128xf32, #tpu.memory_space<vmem>>
      %gather3A_1976 = tpu.memref_squeeze %gather3A_1975 : memref<1x16x128xf32, #tpu.memory_space<vmem>> -> memref<16x128xf32, #tpu.memory_space<vmem>>
      %gather3A_1977 = tpu.vector_load_idx %gather3A_1976[%iota3A_1971, %broadcast_in_dim3A_1958] : memref<16x128xf32, #tpu.memory_space<vmem>>[vector<16xi32>, vector<16xi32>], vector<16xf32>,
      %iota3A_1978 = tpu.iota {dimensions = array<i32: 0>} : vector<16xi32>
      %gather3A_1979 = arith.constant 9 : i32
      %gather3A_1980 = arith.constant 0 : i32
      %gather3A_1981 = arith.constant 0 : i32
      %gather3A_1982 = tpu.memref_slice %arg10[%gather3A_1979, %gather3A_1980, %gather3A_1981] : memref<16x16x128xf32, #tpu.memory_space<vmem>> -> memref<1x16x128xf32, #tpu.memory_space<vmem>>
      %gather3A_1983 = tpu.memref_squeeze %gather3A_1982 : memref<1x16x128xf32, #tpu.memory_space<vmem>> -> memref<16x128xf32, #tpu.memory_space<vmem>>
      %gather3A_1984 = tpu.vector_load_idx %gather3A_1983[%iota3A_1978, %broadcast_in_dim3A_1970] : memref<16x128xf32, #tpu.memory_space<vmem>>[vector<16xi32>, vector<16xi32>], vector<16xf32>,
      %add3A_1985 = arith.constant 9 : i32
      %add3A_1986 = arith.addi %mul3A_1209, %add3A_1985 : i32
      %broadcast_in_dim3A_1987 = vector.broadcast %add3A_1986 : i32 to vector<16xi32>
      %iota3A_1988 = tpu.iota {dimensions = array<i32: 0>} : vector<16xi32>
      tpu.vector_store_idx %arg11[%iota3A_1988, %broadcast_in_dim3A_1987], %gather3A_1977 : memref<16x512xf32, #tpu.memory_space<vmem>>[vector<16xi32>, vector<16xi32>], vector<16xf32>,
      %iota3A_1989 = tpu.iota {dimensions = array<i32: 0>} : vector<16xi32>
      tpu.vector_store_idx %arg12[%iota3A_1989, %broadcast_in_dim3A_1987], %gather3A_1984 : memref<16x512xf32, #tpu.memory_space<vmem>>[vector<16xi32>, vector<16xi32>], vector<16xf32>,
      %lt3A_1990 = arith.constant 32 : i32
      %lt3A_1991 = arith.cmpi slt, %add3A_810, %lt3A_1990 : i32
      %convert_element_type3A_1992 = arith.extui %lt3A_1991 : i1 to i32
      %cond3A_1993 = arith.constant 0 : i32
      %cond3A_1994 = arith.cmpi ne, %convert_element_type3A_1992, %cond3A_1993 : i32
      scf.if %cond3A_1994 {
        %dma_start3A_2714 = arith.constant 9 : i32
        %dma_start3A_2715 = arith.constant 0 : i32
        %dma_start3A_2716 = arith.constant 0 : i32
        %dma_start3A_2717 = tpu.memref_slice %arg9[%dma_start3A_2714, %dma_start3A_2715, %dma_start3A_2716] : memref<16x16x128xf32, #tpu.memory_space<vmem>> -> memref<1x16x128xf32, #tpu.memory_space<vmem>>
        %dma_start3A_2718 = tpu.memref_squeeze %dma_start3A_2717 : memref<1x16x128xf32, #tpu.memory_space<vmem>> -> memref<16x128xf32, #tpu.memory_space<vmem>>
        %dma_start3A_2719 = arith.constant 0 : i32
        %dma_start3A_2720 = tpu.memref_slice %arg4[%dma_start3A_2719, %multiple_of3A_943] : memref<16x1000000xf32, #tpu.memory_space<hbm>> -> memref<16x128xf32, #tpu.memory_space<hbm>>
        %dma_start3A_2721 = arith.constant 0 : i32
        %dma_start3A_2722 = arith.constant 0 : i32
        %dma_start3A_2723 = tpu.memref_slice %arg9[%dma_start3A_2714, %dma_start3A_2721, %dma_start3A_2722] : memref<16x16x128xf32, #tpu.memory_space<vmem>> -> memref<1x16x128xf32, #tpu.memory_space<vmem>>
        %dma_start3A_2724 = tpu.memref_squeeze %dma_start3A_2723 : memref<1x16x128xf32, #tpu.memory_space<vmem>> -> memref<16x128xf32, #tpu.memory_space<vmem>>
        %dma_start3A_2725 = arith.constant 0 : i32
        %dma_start3A_2726 = tpu.memref_slice %arg4[%dma_start3A_2725, %multiple_of3A_943] : memref<16x1000000xf32, #tpu.memory_space<hbm>> -> memref<16x128xf32, #tpu.memory_space<hbm>>
        tpu.enqueue_dma source(%dma_start3A_2726 : memref<16x128xf32, #tpu.memory_space<hbm>>) target(%dma_start3A_2724 : memref<16x128xf32, #tpu.memory_space<vmem>>) target_semaphore(%arg14 : memref<!tpu.dma_semaphore, #tpu.memory_space<semaphore_mem>>)
        %dma_start3A_2727 = arith.constant 9 : i32
        %dma_start3A_2728 = arith.constant 0 : i32
        %dma_start3A_2729 = arith.constant 0 : i32
        %dma_start3A_2730 = tpu.memref_slice %arg10[%dma_start3A_2727, %dma_start3A_2728, %dma_start3A_2729] : memref<16x16x128xf32, #tpu.memory_space<vmem>> -> memref<1x16x128xf32, #tpu.memory_space<vmem>>
        %dma_start3A_2731 = tpu.memref_squeeze %dma_start3A_2730 : memref<1x16x128xf32, #tpu.memory_space<vmem>> -> memref<16x128xf32, #tpu.memory_space<vmem>>
        %dma_start3A_2732 = arith.constant 0 : i32
        %dma_start3A_2733 = tpu.memref_slice %arg5[%dma_start3A_2732, %multiple_of3A_1135] : memref<16x1000000xf32, #tpu.memory_space<hbm>> -> memref<16x128xf32, #tpu.memory_space<hbm>>
        %dma_start3A_2734 = arith.constant 0 : i32
        %dma_start3A_2735 = arith.constant 0 : i32
        %dma_start3A_2736 = tpu.memref_slice %arg10[%dma_start3A_2727, %dma_start3A_2734, %dma_start3A_2735] : memref<16x16x128xf32, #tpu.memory_space<vmem>> -> memref<1x16x128xf32, #tpu.memory_space<vmem>>
        %dma_start3A_2737 = tpu.memref_squeeze %dma_start3A_2736 : memref<1x16x128xf32, #tpu.memory_space<vmem>> -> memref<16x128xf32, #tpu.memory_space<vmem>>
        %dma_start3A_2738 = arith.constant 0 : i32
        %dma_start3A_2739 = tpu.memref_slice %arg5[%dma_start3A_2738, %multiple_of3A_1135] : memref<16x1000000xf32, #tpu.memory_space<hbm>> -> memref<16x128xf32, #tpu.memory_space<hbm>>
        tpu.enqueue_dma source(%dma_start3A_2739 : memref<16x128xf32, #tpu.memory_space<hbm>>) target(%dma_start3A_2737 : memref<16x128xf32, #tpu.memory_space<vmem>>) target_semaphore(%arg15 : memref<!tpu.dma_semaphore, #tpu.memory_space<semaphore_mem>>)
      } else {
      }
      %dma_wait3A_1995 = arith.constant 10 : i32
      %dma_wait3A_1996 = arith.constant 0 : i32
      %dma_wait3A_1997 = arith.constant 0 : i32
      %dma_wait3A_1998 = tpu.memref_slice %arg9[%dma_wait3A_1995, %dma_wait3A_1996, %dma_wait3A_1997] : memref<16x16x128xf32, #tpu.memory_space<vmem>> -> memref<1x16x128xf32, #tpu.memory_space<vmem>>
      %dma_wait3A_1999 = tpu.memref_squeeze %dma_wait3A_1998 : memref<1x16x128xf32, #tpu.memory_space<vmem>> -> memref<16x128xf32, #tpu.memory_space<vmem>>
      %dma_wait3A_2000 = arith.constant 0 : i32
      %dma_wait3A_2001 = arith.constant 0 : i32
      %dma_wait3A_2002 = tpu.memref_slice %arg4[%dma_wait3A_2000, %dma_wait3A_2001] : memref<16x1000000xf32, #tpu.memory_space<hbm>> -> memref<16x128xf32, #tpu.memory_space<hbm>>
      %dma_wait3A_2003 = arith.constant 0 : i32
      %dma_wait3A_2004 = arith.constant 0 : i32
      %dma_wait3A_2005 = tpu.memref_slice %arg9[%dma_wait3A_1995, %dma_wait3A_2003, %dma_wait3A_2004] : memref<16x16x128xf32, #tpu.memory_space<vmem>> -> memref<1x16x128xf32, #tpu.memory_space<vmem>>
      %dma_wait3A_2006 = tpu.memref_squeeze %dma_wait3A_2005 : memref<1x16x128xf32, #tpu.memory_space<vmem>> -> memref<16x128xf32, #tpu.memory_space<vmem>>
      %dma_wait3A_2007 = arith.constant 0 : i32
      %dma_wait3A_2008 = arith.constant 0 : i32
      %dma_wait3A_2009 = tpu.memref_slice %arg4[%dma_wait3A_2007, %dma_wait3A_2008] : memref<16x1000000xf32, #tpu.memory_space<hbm>> -> memref<16x128xf32, #tpu.memory_space<hbm>>
      tpu.wait_dma2 semaphore(%arg14 : memref<!tpu.dma_semaphore, #tpu.memory_space<semaphore_mem>>) src(%dma_wait3A_2009 : memref<16x128xf32, #tpu.memory_space<hbm>>) dst(%dma_wait3A_2006 : memref<16x128xf32, #tpu.memory_space<vmem>>)
      %dma_wait3A_2010 = arith.constant 10 : i32
      %dma_wait3A_2011 = arith.constant 0 : i32
      %dma_wait3A_2012 = arith.constant 0 : i32
      %dma_wait3A_2013 = tpu.memref_slice %arg10[%dma_wait3A_2010, %dma_wait3A_2011, %dma_wait3A_2012] : memref<16x16x128xf32, #tpu.memory_space<vmem>> -> memref<1x16x128xf32, #tpu.memory_space<vmem>>
      %dma_wait3A_2014 = tpu.memref_squeeze %dma_wait3A_2013 : memref<1x16x128xf32, #tpu.memory_space<vmem>> -> memref<16x128xf32, #tpu.memory_space<vmem>>
      %dma_wait3A_2015 = arith.constant 0 : i32
      %dma_wait3A_2016 = arith.constant 0 : i32
      %dma_wait3A_2017 = tpu.memref_slice %arg5[%dma_wait3A_2015, %dma_wait3A_2016] : memref<16x1000000xf32, #tpu.memory_space<hbm>> -> memref<16x128xf32, #tpu.memory_space<hbm>>
      %dma_wait3A_2018 = arith.constant 0 : i32
      %dma_wait3A_2019 = arith.constant 0 : i32
      %dma_wait3A_2020 = tpu.memref_slice %arg10[%dma_wait3A_2010, %dma_wait3A_2018, %dma_wait3A_2019] : memref<16x16x128xf32, #tpu.memory_space<vmem>> -> memref<1x16x128xf32, #tpu.memory_space<vmem>>
      %dma_wait3A_2021 = tpu.memref_squeeze %dma_wait3A_2020 : memref<1x16x128xf32, #tpu.memory_space<vmem>> -> memref<16x128xf32, #tpu.memory_space<vmem>>
      %dma_wait3A_2022 = arith.constant 0 : i32
      %dma_wait3A_2023 = arith.constant 0 : i32
      %dma_wait3A_2024 = tpu.memref_slice %arg5[%dma_wait3A_2022, %dma_wait3A_2023] : memref<16x1000000xf32, #tpu.memory_space<hbm>> -> memref<16x128xf32, #tpu.memory_space<hbm>>
      tpu.wait_dma2 semaphore(%arg15 : memref<!tpu.dma_semaphore, #tpu.memory_space<semaphore_mem>>) src(%dma_wait3A_2024 : memref<16x128xf32, #tpu.memory_space<hbm>>) dst(%dma_wait3A_2021 : memref<16x128xf32, #tpu.memory_space<vmem>>)
      %iota3A_2025 = tpu.iota {dimensions = array<i32: 0>} : vector<16xi32>
      %eq3A_2026 = arith.constant 10 : i32
      %eq3A_2027 = vector.broadcast %eq3A_2026 : i32 to vector<16xi32>
      %eq3A_2028 = arith.cmpi eq, %iota3A_2025, %eq3A_2027 : vector<16xi32>
      %jit3A_2029 = arith.constant 0 : i32
      %broadcast_in_dim3A_2030 = vector.broadcast %jit3A_2029 : i32 to vector<16xi32>
      %select_n3A_2031 = arith.select %eq3A_2028, %and3A_1214, %broadcast_in_dim3A_2030 : vector<16xi1>, vector<16xi32>
      %reduce_sum3A_2032 = arith.constant true
      %reduce_sum3A_2033 = vector.broadcast %reduce_sum3A_2032 : i1 to vector<16xi1>
      %reduce_sum3A_2034 = tpu.scan <sum>, %select_n3A_2031 masked %reduce_sum3A_2033 : vector<16xi32>, vector<16xi1> -> vector<16xi32>
      %reduce_sum3A_2035 = vector.extract %reduce_sum3A_2034[15] : i32 from vector<16xi32>
      %broadcast_in_dim3A_2036 = vector.broadcast %reduce_sum3A_2035 : i32 to vector<16xi32>
      %iota3A_2037 = tpu.iota {dimensions = array<i32: 0>} : vector<16xi32>
      %eq3A_2038 = arith.constant 10 : i32
      %eq3A_2039 = vector.broadcast %eq3A_2038 : i32 to vector<16xi32>
      %eq3A_2040 = arith.cmpi eq, %iota3A_2037, %eq3A_2039 : vector<16xi32>
      %jit3A_2041 = arith.constant 0 : i32
      %broadcast_in_dim3A_2042 = vector.broadcast %jit3A_2041 : i32 to vector<16xi32>
      %select_n3A_2043 = arith.select %eq3A_2040, %and3A_1219, %broadcast_in_dim3A_2042 : vector<16xi1>, vector<16xi32>
      %reduce_sum3A_2044 = arith.constant true
      %reduce_sum3A_2045 = vector.broadcast %reduce_sum3A_2044 : i1 to vector<16xi1>
      %reduce_sum3A_2046 = tpu.scan <sum>, %select_n3A_2043 masked %reduce_sum3A_2045 : vector<16xi32>, vector<16xi1> -> vector<16xi32>
      %reduce_sum3A_2047 = vector.extract %reduce_sum3A_2046[15] : i32 from vector<16xi32>
      %broadcast_in_dim3A_2048 = vector.broadcast %reduce_sum3A_2047 : i32 to vector<16xi32>
      %iota3A_2049 = tpu.iota {dimensions = array<i32: 0>} : vector<16xi32>
      %gather3A_2050 = arith.constant 10 : i32
      %gather3A_2051 = arith.constant 0 : i32
      %gather3A_2052 = arith.constant 0 : i32
      %gather3A_2053 = tpu.memref_slice %arg9[%gather3A_2050, %gather3A_2051, %gather3A_2052] : memref<16x16x128xf32, #tpu.memory_space<vmem>> -> memref<1x16x128xf32, #tpu.memory_space<vmem>>
      %gather3A_2054 = tpu.memref_squeeze %gather3A_2053 : memref<1x16x128xf32, #tpu.memory_space<vmem>> -> memref<16x128xf32, #tpu.memory_space<vmem>>
      %gather3A_2055 = tpu.vector_load_idx %gather3A_2054[%iota3A_2049, %broadcast_in_dim3A_2036] : memref<16x128xf32, #tpu.memory_space<vmem>>[vector<16xi32>, vector<16xi32>], vector<16xf32>,
      %iota3A_2056 = tpu.iota {dimensions = array<i32: 0>} : vector<16xi32>
      %gather3A_2057 = arith.constant 10 : i32
      %gather3A_2058 = arith.constant 0 : i32
      %gather3A_2059 = arith.constant 0 : i32
      %gather3A_2060 = tpu.memref_slice %arg10[%gather3A_2057, %gather3A_2058, %gather3A_2059] : memref<16x16x128xf32, #tpu.memory_space<vmem>> -> memref<1x16x128xf32, #tpu.memory_space<vmem>>
      %gather3A_2061 = tpu.memref_squeeze %gather3A_2060 : memref<1x16x128xf32, #tpu.memory_space<vmem>> -> memref<16x128xf32, #tpu.memory_space<vmem>>
      %gather3A_2062 = tpu.vector_load_idx %gather3A_2061[%iota3A_2056, %broadcast_in_dim3A_2048] : memref<16x128xf32, #tpu.memory_space<vmem>>[vector<16xi32>, vector<16xi32>], vector<16xf32>,
      %add3A_2063 = arith.constant 10 : i32
      %add3A_2064 = arith.addi %mul3A_1209, %add3A_2063 : i32
      %broadcast_in_dim3A_2065 = vector.broadcast %add3A_2064 : i32 to vector<16xi32>
      %iota3A_2066 = tpu.iota {dimensions = array<i32: 0>} : vector<16xi32>
      tpu.vector_store_idx %arg11[%iota3A_2066, %broadcast_in_dim3A_2065], %gather3A_2055 : memref<16x512xf32, #tpu.memory_space<vmem>>[vector<16xi32>, vector<16xi32>], vector<16xf32>,
      %iota3A_2067 = tpu.iota {dimensions = array<i32: 0>} : vector<16xi32>
      tpu.vector_store_idx %arg12[%iota3A_2067, %broadcast_in_dim3A_2065], %gather3A_2062 : memref<16x512xf32, #tpu.memory_space<vmem>>[vector<16xi32>, vector<16xi32>], vector<16xf32>,
      %lt3A_2068 = arith.constant 32 : i32
      %lt3A_2069 = arith.cmpi slt, %add3A_810, %lt3A_2068 : i32
      %convert_element_type3A_2070 = arith.extui %lt3A_2069 : i1 to i32
      %cond3A_2071 = arith.constant 0 : i32
      %cond3A_2072 = arith.cmpi ne, %convert_element_type3A_2070, %cond3A_2071 : i32
      scf.if %cond3A_2072 {
        %dma_start3A_2714 = arith.constant 10 : i32
        %dma_start3A_2715 = arith.constant 0 : i32
        %dma_start3A_2716 = arith.constant 0 : i32
        %dma_start3A_2717 = tpu.memref_slice %arg9[%dma_start3A_2714, %dma_start3A_2715, %dma_start3A_2716] : memref<16x16x128xf32, #tpu.memory_space<vmem>> -> memref<1x16x128xf32, #tpu.memory_space<vmem>>
        %dma_start3A_2718 = tpu.memref_squeeze %dma_start3A_2717 : memref<1x16x128xf32, #tpu.memory_space<vmem>> -> memref<16x128xf32, #tpu.memory_space<vmem>>
        %dma_start3A_2719 = arith.constant 0 : i32
        %dma_start3A_2720 = tpu.memref_slice %arg4[%dma_start3A_2719, %multiple_of3A_955] : memref<16x1000000xf32, #tpu.memory_space<hbm>> -> memref<16x128xf32, #tpu.memory_space<hbm>>
        %dma_start3A_2721 = arith.constant 0 : i32
        %dma_start3A_2722 = arith.constant 0 : i32
        %dma_start3A_2723 = tpu.memref_slice %arg9[%dma_start3A_2714, %dma_start3A_2721, %dma_start3A_2722] : memref<16x16x128xf32, #tpu.memory_space<vmem>> -> memref<1x16x128xf32, #tpu.memory_space<vmem>>
        %dma_start3A_2724 = tpu.memref_squeeze %dma_start3A_2723 : memref<1x16x128xf32, #tpu.memory_space<vmem>> -> memref<16x128xf32, #tpu.memory_space<vmem>>
        %dma_start3A_2725 = arith.constant 0 : i32
        %dma_start3A_2726 = tpu.memref_slice %arg4[%dma_start3A_2725, %multiple_of3A_955] : memref<16x1000000xf32, #tpu.memory_space<hbm>> -> memref<16x128xf32, #tpu.memory_space<hbm>>
        tpu.enqueue_dma source(%dma_start3A_2726 : memref<16x128xf32, #tpu.memory_space<hbm>>) target(%dma_start3A_2724 : memref<16x128xf32, #tpu.memory_space<vmem>>) target_semaphore(%arg14 : memref<!tpu.dma_semaphore, #tpu.memory_space<semaphore_mem>>)
        %dma_start3A_2727 = arith.constant 10 : i32
        %dma_start3A_2728 = arith.constant 0 : i32
        %dma_start3A_2729 = arith.constant 0 : i32
        %dma_start3A_2730 = tpu.memref_slice %arg10[%dma_start3A_2727, %dma_start3A_2728, %dma_start3A_2729] : memref<16x16x128xf32, #tpu.memory_space<vmem>> -> memref<1x16x128xf32, #tpu.memory_space<vmem>>
        %dma_start3A_2731 = tpu.memref_squeeze %dma_start3A_2730 : memref<1x16x128xf32, #tpu.memory_space<vmem>> -> memref<16x128xf32, #tpu.memory_space<vmem>>
        %dma_start3A_2732 = arith.constant 0 : i32
        %dma_start3A_2733 = tpu.memref_slice %arg5[%dma_start3A_2732, %multiple_of3A_1147] : memref<16x1000000xf32, #tpu.memory_space<hbm>> -> memref<16x128xf32, #tpu.memory_space<hbm>>
        %dma_start3A_2734 = arith.constant 0 : i32
        %dma_start3A_2735 = arith.constant 0 : i32
        %dma_start3A_2736 = tpu.memref_slice %arg10[%dma_start3A_2727, %dma_start3A_2734, %dma_start3A_2735] : memref<16x16x128xf32, #tpu.memory_space<vmem>> -> memref<1x16x128xf32, #tpu.memory_space<vmem>>
        %dma_start3A_2737 = tpu.memref_squeeze %dma_start3A_2736 : memref<1x16x128xf32, #tpu.memory_space<vmem>> -> memref<16x128xf32, #tpu.memory_space<vmem>>
        %dma_start3A_2738 = arith.constant 0 : i32
        %dma_start3A_2739 = tpu.memref_slice %arg5[%dma_start3A_2738, %multiple_of3A_1147] : memref<16x1000000xf32, #tpu.memory_space<hbm>> -> memref<16x128xf32, #tpu.memory_space<hbm>>
        tpu.enqueue_dma source(%dma_start3A_2739 : memref<16x128xf32, #tpu.memory_space<hbm>>) target(%dma_start3A_2737 : memref<16x128xf32, #tpu.memory_space<vmem>>) target_semaphore(%arg15 : memref<!tpu.dma_semaphore, #tpu.memory_space<semaphore_mem>>)
      } else {
      }
      %dma_wait3A_2073 = arith.constant 11 : i32
      %dma_wait3A_2074 = arith.constant 0 : i32
      %dma_wait3A_2075 = arith.constant 0 : i32
      %dma_wait3A_2076 = tpu.memref_slice %arg9[%dma_wait3A_2073, %dma_wait3A_2074, %dma_wait3A_2075] : memref<16x16x128xf32, #tpu.memory_space<vmem>> -> memref<1x16x128xf32, #tpu.memory_space<vmem>>
      %dma_wait3A_2077 = tpu.memref_squeeze %dma_wait3A_2076 : memref<1x16x128xf32, #tpu.memory_space<vmem>> -> memref<16x128xf32, #tpu.memory_space<vmem>>
      %dma_wait3A_2078 = arith.constant 0 : i32
      %dma_wait3A_2079 = arith.constant 0 : i32
      %dma_wait3A_2080 = tpu.memref_slice %arg4[%dma_wait3A_2078, %dma_wait3A_2079] : memref<16x1000000xf32, #tpu.memory_space<hbm>> -> memref<16x128xf32, #tpu.memory_space<hbm>>
      %dma_wait3A_2081 = arith.constant 0 : i32
      %dma_wait3A_2082 = arith.constant 0 : i32
      %dma_wait3A_2083 = tpu.memref_slice %arg9[%dma_wait3A_2073, %dma_wait3A_2081, %dma_wait3A_2082] : memref<16x16x128xf32, #tpu.memory_space<vmem>> -> memref<1x16x128xf32, #tpu.memory_space<vmem>>
      %dma_wait3A_2084 = tpu.memref_squeeze %dma_wait3A_2083 : memref<1x16x128xf32, #tpu.memory_space<vmem>> -> memref<16x128xf32, #tpu.memory_space<vmem>>
      %dma_wait3A_2085 = arith.constant 0 : i32
      %dma_wait3A_2086 = arith.constant 0 : i32
      %dma_wait3A_2087 = tpu.memref_slice %arg4[%dma_wait3A_2085, %dma_wait3A_2086] : memref<16x1000000xf32, #tpu.memory_space<hbm>> -> memref<16x128xf32, #tpu.memory_space<hbm>>
      tpu.wait_dma2 semaphore(%arg14 : memref<!tpu.dma_semaphore, #tpu.memory_space<semaphore_mem>>) src(%dma_wait3A_2087 : memref<16x128xf32, #tpu.memory_space<hbm>>) dst(%dma_wait3A_2084 : memref<16x128xf32, #tpu.memory_space<vmem>>)
      %dma_wait3A_2088 = arith.constant 11 : i32
      %dma_wait3A_2089 = arith.constant 0 : i32
      %dma_wait3A_2090 = arith.constant 0 : i32
      %dma_wait3A_2091 = tpu.memref_slice %arg10[%dma_wait3A_2088, %dma_wait3A_2089, %dma_wait3A_2090] : memref<16x16x128xf32, #tpu.memory_space<vmem>> -> memref<1x16x128xf32, #tpu.memory_space<vmem>>
      %dma_wait3A_2092 = tpu.memref_squeeze %dma_wait3A_2091 : memref<1x16x128xf32, #tpu.memory_space<vmem>> -> memref<16x128xf32, #tpu.memory_space<vmem>>
      %dma_wait3A_2093 = arith.constant 0 : i32
      %dma_wait3A_2094 = arith.constant 0 : i32
      %dma_wait3A_2095 = tpu.memref_slice %arg5[%dma_wait3A_2093, %dma_wait3A_2094] : memref<16x1000000xf32, #tpu.memory_space<hbm>> -> memref<16x128xf32, #tpu.memory_space<hbm>>
      %dma_wait3A_2096 = arith.constant 0 : i32
      %dma_wait3A_2097 = arith.constant 0 : i32
      %dma_wait3A_2098 = tpu.memref_slice %arg10[%dma_wait3A_2088, %dma_wait3A_2096, %dma_wait3A_2097] : memref<16x16x128xf32, #tpu.memory_space<vmem>> -> memref<1x16x128xf32, #tpu.memory_space<vmem>>
      %dma_wait3A_2099 = tpu.memref_squeeze %dma_wait3A_2098 : memref<1x16x128xf32, #tpu.memory_space<vmem>> -> memref<16x128xf32, #tpu.memory_space<vmem>>
      %dma_wait3A_2100 = arith.constant 0 : i32
      %dma_wait3A_2101 = arith.constant 0 : i32
      %dma_wait3A_2102 = tpu.memref_slice %arg5[%dma_wait3A_2100, %dma_wait3A_2101] : memref<16x1000000xf32, #tpu.memory_space<hbm>> -> memref<16x128xf32, #tpu.memory_space<hbm>>
      tpu.wait_dma2 semaphore(%arg15 : memref<!tpu.dma_semaphore, #tpu.memory_space<semaphore_mem>>) src(%dma_wait3A_2102 : memref<16x128xf32, #tpu.memory_space<hbm>>) dst(%dma_wait3A_2099 : memref<16x128xf32, #tpu.memory_space<vmem>>)
      %iota3A_2103 = tpu.iota {dimensions = array<i32: 0>} : vector<16xi32>
      %eq3A_2104 = arith.constant 11 : i32
      %eq3A_2105 = vector.broadcast %eq3A_2104 : i32 to vector<16xi32>
      %eq3A_2106 = arith.cmpi eq, %iota3A_2103, %eq3A_2105 : vector<16xi32>
      %jit3A_2107 = arith.constant 0 : i32
      %broadcast_in_dim3A_2108 = vector.broadcast %jit3A_2107 : i32 to vector<16xi32>
      %select_n3A_2109 = arith.select %eq3A_2106, %and3A_1214, %broadcast_in_dim3A_2108 : vector<16xi1>, vector<16xi32>
      %reduce_sum3A_2110 = arith.constant true
      %reduce_sum3A_2111 = vector.broadcast %reduce_sum3A_2110 : i1 to vector<16xi1>
      %reduce_sum3A_2112 = tpu.scan <sum>, %select_n3A_2109 masked %reduce_sum3A_2111 : vector<16xi32>, vector<16xi1> -> vector<16xi32>
      %reduce_sum3A_2113 = vector.extract %reduce_sum3A_2112[15] : i32 from vector<16xi32>
      %broadcast_in_dim3A_2114 = vector.broadcast %reduce_sum3A_2113 : i32 to vector<16xi32>
      %iota3A_2115 = tpu.iota {dimensions = array<i32: 0>} : vector<16xi32>
      %eq3A_2116 = arith.constant 11 : i32
      %eq3A_2117 = vector.broadcast %eq3A_2116 : i32 to vector<16xi32>
      %eq3A_2118 = arith.cmpi eq, %iota3A_2115, %eq3A_2117 : vector<16xi32>
      %jit3A_2119 = arith.constant 0 : i32
      %broadcast_in_dim3A_2120 = vector.broadcast %jit3A_2119 : i32 to vector<16xi32>
      %select_n3A_2121 = arith.select %eq3A_2118, %and3A_1219, %broadcast_in_dim3A_2120 : vector<16xi1>, vector<16xi32>
      %reduce_sum3A_2122 = arith.constant true
      %reduce_sum3A_2123 = vector.broadcast %reduce_sum3A_2122 : i1 to vector<16xi1>
      %reduce_sum3A_2124 = tpu.scan <sum>, %select_n3A_2121 masked %reduce_sum3A_2123 : vector<16xi32>, vector<16xi1> -> vector<16xi32>
      %reduce_sum3A_2125 = vector.extract %reduce_sum3A_2124[15] : i32 from vector<16xi32>
      %broadcast_in_dim3A_2126 = vector.broadcast %reduce_sum3A_2125 : i32 to vector<16xi32>
      %iota3A_2127 = tpu.iota {dimensions = array<i32: 0>} : vector<16xi32>
      %gather3A_2128 = arith.constant 11 : i32
      %gather3A_2129 = arith.constant 0 : i32
      %gather3A_2130 = arith.constant 0 : i32
      %gather3A_2131 = tpu.memref_slice %arg9[%gather3A_2128, %gather3A_2129, %gather3A_2130] : memref<16x16x128xf32, #tpu.memory_space<vmem>> -> memref<1x16x128xf32, #tpu.memory_space<vmem>>
      %gather3A_2132 = tpu.memref_squeeze %gather3A_2131 : memref<1x16x128xf32, #tpu.memory_space<vmem>> -> memref<16x128xf32, #tpu.memory_space<vmem>>
      %gather3A_2133 = tpu.vector_load_idx %gather3A_2132[%iota3A_2127, %broadcast_in_dim3A_2114] : memref<16x128xf32, #tpu.memory_space<vmem>>[vector<16xi32>, vector<16xi32>], vector<16xf32>,
      %iota3A_2134 = tpu.iota {dimensions = array<i32: 0>} : vector<16xi32>
      %gather3A_2135 = arith.constant 11 : i32
      %gather3A_2136 = arith.constant 0 : i32
      %gather3A_2137 = arith.constant 0 : i32
      %gather3A_2138 = tpu.memref_slice %arg10[%gather3A_2135, %gather3A_2136, %gather3A_2137] : memref<16x16x128xf32, #tpu.memory_space<vmem>> -> memref<1x16x128xf32, #tpu.memory_space<vmem>>
      %gather3A_2139 = tpu.memref_squeeze %gather3A_2138 : memref<1x16x128xf32, #tpu.memory_space<vmem>> -> memref<16x128xf32, #tpu.memory_space<vmem>>
      %gather3A_2140 = tpu.vector_load_idx %gather3A_2139[%iota3A_2134, %broadcast_in_dim3A_2126] : memref<16x128xf32, #tpu.memory_space<vmem>>[vector<16xi32>, vector<16xi32>], vector<16xf32>,
      %add3A_2141 = arith.constant 11 : i32
      %add3A_2142 = arith.addi %mul3A_1209, %add3A_2141 : i32
      %broadcast_in_dim3A_2143 = vector.broadcast %add3A_2142 : i32 to vector<16xi32>
      %iota3A_2144 = tpu.iota {dimensions = array<i32: 0>} : vector<16xi32>
      tpu.vector_store_idx %arg11[%iota3A_2144, %broadcast_in_dim3A_2143], %gather3A_2133 : memref<16x512xf32, #tpu.memory_space<vmem>>[vector<16xi32>, vector<16xi32>], vector<16xf32>,
      %iota3A_2145 = tpu.iota {dimensions = array<i32: 0>} : vector<16xi32>
      tpu.vector_store_idx %arg12[%iota3A_2145, %broadcast_in_dim3A_2143], %gather3A_2140 : memref<16x512xf32, #tpu.memory_space<vmem>>[vector<16xi32>, vector<16xi32>], vector<16xf32>,
      %lt3A_2146 = arith.constant 32 : i32
      %lt3A_2147 = arith.cmpi slt, %add3A_810, %lt3A_2146 : i32
      %convert_element_type3A_2148 = arith.extui %lt3A_2147 : i1 to i32
      %cond3A_2149 = arith.constant 0 : i32
      %cond3A_2150 = arith.cmpi ne, %convert_element_type3A_2148, %cond3A_2149 : i32
      scf.if %cond3A_2150 {
        %dma_start3A_2714 = arith.constant 11 : i32
        %dma_start3A_2715 = arith.constant 0 : i32
        %dma_start3A_2716 = arith.constant 0 : i32
        %dma_start3A_2717 = tpu.memref_slice %arg9[%dma_start3A_2714, %dma_start3A_2715, %dma_start3A_2716] : memref<16x16x128xf32, #tpu.memory_space<vmem>> -> memref<1x16x128xf32, #tpu.memory_space<vmem>>
        %dma_start3A_2718 = tpu.memref_squeeze %dma_start3A_2717 : memref<1x16x128xf32, #tpu.memory_space<vmem>> -> memref<16x128xf32, #tpu.memory_space<vmem>>
        %dma_start3A_2719 = arith.constant 0 : i32
        %dma_start3A_2720 = tpu.memref_slice %arg4[%dma_start3A_2719, %multiple_of3A_967] : memref<16x1000000xf32, #tpu.memory_space<hbm>> -> memref<16x128xf32, #tpu.memory_space<hbm>>
        %dma_start3A_2721 = arith.constant 0 : i32
        %dma_start3A_2722 = arith.constant 0 : i32
        %dma_start3A_2723 = tpu.memref_slice %arg9[%dma_start3A_2714, %dma_start3A_2721, %dma_start3A_2722] : memref<16x16x128xf32, #tpu.memory_space<vmem>> -> memref<1x16x128xf32, #tpu.memory_space<vmem>>
        %dma_start3A_2724 = tpu.memref_squeeze %dma_start3A_2723 : memref<1x16x128xf32, #tpu.memory_space<vmem>> -> memref<16x128xf32, #tpu.memory_space<vmem>>
        %dma_start3A_2725 = arith.constant 0 : i32
        %dma_start3A_2726 = tpu.memref_slice %arg4[%dma_start3A_2725, %multiple_of3A_967] : memref<16x1000000xf32, #tpu.memory_space<hbm>> -> memref<16x128xf32, #tpu.memory_space<hbm>>
        tpu.enqueue_dma source(%dma_start3A_2726 : memref<16x128xf32, #tpu.memory_space<hbm>>) target(%dma_start3A_2724 : memref<16x128xf32, #tpu.memory_space<vmem>>) target_semaphore(%arg14 : memref<!tpu.dma_semaphore, #tpu.memory_space<semaphore_mem>>)
        %dma_start3A_2727 = arith.constant 11 : i32
        %dma_start3A_2728 = arith.constant 0 : i32
        %dma_start3A_2729 = arith.constant 0 : i32
        %dma_start3A_2730 = tpu.memref_slice %arg10[%dma_start3A_2727, %dma_start3A_2728, %dma_start3A_2729] : memref<16x16x128xf32, #tpu.memory_space<vmem>> -> memref<1x16x128xf32, #tpu.memory_space<vmem>>
        %dma_start3A_2731 = tpu.memref_squeeze %dma_start3A_2730 : memref<1x16x128xf32, #tpu.memory_space<vmem>> -> memref<16x128xf32, #tpu.memory_space<vmem>>
        %dma_start3A_2732 = arith.constant 0 : i32
        %dma_start3A_2733 = tpu.memref_slice %arg5[%dma_start3A_2732, %multiple_of3A_1159] : memref<16x1000000xf32, #tpu.memory_space<hbm>> -> memref<16x128xf32, #tpu.memory_space<hbm>>
        %dma_start3A_2734 = arith.constant 0 : i32
        %dma_start3A_2735 = arith.constant 0 : i32
        %dma_start3A_2736 = tpu.memref_slice %arg10[%dma_start3A_2727, %dma_start3A_2734, %dma_start3A_2735] : memref<16x16x128xf32, #tpu.memory_space<vmem>> -> memref<1x16x128xf32, #tpu.memory_space<vmem>>
        %dma_start3A_2737 = tpu.memref_squeeze %dma_start3A_2736 : memref<1x16x128xf32, #tpu.memory_space<vmem>> -> memref<16x128xf32, #tpu.memory_space<vmem>>
        %dma_start3A_2738 = arith.constant 0 : i32
        %dma_start3A_2739 = tpu.memref_slice %arg5[%dma_start3A_2738, %multiple_of3A_1159] : memref<16x1000000xf32, #tpu.memory_space<hbm>> -> memref<16x128xf32, #tpu.memory_space<hbm>>
        tpu.enqueue_dma source(%dma_start3A_2739 : memref<16x128xf32, #tpu.memory_space<hbm>>) target(%dma_start3A_2737 : memref<16x128xf32, #tpu.memory_space<vmem>>) target_semaphore(%arg15 : memref<!tpu.dma_semaphore, #tpu.memory_space<semaphore_mem>>)
      } else {
      }
      %dma_wait3A_2151 = arith.constant 12 : i32
      %dma_wait3A_2152 = arith.constant 0 : i32
      %dma_wait3A_2153 = arith.constant 0 : i32
      %dma_wait3A_2154 = tpu.memref_slice %arg9[%dma_wait3A_2151, %dma_wait3A_2152, %dma_wait3A_2153] : memref<16x16x128xf32, #tpu.memory_space<vmem>> -> memref<1x16x128xf32, #tpu.memory_space<vmem>>
      %dma_wait3A_2155 = tpu.memref_squeeze %dma_wait3A_2154 : memref<1x16x128xf32, #tpu.memory_space<vmem>> -> memref<16x128xf32, #tpu.memory_space<vmem>>
      %dma_wait3A_2156 = arith.constant 0 : i32
      %dma_wait3A_2157 = arith.constant 0 : i32
      %dma_wait3A_2158 = tpu.memref_slice %arg4[%dma_wait3A_2156, %dma_wait3A_2157] : memref<16x1000000xf32, #tpu.memory_space<hbm>> -> memref<16x128xf32, #tpu.memory_space<hbm>>
      %dma_wait3A_2159 = arith.constant 0 : i32
      %dma_wait3A_2160 = arith.constant 0 : i32
      %dma_wait3A_2161 = tpu.memref_slice %arg9[%dma_wait3A_2151, %dma_wait3A_2159, %dma_wait3A_2160] : memref<16x16x128xf32, #tpu.memory_space<vmem>> -> memref<1x16x128xf32, #tpu.memory_space<vmem>>
      %dma_wait3A_2162 = tpu.memref_squeeze %dma_wait3A_2161 : memref<1x16x128xf32, #tpu.memory_space<vmem>> -> memref<16x128xf32, #tpu.memory_space<vmem>>
      %dma_wait3A_2163 = arith.constant 0 : i32
      %dma_wait3A_2164 = arith.constant 0 : i32
      %dma_wait3A_2165 = tpu.memref_slice %arg4[%dma_wait3A_2163, %dma_wait3A_2164] : memref<16x1000000xf32, #tpu.memory_space<hbm>> -> memref<16x128xf32, #tpu.memory_space<hbm>>
      tpu.wait_dma2 semaphore(%arg14 : memref<!tpu.dma_semaphore, #tpu.memory_space<semaphore_mem>>) src(%dma_wait3A_2165 : memref<16x128xf32, #tpu.memory_space<hbm>>) dst(%dma_wait3A_2162 : memref<16x128xf32, #tpu.memory_space<vmem>>)
      %dma_wait3A_2166 = arith.constant 12 : i32
      %dma_wait3A_2167 = arith.constant 0 : i32
      %dma_wait3A_2168 = arith.constant 0 : i32
      %dma_wait3A_2169 = tpu.memref_slice %arg10[%dma_wait3A_2166, %dma_wait3A_2167, %dma_wait3A_2168] : memref<16x16x128xf32, #tpu.memory_space<vmem>> -> memref<1x16x128xf32, #tpu.memory_space<vmem>>
      %dma_wait3A_2170 = tpu.memref_squeeze %dma_wait3A_2169 : memref<1x16x128xf32, #tpu.memory_space<vmem>> -> memref<16x128xf32, #tpu.memory_space<vmem>>
      %dma_wait3A_2171 = arith.constant 0 : i32
      %dma_wait3A_2172 = arith.constant 0 : i32
      %dma_wait3A_2173 = tpu.memref_slice %arg5[%dma_wait3A_2171, %dma_wait3A_2172] : memref<16x1000000xf32, #tpu.memory_space<hbm>> -> memref<16x128xf32, #tpu.memory_space<hbm>>
      %dma_wait3A_2174 = arith.constant 0 : i32
      %dma_wait3A_2175 = arith.constant 0 : i32
      %dma_wait3A_2176 = tpu.memref_slice %arg10[%dma_wait3A_2166, %dma_wait3A_2174, %dma_wait3A_2175] : memref<16x16x128xf32, #tpu.memory_space<vmem>> -> memref<1x16x128xf32, #tpu.memory_space<vmem>>
      %dma_wait3A_2177 = tpu.memref_squeeze %dma_wait3A_2176 : memref<1x16x128xf32, #tpu.memory_space<vmem>> -> memref<16x128xf32, #tpu.memory_space<vmem>>
      %dma_wait3A_2178 = arith.constant 0 : i32
      %dma_wait3A_2179 = arith.constant 0 : i32
      %dma_wait3A_2180 = tpu.memref_slice %arg5[%dma_wait3A_2178, %dma_wait3A_2179] : memref<16x1000000xf32, #tpu.memory_space<hbm>> -> memref<16x128xf32, #tpu.memory_space<hbm>>
      tpu.wait_dma2 semaphore(%arg15 : memref<!tpu.dma_semaphore, #tpu.memory_space<semaphore_mem>>) src(%dma_wait3A_2180 : memref<16x128xf32, #tpu.memory_space<hbm>>) dst(%dma_wait3A_2177 : memref<16x128xf32, #tpu.memory_space<vmem>>)
      %iota3A_2181 = tpu.iota {dimensions = array<i32: 0>} : vector<16xi32>
      %eq3A_2182 = arith.constant 12 : i32
      %eq3A_2183 = vector.broadcast %eq3A_2182 : i32 to vector<16xi32>
      %eq3A_2184 = arith.cmpi eq, %iota3A_2181, %eq3A_2183 : vector<16xi32>
      %jit3A_2185 = arith.constant 0 : i32
      %broadcast_in_dim3A_2186 = vector.broadcast %jit3A_2185 : i32 to vector<16xi32>
      %select_n3A_2187 = arith.select %eq3A_2184, %and3A_1214, %broadcast_in_dim3A_2186 : vector<16xi1>, vector<16xi32>
      %reduce_sum3A_2188 = arith.constant true
      %reduce_sum3A_2189 = vector.broadcast %reduce_sum3A_2188 : i1 to vector<16xi1>
      %reduce_sum3A_2190 = tpu.scan <sum>, %select_n3A_2187 masked %reduce_sum3A_2189 : vector<16xi32>, vector<16xi1> -> vector<16xi32>
      %reduce_sum3A_2191 = vector.extract %reduce_sum3A_2190[15] : i32 from vector<16xi32>
      %broadcast_in_dim3A_2192 = vector.broadcast %reduce_sum3A_2191 : i32 to vector<16xi32>
      %iota3A_2193 = tpu.iota {dimensions = array<i32: 0>} : vector<16xi32>
      %eq3A_2194 = arith.constant 12 : i32
      %eq3A_2195 = vector.broadcast %eq3A_2194 : i32 to vector<16xi32>
      %eq3A_2196 = arith.cmpi eq, %iota3A_2193, %eq3A_2195 : vector<16xi32>
      %jit3A_2197 = arith.constant 0 : i32
      %broadcast_in_dim3A_2198 = vector.broadcast %jit3A_2197 : i32 to vector<16xi32>
      %select_n3A_2199 = arith.select %eq3A_2196, %and3A_1219, %broadcast_in_dim3A_2198 : vector<16xi1>, vector<16xi32>
      %reduce_sum3A_2200 = arith.constant true
      %reduce_sum3A_2201 = vector.broadcast %reduce_sum3A_2200 : i1 to vector<16xi1>
      %reduce_sum3A_2202 = tpu.scan <sum>, %select_n3A_2199 masked %reduce_sum3A_2201 : vector<16xi32>, vector<16xi1> -> vector<16xi32>
      %reduce_sum3A_2203 = vector.extract %reduce_sum3A_2202[15] : i32 from vector<16xi32>
      %broadcast_in_dim3A_2204 = vector.broadcast %reduce_sum3A_2203 : i32 to vector<16xi32>
      %iota3A_2205 = tpu.iota {dimensions = array<i32: 0>} : vector<16xi32>
      %gather3A_2206 = arith.constant 12 : i32
      %gather3A_2207 = arith.constant 0 : i32
      %gather3A_2208 = arith.constant 0 : i32
      %gather3A_2209 = tpu.memref_slice %arg9[%gather3A_2206, %gather3A_2207, %gather3A_2208] : memref<16x16x128xf32, #tpu.memory_space<vmem>> -> memref<1x16x128xf32, #tpu.memory_space<vmem>>
      %gather3A_2210 = tpu.memref_squeeze %gather3A_2209 : memref<1x16x128xf32, #tpu.memory_space<vmem>> -> memref<16x128xf32, #tpu.memory_space<vmem>>
      %gather3A_2211 = tpu.vector_load_idx %gather3A_2210[%iota3A_2205, %broadcast_in_dim3A_2192] : memref<16x128xf32, #tpu.memory_space<vmem>>[vector<16xi32>, vector<16xi32>], vector<16xf32>,
      %iota3A_2212 = tpu.iota {dimensions = array<i32: 0>} : vector<16xi32>
      %gather3A_2213 = arith.constant 12 : i32
      %gather3A_2214 = arith.constant 0 : i32
      %gather3A_2215 = arith.constant 0 : i32
      %gather3A_2216 = tpu.memref_slice %arg10[%gather3A_2213, %gather3A_2214, %gather3A_2215] : memref<16x16x128xf32, #tpu.memory_space<vmem>> -> memref<1x16x128xf32, #tpu.memory_space<vmem>>
      %gather3A_2217 = tpu.memref_squeeze %gather3A_2216 : memref<1x16x128xf32, #tpu.memory_space<vmem>> -> memref<16x128xf32, #tpu.memory_space<vmem>>
      %gather3A_2218 = tpu.vector_load_idx %gather3A_2217[%iota3A_2212, %broadcast_in_dim3A_2204] : memref<16x128xf32, #tpu.memory_space<vmem>>[vector<16xi32>, vector<16xi32>], vector<16xf32>,
      %add3A_2219 = arith.constant 12 : i32
      %add3A_2220 = arith.addi %mul3A_1209, %add3A_2219 : i32
      %broadcast_in_dim3A_2221 = vector.broadcast %add3A_2220 : i32 to vector<16xi32>
      %iota3A_2222 = tpu.iota {dimensions = array<i32: 0>} : vector<16xi32>
      tpu.vector_store_idx %arg11[%iota3A_2222, %broadcast_in_dim3A_2221], %gather3A_2211 : memref<16x512xf32, #tpu.memory_space<vmem>>[vector<16xi32>, vector<16xi32>], vector<16xf32>,
      %iota3A_2223 = tpu.iota {dimensions = array<i32: 0>} : vector<16xi32>
      tpu.vector_store_idx %arg12[%iota3A_2223, %broadcast_in_dim3A_2221], %gather3A_2218 : memref<16x512xf32, #tpu.memory_space<vmem>>[vector<16xi32>, vector<16xi32>], vector<16xf32>,
      %lt3A_2224 = arith.constant 32 : i32
      %lt3A_2225 = arith.cmpi slt, %add3A_810, %lt3A_2224 : i32
      %convert_element_type3A_2226 = arith.extui %lt3A_2225 : i1 to i32
      %cond3A_2227 = arith.constant 0 : i32
      %cond3A_2228 = arith.cmpi ne, %convert_element_type3A_2226, %cond3A_2227 : i32
      scf.if %cond3A_2228 {
        %dma_start3A_2714 = arith.constant 12 : i32
        %dma_start3A_2715 = arith.constant 0 : i32
        %dma_start3A_2716 = arith.constant 0 : i32
        %dma_start3A_2717 = tpu.memref_slice %arg9[%dma_start3A_2714, %dma_start3A_2715, %dma_start3A_2716] : memref<16x16x128xf32, #tpu.memory_space<vmem>> -> memref<1x16x128xf32, #tpu.memory_space<vmem>>
        %dma_start3A_2718 = tpu.memref_squeeze %dma_start3A_2717 : memref<1x16x128xf32, #tpu.memory_space<vmem>> -> memref<16x128xf32, #tpu.memory_space<vmem>>
        %dma_start3A_2719 = arith.constant 0 : i32
        %dma_start3A_2720 = tpu.memref_slice %arg4[%dma_start3A_2719, %multiple_of3A_979] : memref<16x1000000xf32, #tpu.memory_space<hbm>> -> memref<16x128xf32, #tpu.memory_space<hbm>>
        %dma_start3A_2721 = arith.constant 0 : i32
        %dma_start3A_2722 = arith.constant 0 : i32
        %dma_start3A_2723 = tpu.memref_slice %arg9[%dma_start3A_2714, %dma_start3A_2721, %dma_start3A_2722] : memref<16x16x128xf32, #tpu.memory_space<vmem>> -> memref<1x16x128xf32, #tpu.memory_space<vmem>>
        %dma_start3A_2724 = tpu.memref_squeeze %dma_start3A_2723 : memref<1x16x128xf32, #tpu.memory_space<vmem>> -> memref<16x128xf32, #tpu.memory_space<vmem>>
        %dma_start3A_2725 = arith.constant 0 : i32
        %dma_start3A_2726 = tpu.memref_slice %arg4[%dma_start3A_2725, %multiple_of3A_979] : memref<16x1000000xf32, #tpu.memory_space<hbm>> -> memref<16x128xf32, #tpu.memory_space<hbm>>
        tpu.enqueue_dma source(%dma_start3A_2726 : memref<16x128xf32, #tpu.memory_space<hbm>>) target(%dma_start3A_2724 : memref<16x128xf32, #tpu.memory_space<vmem>>) target_semaphore(%arg14 : memref<!tpu.dma_semaphore, #tpu.memory_space<semaphore_mem>>)
        %dma_start3A_2727 = arith.constant 12 : i32
        %dma_start3A_2728 = arith.constant 0 : i32
        %dma_start3A_2729 = arith.constant 0 : i32
        %dma_start3A_2730 = tpu.memref_slice %arg10[%dma_start3A_2727, %dma_start3A_2728, %dma_start3A_2729] : memref<16x16x128xf32, #tpu.memory_space<vmem>> -> memref<1x16x128xf32, #tpu.memory_space<vmem>>
        %dma_start3A_2731 = tpu.memref_squeeze %dma_start3A_2730 : memref<1x16x128xf32, #tpu.memory_space<vmem>> -> memref<16x128xf32, #tpu.memory_space<vmem>>
        %dma_start3A_2732 = arith.constant 0 : i32
        %dma_start3A_2733 = tpu.memref_slice %arg5[%dma_start3A_2732, %multiple_of3A_1171] : memref<16x1000000xf32, #tpu.memory_space<hbm>> -> memref<16x128xf32, #tpu.memory_space<hbm>>
        %dma_start3A_2734 = arith.constant 0 : i32
        %dma_start3A_2735 = arith.constant 0 : i32
        %dma_start3A_2736 = tpu.memref_slice %arg10[%dma_start3A_2727, %dma_start3A_2734, %dma_start3A_2735] : memref<16x16x128xf32, #tpu.memory_space<vmem>> -> memref<1x16x128xf32, #tpu.memory_space<vmem>>
        %dma_start3A_2737 = tpu.memref_squeeze %dma_start3A_2736 : memref<1x16x128xf32, #tpu.memory_space<vmem>> -> memref<16x128xf32, #tpu.memory_space<vmem>>
        %dma_start3A_2738 = arith.constant 0 : i32
        %dma_start3A_2739 = tpu.memref_slice %arg5[%dma_start3A_2738, %multiple_of3A_1171] : memref<16x1000000xf32, #tpu.memory_space<hbm>> -> memref<16x128xf32, #tpu.memory_space<hbm>>
        tpu.enqueue_dma source(%dma_start3A_2739 : memref<16x128xf32, #tpu.memory_space<hbm>>) target(%dma_start3A_2737 : memref<16x128xf32, #tpu.memory_space<vmem>>) target_semaphore(%arg15 : memref<!tpu.dma_semaphore, #tpu.memory_space<semaphore_mem>>)
      } else {
      }
      %dma_wait3A_2229 = arith.constant 13 : i32
      %dma_wait3A_2230 = arith.constant 0 : i32
      %dma_wait3A_2231 = arith.constant 0 : i32
      %dma_wait3A_2232 = tpu.memref_slice %arg9[%dma_wait3A_2229, %dma_wait3A_2230, %dma_wait3A_2231] : memref<16x16x128xf32, #tpu.memory_space<vmem>> -> memref<1x16x128xf32, #tpu.memory_space<vmem>>
      %dma_wait3A_2233 = tpu.memref_squeeze %dma_wait3A_2232 : memref<1x16x128xf32, #tpu.memory_space<vmem>> -> memref<16x128xf32, #tpu.memory_space<vmem>>
      %dma_wait3A_2234 = arith.constant 0 : i32
      %dma_wait3A_2235 = arith.constant 0 : i32
      %dma_wait3A_2236 = tpu.memref_slice %arg4[%dma_wait3A_2234, %dma_wait3A_2235] : memref<16x1000000xf32, #tpu.memory_space<hbm>> -> memref<16x128xf32, #tpu.memory_space<hbm>>
      %dma_wait3A_2237 = arith.constant 0 : i32
      %dma_wait3A_2238 = arith.constant 0 : i32
      %dma_wait3A_2239 = tpu.memref_slice %arg9[%dma_wait3A_2229, %dma_wait3A_2237, %dma_wait3A_2238] : memref<16x16x128xf32, #tpu.memory_space<vmem>> -> memref<1x16x128xf32, #tpu.memory_space<vmem>>
      %dma_wait3A_2240 = tpu.memref_squeeze %dma_wait3A_2239 : memref<1x16x128xf32, #tpu.memory_space<vmem>> -> memref<16x128xf32, #tpu.memory_space<vmem>>
      %dma_wait3A_2241 = arith.constant 0 : i32
      %dma_wait3A_2242 = arith.constant 0 : i32
      %dma_wait3A_2243 = tpu.memref_slice %arg4[%dma_wait3A_2241, %dma_wait3A_2242] : memref<16x1000000xf32, #tpu.memory_space<hbm>> -> memref<16x128xf32, #tpu.memory_space<hbm>>
      tpu.wait_dma2 semaphore(%arg14 : memref<!tpu.dma_semaphore, #tpu.memory_space<semaphore_mem>>) src(%dma_wait3A_2243 : memref<16x128xf32, #tpu.memory_space<hbm>>) dst(%dma_wait3A_2240 : memref<16x128xf32, #tpu.memory_space<vmem>>)
      %dma_wait3A_2244 = arith.constant 13 : i32
      %dma_wait3A_2245 = arith.constant 0 : i32
      %dma_wait3A_2246 = arith.constant 0 : i32
      %dma_wait3A_2247 = tpu.memref_slice %arg10[%dma_wait3A_2244, %dma_wait3A_2245, %dma_wait3A_2246] : memref<16x16x128xf32, #tpu.memory_space<vmem>> -> memref<1x16x128xf32, #tpu.memory_space<vmem>>
      %dma_wait3A_2248 = tpu.memref_squeeze %dma_wait3A_2247 : memref<1x16x128xf32, #tpu.memory_space<vmem>> -> memref<16x128xf32, #tpu.memory_space<vmem>>
      %dma_wait3A_2249 = arith.constant 0 : i32
      %dma_wait3A_2250 = arith.constant 0 : i32
      %dma_wait3A_2251 = tpu.memref_slice %arg5[%dma_wait3A_2249, %dma_wait3A_2250] : memref<16x1000000xf32, #tpu.memory_space<hbm>> -> memref<16x128xf32, #tpu.memory_space<hbm>>
      %dma_wait3A_2252 = arith.constant 0 : i32
      %dma_wait3A_2253 = arith.constant 0 : i32
      %dma_wait3A_2254 = tpu.memref_slice %arg10[%dma_wait3A_2244, %dma_wait3A_2252, %dma_wait3A_2253] : memref<16x16x128xf32, #tpu.memory_space<vmem>> -> memref<1x16x128xf32, #tpu.memory_space<vmem>>
      %dma_wait3A_2255 = tpu.memref_squeeze %dma_wait3A_2254 : memref<1x16x128xf32, #tpu.memory_space<vmem>> -> memref<16x128xf32, #tpu.memory_space<vmem>>
      %dma_wait3A_2256 = arith.constant 0 : i32
      %dma_wait3A_2257 = arith.constant 0 : i32
      %dma_wait3A_2258 = tpu.memref_slice %arg5[%dma_wait3A_2256, %dma_wait3A_2257] : memref<16x1000000xf32, #tpu.memory_space<hbm>> -> memref<16x128xf32, #tpu.memory_space<hbm>>
      tpu.wait_dma2 semaphore(%arg15 : memref<!tpu.dma_semaphore, #tpu.memory_space<semaphore_mem>>) src(%dma_wait3A_2258 : memref<16x128xf32, #tpu.memory_space<hbm>>) dst(%dma_wait3A_2255 : memref<16x128xf32, #tpu.memory_space<vmem>>)
      %iota3A_2259 = tpu.iota {dimensions = array<i32: 0>} : vector<16xi32>
      %eq3A_2260 = arith.constant 13 : i32
      %eq3A_2261 = vector.broadcast %eq3A_2260 : i32 to vector<16xi32>
      %eq3A_2262 = arith.cmpi eq, %iota3A_2259, %eq3A_2261 : vector<16xi32>
      %jit3A_2263 = arith.constant 0 : i32
      %broadcast_in_dim3A_2264 = vector.broadcast %jit3A_2263 : i32 to vector<16xi32>
      %select_n3A_2265 = arith.select %eq3A_2262, %and3A_1214, %broadcast_in_dim3A_2264 : vector<16xi1>, vector<16xi32>
      %reduce_sum3A_2266 = arith.constant true
      %reduce_sum3A_2267 = vector.broadcast %reduce_sum3A_2266 : i1 to vector<16xi1>
      %reduce_sum3A_2268 = tpu.scan <sum>, %select_n3A_2265 masked %reduce_sum3A_2267 : vector<16xi32>, vector<16xi1> -> vector<16xi32>
      %reduce_sum3A_2269 = vector.extract %reduce_sum3A_2268[15] : i32 from vector<16xi32>
      %broadcast_in_dim3A_2270 = vector.broadcast %reduce_sum3A_2269 : i32 to vector<16xi32>
      %iota3A_2271 = tpu.iota {dimensions = array<i32: 0>} : vector<16xi32>
      %eq3A_2272 = arith.constant 13 : i32
      %eq3A_2273 = vector.broadcast %eq3A_2272 : i32 to vector<16xi32>
      %eq3A_2274 = arith.cmpi eq, %iota3A_2271, %eq3A_2273 : vector<16xi32>
      %jit3A_2275 = arith.constant 0 : i32
      %broadcast_in_dim3A_2276 = vector.broadcast %jit3A_2275 : i32 to vector<16xi32>
      %select_n3A_2277 = arith.select %eq3A_2274, %and3A_1219, %broadcast_in_dim3A_2276 : vector<16xi1>, vector<16xi32>
      %reduce_sum3A_2278 = arith.constant true
      %reduce_sum3A_2279 = vector.broadcast %reduce_sum3A_2278 : i1 to vector<16xi1>
      %reduce_sum3A_2280 = tpu.scan <sum>, %select_n3A_2277 masked %reduce_sum3A_2279 : vector<16xi32>, vector<16xi1> -> vector<16xi32>
      %reduce_sum3A_2281 = vector.extract %reduce_sum3A_2280[15] : i32 from vector<16xi32>
      %broadcast_in_dim3A_2282 = vector.broadcast %reduce_sum3A_2281 : i32 to vector<16xi32>
      %iota3A_2283 = tpu.iota {dimensions = array<i32: 0>} : vector<16xi32>
      %gather3A_2284 = arith.constant 13 : i32
      %gather3A_2285 = arith.constant 0 : i32
      %gather3A_2286 = arith.constant 0 : i32
      %gather3A_2287 = tpu.memref_slice %arg9[%gather3A_2284, %gather3A_2285, %gather3A_2286] : memref<16x16x128xf32, #tpu.memory_space<vmem>> -> memref<1x16x128xf32, #tpu.memory_space<vmem>>
      %gather3A_2288 = tpu.memref_squeeze %gather3A_2287 : memref<1x16x128xf32, #tpu.memory_space<vmem>> -> memref<16x128xf32, #tpu.memory_space<vmem>>
      %gather3A_2289 = tpu.vector_load_idx %gather3A_2288[%iota3A_2283, %broadcast_in_dim3A_2270] : memref<16x128xf32, #tpu.memory_space<vmem>>[vector<16xi32>, vector<16xi32>], vector<16xf32>,
      %iota3A_2290 = tpu.iota {dimensions = array<i32: 0>} : vector<16xi32>
      %gather3A_2291 = arith.constant 13 : i32
      %gather3A_2292 = arith.constant 0 : i32
      %gather3A_2293 = arith.constant 0 : i32
      %gather3A_2294 = tpu.memref_slice %arg10[%gather3A_2291, %gather3A_2292, %gather3A_2293] : memref<16x16x128xf32, #tpu.memory_space<vmem>> -> memref<1x16x128xf32, #tpu.memory_space<vmem>>
      %gather3A_2295 = tpu.memref_squeeze %gather3A_2294 : memref<1x16x128xf32, #tpu.memory_space<vmem>> -> memref<16x128xf32, #tpu.memory_space<vmem>>
      %gather3A_2296 = tpu.vector_load_idx %gather3A_2295[%iota3A_2290, %broadcast_in_dim3A_2282] : memref<16x128xf32, #tpu.memory_space<vmem>>[vector<16xi32>, vector<16xi32>], vector<16xf32>,
      %add3A_2297 = arith.constant 13 : i32
      %add3A_2298 = arith.addi %mul3A_1209, %add3A_2297 : i32
      %broadcast_in_dim3A_2299 = vector.broadcast %add3A_2298 : i32 to vector<16xi32>
      %iota3A_2300 = tpu.iota {dimensions = array<i32: 0>} : vector<16xi32>
      tpu.vector_store_idx %arg11[%iota3A_2300, %broadcast_in_dim3A_2299], %gather3A_2289 : memref<16x512xf32, #tpu.memory_space<vmem>>[vector<16xi32>, vector<16xi32>], vector<16xf32>,
      %iota3A_2301 = tpu.iota {dimensions = array<i32: 0>} : vector<16xi32>
      tpu.vector_store_idx %arg12[%iota3A_2301, %broadcast_in_dim3A_2299], %gather3A_2296 : memref<16x512xf32, #tpu.memory_space<vmem>>[vector<16xi32>, vector<16xi32>], vector<16xf32>,
      %lt3A_2302 = arith.constant 32 : i32
      %lt3A_2303 = arith.cmpi slt, %add3A_810, %lt3A_2302 : i32
      %convert_element_type3A_2304 = arith.extui %lt3A_2303 : i1 to i32
      %cond3A_2305 = arith.constant 0 : i32
      %cond3A_2306 = arith.cmpi ne, %convert_element_type3A_2304, %cond3A_2305 : i32
      scf.if %cond3A_2306 {
        %dma_start3A_2714 = arith.constant 13 : i32
        %dma_start3A_2715 = arith.constant 0 : i32
        %dma_start3A_2716 = arith.constant 0 : i32
        %dma_start3A_2717 = tpu.memref_slice %arg9[%dma_start3A_2714, %dma_start3A_2715, %dma_start3A_2716] : memref<16x16x128xf32, #tpu.memory_space<vmem>> -> memref<1x16x128xf32, #tpu.memory_space<vmem>>
        %dma_start3A_2718 = tpu.memref_squeeze %dma_start3A_2717 : memref<1x16x128xf32, #tpu.memory_space<vmem>> -> memref<16x128xf32, #tpu.memory_space<vmem>>
        %dma_start3A_2719 = arith.constant 0 : i32
        %dma_start3A_2720 = tpu.memref_slice %arg4[%dma_start3A_2719, %multiple_of3A_991] : memref<16x1000000xf32, #tpu.memory_space<hbm>> -> memref<16x128xf32, #tpu.memory_space<hbm>>
        %dma_start3A_2721 = arith.constant 0 : i32
        %dma_start3A_2722 = arith.constant 0 : i32
        %dma_start3A_2723 = tpu.memref_slice %arg9[%dma_start3A_2714, %dma_start3A_2721, %dma_start3A_2722] : memref<16x16x128xf32, #tpu.memory_space<vmem>> -> memref<1x16x128xf32, #tpu.memory_space<vmem>>
        %dma_start3A_2724 = tpu.memref_squeeze %dma_start3A_2723 : memref<1x16x128xf32, #tpu.memory_space<vmem>> -> memref<16x128xf32, #tpu.memory_space<vmem>>
        %dma_start3A_2725 = arith.constant 0 : i32
        %dma_start3A_2726 = tpu.memref_slice %arg4[%dma_start3A_2725, %multiple_of3A_991] : memref<16x1000000xf32, #tpu.memory_space<hbm>> -> memref<16x128xf32, #tpu.memory_space<hbm>>
        tpu.enqueue_dma source(%dma_start3A_2726 : memref<16x128xf32, #tpu.memory_space<hbm>>) target(%dma_start3A_2724 : memref<16x128xf32, #tpu.memory_space<vmem>>) target_semaphore(%arg14 : memref<!tpu.dma_semaphore, #tpu.memory_space<semaphore_mem>>)
        %dma_start3A_2727 = arith.constant 13 : i32
        %dma_start3A_2728 = arith.constant 0 : i32
        %dma_start3A_2729 = arith.constant 0 : i32
        %dma_start3A_2730 = tpu.memref_slice %arg10[%dma_start3A_2727, %dma_start3A_2728, %dma_start3A_2729] : memref<16x16x128xf32, #tpu.memory_space<vmem>> -> memref<1x16x128xf32, #tpu.memory_space<vmem>>
        %dma_start3A_2731 = tpu.memref_squeeze %dma_start3A_2730 : memref<1x16x128xf32, #tpu.memory_space<vmem>> -> memref<16x128xf32, #tpu.memory_space<vmem>>
        %dma_start3A_2732 = arith.constant 0 : i32
        %dma_start3A_2733 = tpu.memref_slice %arg5[%dma_start3A_2732, %multiple_of3A_1183] : memref<16x1000000xf32, #tpu.memory_space<hbm>> -> memref<16x128xf32, #tpu.memory_space<hbm>>
        %dma_start3A_2734 = arith.constant 0 : i32
        %dma_start3A_2735 = arith.constant 0 : i32
        %dma_start3A_2736 = tpu.memref_slice %arg10[%dma_start3A_2727, %dma_start3A_2734, %dma_start3A_2735] : memref<16x16x128xf32, #tpu.memory_space<vmem>> -> memref<1x16x128xf32, #tpu.memory_space<vmem>>
        %dma_start3A_2737 = tpu.memref_squeeze %dma_start3A_2736 : memref<1x16x128xf32, #tpu.memory_space<vmem>> -> memref<16x128xf32, #tpu.memory_space<vmem>>
        %dma_start3A_2738 = arith.constant 0 : i32
        %dma_start3A_2739 = tpu.memref_slice %arg5[%dma_start3A_2738, %multiple_of3A_1183] : memref<16x1000000xf32, #tpu.memory_space<hbm>> -> memref<16x128xf32, #tpu.memory_space<hbm>>
        tpu.enqueue_dma source(%dma_start3A_2739 : memref<16x128xf32, #tpu.memory_space<hbm>>) target(%dma_start3A_2737 : memref<16x128xf32, #tpu.memory_space<vmem>>) target_semaphore(%arg15 : memref<!tpu.dma_semaphore, #tpu.memory_space<semaphore_mem>>)
      } else {
      }
      %dma_wait3A_2307 = arith.constant 14 : i32
      %dma_wait3A_2308 = arith.constant 0 : i32
      %dma_wait3A_2309 = arith.constant 0 : i32
      %dma_wait3A_2310 = tpu.memref_slice %arg9[%dma_wait3A_2307, %dma_wait3A_2308, %dma_wait3A_2309] : memref<16x16x128xf32, #tpu.memory_space<vmem>> -> memref<1x16x128xf32, #tpu.memory_space<vmem>>
      %dma_wait3A_2311 = tpu.memref_squeeze %dma_wait3A_2310 : memref<1x16x128xf32, #tpu.memory_space<vmem>> -> memref<16x128xf32, #tpu.memory_space<vmem>>
      %dma_wait3A_2312 = arith.constant 0 : i32
      %dma_wait3A_2313 = arith.constant 0 : i32
      %dma_wait3A_2314 = tpu.memref_slice %arg4[%dma_wait3A_2312, %dma_wait3A_2313] : memref<16x1000000xf32, #tpu.memory_space<hbm>> -> memref<16x128xf32, #tpu.memory_space<hbm>>
      %dma_wait3A_2315 = arith.constant 0 : i32
      %dma_wait3A_2316 = arith.constant 0 : i32
      %dma_wait3A_2317 = tpu.memref_slice %arg9[%dma_wait3A_2307, %dma_wait3A_2315, %dma_wait3A_2316] : memref<16x16x128xf32, #tpu.memory_space<vmem>> -> memref<1x16x128xf32, #tpu.memory_space<vmem>>
      %dma_wait3A_2318 = tpu.memref_squeeze %dma_wait3A_2317 : memref<1x16x128xf32, #tpu.memory_space<vmem>> -> memref<16x128xf32, #tpu.memory_space<vmem>>
      %dma_wait3A_2319 = arith.constant 0 : i32
      %dma_wait3A_2320 = arith.constant 0 : i32
      %dma_wait3A_2321 = tpu.memref_slice %arg4[%dma_wait3A_2319, %dma_wait3A_2320] : memref<16x1000000xf32, #tpu.memory_space<hbm>> -> memref<16x128xf32, #tpu.memory_space<hbm>>
      tpu.wait_dma2 semaphore(%arg14 : memref<!tpu.dma_semaphore, #tpu.memory_space<semaphore_mem>>) src(%dma_wait3A_2321 : memref<16x128xf32, #tpu.memory_space<hbm>>) dst(%dma_wait3A_2318 : memref<16x128xf32, #tpu.memory_space<vmem>>)
      %dma_wait3A_2322 = arith.constant 14 : i32
      %dma_wait3A_2323 = arith.constant 0 : i32
      %dma_wait3A_2324 = arith.constant 0 : i32
      %dma_wait3A_2325 = tpu.memref_slice %arg10[%dma_wait3A_2322, %dma_wait3A_2323, %dma_wait3A_2324] : memref<16x16x128xf32, #tpu.memory_space<vmem>> -> memref<1x16x128xf32, #tpu.memory_space<vmem>>
      %dma_wait3A_2326 = tpu.memref_squeeze %dma_wait3A_2325 : memref<1x16x128xf32, #tpu.memory_space<vmem>> -> memref<16x128xf32, #tpu.memory_space<vmem>>
      %dma_wait3A_2327 = arith.constant 0 : i32
      %dma_wait3A_2328 = arith.constant 0 : i32
      %dma_wait3A_2329 = tpu.memref_slice %arg5[%dma_wait3A_2327, %dma_wait3A_2328] : memref<16x1000000xf32, #tpu.memory_space<hbm>> -> memref<16x128xf32, #tpu.memory_space<hbm>>
      %dma_wait3A_2330 = arith.constant 0 : i32
      %dma_wait3A_2331 = arith.constant 0 : i32
      %dma_wait3A_2332 = tpu.memref_slice %arg10[%dma_wait3A_2322, %dma_wait3A_2330, %dma_wait3A_2331] : memref<16x16x128xf32, #tpu.memory_space<vmem>> -> memref<1x16x128xf32, #tpu.memory_space<vmem>>
      %dma_wait3A_2333 = tpu.memref_squeeze %dma_wait3A_2332 : memref<1x16x128xf32, #tpu.memory_space<vmem>> -> memref<16x128xf32, #tpu.memory_space<vmem>>
      %dma_wait3A_2334 = arith.constant 0 : i32
      %dma_wait3A_2335 = arith.constant 0 : i32
      %dma_wait3A_2336 = tpu.memref_slice %arg5[%dma_wait3A_2334, %dma_wait3A_2335] : memref<16x1000000xf32, #tpu.memory_space<hbm>> -> memref<16x128xf32, #tpu.memory_space<hbm>>
      tpu.wait_dma2 semaphore(%arg15 : memref<!tpu.dma_semaphore, #tpu.memory_space<semaphore_mem>>) src(%dma_wait3A_2336 : memref<16x128xf32, #tpu.memory_space<hbm>>) dst(%dma_wait3A_2333 : memref<16x128xf32, #tpu.memory_space<vmem>>)
      %iota3A_2337 = tpu.iota {dimensions = array<i32: 0>} : vector<16xi32>
      %eq3A_2338 = arith.constant 14 : i32
      %eq3A_2339 = vector.broadcast %eq3A_2338 : i32 to vector<16xi32>
      %eq3A_2340 = arith.cmpi eq, %iota3A_2337, %eq3A_2339 : vector<16xi32>
      %jit3A_2341 = arith.constant 0 : i32
      %broadcast_in_dim3A_2342 = vector.broadcast %jit3A_2341 : i32 to vector<16xi32>
      %select_n3A_2343 = arith.select %eq3A_2340, %and3A_1214, %broadcast_in_dim3A_2342 : vector<16xi1>, vector<16xi32>
      %reduce_sum3A_2344 = arith.constant true
      %reduce_sum3A_2345 = vector.broadcast %reduce_sum3A_2344 : i1 to vector<16xi1>
      %reduce_sum3A_2346 = tpu.scan <sum>, %select_n3A_2343 masked %reduce_sum3A_2345 : vector<16xi32>, vector<16xi1> -> vector<16xi32>
      %reduce_sum3A_2347 = vector.extract %reduce_sum3A_2346[15] : i32 from vector<16xi32>
      %broadcast_in_dim3A_2348 = vector.broadcast %reduce_sum3A_2347 : i32 to vector<16xi32>
      %iota3A_2349 = tpu.iota {dimensions = array<i32: 0>} : vector<16xi32>
      %eq3A_2350 = arith.constant 14 : i32
      %eq3A_2351 = vector.broadcast %eq3A_2350 : i32 to vector<16xi32>
      %eq3A_2352 = arith.cmpi eq, %iota3A_2349, %eq3A_2351 : vector<16xi32>
      %jit3A_2353 = arith.constant 0 : i32
      %broadcast_in_dim3A_2354 = vector.broadcast %jit3A_2353 : i32 to vector<16xi32>
      %select_n3A_2355 = arith.select %eq3A_2352, %and3A_1219, %broadcast_in_dim3A_2354 : vector<16xi1>, vector<16xi32>
      %reduce_sum3A_2356 = arith.constant true
      %reduce_sum3A_2357 = vector.broadcast %reduce_sum3A_2356 : i1 to vector<16xi1>
      %reduce_sum3A_2358 = tpu.scan <sum>, %select_n3A_2355 masked %reduce_sum3A_2357 : vector<16xi32>, vector<16xi1> -> vector<16xi32>
      %reduce_sum3A_2359 = vector.extract %reduce_sum3A_2358[15] : i32 from vector<16xi32>
      %broadcast_in_dim3A_2360 = vector.broadcast %reduce_sum3A_2359 : i32 to vector<16xi32>
      %iota3A_2361 = tpu.iota {dimensions = array<i32: 0>} : vector<16xi32>
      %gather3A_2362 = arith.constant 14 : i32
      %gather3A_2363 = arith.constant 0 : i32
      %gather3A_2364 = arith.constant 0 : i32
      %gather3A_2365 = tpu.memref_slice %arg9[%gather3A_2362, %gather3A_2363, %gather3A_2364] : memref<16x16x128xf32, #tpu.memory_space<vmem>> -> memref<1x16x128xf32, #tpu.memory_space<vmem>>
      %gather3A_2366 = tpu.memref_squeeze %gather3A_2365 : memref<1x16x128xf32, #tpu.memory_space<vmem>> -> memref<16x128xf32, #tpu.memory_space<vmem>>
      %gather3A_2367 = tpu.vector_load_idx %gather3A_2366[%iota3A_2361, %broadcast_in_dim3A_2348] : memref<16x128xf32, #tpu.memory_space<vmem>>[vector<16xi32>, vector<16xi32>], vector<16xf32>,
      %iota3A_2368 = tpu.iota {dimensions = array<i32: 0>} : vector<16xi32>
      %gather3A_2369 = arith.constant 14 : i32
      %gather3A_2370 = arith.constant 0 : i32
      %gather3A_2371 = arith.constant 0 : i32
      %gather3A_2372 = tpu.memref_slice %arg10[%gather3A_2369, %gather3A_2370, %gather3A_2371] : memref<16x16x128xf32, #tpu.memory_space<vmem>> -> memref<1x16x128xf32, #tpu.memory_space<vmem>>
      %gather3A_2373 = tpu.memref_squeeze %gather3A_2372 : memref<1x16x128xf32, #tpu.memory_space<vmem>> -> memref<16x128xf32, #tpu.memory_space<vmem>>
      %gather3A_2374 = tpu.vector_load_idx %gather3A_2373[%iota3A_2368, %broadcast_in_dim3A_2360] : memref<16x128xf32, #tpu.memory_space<vmem>>[vector<16xi32>, vector<16xi32>], vector<16xf32>,
      %add3A_2375 = arith.constant 14 : i32
      %add3A_2376 = arith.addi %mul3A_1209, %add3A_2375 : i32
      %broadcast_in_dim3A_2377 = vector.broadcast %add3A_2376 : i32 to vector<16xi32>
      %iota3A_2378 = tpu.iota {dimensions = array<i32: 0>} : vector<16xi32>
      tpu.vector_store_idx %arg11[%iota3A_2378, %broadcast_in_dim3A_2377], %gather3A_2367 : memref<16x512xf32, #tpu.memory_space<vmem>>[vector<16xi32>, vector<16xi32>], vector<16xf32>,
      %iota3A_2379 = tpu.iota {dimensions = array<i32: 0>} : vector<16xi32>
      tpu.vector_store_idx %arg12[%iota3A_2379, %broadcast_in_dim3A_2377], %gather3A_2374 : memref<16x512xf32, #tpu.memory_space<vmem>>[vector<16xi32>, vector<16xi32>], vector<16xf32>,
      %lt3A_2380 = arith.constant 32 : i32
      %lt3A_2381 = arith.cmpi slt, %add3A_810, %lt3A_2380 : i32
      %convert_element_type3A_2382 = arith.extui %lt3A_2381 : i1 to i32
      %cond3A_2383 = arith.constant 0 : i32
      %cond3A_2384 = arith.cmpi ne, %convert_element_type3A_2382, %cond3A_2383 : i32
      scf.if %cond3A_2384 {
        %dma_start3A_2714 = arith.constant 14 : i32
        %dma_start3A_2715 = arith.constant 0 : i32
        %dma_start3A_2716 = arith.constant 0 : i32
        %dma_start3A_2717 = tpu.memref_slice %arg9[%dma_start3A_2714, %dma_start3A_2715, %dma_start3A_2716] : memref<16x16x128xf32, #tpu.memory_space<vmem>> -> memref<1x16x128xf32, #tpu.memory_space<vmem>>
        %dma_start3A_2718 = tpu.memref_squeeze %dma_start3A_2717 : memref<1x16x128xf32, #tpu.memory_space<vmem>> -> memref<16x128xf32, #tpu.memory_space<vmem>>
        %dma_start3A_2719 = arith.constant 0 : i32
        %dma_start3A_2720 = tpu.memref_slice %arg4[%dma_start3A_2719, %multiple_of3A_1003] : memref<16x1000000xf32, #tpu.memory_space<hbm>> -> memref<16x128xf32, #tpu.memory_space<hbm>>
        %dma_start3A_2721 = arith.constant 0 : i32
        %dma_start3A_2722 = arith.constant 0 : i32
        %dma_start3A_2723 = tpu.memref_slice %arg9[%dma_start3A_2714, %dma_start3A_2721, %dma_start3A_2722] : memref<16x16x128xf32, #tpu.memory_space<vmem>> -> memref<1x16x128xf32, #tpu.memory_space<vmem>>
        %dma_start3A_2724 = tpu.memref_squeeze %dma_start3A_2723 : memref<1x16x128xf32, #tpu.memory_space<vmem>> -> memref<16x128xf32, #tpu.memory_space<vmem>>
        %dma_start3A_2725 = arith.constant 0 : i32
        %dma_start3A_2726 = tpu.memref_slice %arg4[%dma_start3A_2725, %multiple_of3A_1003] : memref<16x1000000xf32, #tpu.memory_space<hbm>> -> memref<16x128xf32, #tpu.memory_space<hbm>>
        tpu.enqueue_dma source(%dma_start3A_2726 : memref<16x128xf32, #tpu.memory_space<hbm>>) target(%dma_start3A_2724 : memref<16x128xf32, #tpu.memory_space<vmem>>) target_semaphore(%arg14 : memref<!tpu.dma_semaphore, #tpu.memory_space<semaphore_mem>>)
        %dma_start3A_2727 = arith.constant 14 : i32
        %dma_start3A_2728 = arith.constant 0 : i32
        %dma_start3A_2729 = arith.constant 0 : i32
        %dma_start3A_2730 = tpu.memref_slice %arg10[%dma_start3A_2727, %dma_start3A_2728, %dma_start3A_2729] : memref<16x16x128xf32, #tpu.memory_space<vmem>> -> memref<1x16x128xf32, #tpu.memory_space<vmem>>
        %dma_start3A_2731 = tpu.memref_squeeze %dma_start3A_2730 : memref<1x16x128xf32, #tpu.memory_space<vmem>> -> memref<16x128xf32, #tpu.memory_space<vmem>>
        %dma_start3A_2732 = arith.constant 0 : i32
        %dma_start3A_2733 = tpu.memref_slice %arg5[%dma_start3A_2732, %multiple_of3A_1195] : memref<16x1000000xf32, #tpu.memory_space<hbm>> -> memref<16x128xf32, #tpu.memory_space<hbm>>
        %dma_start3A_2734 = arith.constant 0 : i32
        %dma_start3A_2735 = arith.constant 0 : i32
        %dma_start3A_2736 = tpu.memref_slice %arg10[%dma_start3A_2727, %dma_start3A_2734, %dma_start3A_2735] : memref<16x16x128xf32, #tpu.memory_space<vmem>> -> memref<1x16x128xf32, #tpu.memory_space<vmem>>
        %dma_start3A_2737 = tpu.memref_squeeze %dma_start3A_2736 : memref<1x16x128xf32, #tpu.memory_space<vmem>> -> memref<16x128xf32, #tpu.memory_space<vmem>>
        %dma_start3A_2738 = arith.constant 0 : i32
        %dma_start3A_2739 = tpu.memref_slice %arg5[%dma_start3A_2738, %multiple_of3A_1195] : memref<16x1000000xf32, #tpu.memory_space<hbm>> -> memref<16x128xf32, #tpu.memory_space<hbm>>
        tpu.enqueue_dma source(%dma_start3A_2739 : memref<16x128xf32, #tpu.memory_space<hbm>>) target(%dma_start3A_2737 : memref<16x128xf32, #tpu.memory_space<vmem>>) target_semaphore(%arg15 : memref<!tpu.dma_semaphore, #tpu.memory_space<semaphore_mem>>)
      } else {
      }
      %dma_wait3A_2385 = arith.constant 15 : i32
      %dma_wait3A_2386 = arith.constant 0 : i32
      %dma_wait3A_2387 = arith.constant 0 : i32
      %dma_wait3A_2388 = tpu.memref_slice %arg9[%dma_wait3A_2385, %dma_wait3A_2386, %dma_wait3A_2387] : memref<16x16x128xf32, #tpu.memory_space<vmem>> -> memref<1x16x128xf32, #tpu.memory_space<vmem>>
      %dma_wait3A_2389 = tpu.memref_squeeze %dma_wait3A_2388 : memref<1x16x128xf32, #tpu.memory_space<vmem>> -> memref<16x128xf32, #tpu.memory_space<vmem>>
      %dma_wait3A_2390 = arith.constant 0 : i32
      %dma_wait3A_2391 = arith.constant 0 : i32
      %dma_wait3A_2392 = tpu.memref_slice %arg4[%dma_wait3A_2390, %dma_wait3A_2391] : memref<16x1000000xf32, #tpu.memory_space<hbm>> -> memref<16x128xf32, #tpu.memory_space<hbm>>
      %dma_wait3A_2393 = arith.constant 0 : i32
      %dma_wait3A_2394 = arith.constant 0 : i32
      %dma_wait3A_2395 = tpu.memref_slice %arg9[%dma_wait3A_2385, %dma_wait3A_2393, %dma_wait3A_2394] : memref<16x16x128xf32, #tpu.memory_space<vmem>> -> memref<1x16x128xf32, #tpu.memory_space<vmem>>
      %dma_wait3A_2396 = tpu.memref_squeeze %dma_wait3A_2395 : memref<1x16x128xf32, #tpu.memory_space<vmem>> -> memref<16x128xf32, #tpu.memory_space<vmem>>
      %dma_wait3A_2397 = arith.constant 0 : i32
      %dma_wait3A_2398 = arith.constant 0 : i32
      %dma_wait3A_2399 = tpu.memref_slice %arg4[%dma_wait3A_2397, %dma_wait3A_2398] : memref<16x1000000xf32, #tpu.memory_space<hbm>> -> memref<16x128xf32, #tpu.memory_space<hbm>>
      tpu.wait_dma2 semaphore(%arg14 : memref<!tpu.dma_semaphore, #tpu.memory_space<semaphore_mem>>) src(%dma_wait3A_2399 : memref<16x128xf32, #tpu.memory_space<hbm>>) dst(%dma_wait3A_2396 : memref<16x128xf32, #tpu.memory_space<vmem>>)
      %dma_wait3A_2400 = arith.constant 15 : i32
      %dma_wait3A_2401 = arith.constant 0 : i32
      %dma_wait3A_2402 = arith.constant 0 : i32
      %dma_wait3A_2403 = tpu.memref_slice %arg10[%dma_wait3A_2400, %dma_wait3A_2401, %dma_wait3A_2402] : memref<16x16x128xf32, #tpu.memory_space<vmem>> -> memref<1x16x128xf32, #tpu.memory_space<vmem>>
      %dma_wait3A_2404 = tpu.memref_squeeze %dma_wait3A_2403 : memref<1x16x128xf32, #tpu.memory_space<vmem>> -> memref<16x128xf32, #tpu.memory_space<vmem>>
      %dma_wait3A_2405 = arith.constant 0 : i32
      %dma_wait3A_2406 = arith.constant 0 : i32
      %dma_wait3A_2407 = tpu.memref_slice %arg5[%dma_wait3A_2405, %dma_wait3A_2406] : memref<16x1000000xf32, #tpu.memory_space<hbm>> -> memref<16x128xf32, #tpu.memory_space<hbm>>
      %dma_wait3A_2408 = arith.constant 0 : i32
      %dma_wait3A_2409 = arith.constant 0 : i32
      %dma_wait3A_2410 = tpu.memref_slice %arg10[%dma_wait3A_2400, %dma_wait3A_2408, %dma_wait3A_2409] : memref<16x16x128xf32, #tpu.memory_space<vmem>> -> memref<1x16x128xf32, #tpu.memory_space<vmem>>
      %dma_wait3A_2411 = tpu.memref_squeeze %dma_wait3A_2410 : memref<1x16x128xf32, #tpu.memory_space<vmem>> -> memref<16x128xf32, #tpu.memory_space<vmem>>
      %dma_wait3A_2412 = arith.constant 0 : i32
      %dma_wait3A_2413 = arith.constant 0 : i32
      %dma_wait3A_2414 = tpu.memref_slice %arg5[%dma_wait3A_2412, %dma_wait3A_2413] : memref<16x1000000xf32, #tpu.memory_space<hbm>> -> memref<16x128xf32, #tpu.memory_space<hbm>>
      tpu.wait_dma2 semaphore(%arg15 : memref<!tpu.dma_semaphore, #tpu.memory_space<semaphore_mem>>) src(%dma_wait3A_2414 : memref<16x128xf32, #tpu.memory_space<hbm>>) dst(%dma_wait3A_2411 : memref<16x128xf32, #tpu.memory_space<vmem>>)
      %iota3A_2415 = tpu.iota {dimensions = array<i32: 0>} : vector<16xi32>
      %eq3A_2416 = arith.constant 15 : i32
      %eq3A_2417 = vector.broadcast %eq3A_2416 : i32 to vector<16xi32>
      %eq3A_2418 = arith.cmpi eq, %iota3A_2415, %eq3A_2417 : vector<16xi32>
      %jit3A_2419 = arith.constant 0 : i32
      %broadcast_in_dim3A_2420 = vector.broadcast %jit3A_2419 : i32 to vector<16xi32>
      %select_n3A_2421 = arith.select %eq3A_2418, %and3A_1214, %broadcast_in_dim3A_2420 : vector<16xi1>, vector<16xi32>
      %reduce_sum3A_2422 = arith.constant true
      %reduce_sum3A_2423 = vector.broadcast %reduce_sum3A_2422 : i1 to vector<16xi1>
      %reduce_sum3A_2424 = tpu.scan <sum>, %select_n3A_2421 masked %reduce_sum3A_2423 : vector<16xi32>, vector<16xi1> -> vector<16xi32>
      %reduce_sum3A_2425 = vector.extract %reduce_sum3A_2424[15] : i32 from vector<16xi32>
      %broadcast_in_dim3A_2426 = vector.broadcast %reduce_sum3A_2425 : i32 to vector<16xi32>
      %iota3A_2427 = tpu.iota {dimensions = array<i32: 0>} : vector<16xi32>
      %eq3A_2428 = arith.constant 15 : i32
      %eq3A_2429 = vector.broadcast %eq3A_2428 : i32 to vector<16xi32>
      %eq3A_2430 = arith.cmpi eq, %iota3A_2427, %eq3A_2429 : vector<16xi32>
      %jit3A_2431 = arith.constant 0 : i32
      %broadcast_in_dim3A_2432 = vector.broadcast %jit3A_2431 : i32 to vector<16xi32>
      %select_n3A_2433 = arith.select %eq3A_2430, %and3A_1219, %broadcast_in_dim3A_2432 : vector<16xi1>, vector<16xi32>
      %reduce_sum3A_2434 = arith.constant true
      %reduce_sum3A_2435 = vector.broadcast %reduce_sum3A_2434 : i1 to vector<16xi1>
      %reduce_sum3A_2436 = tpu.scan <sum>, %select_n3A_2433 masked %reduce_sum3A_2435 : vector<16xi32>, vector<16xi1> -> vector<16xi32>
      %reduce_sum3A_2437 = vector.extract %reduce_sum3A_2436[15] : i32 from vector<16xi32>
      %broadcast_in_dim3A_2438 = vector.broadcast %reduce_sum3A_2437 : i32 to vector<16xi32>
      %iota3A_2439 = tpu.iota {dimensions = array<i32: 0>} : vector<16xi32>
      %gather3A_2440 = arith.constant 15 : i32
      %gather3A_2441 = arith.constant 0 : i32
      %gather3A_2442 = arith.constant 0 : i32
      %gather3A_2443 = tpu.memref_slice %arg9[%gather3A_2440, %gather3A_2441, %gather3A_2442] : memref<16x16x128xf32, #tpu.memory_space<vmem>> -> memref<1x16x128xf32, #tpu.memory_space<vmem>>
      %gather3A_2444 = tpu.memref_squeeze %gather3A_2443 : memref<1x16x128xf32, #tpu.memory_space<vmem>> -> memref<16x128xf32, #tpu.memory_space<vmem>>
      %gather3A_2445 = tpu.vector_load_idx %gather3A_2444[%iota3A_2439, %broadcast_in_dim3A_2426] : memref<16x128xf32, #tpu.memory_space<vmem>>[vector<16xi32>, vector<16xi32>], vector<16xf32>,
      %iota3A_2446 = tpu.iota {dimensions = array<i32: 0>} : vector<16xi32>
      %gather3A_2447 = arith.constant 15 : i32
      %gather3A_2448 = arith.constant 0 : i32
      %gather3A_2449 = arith.constant 0 : i32
      %gather3A_2450 = tpu.memref_slice %arg10[%gather3A_2447, %gather3A_2448, %gather3A_2449] : memref<16x16x128xf32, #tpu.memory_space<vmem>> -> memref<1x16x128xf32, #tpu.memory_space<vmem>>
      %gather3A_2451 = tpu.memref_squeeze %gather3A_2450 : memref<1x16x128xf32, #tpu.memory_space<vmem>> -> memref<16x128xf32, #tpu.memory_space<vmem>>
      %gather3A_2452 = tpu.vector_load_idx %gather3A_2451[%iota3A_2446, %broadcast_in_dim3A_2438] : memref<16x128xf32, #tpu.memory_space<vmem>>[vector<16xi32>, vector<16xi32>], vector<16xf32>,
      %add3A_2453 = arith.constant 15 : i32
      %add3A_2454 = arith.addi %mul3A_1209, %add3A_2453 : i32
      %broadcast_in_dim3A_2455 = vector.broadcast %add3A_2454 : i32 to vector<16xi32>
      %iota3A_2456 = tpu.iota {dimensions = array<i32: 0>} : vector<16xi32>
      tpu.vector_store_idx %arg11[%iota3A_2456, %broadcast_in_dim3A_2455], %gather3A_2445 : memref<16x512xf32, #tpu.memory_space<vmem>>[vector<16xi32>, vector<16xi32>], vector<16xf32>,
      %iota3A_2457 = tpu.iota {dimensions = array<i32: 0>} : vector<16xi32>
      tpu.vector_store_idx %arg12[%iota3A_2457, %broadcast_in_dim3A_2455], %gather3A_2452 : memref<16x512xf32, #tpu.memory_space<vmem>>[vector<16xi32>, vector<16xi32>], vector<16xf32>,
      %lt3A_2458 = arith.constant 32 : i32
      %lt3A_2459 = arith.cmpi slt, %add3A_810, %lt3A_2458 : i32
      %convert_element_type3A_2460 = arith.extui %lt3A_2459 : i1 to i32
      %cond3A_2461 = arith.constant 0 : i32
      %cond3A_2462 = arith.cmpi ne, %convert_element_type3A_2460, %cond3A_2461 : i32
      scf.if %cond3A_2462 {
        %dma_start3A_2714 = arith.constant 15 : i32
        %dma_start3A_2715 = arith.constant 0 : i32
        %dma_start3A_2716 = arith.constant 0 : i32
        %dma_start3A_2717 = tpu.memref_slice %arg9[%dma_start3A_2714, %dma_start3A_2715, %dma_start3A_2716] : memref<16x16x128xf32, #tpu.memory_space<vmem>> -> memref<1x16x128xf32, #tpu.memory_space<vmem>>
        %dma_start3A_2718 = tpu.memref_squeeze %dma_start3A_2717 : memref<1x16x128xf32, #tpu.memory_space<vmem>> -> memref<16x128xf32, #tpu.memory_space<vmem>>
        %dma_start3A_2719 = arith.constant 0 : i32
        %dma_start3A_2720 = tpu.memref_slice %arg4[%dma_start3A_2719, %multiple_of3A_1015] : memref<16x1000000xf32, #tpu.memory_space<hbm>> -> memref<16x128xf32, #tpu.memory_space<hbm>>
        %dma_start3A_2721 = arith.constant 0 : i32
        %dma_start3A_2722 = arith.constant 0 : i32
        %dma_start3A_2723 = tpu.memref_slice %arg9[%dma_start3A_2714, %dma_start3A_2721, %dma_start3A_2722] : memref<16x16x128xf32, #tpu.memory_space<vmem>> -> memref<1x16x128xf32, #tpu.memory_space<vmem>>
        %dma_start3A_2724 = tpu.memref_squeeze %dma_start3A_2723 : memref<1x16x128xf32, #tpu.memory_space<vmem>> -> memref<16x128xf32, #tpu.memory_space<vmem>>
        %dma_start3A_2725 = arith.constant 0 : i32
        %dma_start3A_2726 = tpu.memref_slice %arg4[%dma_start3A_2725, %multiple_of3A_1015] : memref<16x1000000xf32, #tpu.memory_space<hbm>> -> memref<16x128xf32, #tpu.memory_space<hbm>>
        tpu.enqueue_dma source(%dma_start3A_2726 : memref<16x128xf32, #tpu.memory_space<hbm>>) target(%dma_start3A_2724 : memref<16x128xf32, #tpu.memory_space<vmem>>) target_semaphore(%arg14 : memref<!tpu.dma_semaphore, #tpu.memory_space<semaphore_mem>>)
        %dma_start3A_2727 = arith.constant 15 : i32
        %dma_start3A_2728 = arith.constant 0 : i32
        %dma_start3A_2729 = arith.constant 0 : i32
        %dma_start3A_2730 = tpu.memref_slice %arg10[%dma_start3A_2727, %dma_start3A_2728, %dma_start3A_2729] : memref<16x16x128xf32, #tpu.memory_space<vmem>> -> memref<1x16x128xf32, #tpu.memory_space<vmem>>
        %dma_start3A_2731 = tpu.memref_squeeze %dma_start3A_2730 : memref<1x16x128xf32, #tpu.memory_space<vmem>> -> memref<16x128xf32, #tpu.memory_space<vmem>>
        %dma_start3A_2732 = arith.constant 0 : i32
        %dma_start3A_2733 = tpu.memref_slice %arg5[%dma_start3A_2732, %multiple_of3A_1207] : memref<16x1000000xf32, #tpu.memory_space<hbm>> -> memref<16x128xf32, #tpu.memory_space<hbm>>
        %dma_start3A_2734 = arith.constant 0 : i32
        %dma_start3A_2735 = arith.constant 0 : i32
        %dma_start3A_2736 = tpu.memref_slice %arg10[%dma_start3A_2727, %dma_start3A_2734, %dma_start3A_2735] : memref<16x16x128xf32, #tpu.memory_space<vmem>> -> memref<1x16x128xf32, #tpu.memory_space<vmem>>
        %dma_start3A_2737 = tpu.memref_squeeze %dma_start3A_2736 : memref<1x16x128xf32, #tpu.memory_space<vmem>> -> memref<16x128xf32, #tpu.memory_space<vmem>>
        %dma_start3A_2738 = arith.constant 0 : i32
        %dma_start3A_2739 = tpu.memref_slice %arg5[%dma_start3A_2738, %multiple_of3A_1207] : memref<16x1000000xf32, #tpu.memory_space<hbm>> -> memref<16x128xf32, #tpu.memory_space<hbm>>
        tpu.enqueue_dma source(%dma_start3A_2739 : memref<16x128xf32, #tpu.memory_space<hbm>>) target(%dma_start3A_2737 : memref<16x128xf32, #tpu.memory_space<vmem>>) target_semaphore(%arg15 : memref<!tpu.dma_semaphore, #tpu.memory_space<semaphore_mem>>)
      } else {
      }
      %iota3A_2463 = tpu.iota {dimensions = array<i32: 0>} : vector<16xi32>
      %add3A_2464 = vector.broadcast %mul3A_1209 : i32 to vector<16xi32>
      %add3A_2465 = arith.addi %add3A_2464, %iota3A_2463 : vector<16xi32>
      %broadcast_in_dim3A_2466 = arith.constant 0.000000e+00 : f32
      %broadcast_in_dim3A_2467 = vector.broadcast %broadcast_in_dim3A_2466 : f32 to vector<16xf32>
      %broadcast_in_dim3A_2468 = arith.constant 0.000000e+00 : f32
      %broadcast_in_dim3A_2469 = vector.broadcast %broadcast_in_dim3A_2468 : f32 to vector<16xf32>
      %broadcast_in_dim3A_2470 = arith.constant 0.000000e+00 : f32
      %broadcast_in_dim3A_2471 = vector.broadcast %broadcast_in_dim3A_2470 : f32 to vector<16xf32>
      %broadcast_in_dim3A_2472 = arith.constant 0 : i32
      %broadcast_in_dim3A_2473 = vector.broadcast %broadcast_in_dim3A_2472 : i32 to vector<16xi32>
      %gather3A_2474 = tpu.vector_load_idx %arg11[%broadcast_in_dim3A_2473, %add3A_2465] : memref<16x512xf32, #tpu.memory_space<vmem>>[vector<16xi32>, vector<16xi32>], vector<16xf32>,
      %gather3A_2475 = tpu.vector_load_idx %arg12[%broadcast_in_dim3A_2473, %add3A_2465] : memref<16x512xf32, #tpu.memory_space<vmem>>[vector<16xi32>, vector<16xi32>], vector<16xf32>,
      %mul3A_2476 = arith.mulf %gather3A_2474, %gather3A_2474 : vector<16xf32>
      %add3A_2477 = arith.addf %broadcast_in_dim3A_2467, %mul3A_2476 : vector<16xf32>
      %mul3A_2478 = arith.mulf %gather3A_2475, %gather3A_2475 : vector<16xf32>
      %add3A_2479 = arith.addf %broadcast_in_dim3A_2469, %mul3A_2478 : vector<16xf32>
      %mul3A_2480 = arith.mulf %gather3A_2474, %gather3A_2475 : vector<16xf32>
      %add3A_2481 = arith.addf %broadcast_in_dim3A_2471, %mul3A_2480 : vector<16xf32>
      %broadcast_in_dim3A_2482 = arith.constant 1 : i32
      %broadcast_in_dim3A_2483 = vector.broadcast %broadcast_in_dim3A_2482 : i32 to vector<16xi32>
      %gather3A_2484 = tpu.vector_load_idx %arg11[%broadcast_in_dim3A_2483, %add3A_2465] : memref<16x512xf32, #tpu.memory_space<vmem>>[vector<16xi32>, vector<16xi32>], vector<16xf32>,
      %gather3A_2485 = tpu.vector_load_idx %arg12[%broadcast_in_dim3A_2483, %add3A_2465] : memref<16x512xf32, #tpu.memory_space<vmem>>[vector<16xi32>, vector<16xi32>], vector<16xf32>,
      %mul3A_2486 = arith.mulf %gather3A_2484, %gather3A_2484 : vector<16xf32>
      %add3A_2487 = arith.addf %add3A_2477, %mul3A_2486 : vector<16xf32>
      %mul3A_2488 = arith.mulf %gather3A_2485, %gather3A_2485 : vector<16xf32>
      %add3A_2489 = arith.addf %add3A_2479, %mul3A_2488 : vector<16xf32>
      %mul3A_2490 = arith.mulf %gather3A_2484, %gather3A_2485 : vector<16xf32>
      %add3A_2491 = arith.addf %add3A_2481, %mul3A_2490 : vector<16xf32>
      %broadcast_in_dim3A_2492 = arith.constant 2 : i32
      %broadcast_in_dim3A_2493 = vector.broadcast %broadcast_in_dim3A_2492 : i32 to vector<16xi32>
      %gather3A_2494 = tpu.vector_load_idx %arg11[%broadcast_in_dim3A_2493, %add3A_2465] : memref<16x512xf32, #tpu.memory_space<vmem>>[vector<16xi32>, vector<16xi32>], vector<16xf32>,
      %gather3A_2495 = tpu.vector_load_idx %arg12[%broadcast_in_dim3A_2493, %add3A_2465] : memref<16x512xf32, #tpu.memory_space<vmem>>[vector<16xi32>, vector<16xi32>], vector<16xf32>,
      %mul3A_2496 = arith.mulf %gather3A_2494, %gather3A_2494 : vector<16xf32>
      %add3A_2497 = arith.addf %add3A_2487, %mul3A_2496 : vector<16xf32>
      %mul3A_2498 = arith.mulf %gather3A_2495, %gather3A_2495 : vector<16xf32>
      %add3A_2499 = arith.addf %add3A_2489, %mul3A_2498 : vector<16xf32>
      %mul3A_2500 = arith.mulf %gather3A_2494, %gather3A_2495 : vector<16xf32>
      %add3A_2501 = arith.addf %add3A_2491, %mul3A_2500 : vector<16xf32>
      %broadcast_in_dim3A_2502 = arith.constant 3 : i32
      %broadcast_in_dim3A_2503 = vector.broadcast %broadcast_in_dim3A_2502 : i32 to vector<16xi32>
      %gather3A_2504 = tpu.vector_load_idx %arg11[%broadcast_in_dim3A_2503, %add3A_2465] : memref<16x512xf32, #tpu.memory_space<vmem>>[vector<16xi32>, vector<16xi32>], vector<16xf32>,
      %gather3A_2505 = tpu.vector_load_idx %arg12[%broadcast_in_dim3A_2503, %add3A_2465] : memref<16x512xf32, #tpu.memory_space<vmem>>[vector<16xi32>, vector<16xi32>], vector<16xf32>,
      %mul3A_2506 = arith.mulf %gather3A_2504, %gather3A_2504 : vector<16xf32>
      %add3A_2507 = arith.addf %add3A_2497, %mul3A_2506 : vector<16xf32>
      %mul3A_2508 = arith.mulf %gather3A_2505, %gather3A_2505 : vector<16xf32>
      %add3A_2509 = arith.addf %add3A_2499, %mul3A_2508 : vector<16xf32>
      %mul3A_2510 = arith.mulf %gather3A_2504, %gather3A_2505 : vector<16xf32>
      %add3A_2511 = arith.addf %add3A_2501, %mul3A_2510 : vector<16xf32>
      %broadcast_in_dim3A_2512 = arith.constant 4 : i32
      %broadcast_in_dim3A_2513 = vector.broadcast %broadcast_in_dim3A_2512 : i32 to vector<16xi32>
      %gather3A_2514 = tpu.vector_load_idx %arg11[%broadcast_in_dim3A_2513, %add3A_2465] : memref<16x512xf32, #tpu.memory_space<vmem>>[vector<16xi32>, vector<16xi32>], vector<16xf32>,
      %gather3A_2515 = tpu.vector_load_idx %arg12[%broadcast_in_dim3A_2513, %add3A_2465] : memref<16x512xf32, #tpu.memory_space<vmem>>[vector<16xi32>, vector<16xi32>], vector<16xf32>,
      %mul3A_2516 = arith.mulf %gather3A_2514, %gather3A_2514 : vector<16xf32>
      %add3A_2517 = arith.addf %add3A_2507, %mul3A_2516 : vector<16xf32>
      %mul3A_2518 = arith.mulf %gather3A_2515, %gather3A_2515 : vector<16xf32>
      %add3A_2519 = arith.addf %add3A_2509, %mul3A_2518 : vector<16xf32>
      %mul3A_2520 = arith.mulf %gather3A_2514, %gather3A_2515 : vector<16xf32>
      %add3A_2521 = arith.addf %add3A_2511, %mul3A_2520 : vector<16xf32>
      %broadcast_in_dim3A_2522 = arith.constant 5 : i32
      %broadcast_in_dim3A_2523 = vector.broadcast %broadcast_in_dim3A_2522 : i32 to vector<16xi32>
      %gather3A_2524 = tpu.vector_load_idx %arg11[%broadcast_in_dim3A_2523, %add3A_2465] : memref<16x512xf32, #tpu.memory_space<vmem>>[vector<16xi32>, vector<16xi32>], vector<16xf32>,
      %gather3A_2525 = tpu.vector_load_idx %arg12[%broadcast_in_dim3A_2523, %add3A_2465] : memref<16x512xf32, #tpu.memory_space<vmem>>[vector<16xi32>, vector<16xi32>], vector<16xf32>,
      %mul3A_2526 = arith.mulf %gather3A_2524, %gather3A_2524 : vector<16xf32>
      %add3A_2527 = arith.addf %add3A_2517, %mul3A_2526 : vector<16xf32>
      %mul3A_2528 = arith.mulf %gather3A_2525, %gather3A_2525 : vector<16xf32>
      %add3A_2529 = arith.addf %add3A_2519, %mul3A_2528 : vector<16xf32>
      %mul3A_2530 = arith.mulf %gather3A_2524, %gather3A_2525 : vector<16xf32>
      %add3A_2531 = arith.addf %add3A_2521, %mul3A_2530 : vector<16xf32>
      %broadcast_in_dim3A_2532 = arith.constant 6 : i32
      %broadcast_in_dim3A_2533 = vector.broadcast %broadcast_in_dim3A_2532 : i32 to vector<16xi32>
      %gather3A_2534 = tpu.vector_load_idx %arg11[%broadcast_in_dim3A_2533, %add3A_2465] : memref<16x512xf32, #tpu.memory_space<vmem>>[vector<16xi32>, vector<16xi32>], vector<16xf32>,
      %gather3A_2535 = tpu.vector_load_idx %arg12[%broadcast_in_dim3A_2533, %add3A_2465] : memref<16x512xf32, #tpu.memory_space<vmem>>[vector<16xi32>, vector<16xi32>], vector<16xf32>,
      %mul3A_2536 = arith.mulf %gather3A_2534, %gather3A_2534 : vector<16xf32>
      %add3A_2537 = arith.addf %add3A_2527, %mul3A_2536 : vector<16xf32>
      %mul3A_2538 = arith.mulf %gather3A_2535, %gather3A_2535 : vector<16xf32>
      %add3A_2539 = arith.addf %add3A_2529, %mul3A_2538 : vector<16xf32>
      %mul3A_2540 = arith.mulf %gather3A_2534, %gather3A_2535 : vector<16xf32>
      %add3A_2541 = arith.addf %add3A_2531, %mul3A_2540 : vector<16xf32>
      %broadcast_in_dim3A_2542 = arith.constant 7 : i32
      %broadcast_in_dim3A_2543 = vector.broadcast %broadcast_in_dim3A_2542 : i32 to vector<16xi32>
      %gather3A_2544 = tpu.vector_load_idx %arg11[%broadcast_in_dim3A_2543, %add3A_2465] : memref<16x512xf32, #tpu.memory_space<vmem>>[vector<16xi32>, vector<16xi32>], vector<16xf32>,
      %gather3A_2545 = tpu.vector_load_idx %arg12[%broadcast_in_dim3A_2543, %add3A_2465] : memref<16x512xf32, #tpu.memory_space<vmem>>[vector<16xi32>, vector<16xi32>], vector<16xf32>,
      %mul3A_2546 = arith.mulf %gather3A_2544, %gather3A_2544 : vector<16xf32>
      %add3A_2547 = arith.addf %add3A_2537, %mul3A_2546 : vector<16xf32>
      %mul3A_2548 = arith.mulf %gather3A_2545, %gather3A_2545 : vector<16xf32>
      %add3A_2549 = arith.addf %add3A_2539, %mul3A_2548 : vector<16xf32>
      %mul3A_2550 = arith.mulf %gather3A_2544, %gather3A_2545 : vector<16xf32>
      %add3A_2551 = arith.addf %add3A_2541, %mul3A_2550 : vector<16xf32>
      %broadcast_in_dim3A_2552 = arith.constant 8 : i32
      %broadcast_in_dim3A_2553 = vector.broadcast %broadcast_in_dim3A_2552 : i32 to vector<16xi32>
      %gather3A_2554 = tpu.vector_load_idx %arg11[%broadcast_in_dim3A_2553, %add3A_2465] : memref<16x512xf32, #tpu.memory_space<vmem>>[vector<16xi32>, vector<16xi32>], vector<16xf32>,
      %gather3A_2555 = tpu.vector_load_idx %arg12[%broadcast_in_dim3A_2553, %add3A_2465] : memref<16x512xf32, #tpu.memory_space<vmem>>[vector<16xi32>, vector<16xi32>], vector<16xf32>,
      %mul3A_2556 = arith.mulf %gather3A_2554, %gather3A_2554 : vector<16xf32>
      %add3A_2557 = arith.addf %add3A_2547, %mul3A_2556 : vector<16xf32>
      %mul3A_2558 = arith.mulf %gather3A_2555, %gather3A_2555 : vector<16xf32>
      %add3A_2559 = arith.addf %add3A_2549, %mul3A_2558 : vector<16xf32>
      %mul3A_2560 = arith.mulf %gather3A_2554, %gather3A_2555 : vector<16xf32>
      %add3A_2561 = arith.addf %add3A_2551, %mul3A_2560 : vector<16xf32>
      %broadcast_in_dim3A_2562 = arith.constant 9 : i32
      %broadcast_in_dim3A_2563 = vector.broadcast %broadcast_in_dim3A_2562 : i32 to vector<16xi32>
      %gather3A_2564 = tpu.vector_load_idx %arg11[%broadcast_in_dim3A_2563, %add3A_2465] : memref<16x512xf32, #tpu.memory_space<vmem>>[vector<16xi32>, vector<16xi32>], vector<16xf32>,
      %gather3A_2565 = tpu.vector_load_idx %arg12[%broadcast_in_dim3A_2563, %add3A_2465] : memref<16x512xf32, #tpu.memory_space<vmem>>[vector<16xi32>, vector<16xi32>], vector<16xf32>,
      %mul3A_2566 = arith.mulf %gather3A_2564, %gather3A_2564 : vector<16xf32>
      %add3A_2567 = arith.addf %add3A_2557, %mul3A_2566 : vector<16xf32>
      %mul3A_2568 = arith.mulf %gather3A_2565, %gather3A_2565 : vector<16xf32>
      %add3A_2569 = arith.addf %add3A_2559, %mul3A_2568 : vector<16xf32>
      %mul3A_2570 = arith.mulf %gather3A_2564, %gather3A_2565 : vector<16xf32>
      %add3A_2571 = arith.addf %add3A_2561, %mul3A_2570 : vector<16xf32>
      %broadcast_in_dim3A_2572 = arith.constant 10 : i32
      %broadcast_in_dim3A_2573 = vector.broadcast %broadcast_in_dim3A_2572 : i32 to vector<16xi32>
      %gather3A_2574 = tpu.vector_load_idx %arg11[%broadcast_in_dim3A_2573, %add3A_2465] : memref<16x512xf32, #tpu.memory_space<vmem>>[vector<16xi32>, vector<16xi32>], vector<16xf32>,
      %gather3A_2575 = tpu.vector_load_idx %arg12[%broadcast_in_dim3A_2573, %add3A_2465] : memref<16x512xf32, #tpu.memory_space<vmem>>[vector<16xi32>, vector<16xi32>], vector<16xf32>,
      %mul3A_2576 = arith.mulf %gather3A_2574, %gather3A_2574 : vector<16xf32>
      %add3A_2577 = arith.addf %add3A_2567, %mul3A_2576 : vector<16xf32>
      %mul3A_2578 = arith.mulf %gather3A_2575, %gather3A_2575 : vector<16xf32>
      %add3A_2579 = arith.addf %add3A_2569, %mul3A_2578 : vector<16xf32>
      %mul3A_2580 = arith.mulf %gather3A_2574, %gather3A_2575 : vector<16xf32>
      %add3A_2581 = arith.addf %add3A_2571, %mul3A_2580 : vector<16xf32>
      %broadcast_in_dim3A_2582 = arith.constant 11 : i32
      %broadcast_in_dim3A_2583 = vector.broadcast %broadcast_in_dim3A_2582 : i32 to vector<16xi32>
      %gather3A_2584 = tpu.vector_load_idx %arg11[%broadcast_in_dim3A_2583, %add3A_2465] : memref<16x512xf32, #tpu.memory_space<vmem>>[vector<16xi32>, vector<16xi32>], vector<16xf32>,
      %gather3A_2585 = tpu.vector_load_idx %arg12[%broadcast_in_dim3A_2583, %add3A_2465] : memref<16x512xf32, #tpu.memory_space<vmem>>[vector<16xi32>, vector<16xi32>], vector<16xf32>,
      %mul3A_2586 = arith.mulf %gather3A_2584, %gather3A_2584 : vector<16xf32>
      %add3A_2587 = arith.addf %add3A_2577, %mul3A_2586 : vector<16xf32>
      %mul3A_2588 = arith.mulf %gather3A_2585, %gather3A_2585 : vector<16xf32>
      %add3A_2589 = arith.addf %add3A_2579, %mul3A_2588 : vector<16xf32>
      %mul3A_2590 = arith.mulf %gather3A_2584, %gather3A_2585 : vector<16xf32>
      %add3A_2591 = arith.addf %add3A_2581, %mul3A_2590 : vector<16xf32>
      %broadcast_in_dim3A_2592 = arith.constant 12 : i32
      %broadcast_in_dim3A_2593 = vector.broadcast %broadcast_in_dim3A_2592 : i32 to vector<16xi32>
      %gather3A_2594 = tpu.vector_load_idx %arg11[%broadcast_in_dim3A_2593, %add3A_2465] : memref<16x512xf32, #tpu.memory_space<vmem>>[vector<16xi32>, vector<16xi32>], vector<16xf32>,
      %gather3A_2595 = tpu.vector_load_idx %arg12[%broadcast_in_dim3A_2593, %add3A_2465] : memref<16x512xf32, #tpu.memory_space<vmem>>[vector<16xi32>, vector<16xi32>], vector<16xf32>,
      %mul3A_2596 = arith.mulf %gather3A_2594, %gather3A_2594 : vector<16xf32>
      %add3A_2597 = arith.addf %add3A_2587, %mul3A_2596 : vector<16xf32>
      %mul3A_2598 = arith.mulf %gather3A_2595, %gather3A_2595 : vector<16xf32>
      %add3A_2599 = arith.addf %add3A_2589, %mul3A_2598 : vector<16xf32>
      %mul3A_2600 = arith.mulf %gather3A_2594, %gather3A_2595 : vector<16xf32>
      %add3A_2601 = arith.addf %add3A_2591, %mul3A_2600 : vector<16xf32>
      %broadcast_in_dim3A_2602 = arith.constant 13 : i32
      %broadcast_in_dim3A_2603 = vector.broadcast %broadcast_in_dim3A_2602 : i32 to vector<16xi32>
      %gather3A_2604 = tpu.vector_load_idx %arg11[%broadcast_in_dim3A_2603, %add3A_2465] : memref<16x512xf32, #tpu.memory_space<vmem>>[vector<16xi32>, vector<16xi32>], vector<16xf32>,
      %gather3A_2605 = tpu.vector_load_idx %arg12[%broadcast_in_dim3A_2603, %add3A_2465] : memref<16x512xf32, #tpu.memory_space<vmem>>[vector<16xi32>, vector<16xi32>], vector<16xf32>,
      %mul3A_2606 = arith.mulf %gather3A_2604, %gather3A_2604 : vector<16xf32>
      %add3A_2607 = arith.addf %add3A_2597, %mul3A_2606 : vector<16xf32>
      %mul3A_2608 = arith.mulf %gather3A_2605, %gather3A_2605 : vector<16xf32>
      %add3A_2609 = arith.addf %add3A_2599, %mul3A_2608 : vector<16xf32>
      %mul3A_2610 = arith.mulf %gather3A_2604, %gather3A_2605 : vector<16xf32>
      %add3A_2611 = arith.addf %add3A_2601, %mul3A_2610 : vector<16xf32>
      %broadcast_in_dim3A_2612 = arith.constant 14 : i32
      %broadcast_in_dim3A_2613 = vector.broadcast %broadcast_in_dim3A_2612 : i32 to vector<16xi32>
      %gather3A_2614 = tpu.vector_load_idx %arg11[%broadcast_in_dim3A_2613, %add3A_2465] : memref<16x512xf32, #tpu.memory_space<vmem>>[vector<16xi32>, vector<16xi32>], vector<16xf32>,
      %gather3A_2615 = tpu.vector_load_idx %arg12[%broadcast_in_dim3A_2613, %add3A_2465] : memref<16x512xf32, #tpu.memory_space<vmem>>[vector<16xi32>, vector<16xi32>], vector<16xf32>,
      %mul3A_2616 = arith.mulf %gather3A_2614, %gather3A_2614 : vector<16xf32>
      %add3A_2617 = arith.addf %add3A_2607, %mul3A_2616 : vector<16xf32>
      %mul3A_2618 = arith.mulf %gather3A_2615, %gather3A_2615 : vector<16xf32>
      %add3A_2619 = arith.addf %add3A_2609, %mul3A_2618 : vector<16xf32>
      %mul3A_2620 = arith.mulf %gather3A_2614, %gather3A_2615 : vector<16xf32>
      %add3A_2621 = arith.addf %add3A_2611, %mul3A_2620 : vector<16xf32>
      %broadcast_in_dim3A_2622 = arith.constant 15 : i32
      %broadcast_in_dim3A_2623 = vector.broadcast %broadcast_in_dim3A_2622 : i32 to vector<16xi32>
      %gather3A_2624 = tpu.vector_load_idx %arg11[%broadcast_in_dim3A_2623, %add3A_2465] : memref<16x512xf32, #tpu.memory_space<vmem>>[vector<16xi32>, vector<16xi32>], vector<16xf32>,
      %gather3A_2625 = tpu.vector_load_idx %arg12[%broadcast_in_dim3A_2623, %add3A_2465] : memref<16x512xf32, #tpu.memory_space<vmem>>[vector<16xi32>, vector<16xi32>], vector<16xf32>,
      %mul3A_2626 = arith.mulf %gather3A_2624, %gather3A_2624 : vector<16xf32>
      %add3A_2627 = arith.addf %add3A_2617, %mul3A_2626 : vector<16xf32>
      %mul3A_2628 = arith.mulf %gather3A_2625, %gather3A_2625 : vector<16xf32>
      %add3A_2629 = arith.addf %add3A_2619, %mul3A_2628 : vector<16xf32>
      %mul3A_2630 = arith.mulf %gather3A_2624, %gather3A_2625 : vector<16xf32>
      %add3A_2631 = arith.addf %add3A_2621, %mul3A_2630 : vector<16xf32>
      %bitcast3A = vector.bitcast %add3A_2627 : vector<16xf32> to vector<16xi32>
      %shift_right_logical3A = arith.constant 1 : i32
      %shift_right_logical3A_2632 = vector.broadcast %shift_right_logical3A : i32 to vector<16xi32>
      %shift_right_logical3A_2633 = arith.shrui %bitcast3A, %shift_right_logical3A_2632 : vector<16xi32>
      %sub3A = arith.constant 1597463007 : i32
      %sub3A_2634 = vector.broadcast %sub3A : i32 to vector<16xi32>
      %sub3A_2635 = arith.subi %sub3A_2634, %shift_right_logical3A_2633 : vector<16xi32>
      %bitcast3A_2636 = vector.bitcast %sub3A_2635 : vector<16xi32> to vector<16xf32>
      %mul3A_2637 = arith.constant 5.000000e-01 : f32
      %mul3A_2638 = vector.broadcast %mul3A_2637 : f32 to vector<16xf32>
      %mul3A_2639 = arith.mulf %mul3A_2638, %add3A_2627 : vector<16xf32>
      %mul3A_2640 = arith.mulf %mul3A_2639, %bitcast3A_2636 : vector<16xf32>
      %mul3A_2641 = arith.mulf %mul3A_2640, %bitcast3A_2636 : vector<16xf32>
      %sub3A_2642 = arith.constant 1.500000e+00 : f32
      %sub3A_2643 = vector.broadcast %sub3A_2642 : f32 to vector<16xf32>
      %sub3A_2644 = arith.subf %sub3A_2643, %mul3A_2641 : vector<16xf32>
      %mul3A_2645 = arith.mulf %bitcast3A_2636, %sub3A_2644 : vector<16xf32>
      %mul3A_2646 = arith.constant 5.000000e-01 : f32
      %mul3A_2647 = vector.broadcast %mul3A_2646 : f32 to vector<16xf32>
      %mul3A_2648 = arith.mulf %mul3A_2647, %add3A_2627 : vector<16xf32>
      %mul3A_2649 = arith.mulf %mul3A_2648, %mul3A_2645 : vector<16xf32>
      %mul3A_2650 = arith.mulf %mul3A_2649, %mul3A_2645 : vector<16xf32>
      %sub3A_2651 = arith.constant 1.500000e+00 : f32
      %sub3A_2652 = vector.broadcast %sub3A_2651 : f32 to vector<16xf32>
      %sub3A_2653 = arith.subf %sub3A_2652, %mul3A_2650 : vector<16xf32>
      %mul3A_2654 = arith.mulf %mul3A_2645, %sub3A_2653 : vector<16xf32>
      %mul3A_2655 = arith.constant 5.000000e-01 : f32
      %mul3A_2656 = vector.broadcast %mul3A_2655 : f32 to vector<16xf32>
      %mul3A_2657 = arith.mulf %mul3A_2656, %add3A_2627 : vector<16xf32>
      %mul3A_2658 = arith.mulf %mul3A_2657, %mul3A_2654 : vector<16xf32>
      %mul3A_2659 = arith.mulf %mul3A_2658, %mul3A_2654 : vector<16xf32>
      %sub3A_2660 = arith.constant 1.500000e+00 : f32
      %sub3A_2661 = vector.broadcast %sub3A_2660 : f32 to vector<16xf32>
      %sub3A_2662 = arith.subf %sub3A_2661, %mul3A_2659 : vector<16xf32>
      %mul3A_2663 = arith.mulf %mul3A_2654, %sub3A_2662 : vector<16xf32>
      %mul3A_2664 = arith.mulf %add3A_2627, %mul3A_2663 : vector<16xf32>
      %max3A = arith.constant 9.99999993E-9 : f32
      %max3A_2665 = vector.broadcast %max3A : f32 to vector<16xf32>
      %max3A_2666 = arith.maximumf %mul3A_2664, %max3A_2665 : vector<16xf32>
      %bitcast3A_2667 = vector.bitcast %add3A_2629 : vector<16xf32> to vector<16xi32>
      %shift_right_logical3A_2668 = arith.constant 1 : i32
      %shift_right_logical3A_2669 = vector.broadcast %shift_right_logical3A_2668 : i32 to vector<16xi32>
      %shift_right_logical3A_2670 = arith.shrui %bitcast3A_2667, %shift_right_logical3A_2669 : vector<16xi32>
      %sub3A_2671 = arith.constant 1597463007 : i32
      %sub3A_2672 = vector.broadcast %sub3A_2671 : i32 to vector<16xi32>
      %sub3A_2673 = arith.subi %sub3A_2672, %shift_right_logical3A_2670 : vector<16xi32>
      %bitcast3A_2674 = vector.bitcast %sub3A_2673 : vector<16xi32> to vector<16xf32>
      %mul3A_2675 = arith.constant 5.000000e-01 : f32
      %mul3A_2676 = vector.broadcast %mul3A_2675 : f32 to vector<16xf32>
      %mul3A_2677 = arith.mulf %mul3A_2676, %add3A_2629 : vector<16xf32>
      %mul3A_2678 = arith.mulf %mul3A_2677, %bitcast3A_2674 : vector<16xf32>
      %mul3A_2679 = arith.mulf %mul3A_2678, %bitcast3A_2674 : vector<16xf32>
      %sub3A_2680 = arith.constant 1.500000e+00 : f32
      %sub3A_2681 = vector.broadcast %sub3A_2680 : f32 to vector<16xf32>
      %sub3A_2682 = arith.subf %sub3A_2681, %mul3A_2679 : vector<16xf32>
      %mul3A_2683 = arith.mulf %bitcast3A_2674, %sub3A_2682 : vector<16xf32>
      %mul3A_2684 = arith.constant 5.000000e-01 : f32
      %mul3A_2685 = vector.broadcast %mul3A_2684 : f32 to vector<16xf32>
      %mul3A_2686 = arith.mulf %mul3A_2685, %add3A_2629 : vector<16xf32>
      %mul3A_2687 = arith.mulf %mul3A_2686, %mul3A_2683 : vector<16xf32>
      %mul3A_2688 = arith.mulf %mul3A_2687, %mul3A_2683 : vector<16xf32>
      %sub3A_2689 = arith.constant 1.500000e+00 : f32
      %sub3A_2690 = vector.broadcast %sub3A_2689 : f32 to vector<16xf32>
      %sub3A_2691 = arith.subf %sub3A_2690, %mul3A_2688 : vector<16xf32>
      %mul3A_2692 = arith.mulf %mul3A_2683, %sub3A_2691 : vector<16xf32>
      %mul3A_2693 = arith.constant 5.000000e-01 : f32
      %mul3A_2694 = vector.broadcast %mul3A_2693 : f32 to vector<16xf32>
      %mul3A_2695 = arith.mulf %mul3A_2694, %add3A_2629 : vector<16xf32>
      %mul3A_2696 = arith.mulf %mul3A_2695, %mul3A_2692 : vector<16xf32>
      %mul3A_2697 = arith.mulf %mul3A_2696, %mul3A_2692 : vector<16xf32>
      %sub3A_2698 = arith.constant 1.500000e+00 : f32
      %sub3A_2699 = vector.broadcast %sub3A_2698 : f32 to vector<16xf32>
      %sub3A_2700 = arith.subf %sub3A_2699, %mul3A_2697 : vector<16xf32>
      %mul3A_2701 = arith.mulf %mul3A_2692, %sub3A_2700 : vector<16xf32>
      %mul3A_2702 = arith.mulf %add3A_2629, %mul3A_2701 : vector<16xf32>
      %max3A_2703 = arith.constant 9.99999993E-9 : f32
      %max3A_2704 = vector.broadcast %max3A_2703 : f32 to vector<16xf32>
      %max3A_2705 = arith.maximumf %mul3A_2702, %max3A_2704 : vector<16xf32>
      %mul3A_2706 = arith.mulf %max3A_2666, %max3A_2705 : vector<16xf32>
      %div3A = arith.divf %add3A_2631, %mul3A_2706 : vector<16xf32>
      %mul3A_2707 = arith.constant 2.500000e+00 : f32
      %mul3A_2708 = vector.broadcast %mul3A_2707 : f32 to vector<16xf32>
      %mul3A_2709 = arith.mulf %div3A, %mul3A_2708 : vector<16xf32>
      %add3A_2710 = arith.constant 2.750000e+00 : f32
      %add3A_2711 = vector.broadcast %add3A_2710 : f32 to vector<16xf32>
      %add3A_2712 = arith.addf %mul3A_2709, %add3A_2711 : vector<16xf32>
      %swap3A = arith.index_cast %mul3A_1209 : i32 to index
      %swap3A_2713 = tpu.vector_load %arg13[%swap3A] {strides = array<i32>} : memref<512xf32, #tpu.memory_space<vmem>>, vector<16xf32>,
      tpu.vector_store %arg13[%swap3A], %add3A_2712 {strides = array<i32>} : memref<512xf32, #tpu.memory_space<vmem>>, vector<16xf32>,
    }
    %scan3A_805 = arith.constant 32 : i32
    %mul3A_806 = arith.constant 512 : i32
    %mul3A_807 = arith.muli %add3A, %mul3A_806 : i32
    "tpu.region"() ({
      %run_scoped3A = tpu.sem_alloc : memref<!tpu.dma_semaphore, #tpu.memory_space<semaphore_mem>>
      %dma_start3A_808 = tpu.memref_slice %arg6[%mul3A_807] : memref<16384xf32, #tpu.memory_space<hbm>> -> memref<512xf32, #tpu.memory_space<hbm>>
      %dma_start3A_809 = tpu.memref_slice %arg6[%mul3A_807] : memref<16384xf32, #tpu.memory_space<hbm>> -> memref<512xf32, #tpu.memory_space<hbm>>
      tpu.enqueue_dma source(%arg13 : memref<512xf32, #tpu.memory_space<vmem>>) target(%dma_start3A_809 : memref<512xf32, #tpu.memory_space<hbm>>) target_semaphore(%run_scoped3A : memref<!tpu.dma_semaphore, #tpu.memory_space<semaphore_mem>>)
      %dma_wait3A = tpu.memref_slice %arg6[%mul3A_807] : memref<16384xf32, #tpu.memory_space<hbm>> -> memref<512xf32, #tpu.memory_space<hbm>>
      %dma_wait3A_810 = tpu.memref_slice %arg6[%mul3A_807] : memref<16384xf32, #tpu.memory_space<hbm>> -> memref<512xf32, #tpu.memory_space<hbm>>
      tpu.wait_dma2 semaphore(%run_scoped3A : memref<!tpu.dma_semaphore, #tpu.memory_space<semaphore_mem>>) src(%arg13 : memref<512xf32, #tpu.memory_space<vmem>>) dst(%dma_wait3A_810 : memref<512xf32, #tpu.memory_space<hbm>>)
      tpu.yield
    }) : () -> ()
    return
  }
}

</mosaic_0001>

<sc_bundles>
// kernel: kernel.3.cloned.1.call-start
scs
__scs_entry_jumppad:
0x0: {  	(pc) =	sbr.rel $0x88, $3  }
0x1: {  	(tag) =	ssettag $0x0;
	lr =	simm.s32 $0x1  }
0x2: {  	[smem:$0x3F9D] =	sst lr;
	_ =	strace $0xD0000000  }
0x3: {  	_ = 	snop  }
0x4: {  	_ = 	snop  }
0x5: {  	_ = 	snop  }
0x6: {  	_ = 	snop  }
0x7: {  	_ = 	snop  }
__scs_overlays_trampoline_lowered:
0x8: {  	[smem:$0x3FAC] =	sst s0  }
0x9: {  	[smem:$0x3FAD] =	sst s1  }
0xa: {  	[smem:$0x3FAE] =	sst s2  }
0xb: {  	[smem:$0x3FAF] =	sst s3  }
0xc: {  	[smem:$0x3FB0] =	sst s4  }
0xd: {  	[smem:$0x3FB1] =	sst s5  }
0xe: {  	[smem:$0x3FB2] =	sst s6  }
0xf: {  	[smem:$0x3FB3] =	sst s7  }
0x10: {  	[smem:$0x3FB4] =	sst s8  }
0x11: {  	[smem:$0x3FB5] =	sst s9;
	s0 =	simm.s32 @!p0 $0x0  }
0x12: {  	s1 =	sld [smem:$0x3F9B];
	s0 =	simm.s32 @p0 $0x1  }
0x13: {  	[smem:$0x3FB6] =	sst s0;
	s0 =	simm.s32 @!p1 $0x0  }
0x14: {  	s2 =	sld [smem:$0x3F9A];
	s0 =	simm.s32 @p1 $0x1  }
0x15: {  	[smem:$0x3FB7] =	sst s0;
	s0 =	simm.s32 @!p2 $0x0  }
0x16: {  	s3 =	sld [smem:$0x3FDB];
	s0 =	simm.s32 @p2 $0x1  }
0x17: {  	s4 =	simm.s32 $0x1BF5;
	[smem:$0x3FB9] =	sst s0  }
0x18: {  	s0 =	sld [smem:$0x3F9C];
	_ =	swait.ge [sflag:s4], $0x0  }
0x19: {  	s7 =	sld [smem:$0x3F9D]  }
0x1a: {  	s8 =	sadd.s32 $0xFFFFE003, lr  }
0x1b: {  	s9 =	sadd.s32 $0xFFFFFEF7, lr;
	s5 =	simm.s32 $0xFFFFFFFF;
	p2 =	slt.u32 s8, $0xFFFFF086  }
0x1c: {  	p1 =	slt.u32 s9, $0xF7A;
	s5 =	simm.s32 @!p2 $0x0  }
0x1d: {  	s5 =	simm.s32 @p1 $0x1;
	p0 =	seq.s32 s7, s2  }
0x1e: {  	s7 =	smul.u32 @!p0 $0xF7A, s2;
	p2 =	seq.s32 @!p0 s5, $0x0  }
0x1f: {  	s9 =	smul.u32 $0xF7A, s1;
	s8 =	simm.s32 @!p0 $0x1BF5;
	p2 =	por !p2, p0  }
0x20: {  	[sflag:s8] =	ssyncset.s32 @!p0 $0xFFFFF086;
	s6 =	sadd.s32 @!p0 s3, s7;
	s7 =	simm.s32 @!p0 $0x108  }
0x21: {  	s3 =	sadd.s32 s3, s9;
	s6 =	sadd.s32 @!p0 $0x88, s6;
	s7 =	simm.s32 @p2 $0x1082  }
0x22: {  	[simem:s7], [sflag:s8] =	dma.local @!p0 [hbm:s6], $0xF7A  }
0x23: {  	s9 =	sor.u32 $0xD0000000, s2;
	s6 =	simm.s32 $0x108;
	_ =	swait.ge @!p0 [sflag:s8], $0x0  }
0x24: {  	s3 =	sadd.s32 $0x88, s3;
	s6 =	simm.s32 @!p1 $0x1082;
	[sflag:s4] =	ssyncset.s32 $0xFFFFF086  }
0x25: {  	[simem:s6], [sflag:s4] =	dma.local [hbm:s3], $0xF7A  }
0x26: {  	[smem:$0x3F9D] =	sst s1;
	(tag) =	ssettag s2;
	_ =	strace s9  }
0x27: {  	s1 =	sld [smem:$0x3FAD]  }
0x28: {  	s2 =	sld [smem:$0x3FAE]  }
0x29: {  	s4 =	sld [smem:$0x3FB0]  }
0x2a: {  	p0 =	seq.s32 s5, $0x0;
	s5 =	sld [smem:$0x3FB1]  }
0x2b: {  	s6 =	sld [smem:$0x3FB2]  }
0x2c: {  	s7 =	sld [smem:$0x3FB3]  }
0x2d: {  	s3 =	simm.s32 $0x108;
	s8 =	sld [smem:$0x3FB4]  }
0x2e: {  	s3 =	simm.s32 @!p0 $0x1082;
	s9 =	sld [smem:$0x3FB5]  }
0x2f: {  	lr =	sadd.s32 s0, s3;
	s0 =	sld [smem:$0x3FAC]  }
0x30: {  	s3 =	sld [smem:$0x3FAF]  }
0x31: {  	[smem:$0x3FB8] =	sst s10  }
0x32: {  	s10 =	sld [smem:$0x3FB6];
	_ =	sdelay $0x3  }
0x33: {  	p0 =	seq.s32 s10, $0x1;
	s10 =	sld [smem:$0x3FB8];
	_ =	sdelay $0x3  }
0x34: {  	[smem:$0x3FB8] =	sst s10  }
0x35: {  	s10 =	sld [smem:$0x3FB7];
	_ =	sdelay $0x3  }
0x36: {  	p1 =	seq.s32 s10, $0x1;
	s10 =	sld [smem:$0x3FB8];
	_ =	sdelay $0x3  }
0x37: {  	[smem:$0x3FB8] =	sst s10  }
0x38: {  	s10 =	sld [smem:$0x3FB9]  }
0x39: {  	_ = 	snop;
	(pc) =	sbr.ind lr, $3  }
0x3a: {  	_ = 	snop  }
0x3b: {  	_ = 	snop  }
0x3c: {  	p2 =	seq.s32 s10, $0x1;
	s10 =	sld [smem:$0x3FB8]  }
0x3d: {  	_ =	shalt  }
0x3e: {  	_ =	shalt  }
0x3f: {  	_ =	shalt  }
0x40: {  	_ =	shalt  }
0x41: {  	_ =	shalt  }
0x42: {  	_ =	shalt  }
0x43: {  	_ =	shalt  }
0x44: {  	_ =	shalt  }
0x45: {  	_ =	shalt  }
0x46: {  	_ =	shalt  }
0x47: {  	_ =	shalt  }
0x48: {  	_ =	shalt  }
0x49: {  	_ =	shalt  }
0x4a: {  	_ =	shalt  }
0x4b: {  	_ =	shalt  }
0x4c: {  	_ =	shalt  }
0x4d: {  	_ =	shalt  }
0x4e: {  	_ =	shalt  }
0x4f: {  	_ =	shalt  }
0x50: {  	_ =	shalt  }
0x51: {  	_ =	shalt  }
0x52: {  	_ =	shalt  }
0x53: {  	_ =	shalt  }
0x54: {  	_ =	shalt  }
0x55: {  	_ =	shalt  }
0x56: {  	_ =	shalt  }
0x57: {  	_ =	shalt  }
0x58: {  	_ =	shalt  }
0x59: {  	_ =	shalt  }
0x5a: {  	_ =	shalt  }
0x5b: {  	_ =	shalt  }
0x5c: {  	_ =	shalt  }
0x5d: {  	_ =	shalt  }
0x5e: {  	_ =	shalt  }
0x5f: {  	_ =	shalt  }
0x60: {  	_ =	shalt  }
0x61: {  	_ =	shalt  }
0x62: {  	_ =	shalt  }
0x63: {  	_ =	shalt  }
0x64: {  	_ =	shalt  }
0x65: {  	_ =	shalt  }
0x66: {  	_ =	shalt  }
0x67: {  	_ =	shalt  }
0x68: {  	_ =	shalt  }
0x69: {  	_ =	shalt  }
0x6a: {  	_ =	shalt  }
0x6b: {  	_ =	shalt  }
0x6c: {  	_ =	shalt  }
0x6d: {  	_ =	shalt  }
0x6e: {  	_ =	shalt  }
0x6f: {  	_ =	shalt  }
0x70: {  	_ =	shalt  }
0x71: {  	_ =	shalt  }
0x72: {  	_ =	shalt  }
0x73: {  	_ =	shalt  }
0x74: {  	_ =	shalt  }
0x75: {  	_ =	shalt  }
0x76: {  	_ =	shalt  }
0x77: {  	_ =	shalt  }
0x78: {  	_ =	shalt  }
0x79: {  	_ =	shalt  }
0x7a: {  	_ =	shalt  }
0x7b: {  	_ =	shalt  }
0x7c: {  	_ =	shalt  }
0x7d: {  	_ =	shalt  }
0x7e: {  	_ =	shalt  }
0x7f: {  	_ =	shalt  }
0x80: {  	_ =	shalt  }
0x81: {  	_ =	shalt  }
0x82: {  	_ =	shalt  }
0x83: {  	_ =	shalt  }
0x84: {  	_ =	shalt  }
0x85: {  	_ =	shalt  }
0x86: {  	_ =	shalt  }
0x87: {  	_ =	shalt  }
.Lfunc_end0:
.L_simem_size_0:
called_computation_lowered:
.L_overlay_start_0:
0x88: {  	s2 =	sld [smem:$0x3FD9]  }
0x89: {  	s3 =	sld [smem:$0x3FFE];
	_ =	sdelay $0x1  }
0x8a: {  	s1 =	srdreg.scid  }
0x8b: {  	s0 =	sand.u32 $0x1, s1  }
0x8c: {  	s17 =	sshll.u32 s0, $0xA;
	s2 =	sadd.s32 s3, s2  }
0x8d: {  	s2 =	sadd.s32 s2, s17  }
0x8e: {  	[smem:$0x3FC4] =	sst s2  }
0x8f: {  	_ = 	snop  }
0x90: {  	s2 =	sld [smem:$0x3FC7]  }
0x91: {  	s18 =	sld [smem:$0x3FC6]  }
0x92: {  	s4 =	sld [smem:$0x3FD0];
	(tm) =	ssettm $0x1  }
0x93: {  	s5 =	sld [smem:$0x3FFB];
	_ =	sdelay $0x3  }
0x94: {  	_ =	strace s5  }
0x95: {  	s5 =	sld [smem:$0x3FFC];
	_ =	sdelay $0x3  }
0x96: {  	_ =	strace s5  }
0x97: {  	s5 =	sld [smem:$0x3FFD];
	_ =	sdelay $0x3  }
0x98: {  	_ =	strace s5  }
0x99: {  	_ =	strace $0x8FFFFFFF  }
0x9a: {  	s19 =	sld [smem:$0x3FDB];
	_ =	sdelay $0x1  }
0x9b: {  	s6 =	simm.s32 $_scs_section_size  }
0x9c: {  	s7 =	simm.s32 $_size__tile_overlayer_lowered;
	s8 =	simm.s32 $_tile_overlayer_lowered  }
0x9d: {  	s22 =	simm.s32 $0x1BFF;
	s21 =	sshll.u32 s8, $0x1;
	s5 =	sadd.s32 s6, s19  }
0x9e: {  	s9 =	simm.s32 $0x0;
	s20 =	sshll.u32 s7, $0x1;
	s7 =	sadd.s32 s21, s5  }
0x9f: {  	[timem:s9], [sflag:s22] =	dma.local [hbm:s7], s20  }
0xa0: {  	_ =	swait.ge [sflag:s22], s20  }
0xa1: {  	s6 =	ssub.s32 $0x0, s20;
	[sflag:s22] =	ssyncset.done $0x0  }
0xa2: {  	[sflag:s22] =	ssyncadd.s32 s6;
	_ =	sdelay $0x1  }
0xa3: {  	s23 =	simm.s32 $0x1B8B  }
0xa4: {  	_ =	swait.ge [sflag:s23], $0x1  }
0xa5: {  	[sflag:s23] =	ssyncset.done $0x0  }
0xa6: {  	s25 =	simm.s32 $0x1B8E;
	s24 =	sld [smem:$0x3FFE];
	[sflag:s23] =	ssyncadd.s32 $0xFFFFFFFF  }
0xa7: {  	s26 =	simm.s32 $execute0_lowered;
	[smem:$0x3FD2] =	sst s25  }
0xa8: {  	s7 =	sshll.u32 s26, $0x1;
	_ =	strace $0x80000046;
	[dreg:$0x1] =	wrdreg $0xFFFFFFFF  }
0xa9: {  	s28 =	simm.s32 $_size_execute0_lowered;
	s5 =	sadd.s32 s5, s7;
	[dreg:$0x0] =	wrdreg $0x0  }
0xaa: {  	s7 =	sshll.u32 s28, $0x1;
	[dreg:$0x2] =	wrdreg s5  }
0xab: {  	[dreg:$0x3] =	wrdreg s7  }
0xac: {  	[dreg:$0x4] =	wrdreg $0xC0  }
0xad: {  	_ =	task [dreg:s9], $0x5FFFF  }
0xae: {  	[dreg:$0x1] =	wrdreg $0xFFFFFFFF  }
0xaf: {  	[dreg:$0x0] =	wrdreg $0x60  }
0xb0: {  	[dreg:$0x2] =	wrdreg s24  }
0xb1: {  	[dreg:$0x3] =	wrdreg s2  }
0xb2: {  	[dreg:$0x4] =	wrdreg s18  }
0xb3: {  	[dreg:$0x5] =	wrdreg s4  }
0xb4: {  	[dreg:$0x6] =	wrdreg $0x9  }
0xb5: {  	_ =	task.clear_ibuf [dreg:s9], $0x7FFFF;
	_ =	strace $0x90000046  }
0xb6: {  	s29 =	simm.s32 $0x9;
	_ =	strace $0x80000048  }
0xb7: {  	_ =	swait.ge [sflag:s29], $0x1  }
0xb8: {  	[sflag:s29] =	ssyncadd.s32 $0xFFFFFFFF  }
0xb9: {  	_ =	strace $0x90000048  }
0xba: {  	_ =	sfence  }
0xbb: {  	s30 =	sld [smem:$0x0];
	_ =	sdelay $0x2  }
0xbc: {  	s31 =	sshll.u32 s1, $0xD;
	s1 =	sshrl.u32 s1, $0x2  }
0xbd: {  	s3 =	sand.u32 $0x4000, s31;
	s1 =	sadd.s32 s1, s30  }
0xbe: {  	s0 =	sor.u32 s3, s0;
	s1 =	sshll.u32 s1, $0x11  }
0xbf: {  	s0 =	sor.u32 s1, s0  }
0xc0: {  	s0 =	sadd.s32 $0x8F2B, s0  }
0xc1: {  	[sflag:s0] =	ssyncadd.remote.s32 $0x1  }
0xc2: {  	_ =	sfence.sel $0xFFFF  }
0xc3: {  	[dreg:$0x0] =	wrdreg $0xFFFFFFFF;
	(pc) =	sbr.abs _section_cstart, $3  }
0xc4: {  	[dreg:$0x1] =	wrdreg $0xFFFFFFFF  }
0xc5: {  	_ =	task.clear_ibuf [dreg:s9], $0x2FFFF;
	_ =	strace $0x9FFFFFFF  }
0xc6: {  	(tm) =	ssettm $0x7FFFFFFF  }
0xc7: {  	_ =	shalt  }
tec
execute0_lowered:
.L_overlay_start_1:
0x0: {  	(tag) =	ssettag $0x1  }
0x1: {  	v0 =	vimm.s32 $0x1380;
	vm3 =	vcmask $0x300  }
0x2: {  	vm0 =	vcmask $0x308;
	vm4 =	vcmask $0x704;
	v0 =	vsel vm3, $0x0, v0  }
0x3: {  	vm1 =	vcmask $0x70C;
	vm5 =	vcmask $0xB08;
	v0 =	vsel vm4, $0x80, v0  }
0x4: {  	vm2 =	vcmask $0xB10;
	vm6 =	vcmask $0xF0C;
	v0 =	vsel vm5, $0x100, v0  }
0x5: {  	vm7 =	vcmask $0x1310;
	vm8 =	vcmask $0x1714;
	v0 =	vsel vm6, $0x180, v0  }
0x6: {  	vm9 =	vcmask $0x1B18;
	vm10 =	vcmask $0x1F1C;
	v0 =	vsel vm7, $0x200, v0  }
0x7: {  	s0 =	rddreg [dreg:$0x0];
	s1 =	srdreg.scid;
	vm11 =	vcmask $0x2320;
	vm12 =	vcmask $0x2724;
	v0 =	vsel vm8, $0x280, v0  }
0x8: {  	s4 =	stileid.u32;
	s2 =	rddreg [dreg:$0x3];
	vm13 =	vcmask $0x2B28;
	vm14 =	vcmask $0x2F2C;
	v0 =	vsel vm9, $0x300, v0  }
0x9: {  	s6 =	simm.s32 $0x0;
	s30 =	simm.s32 $0x400;
	vm15 =	vcmask $0x3330;
	s16 =	simm.s32 $0x1;
	v2 =	vimm.s32 $0x0;
	v0 =	vsel vm10, $0x380, v0  }
0xa: {  	s17 =	simm.s32 $0x2;
	v3 =	vimm.s32 $0x0;
	s1 =	sand.u32 $0x1, s1;
	s3 =	sshll.u32 s4, $0x1;
	vm3 =	vcmask $0xF14;
	v0 =	vsel vm11, $0x1000, v0  }
0xb: {  	s4 =	sshll.u32 s4, $0x7;
	[smem:$0x7FF] =	sst s6;
	s3 =	sor.u32 s1, s3;
	vm4 =	vcmask $0x1318;
	vm5 =	vcmask $0x171C;
	v0 =	vsel vm12, $0x1080, v0  }
0xc: {  	s1 =	ssub.s32 $0x2, s1;
	_ =	strace $0x80000047;
	s5 =	sshll.u32 s3, $0x4;
	vm6 =	vcmask $0x1B20;
	vm7 =	vcmask $0x1F24;
	v0 =	vsel vm13, $0x1100, v0  }
0xd: {  	s28 =	sshrl.u32 s1, $0x1;
	s3 =	sshll.u32 s3, $0x6;
	s4 =	sor.u32 s4, s5;
	vm8 =	vcmask $0x2328;
	vm9 =	vcmask $0x272C;
	v0 =	vsel vm14, $0x1180, v0  }
0xe: {  	s1 =	ssub.s32 s1, s28;
	s29 =	sadd.s32 s2, s3;
	s4 =	sand.u32 $0x670, s4;
	vm10 =	vcmask $0x2B30;
	v1 =	vsel vm15, $0x1200, v0;
	vm15 =	vcmask $0x3734  }
0xf: {  	[dreg:$0x10] =	wrdreg s29;
	s31 =	smax.u32 s1, $0x1;
	s0 =	sadd.s32 s4, s0;
	vm14 =	vmmov $0x7fff;
	v1 =	vsel vm15, $0x1280, v1;
	vm15 =	vcmask $0x3B38  }
0x10: {  	s18 =	simm.s32 $0x10400;
	[dreg:$0x11] =	wrdreg s31;
	s4 =	sadd.s32 $0x400, s0;
	v3 =	vsel vm14, $0xFFFFFFFF, v3;
	v1 =	vsel vm15, $0x1300, v1;
	vm15 =	vmmov $0x1  }
0x11: {  	s19 =	simm.s32 $0x12400;
	s0 =	sadd.s32 $0xC00, s0;
	[dreg:$0xe] =	wrdreg s4;
	vm11 =	vcmask $0x2F34;
	v0 =	vlaneseq.u32;
	[tilespmem:$0x1FFF0] =	vst v3;
	v2 =	vsel vm15, $0xFFFFFFFF, v2  }
0x12: {  	s2 =	simm.s32 $0x3;
	s1 =	simm.s32 $0x0;
	[dreg:$0xf] =	wrdreg s0;
	vm12 =	vcmask $0x3338;
	vm13 =	vcmask $0x373C;
	[tilespmem:$0x1FFE0] =	vst v2;
	v2 =	vmul.u32 $0x80, v0  }
.LBB2_1:
0x13: {  	[dreg:$0x12] =	wrdreg s1  }
0x14: {  	s0 =	rddreg [dreg:$0xe];
	s22 =	simm.s32 $0x80  }
0x15: {  	[tilespmem:s6], [sflag:$0x3] =	stream.strided.gather [hbm4b:s0+s22], $0x200, s30, s22, $0x38;
	[tilespmem:$0x14600] =	vst v63  }
0x16: {  	_ =	swait.ge [sflag:s2], $0x200  }
0x17: {  	[sflag:s2] =	ssyncset.done $0x0  }
0x18: {  	s3 =	simm.s32 $0x200;
	s23 =	rddreg [dreg:$0xf];
	[sflag:s2] =	ssyncadd.s32 $0xFFFFFE00  }
0x19: {  	[tilespmem:s3], [sflag:$0x3] =	stream.strided.gather [hbm4b:s23+s22], $0x200, s30, s22, $0x38;
	[tilespmem:$0x14600] =	vst v63  }
0x1a: {  	_ =	swait.ge [sflag:s2], $0x200  }
0x1b: {  	[sflag:s2] =	ssyncset.done $0x0  }
0x1c: {  	[sflag:s2] =	ssyncadd.s32 $0xFFFFFE00  }
0x1d: {  	v3 =	vld [tilespmem:$0x0];
	_ =	sdelay $0x4  }
0x1e: {  	v3 =	vand.u32 $0xFFFFFF80, v3  }
0x1f: {  	v4 =	vsel vm0, $0x0, v3  }
0x20: {  	(xrf0) =	vadd.scan.msk.s32 $0xffff, v4;
	v4 =	vsel vm1, $0x0, v3  }
0x21: {  	(xrf0) =	vadd.scan.msk.s32 $0xffff, v4;
	v4 =	vsel vm2, $0x0, v3  }
0x22: {  	(xrf0) =	vadd.scan.msk.s32 $0xffff, v4;
	v4 =	vsel vm3, $0x0, v3  }
0x23: {  	(xrf0) =	vadd.scan.msk.s32 $0xffff, v4;
	v4 =	vsel vm4, $0x0, v3  }
0x24: {  	(xrf0) =	vadd.scan.msk.s32 $0xffff, v4;
	v4 =	vsel vm5, $0x0, v3  }
0x25: {  	(xrf0) =	vadd.scan.msk.s32 $0xffff, v4;
	v4 =	vsel vm6, $0x0, v3  }
0x26: {  	v5, _, _ =	vpop (xrf0);
	(xrf0) =	vadd.scan.msk.s32 $0xffff, v4;
	v4 =	vsel vm7, $0x0, v3  }
0x27: {  	(v2sf) =	vpush v5, $0xF;
	v5, _, _ =	vpop (xrf0);
	(xrf0) =	vadd.scan.msk.s32 $0xffff, v4;
	v4 =	vsel vm8, $0x0, v3  }
0x28: {  	(xrf0) =	vadd.scan.msk.s32 $0xffff, v4;
	v4 =	vsel vm9, $0x0, v3  }
0x29: {  	(v2sf) =	vpush v5, $0xF;
	v5, _, _ =	vpop (xrf0);
	(xrf0) =	vadd.scan.msk.s32 $0xffff, v4;
	v4 =	vsel vm10, $0x0, v3  }
0x2a: {  	(v2sf) =	vpush v5, $0xF;
	v5, _, _ =	vpop (xrf0);
	(xrf0) =	vadd.scan.msk.s32 $0xffff, v4;
	v4 =	vsel vm11, $0x0, v3  }
0x2b: {  	(v2sf) =	vpush v5, $0xF;
	v5, _, _ =	vpop (xrf0)  }
0x2c: {  	(v2sf) =	vpush v5, $0xF;
	v5, _, _ =	vpop (xrf0);
	(xrf0) =	vadd.scan.msk.s32 $0xffff, v4  }
0x2d: {  	(v2sf) =	vpush v5, $0xF;
	v4, _, _ =	vpop (xrf0)  }
0x2e: {  	(v2sf) =	vpush v4, $0xF;
	v4, _, _ =	vpop (xrf0)  }
0x2f: {  	(v2sf) =	vpush v4, $0xF;
	v4, _, _ =	vpop (xrf0)  }
0x30: {  	(v2sf) =	vpush v4, $0xF;
	v4, _, _ =	vpop (xrf0)  }
0x31: {  	(v2sf) =	vpush v4, $0xF;
	v4, _, _ =	vpop (xrf0)  }
0x32: {  	(v2sf) =	vpush v4, $0xF;
	v4, _, _ =	vpop (xrf0)  }
0x33: {  	(v2sf) =	vpush v4, $0xF;
	v4 =	vsel vm12, $0x0, v3  }
0x34: {  	(xrf0) =	vadd.scan.msk.s32 $0xffff, v4;
	_ =	sdelay $0x2  }
0x35: {  	v4 =	vld [tilespmem:$0x200];
	_ =	sdelay $0x2  }
0x36: {  	v5, _, _ =	vpop (xrf0)  }
0x37: {  	s11 =	spop (v2sf);
	(v2sf) =	vpush v5, $0xF;
	v5 =	vsel vm13, $0x0, v3  }
0x38: {  	v4 =	vand.u32 $0xFFFFFF80, v4;
	(xrf0) =	vadd.scan.msk.s32 $0xffff, v5;
	v5 =	vsel vm14, $0x0, v3  }
0x39: {  	(xrf0) =	vadd.scan.msk.s32 $0xffff, v5;
	v5 =	vsel vm0, $0x0, v4  }
0x3a: {  	(xrf0) =	vadd.scan.msk.s32 $0xffff, v5;
	v5 =	vsel vm1, $0x0, v4  }
0x3b: {  	(xrf0) =	vadd.scan.msk.s32 $0xffff, v5;
	v5 =	vsel vm2, $0x0, v4  }
0x3c: {  	(xrf0) =	vadd.scan.msk.s32 $0xffff, v5;
	v5 =	vsel vm3, $0x0, v4  }
0x3d: {  	(xrf0) =	vadd.scan.msk.s32 $0xffff, v5;
	v5 =	vsel vm4, $0x0, v4  }
0x3e: {  	v6, _, _ =	vpop (xrf0);
	(xrf0) =	vadd.scan.msk.s32 $0xffff, v5;
	v5 =	vsel vm5, $0x0, v4  }
0x3f: {  	v21, _, _ =	vpop (xrf0);
	(xrf0) =	vadd.scan.msk.s32 $0xffff, v5;
	v5 =	vsel vm6, $0x0, v4  }
0x40: {  	v22, _, _ =	vpop (xrf0);
	(xrf0) =	vadd.scan.msk.s32 $0xffff, v5;
	v5 =	vsel vm7, $0x0, v4  }
0x41: {  	v23, _, _ =	vpop (xrf0);
	(xrf0) =	vadd.scan.msk.s32 $0xffff, v5;
	v5 =	vsel vm8, $0x0, v4  }
0x42: {  	v24, _, _ =	vpop (xrf0);
	(xrf0) =	vadd.scan.msk.s32 $0xffff, v5;
	v5 =	vsel vm9, $0x0, v4  }
0x43: {  	v25, _, _ =	vpop (xrf0);
	(xrf0) =	vadd.scan.msk.s32 $0xffff, v5;
	v5 =	vsel vm10, $0x0, v4  }
0x44: {  	v26, _, _ =	vpop (xrf0);
	(xrf0) =	vadd.scan.msk.s32 $0xffff, v5;
	v5 =	vsel vm11, $0x0, v4  }
0x45: {  	s10 =	spop (v2sf);
	(v2sf) =	vpush v6, $0xF;
	v27, _, _ =	vpop (xrf0);
	(xrf0) =	vadd.scan.msk.s32 $0xffff, v5;
	v5 =	vsel vm12, $0x0, v4  }
0x46: {  	s9 =	spop (v2sf);
	(v2sf) =	vpush v21, $0xF;
	v28, _, _ =	vpop (xrf0);
	(xrf0) =	vadd.scan.msk.s32 $0xffff, v5;
	v5 =	vsel vm13, $0x0, v4  }
0x47: {  	s8 =	spop (v2sf);
	(v2sf) =	vpush v22, $0xF;
	v29, _, _ =	vpop (xrf0);
	(xrf0) =	vadd.scan.msk.s32 $0xffff, v5;
	v5 =	vsel vm14, $0x0, v4  }
0x48: {  	s7 =	spop (v2sf);
	(v2sf) =	vpush v23, $0xF;
	v30, _, _ =	vpop (xrf0);
	(xrf0) =	vadd.scan.msk.s32 $0xffff, v5;
	v5 =	vld [tilespmem:$0x1FFE0]  }
0x49: {  	s24 =	spop (v2sf);
	(v2sf) =	vpush v24, $0xF  }
0x4a: {  	s25 =	spop (v2sf);
	(v2sf) =	vpush v25, $0xF  }
0x4b: {  	s26 =	spop (v2sf);
	(v2sf) =	vpush v26, $0xF;
	_ =	sdelay $0x1  }
0x4c: {  	s28 =	spop (v2sf);
	(v2sf) =	vpush v27, $0xF;
	vm15 =	vnez.u8 v5  }
0x4d: {  	s29 =	spop (v2sf);
	(v2sf) =	vpush v28, $0xF;
	v3 =	vnsel vm15, $0x0, v3  }
0x4e: {  	s31 =	spop (v2sf);
	(v2sf) =	vpush v29, $0xF  }
0x4f: {  	s1 =	spop (v2sf);
	(v2sf) =	vpush v30, $0xF;
	v5, _, _ =	vpop (xrf0);
	(xrf0) =	vadd.scan.msk.s32 $0xffff, v3  }
0x50: {  	(v2sf) =	vpush v5, $0xF;
	v3, _, _ =	vpop (xrf0)  }
0x51: {  	(v2sf) =	vpush v3, $0xF;
	v3, _, _ =	vpop (xrf0)  }
0x52: {  	s14 =	spop (v2sf);
	v4 =	vnsel vm15, $0x0, v4;
	(v2sf) =	vpush v3, $0xF;
	v3, _, _ =	vpop (xrf0)  }
0x53: {  	[dreg:$0x19] =	wrdreg s24;
	s13 =	spop (v2sf);
	(xrf0) =	vadd.scan.msk.s32 $0xffff, v4;
	(v2sf) =	vpush v3, $0xF;
	v3, _, _ =	vpop (xrf0)  }
0x54: {  	[dreg:$0x18] =	wrdreg s25;
	s12 =	spop (v2sf);
	(v2sf) =	vpush v3, $0xF;
	v3, _, _ =	vpop (xrf0)  }
0x55: {  	[dreg:$0x17] =	wrdreg s26;
	s26 =	spop (v2sf);
	(v2sf) =	vpush v3, $0xF;
	v3, _, _ =	vpop (xrf0)  }
0x56: {  	[dreg:$0x16] =	wrdreg s28;
	s28 =	spop (v2sf);
	(v2sf) =	vpush v3, $0xF  }
0x57: {  	[dreg:$0x15] =	wrdreg s29;
	s29 =	spop (v2sf)  }
0x58: {  	[dreg:$0x14] =	wrdreg s31;
	s30 =	spop (v2sf)  }
0x59: {  	[dreg:$0x13] =	wrdreg s1;
	s31 =	spop (v2sf);
	v3, _, _ =	vpop (xrf0)  }
0x5a: {  	(v2sf) =	vpush v3, $0xF  }
0x5b: {  	s1 =	spop (v2sf)  }
0x5c: {  	s5 =	spop (v2sf)  }
0x5d: {  	s6 =	spop (v2sf)  }
0x5e: {  	s25 =	spop (v2sf)  }
0x5f: {  	s24 =	spop (v2sf)  }
0x60: {  	s23 =	spop (v2sf)  }
0x61: {  	s22 =	spop (v2sf)  }
0x62: {  	s21 =	spop (v2sf)  }
0x63: {  	s20 =	spop (v2sf)  }
0x64: {  	s15 =	spop (v2sf)  }
0x65: {  	s2 =	spop (v2sf)  }
0x66: {  	s4 =	rddreg [dreg:$0x1];
	s3 =	sand.u32 $0xFFFFF80, s2  }
0x67: {  	s0 =	simm.s32 $0x400;
	s2 =	simm.s32 $0x7A1400;
	s3 =	sadd.s32 s4, s3  }
0x68: {  	[tilespmem:s0], [sflag:$0x1] =	stream.strided.gather [hbm4b:s3+s0], $0x800, s2, s0, $0x38;
	[tilespmem:$0x14600] =	vst v63  }
0x69: {  	s4 =	spop (v2sf)  }
0x6a: {  	s3 =	sand.u32 $0xFFFFF80, s4;
	s4 =	rddreg [dreg:$0x2]  }
0x6b: {  	s3 =	sadd.s32 s4, s3;
	s4 =	simm.s32 $0x8400  }
0x6c: {  	[tilespmem:s4], [sflag:$0x2] =	stream.strided.gather [hbm4b:s3+s0], $0x800, s2, s0, $0x38;
	[tilespmem:$0x14600] =	vst v63  }
0x6d: {  	s4 =	sand.u32 $0xFFFFF80, s11;
	s11 =	rddreg [dreg:$0x1]  }
0x6e: {  	s3 =	sadd.s32 s11, s4  }
0x6f: {  	s11 =	simm.s32 $0xC00;
	s4 =	sand.u32 $0xFFFFF80, s26;
	s26 =	rddreg [dreg:$0x2]  }
0x70: {  	[tilespmem:s11], [sflag:$0x1] =	stream.strided.gather [hbm4b:s3+s0], $0x800, s2, s0, $0x38;
	[tilespmem:$0x14600] =	vst v63  }
0x71: {  	s3 =	sadd.s32 s26, s4  }
0x72: {  	s26 =	simm.s32 $0x8C00;
	s4 =	sand.u32 $0xFFFFF80, s10;
	s10 =	rddreg [dreg:$0x1]  }
0x73: {  	[tilespmem:s26], [sflag:$0x2] =	stream.strided.gather [hbm4b:s3+s0], $0x800, s2, s0, $0x38;
	[tilespmem:$0x14600] =	vst v63  }
0x74: {  	s3 =	sadd.s32 s10, s4  }
0x75: {  	s10 =	simm.s32 $0x1400;
	s4 =	sand.u32 $0xFFFFF80, s28;
	s28 =	rddreg [dreg:$0x2]  }
0x76: {  	[tilespmem:s10], [sflag:$0x1] =	stream.strided.gather [hbm4b:s3+s0], $0x800, s2, s0, $0x38;
	[tilespmem:$0x14600] =	vst v63  }
0x77: {  	s3 =	sadd.s32 s28, s4  }
0x78: {  	s28 =	simm.s32 $0x9400;
	s4 =	sand.u32 $0xFFFFF80, s9;
	s9 =	rddreg [dreg:$0x1]  }
0x79: {  	[tilespmem:s28], [sflag:$0x2] =	stream.strided.gather [hbm4b:s3+s0], $0x800, s2, s0, $0x38;
	[tilespmem:$0x14600] =	vst v63  }
0x7a: {  	s3 =	sadd.s32 s9, s4  }
0x7b: {  	s9 =	simm.s32 $0x1C00;
	s4 =	sand.u32 $0xFFFFF80, s29;
	s29 =	rddreg [dreg:$0x2]  }
0x7c: {  	[tilespmem:s9], [sflag:$0x1] =	stream.strided.gather [hbm4b:s3+s0], $0x800, s2, s0, $0x38;
	[tilespmem:$0x14600] =	vst v63  }
0x7d: {  	s3 =	sadd.s32 s29, s4  }
0x7e: {  	s29 =	simm.s32 $0x9C00;
	s4 =	sand.u32 $0xFFFFF80, s8;
	s8 =	rddreg [dreg:$0x1]  }
0x7f: {  	[tilespmem:s29], [sflag:$0x2] =	stream.strided.gather [hbm4b:s3+s0], $0x800, s2, s0, $0x38;
	[tilespmem:$0x14600] =	vst v63  }
0x80: {  	s31 =	sand.u32 $0xFFFFF80, s31;
	s3 =	sadd.s32 s8, s4  }
0x81: {  	s8 =	simm.s32 $0x2400;
	s4 =	sand.u32 $0xFFFFF80, s7;
	s7 =	rddreg [dreg:$0x1]  }
0x82: {  	[tilespmem:s8], [sflag:$0x1] =	stream.strided.gather [hbm4b:s3+s0], $0x800, s2, s0, $0x38;
	[tilespmem:$0x14600] =	vst v63  }
0x83: {  	s8 =	sand.u32 $0xFFFFF80, s30;
	s30 =	simm.s32 $0x400;
	s0 =	rddreg [dreg:$0x2]  }
0x84: {  	s3 =	sadd.s32 s0, s8;
	s8 =	simm.s32 $0xA400;
	s0 =	rddreg [dreg:$0x2]  }
0x85: {  	[tilespmem:s8], [sflag:$0x2] =	stream.strided.gather [hbm4b:s3+s30], $0x800, s2, s30, $0x38;
	[tilespmem:$0x14600] =	vst v63  }
0x86: {  	s3 =	sadd.s32 s7, s4;
	s8 =	simm.s32 $0x2C00;
	s7 =	rddreg [dreg:$0x19]  }
0x87: {  	[tilespmem:s8], [sflag:$0x1] =	stream.strided.gather [hbm4b:s3+s30], $0x800, s2, s30, $0x38;
	[tilespmem:$0x14600] =	vst v63  }
0x88: {  	s4 =	rddreg [dreg:$0x18];
	s3 =	sadd.s32 s0, s31  }
0x89: {  	s31 =	simm.s32 $0xAC00;
	s8 =	sand.u32 $0xFFFFF80, s7;
	s0 =	rddreg [dreg:$0x1]  }
0x8a: {  	[tilespmem:s31], [sflag:$0x2] =	stream.strided.gather [hbm4b:s3+s30], $0x800, s2, s30, $0x38;
	[tilespmem:$0x14600] =	vst v63  }
0x8b: {  	s3 =	sadd.s32 s0, s8;
	s8 =	sand.u32 $0xFFFFF80, s1;
	s1 =	rddreg [dreg:$0x2]  }
0x8c: {  	s7 =	simm.s32 $0x3400;
	s0 =	sadd.s32 s1, s8;
	s1 =	rddreg [dreg:$0x13]  }
0x8d: {  	[tilespmem:s7], [sflag:$0x1] =	stream.strided.gather [hbm4b:s3+s30], $0x800, s2, s30, $0x38;
	[tilespmem:$0x14600] =	vst v63  }
0x8e: {  	s3 =	simm.s32 $0xB400;
	s7 =	rddreg [dreg:$0x1]  }
0x8f: {  	[tilespmem:s3], [sflag:$0x2] =	stream.strided.gather [hbm4b:s0+s30], $0x800, s2, s30, $0x38;
	[tilespmem:$0x14600] =	vst v63  }
0x90: {  	s8 =	simm.s32 $0x3C00;
	s0 =	sand.u32 $0xFFFFF80, s4;
	s4 =	rddreg [dreg:$0x2]  }
0x91: {  	s3 =	sand.u32 $0xFFFFF80, s5;
	s0 =	sadd.s32 s7, s0;
	s7 =	rddreg [dreg:$0x17]  }
0x92: {  	[tilespmem:s8], [sflag:$0x1] =	stream.strided.gather [hbm4b:s0+s30], $0x800, s2, s30, $0x38;
	[tilespmem:$0x14600] =	vst v63  }
0x93: {  	s5 =	simm.s32 $0xBC00;
	s0 =	sadd.s32 s4, s3;
	s8 =	rddreg [dreg:$0x1]  }
0x94: {  	[tilespmem:s5], [sflag:$0x2] =	stream.strided.gather [hbm4b:s0+s30], $0x800, s2, s30, $0x38;
	[tilespmem:$0x14600] =	vst v63  }
0x95: {  	s5 =	rddreg [dreg:$0x2]  }
0x96: {  	s3 =	simm.s32 $0x4400;
	s0 =	sand.u32 $0xFFFFF80, s7;
	s7 =	rddreg [dreg:$0x16]  }
0x97: {  	s4 =	sand.u32 $0xFFFFF80, s6;
	s0 =	sadd.s32 s8, s0;
	s8 =	rddreg [dreg:$0x1]  }
0x98: {  	[tilespmem:s3], [sflag:$0x1] =	stream.strided.gather [hbm4b:s0+s30], $0x800, s2, s30, $0x38;
	[tilespmem:$0x14600] =	vst v63  }
0x99: {  	s6 =	simm.s32 $0xC400;
	s0 =	sadd.s32 s5, s4;
	s5 =	rddreg [dreg:$0x2]  }
0x9a: {  	[tilespmem:s6], [sflag:$0x2] =	stream.strided.gather [hbm4b:s0+s30], $0x800, s2, s30, $0x38;
	[tilespmem:$0x14600] =	vst v63  }
0x9b: {  	s3 =	simm.s32 $0x4C00;
	s0 =	sand.u32 $0xFFFFF80, s7;
	s7 =	rddreg [dreg:$0x15]  }
0x9c: {  	s4 =	sand.u32 $0xFFFFF80, s25;
	s0 =	sadd.s32 s8, s0;
	s8 =	rddreg [dreg:$0x1]  }
0x9d: {  	[tilespmem:s3], [sflag:$0x1] =	stream.strided.gather [hbm4b:s0+s30], $0x800, s2, s30, $0x38;
	[tilespmem:$0x14600] =	vst v63  }
0x9e: {  	s23 =	sand.u32 $0xFFFFF80, s23;
	s0 =	sadd.s32 s5, s4;
	s4 =	rddreg [dreg:$0x2]  }
0x9f: {  	s6 =	simm.s32 $0xCC00;
	s3 =	sand.u32 $0xFFFFF80, s24;
	s24 =	rddreg [dreg:$0x2]  }
0xa0: {  	[tilespmem:s6], [sflag:$0x2] =	stream.strided.gather [hbm4b:s0+s30], $0x800, s2, s30, $0x38;
	[tilespmem:$0x14600] =	vst v63  }
0xa1: {  	s25 =	simm.s32 $0x5400;
	s0 =	sand.u32 $0xFFFFF80, s7;
	s6 =	rddreg [dreg:$0x14]  }
0xa2: {  	s5 =	simm.s32 $0xD400;
	s7 =	rddreg [dreg:$0x1];
	s0 =	sadd.s32 s8, s0  }
0xa3: {  	[tilespmem:s25], [sflag:$0x1] =	stream.strided.gather [hbm4b:s0+s30], $0x800, s2, s30, $0x38;
	[tilespmem:$0x14600] =	vst v63  }
0xa4: {  	s8 =	simm.s32 $0x5C00;
	s0 =	sadd.s32 s4, s3;
	s25 =	simm.s32 $0xDC00  }
0xa5: {  	[tilespmem:s5], [sflag:$0x2] =	stream.strided.gather [hbm4b:s0+s30], $0x800, s2, s30, $0x38;
	[tilespmem:$0x14600] =	vst v63  }
0xa6: {  	s3 =	rddreg [dreg:$0x1];
	s4 =	simm.s32 $0x6400;
	s0 =	sand.u32 $0xFFFFF80, s6  }
0xa7: {  	s5 =	sand.u32 $0xFFFFF80, s22;
	s6 =	rddreg [dreg:$0x2];
	s0 =	sadd.s32 s7, s0  }
0xa8: {  	[tilespmem:s8], [sflag:$0x1] =	stream.strided.gather [hbm4b:s0+s30], $0x800, s2, s30, $0x38;
	[tilespmem:$0x14600] =	vst v63  }
0xa9: {  	s22 =	simm.s32 $0x6C00;
	s7 =	simm.s32 $0xE400;
	s0 =	sadd.s32 s24, s23  }
0xaa: {  	[tilespmem:s25], [sflag:$0x2] =	stream.strided.gather [hbm4b:s0+s30], $0x800, s2, s30, $0x38;
	[tilespmem:$0x14600] =	vst v63  }
0xab: {  	s8 =	sand.u32 $0xFFFFF80, s14;
	s14 =	rddreg [dreg:$0x1];
	s0 =	sand.u32 $0xFFFFF80, s1  }
0xac: {  	s23 =	sand.u32 $0xFFFFF80, s21;
	s24 =	rddreg [dreg:$0x2];
	s0 =	sadd.s32 s3, s0  }
0xad: {  	[tilespmem:s4], [sflag:$0x1] =	stream.strided.gather [hbm4b:s0+s30], $0x800, s2, s30, $0x38;
	[tilespmem:$0x14600] =	vst v63  }
0xae: {  	s21 =	sand.u32 $0xFFFFF80, s15;
	s25 =	simm.s32 $0xEC00;
	s0 =	sadd.s32 s6, s5  }
0xaf: {  	[tilespmem:s7], [sflag:$0x2] =	stream.strided.gather [hbm4b:s0+s30], $0x800, s2, s30, $0x38;
	[tilespmem:$0x14600] =	vst v63  }
0xb0: {  	s3 =	sand.u32 $0xFFFFF80, s13;
	s13 =	sand.u32 $0xFFFFF80, s12;
	s0 =	sadd.s32 s14, s8  }
0xb1: {  	[tilespmem:s22], [sflag:$0x1] =	stream.strided.gather [hbm4b:s0+s30], $0x800, s2, s30, $0x38;
	[tilespmem:$0x14600] =	vst v63  }
0xb2: {  	s4 =	rddreg [dreg:$0x1];
	s5 =	simm.s32 $0x7400;
	s0 =	sadd.s32 s24, s23  }
0xb3: {  	[tilespmem:s25], [sflag:$0x2] =	stream.strided.gather [hbm4b:s0+s30], $0x800, s2, s30, $0x38;
	[tilespmem:$0x14600] =	vst v63  }
0xb4: {  	s6 =	sand.u32 $0xFFFFF80, s20;
	s7 =	rddreg [dreg:$0x2];
	s0 =	sadd.s32 s4, s3  }
0xb5: {  	[tilespmem:s5], [sflag:$0x1] =	stream.strided.gather [hbm4b:s0+s30], $0x800, s2, s30, $0x38;
	[tilespmem:$0x14600] =	vst v63  }
0xb6: {  	s8 =	simm.s32 $0xF400;
	s14 =	rddreg [dreg:$0x1];
	s0 =	sadd.s32 s7, s6  }
0xb7: {  	[tilespmem:s8], [sflag:$0x2] =	stream.strided.gather [hbm4b:s0+s30], $0x800, s2, s30, $0x38;
	[tilespmem:$0x14600] =	vst v63  }
0xb8: {  	s20 =	simm.s32 $0x7C00;
	s22 =	rddreg [dreg:$0x2];
	s0 =	sadd.s32 s14, s13  }
0xb9: {  	[tilespmem:s20], [sflag:$0x1] =	stream.strided.gather [hbm4b:s0+s30], $0x800, s2, s30, $0x38;
	[tilespmem:$0x14600] =	vst v63  }
0xba: {  	s23 =	simm.s32 $0xFC00;
	s25 =	simm.s32 $0x0;
	s0 =	sadd.s32 s22, s21  }
0xbb: {  	[tilespmem:s23], [sflag:$0x2] =	stream.strided.gather [hbm4b:s0+s30], $0x800, s2, s30, $0x38;
	[tilespmem:$0x14600] =	vst v63  }
0xbc: {  	s24 =	smin.u32 s16, $0x1F;
	s3 =	simm.s32 $0x200;
	v3 =	vld [tilespmem:s25+$0x0]  }
0xbd: {  	s0 =	sshll.u32 s24, $0x4;
	v4 =	vld [tilespmem:s3+$0x0]  }
0xbe: {  	v5 =	vld [tilespmem:s0+$0x0];
	_ =	sdelay $0x3  }
0xbf: {  	v7 =	vand.u32 $0x7F, v3  }
0xc0: {  	p0 =	por $0x0, $0x0;
	s2 =	simm.s32 $0x200;
	v6 =	vand.u32 $0x7F, v4;
	v8 =	vand.u32 $0xFFFFFF80, v5;
	v5 =	vimm.s32 $0x0  }
0xc1: {  	[dreg:$0x5] =	wrdreg s2;
	v3 =	vnsel vm15, $0x0, v7;
	v4 =	vnsel vm15, $0x0, v6;
	vm15 =	vmmov @!p0 $0x1  }
0xc2: {  	v9 =	vld [tilespmem:s0+$0x200];
	_ =	swait.ge [sflag:s16], $0x800;
	v5 =	vsel vm15, $0xFFFFFFFF, v5  }
0xc3: {  	[tilespmem:$0x1FFD0] =	vst v5  }
0xc4: {  	(xrf0) =	vadd.scan.msk.s32 $0xffff, v3;
	v3 =	vld [tilespmem:$0x1FFD0]  }
0xc5: {  	(xrf0) =	vadd.scan.msk.s32 $0xffff, v4;
	v4 =	vld [tilespmem:$0x1FFD0];
	_ =	sdelay $0x3  }
0xc6: {  	vm15 =	vnez.u8 v3  }
0xc7: {  	v9 =	vand.u32 $0xFFFFFF80, v9;
	v3 =	vnsel @!p0 vm15, $0x0, v8;
	vm15 =	vnez.u8 v4  }
0xc8: {  	v4 =	vnsel @!p0 vm15, $0x0, v9;
	(xrf0) =	vadd.scan.msk.s32 @!p0 $0xffff, v3  }
0xc9: {  	v3 =	vsel vm0, $0x0, v8;
	(xrf0) =	vadd.scan.msk.s32 @!p0 $0xffff, v4  }
0xca: {  	v4 =	vsel vm0, $0x0, v9;
	(xrf0) =	vadd.scan.msk.s32 $0xffff, v3  }
0xcb: {  	v3 =	vsel vm0, $0x0, v7;
	(xrf0) =	vadd.scan.msk.s32 $0xffff, v4  }
0xcc: {  	v4 =	vsel vm0, $0x0, v6;
	(xrf0) =	vadd.scan.msk.s32 $0xffff, v3;
	v3 =	vsel vm1, $0x0, v8  }
0xcd: {  	v5, _, _ =	vpop (xrf0);
	(xrf0) =	vadd.scan.msk.s32 $0xffff, v4;
	v4 =	vsel vm1, $0x0, v9  }
0xce: {  	v10, _, _ =	vpop (xrf0)  }
0xcf: {  	(xrf0) =	vadd.scan.msk.s32 $0xffff, v3;
	v3, _, _ =	vpop @!p0 (xrf0)  }
0xd0: {  	v11 =	vsel vm1, $0x0, v7;
	(xrf0) =	vadd.scan.msk.s32 $0xffff, v4;
	v4, _, _ =	vpop @!p0 (xrf0);
	(v2sf) =	vpush @!p0 v3, $0xF  }
0xd1: {  	v3 =	vsel vm1, $0x0, v6;
	v12, _, _ =	vpop (xrf0);
	(xrf0) =	vadd.scan.msk.s32 $0xffff, v11  }
0xd2: {  	v31 =	vsel vm2, $0x0, v8;
	(v2sf) =	vpush @!p0 v4, $0xF;
	v4, _, _ =	vpop (xrf0);
	(xrf0) =	vadd.scan.msk.s32 $0xffff, v3  }
0xd3: {  	v3 =	vsel vm2, $0x0, v9;
	(xrf0) =	vadd.scan.msk.s32 $0xffff, v31;
	v13, _, _ =	vpop (xrf0)  }
0xd4: {  	v32 =	vsel vm2, $0x0, v7;
	v5 =	vbroadcast v5, $0xF;
	(xrf0) =	vadd.scan.msk.s32 $0xffff, v3;
	v14, _, _ =	vpop (xrf0)  }
0xd5: {  	[sflag:s16] =	ssyncset.done $0x0;
	v10 =	vbroadcast v10, $0xF;
	(v2sf) =	vpush v12, $0xF;
	v3 =	vsel vm2, $0x0, v6;
	v33, _, _ =	vpop (xrf0);
	(xrf0) =	vadd.scan.msk.s32 $0xffff, v32  }
0xd6: {  	s4 =	simm.s32 $0x0;
	[sflag:s16] =	ssyncadd.s32 $0xFFFFF800;
	v34 =	vadd.s32 v2, v5;
	(v2sf) =	vpush v4, $0xF;
	v15, _, _ =	vpop (xrf0);
	(xrf0) =	vadd.scan.msk.s32 $0xffff, v3  }
0xd7: {  	v16 =	vadd.s32 v2, v10;
	v4 =	vmov s4;
	v3 =	vsel vm3, $0x0, v8;
	_ =	swait.ge [sflag:s17], $0x800  }
0xd8: {  	v5 =	vsel vm3, $0x0, v9;
	(xrf0) =	vadd.scan.msk.s32 $0xffff, v3;
	v3 =	vshll.u32 v4, $0x3  }
0xd9: {  	v17 =	vsel vm3, $0x0, v7;
	v18 =	vand.u32 $0x70, v4;
	v10, _, _ =	vpop (xrf0);
	[sflag:s17] =	ssyncset.done $0x0;
	(xrf0) =	vadd.scan.msk.s32 $0xffff, v5;
	v5 =	vand.u32 $0xC00, v3  }
0xda: {  	v19 =	vsel vm3, $0x0, v6;
	(v2sf) =	vpush v33, $0xF;
	v12, _, _ =	vpop (xrf0);
	[sflag:s17] =	ssyncadd.s32 $0xFFFFF800;
	(xrf0) =	vadd.scan.msk.s32 $0xffff, v17;
	v35 =	vor.u32 v5, v18  }
0xdb: {  	s5 =	simm.s32 $0x8400;
	v36 =	vsel vm4, $0x0, v8;
	(v2sf) =	vpush v15, $0xF;
	v37, _, _ =	vpop (xrf0);
	v11 =	vld.idx.msk [tilespmem:v34+s30+$0x0], $0xffff;
	(xrf0) =	vadd.scan.msk.s32 $0xffff, v19;
	v17 =	vor.u32 v1, v35  }
0xdc: {  	v38 =	vsel vm4, $0x0, v9;
	v16 =	vld.idx.msk [tilespmem:v16+s5+$0x0], $0xffff;
	v20, _, _ =	vpop (xrf0);
	(xrf0) =	vadd.scan.msk.s32 $0xffff, v36  }
0xdd: {  	v39 =	vsel vm4, $0x0, v7;
	v29, _, _ =	vpop (xrf0);
	(xrf0) =	vadd.scan.msk.s32 $0xffff, v38  }
0xde: {  	v40 =	vsel vm4, $0x0, v6;
	v30, _, _ =	vpop (xrf0);
	(xrf0) =	vadd.scan.msk.s32 $0xffff, v39  }
0xdf: {  	v41 =	vsel vm5, $0x0, v8;
	v21, _, _ =	vpop (xrf0);
	(xrf0) =	vadd.scan.msk.s32 $0xffff, v40;
	s0 =	spop @!p0 (v2sf)  }
0xe0: {  	s21 =	simm.s32 @!p0 $0x400;
	v42 =	vsel vm5, $0x0, v9;
	s2 =	rddreg [dreg:$0x1];
	v22, _, _ =	vpop (xrf0);
	(xrf0) =	vadd.scan.msk.s32 $0xffff, v41;
	[tilespmem:v17+s18+$0x0] =	vst.idx.msk $0xffff, v11;
	s0 =	sand.u32 @!p0 $0xFFFFF80, s0  }
0xe1: {  	s22 =	simm.s32 @!p0 $0x7A1400;
	(v2sf) =	vpush v37, $0xF;
	v11, _, _ =	vpop (xrf0);
	s1 =	spop @!p0 (v2sf);
	(xrf0) =	vadd.scan.msk.s32 $0xffff, v42;
	[tilespmem:v17+s19+$0x0] =	vst.idx.msk $0xffff, v16;
	s0 =	sadd.s32 @!p0 s2, s0  }
0xe2: {  	v43 =	vsel vm5, $0x0, v7;
	(v2sf) =	vpush v20, $0xF;
	v28, _, _ =	vpop (xrf0);
	[tilespmem:s21], [sflag:$0x1] =	stream.strided.gather @!p0 [hbm4b:s0+s21], $0x800, s22, s21, $0x38;
	[tilespmem:$0x14600] =	vst v63  }
0xe3: {  	v44 =	vsel vm5, $0x0, v6;
	s3 =	rddreg [dreg:$0x2];
	(v2sf) =	vpush v21, $0xF;
	s0 =	sand.u32 @!p0 $0xFFFFF80, s1;
	v45, _, _ =	vpop (xrf0);
	(xrf0) =	vadd.scan.msk.s32 $0xffff, v43  }
0xe4: {  	(v2sf) =	vpush v22, $0xF;
	s2 =	simm.s32 @!p0 $0x8400;
	s1 =	spop (v2sf);
	v46, _, _ =	vpop (xrf0);
	s0 =	sadd.s32 @!p0 s3, s0;
	(xrf0) =	vadd.scan.msk.s32 $0xffff, v44  }
0xe5: {  	v47 =	vsel vm6, $0x0, v8;
	(v2sf) =	vpush v45, $0xF;
	v24, _, _ =	vpop (xrf0);
	[tilespmem:s2], [sflag:$0x2] =	stream.strided.gather @!p0 [hbm4b:s0+s21], $0x800, s22, s21, $0x38;
	[tilespmem:$0x14600] =	vst v63  }
0xe6: {  	s4 =	spop (v2sf);
	(v2sf) =	vpush v46, $0xF;
	(xrf0) =	vadd.scan.msk.s32 $0xffff, v47;
	v26, _, _ =	vpop (xrf0)  }
0xe7: {  	v48 =	vsel vm6, $0x0, v9;
	_ =	swait.ge [sflag:s16], $0x800  }
0xe8: {  	v49 =	vsel vm6, $0x0, v7;
	v13 =	vbroadcast v13, $0xF;
	(xrf0) =	vadd.scan.msk.s32 $0xffff, v48  }
0xe9: {  	v50 =	vsel vm6, $0x0, v6;
	v14 =	vbroadcast v14, $0xF;
	v51, _, _ =	vpop (xrf0);
	[sflag:s16] =	ssyncset.done $0x0;
	s5 =	spop (v2sf);
	(xrf0) =	vadd.scan.msk.s32 $0xffff, v49  }
0xea: {  	s6 =	simm.s32 $0x1;
	v13 =	vadd.s32 v2, v13;
	v52, _, _ =	vpop (xrf0);
	[sflag:s16] =	ssyncadd.s32 $0xFFFFF800;
	(v2sf) =	vpush v51, $0xF;
	s3 =	spop (v2sf);
	(xrf0) =	vadd.scan.msk.s32 $0xffff, v50  }
0xeb: {  	v55 =	vmov s6;
	v53 =	vsel vm7, $0x0, v8;
	v14 =	vadd.s32 v2, v14;
	_ =	swait.ge [sflag:s17], $0x800  }
0xec: {  	v57 =	vshll.u32 v55, $0x3;
	v54 =	vsel vm7, $0x0, v9;
	(xrf0) =	vadd.scan.msk.s32 $0xffff, v53  }
0xed: {  	v56 =	vsel vm7, $0x0, v7;
	v18 =	vand.u32 $0x71, v55;
	v19 =	vand.u32 $0xC00, v57;
	v25, _, _ =	vpop (xrf0);
	[sflag:s17] =	ssyncset.done $0x0;
	(xrf0) =	vadd.scan.msk.s32 $0xffff, v54  }
0xee: {  	v58 =	vsel vm7, $0x0, v6;
	v18 =	vor.u32 v19, v18;
	v27, _, _ =	vpop (xrf0);
	[sflag:s17] =	ssyncadd.s32 $0xFFFFF800;
	(xrf0) =	vadd.scan.msk.s32 $0xffff, v56  }
0xef: {  	v59 =	vsel vm8, $0x0, v8;
	v63 =	vor.u32 v1, v18;
	v60, _, _ =	vpop (xrf0);
	v13 =	vld.idx.msk [tilespmem:v13+s11+$0x0], $0xffff;
	(xrf0) =	vadd.scan.msk.s32 $0xffff, v58  }
0xf0: {  	v61 =	vsel vm8, $0x0, v9;
	(v2sf) =	vpush v52, $0xF;
	v14 =	vld.idx.msk [tilespmem:v14+s26+$0x0], $0xffff;
	v62, _, _ =	vpop (xrf0);
	(xrf0) =	vadd.scan.msk.s32 $0xffff, v59  }
0xf1: {  	v36 =	vsel vm8, $0x0, v7;
	v22, _, _ =	vpop (xrf0);
	(xrf0) =	vadd.scan.msk.s32 $0xffff, v61  }
0xf2: {  	v37 =	vsel vm8, $0x0, v6;
	v23, _, _ =	vpop (xrf0);
	(xrf0) =	vadd.scan.msk.s32 $0xffff, v36  }
0xf3: {  	v38 =	vsel vm9, $0x0, v8;
	(xrf0) =	vadd.scan.msk.s32 $0xffff, v37  }
0xf4: {  	v39 =	vsel vm9, $0x0, v9;
	s2 =	sand.u32 @!p0 $0xFFFFF80, s1;
	s0 =	spop (v2sf);
	s6 =	rddreg [dreg:$0x1];
	v31, _, _ =	vpop (xrf0);
	[tilespmem:v63+s18+$0x0] =	vst.idx.msk $0xffff, v13;
	(xrf0) =	vadd.scan.msk.s32 $0xffff, v38  }
0xf5: {  	s7 =	simm.s32 @!p0 $0xC00;
	s1 =	spop (v2sf);
	s6 =	sadd.s32 @!p0 s6, s2;
	v32, _, _ =	vpop (xrf0);
	[tilespmem:v63+s19+$0x0] =	vst.idx.msk $0xffff, v14;
	(xrf0) =	vadd.scan.msk.s32 $0xffff, v39  }
0xf6: {  	v40 =	vsel vm9, $0x0, v7;
	(v2sf) =	vpush v60, $0xF;
	v18, _, _ =	vpop (xrf0);
	[tilespmem:s7], [sflag:$0x1] =	stream.strided.gather @!p0 [hbm4b:s6+s21], $0x800, s22, s21, $0x38;
	[tilespmem:$0x14600] =	vst v63  }
0xf7: {  	v41 =	vsel vm9, $0x0, v6;
	s2 =	spop (v2sf);
	(v2sf) =	vpush v62, $0xF;
	v21, _, _ =	vpop (xrf0);
	s6 =	sand.u32 @!p0 $0xFFFFF80, s4;
	s7 =	rddreg [dreg:$0x2];
	(xrf0) =	vadd.scan.msk.s32 $0xffff, v40  }
0xf8: {  	(v2sf) =	vpush v31, $0xF;
	s4 =	spop (v2sf);
	v43, _, _ =	vpop (xrf0);
	s6 =	sadd.s32 @!p0 s7, s6;
	s7 =	simm.s32 @!p0 $0x8C00;
	(xrf0) =	vadd.scan.msk.s32 $0xffff, v41  }
0xf9: {  	v42 =	vsel vm10, $0x0, v8;
	(v2sf) =	vpush v32, $0xF;
	v44, _, _ =	vpop (xrf0);
	[tilespmem:s7], [sflag:$0x2] =	stream.strided.gather @!p0 [hbm4b:s6+s21], $0x800, s22, s21, $0x38;
	[tilespmem:$0x14600] =	vst v63  }
0xfa: {  	v45 =	vsel vm10, $0x0, v9;
	s24 =	spop (v2sf);
	(v2sf) =	vpush v43, $0xF;
	(xrf0) =	vadd.scan.msk.s32 $0xffff, v42;
	v17, _, _ =	vpop (xrf0)  }
0xfb: {  	s25 =	spop (v2sf);
	(v2sf) =	vpush v44, $0xF;
	(xrf0) =	vadd.scan.msk.s32 $0xffff, v45;
	v20, _, _ =	vpop (xrf0)  }
0xfc: {  	v46 =	vsel vm10, $0x0, v7;
	_ =	swait.ge [sflag:s16], $0x800  }
0xfd: {  	v10 =	vbroadcast v10, $0xF;
	v47 =	vsel vm10, $0x0, v6;
	v48, _, _ =	vpop (xrf0);
	(xrf0) =	vadd.scan.msk.s32 $0xffff, v46  }
0xfe: {  	v12 =	vbroadcast v12, $0xF;
	v49 =	vsel vm11, $0x0, v8;
	s15 =	spop (v2sf);
	[sflag:s16] =	ssyncset.done $0x0;
	v50, _, _ =	vpop (xrf0);
	(xrf0) =	vadd.scan.msk.s32 $0xffff, v47  }
0xff: {  	v10 =	vadd.s32 v2, v10;
	s7 =	simm.s32 $0x2;
	s14 =	spop (v2sf);
	[sflag:s16] =	ssyncadd.s32 $0xFFFFF800;
	(v2sf) =	vpush v48, $0xF;
	(xrf0) =	vadd.scan.msk.s32 $0xffff, v49;
	v15, _, _ =	vpop (xrf0)  }
0x100: {  	v12 =	vadd.s32 v2, v12;
	v51 =	vsel vm11, $0x0, v9;
	v53 =	vmov s7;
	_ =	swait.ge [sflag:s17], $0x800  }
0x101: {  	v52 =	vsel vm11, $0x0, v7;
	v55 =	vshll.u32 v53, $0x3;
	(xrf0) =	vadd.scan.msk.s32 $0xffff, v51  }
0x102: {  	v54 =	vsel vm11, $0x0, v6;
	v31 =	vand.u32 $0x72, v53;
	v32 =	vand.u32 $0xC00, v55;
	v19, _, _ =	vpop (xrf0);
	[sflag:s17] =	ssyncset.done $0x0;
	(xrf0) =	vadd.scan.msk.s32 $0xffff, v52  }
0x103: {  	v56 =	vsel vm12, $0x0, v8;
	v31 =	vor.u32 v32, v31;
	v33, _, _ =	vpop (xrf0);
	[sflag:s17] =	ssyncadd.s32 $0xFFFFF800;
	(xrf0) =	vadd.scan.msk.s32 $0xffff, v54  }
0x104: {  	v57 =	vsel vm12, $0x0, v9;
	v31 =	vor.u32 v1, v31;
	v34, _, _ =	vpop (xrf0);
	v35 =	vld.idx.msk [tilespmem:v10+s10+$0x0], $0xffff;
	(xrf0) =	vadd.scan.msk.s32 $0xffff, v56  }
0x105: {  	v58 =	vsel vm12, $0x0, v7;
	(v2sf) =	vpush v50, $0xF;
	v12 =	vld.idx.msk [tilespmem:v12+s28+$0x0], $0xffff;
	v14, _, _ =	vpop (xrf0);
	(xrf0) =	vadd.scan.msk.s32 $0xffff, v57  }
0x106: {  	v59 =	vsel vm12, $0x0, v6;
	v16, _, _ =	vpop (xrf0);
	(xrf0) =	vadd.scan.msk.s32 $0xffff, v58  }
0x107: {  	v60 =	vsel vm13, $0x0, v8;
	v61, _, _ =	vpop (xrf0);
	(xrf0) =	vadd.scan.msk.s32 $0xffff, v59  }
0x108: {  	v36 =	vsel vm13, $0x0, v9;
	v37, _, _ =	vpop (xrf0);
	(xrf0) =	vadd.scan.msk.s32 $0xffff, v60  }
0x109: {  	s5 =	sand.u32 @!p0 $0xFFFFF80, s5;
	v38 =	vsel vm13, $0x0, v7;
	s28 =	spop (v2sf);
	s6 =	rddreg [dreg:$0x1];
	v10, _, _ =	vpop (xrf0);
	[tilespmem:v31+s18+$0x0] =	vst.idx.msk $0xffff, v35;
	(xrf0) =	vadd.scan.msk.s32 $0xffff, v36  }
0x10a: {  	s26 =	spop (v2sf);
	s5 =	sadd.s32 @!p0 s6, s5;
	s6 =	simm.s32 @!p0 $0x1400;
	v13, _, _ =	vpop (xrf0);
	[tilespmem:v31+s19+$0x0] =	vst.idx.msk $0xffff, v12;
	(xrf0) =	vadd.scan.msk.s32 $0xffff, v38  }
0x10b: {  	v62 =	vsel vm13, $0x0, v6;
	(v2sf) =	vpush v33, $0xF;
	[tilespmem:s6], [sflag:$0x1] =	stream.strided.gather @!p0 [hbm4b:s5+s21], $0x800, s22, s21, $0x38;
	[tilespmem:$0x14600] =	vst v63  }
0x10c: {  	s3 =	sand.u32 @!p0 $0xFFFFF80, s3;
	v8 =	vsel vm14, $0x0, v8;
	(v2sf) =	vpush v34, $0xF;
	s20 =	spop (v2sf);
	v63, _, _ =	vpop (xrf0);
	s5 =	rddreg [dreg:$0x2];
	(xrf0) =	vadd.scan.msk.s32 $0xffff, v62  }
0x10d: {  	s23 =	spop (v2sf);
	(v2sf) =	vpush v61, $0xF;
	v38, _, _ =	vpop (xrf0);
	s3 =	sadd.s32 @!p0 s5, s3;
	s5 =	simm.s32 @!p0 $0x9400;
	(xrf0) =	vadd.scan.msk.s32 $0xffff, v8  }
0x10e: {  	(v2sf) =	vpush v37, $0xF;
	v36 =	vsel vm14, $0x0, v9;
	v9, _, _ =	vpop (xrf0);
	[tilespmem:s5], [sflag:$0x2] =	stream.strided.gather @!p0 [hbm4b:s3+s21], $0x800, s22, s21, $0x38;
	[tilespmem:$0x14600] =	vst v63  }
0x10f: {  	v7 =	vsel vm14, $0x0, v7;
	s12 =	spop (v2sf);
	(v2sf) =	vpush v63, $0xF;
	(xrf0) =	vadd.scan.msk.s32 $0xffff, v36;
	v12, _, _ =	vpop (xrf0)  }
0x110: {  	s13 =	spop (v2sf);
	(v2sf) =	vpush v38, $0xF;
	v39, _, _ =	vpop (xrf0);
	(xrf0) =	vadd.scan.msk.s32 $0xffff, v7  }
0x111: {  	v40 =	vbroadcast v29, $0xF;
	_ =	swait.ge [sflag:s16], $0x800  }
0x112: {  	v41 =	vbroadcast v30, $0xF;
	(v2sf) =	vpush v39, $0xF;
	v42, _, _ =	vpop (xrf0)  }
0x113: {  	s8 =	simm.s32 $0x3;
	v43 =	vsel vm14, $0x0, v6;
	v44 =	vadd.s32 v2, v40;
	s10 =	spop (v2sf);
	[sflag:s16] =	ssyncset.done $0x0;
	v6, _, _ =	vpop (xrf0)  }
0x114: {  	v46 =	vmov s8;
	v8 =	vadd.s32 v2, v41;
	(xrf0) =	vadd.scan.msk.s32 $0xffff, v43;
	s11 =	spop (v2sf);
	[sflag:s16] =	ssyncadd.s32 $0xFFFFF800;
	(v2sf) =	vpush v42, $0xF;
	v45, _, _ =	vpop (xrf0)  }
0x115: {  	v47 =	vshll.u32 v46, $0x3;
	_ =	swait.ge [sflag:s17], $0x800  }
0x116: {  	v29 =	vand.u32 $0x73, v46;
	v30 =	vand.u32 $0xC00, v47;
	[sflag:s17] =	ssyncset.done $0x0  }
0x117: {  	v29 =	vor.u32 v30, v29;
	[sflag:s17] =	ssyncadd.s32 $0xFFFFF800  }
0x118: {  	v29 =	vor.u32 v1, v29;
	v48 =	vld.idx.msk [tilespmem:v44+s9+$0x0], $0xffff  }
0x119: {  	v8 =	vld.idx.msk [tilespmem:v8+s29+$0x0], $0xffff  }
0x11a: {  	s9 =	spop (v2sf)  }
0x11b: {  	s8 =	spop (v2sf)  }
0x11c: {  	s7 =	spop (v2sf)  }
0x11d: {  	s0 =	sand.u32 @!p0 $0xFFFFF80, s0;
	s5 =	rddreg [dreg:$0x1];
	s3 =	spop (v2sf);
	[tilespmem:v29+s18+$0x0] =	vst.idx.msk $0xffff, v48  }
0x11e: {  	s29 =	simm.s32 @!p0 $0x1C00;
	s0 =	sadd.s32 @!p0 s5, s0;
	s6 =	spop (v2sf);
	[tilespmem:v29+s19+$0x0] =	vst.idx.msk $0xffff, v8  }
0x11f: {  	v49, _, _ =	vpop (xrf0);
	[tilespmem:s29], [sflag:$0x1] =	stream.strided.gather @!p0 [hbm4b:s0+s21], $0x800, s22, s21, $0x38;
	[tilespmem:$0x14600] =	vst v63  }
0x120: {  	v50, _, _ =	vpop (xrf0);
	s5 =	sand.u32 @!p0 $0xFFFFF80, s1;
	s1 =	spop (v2sf);
	s0 =	rddreg [dreg:$0x2]  }
0x121: {  	v51, _, _ =	vpop (xrf0);
	(v2sf) =	vpush v49, $0xF;
	s29 =	simm.s32 @!p0 $0x9C00;
	s5 =	sadd.s32 @!p0 s0, s5;
	s0 =	spop (v2sf)  }
0x122: {  	v52 =	vbroadcast v11, $0xF;
	v53, _, _ =	vpop (xrf0);
	(v2sf) =	vpush v50, $0xF;
	[tilespmem:s29], [sflag:$0x2] =	stream.strided.gather @!p0 [hbm4b:s5+s21], $0x800, s22, s21, $0x38;
	[tilespmem:$0x14600] =	vst v63  }
0x123: {  	v28 =	vbroadcast v28, $0xF;
	_ =	swait.ge [sflag:s16], $0x800  }
0x124: {  	v54 =	vadd.s32 v2, v52;
	s29 =	simm.s32 $0x4;
	[sflag:s16] =	ssyncset.done $0x0  }
0x125: {  	v28 =	vadd.s32 v2, v28;
	v55 =	vmov s29;
	s5 =	spop (v2sf);
	[sflag:s16] =	ssyncadd.s32 $0xFFFFF800  }
0x126: {  	v56 =	vshll.u32 v55, $0x3;
	_ =	swait.ge [sflag:s17], $0x800  }
0x127: {  	v30 =	vand.u32 $0x74, v55;
	v31 =	vand.u32 $0xC00, v56;
	[sflag:s17] =	ssyncset.done $0x0  }
0x128: {  	s29 =	simm.s32 $0x2400;
	v30 =	vor.u32 v31, v30;
	[sflag:s17] =	ssyncadd.s32 $0xFFFFF800  }
0x129: {  	v30 =	vor.u32 v1, v30;
	v29 =	vld.idx.msk [tilespmem:v54+s29+$0x0], $0xffff;
	s29 =	simm.s32 $0xA400  }
0x12a: {  	v28 =	vld.idx.msk [tilespmem:v28+s29+$0x0], $0xffff;
	_ =	sdelay $0x3  }
0x12b: {  	s2 =	sand.u32 @!p0 $0xFFFFF80, s2;
	s29 =	rddreg [dreg:$0x1];
	[tilespmem:v30+s18+$0x0] =	vst.idx.msk $0xffff, v29  }
0x12c: {  	s2 =	sadd.s32 @!p0 s29, s2;
	s29 =	simm.s32 @!p0 $0x2400;
	[tilespmem:v30+s19+$0x0] =	vst.idx.msk $0xffff, v28  }
0x12d: {  	[tilespmem:s29], [sflag:$0x1] =	stream.strided.gather @!p0 [hbm4b:s2+s21], $0x800, s22, s21, $0x38;
	[tilespmem:$0x14600] =	vst v63  }
0x12e: {  	s4 =	sand.u32 @!p0 $0xFFFFF80, s4;
	s2 =	rddreg [dreg:$0x2]  }
0x12f: {  	s29 =	simm.s32 @!p0 $0xA400;
	s4 =	sadd.s32 @!p0 s2, s4;
	s2 =	spop (v2sf)  }
0x130: {  	[tilespmem:s29], [sflag:$0x2] =	stream.strided.gather @!p0 [hbm4b:s4+s21], $0x800, s22, s21, $0x38;
	[tilespmem:$0x14600] =	vst v63  }
0x131: {  	v24 =	vbroadcast v24, $0xF;
	s4 =	spop (v2sf)  }
0x132: {  	v26 =	vbroadcast v26, $0xF;
	_ =	swait.ge [sflag:s16], $0x800  }
0x133: {  	v24 =	vadd.s32 v2, v24;
	s29 =	simm.s32 $0x5;
	[sflag:s16] =	ssyncset.done $0x0  }
0x134: {  	v26 =	vadd.s32 v2, v26;
	v57 =	vmov s29;
	[sflag:s16] =	ssyncadd.s32 $0xFFFFF800  }
0x135: {  	v58 =	vshll.u32 v57, $0x3;
	_ =	swait.ge [sflag:s17], $0x800  }
0x136: {  	v28 =	vand.u32 $0x75, v57;
	v29 =	vand.u32 $0xC00, v58;
	[sflag:s17] =	ssyncset.done $0x0  }
0x137: {  	s29 =	simm.s32 $0x2C00;
	v28 =	vor.u32 v29, v28;
	[sflag:s17] =	ssyncadd.s32 $0xFFFFF800  }
0x138: {  	v28 =	vor.u32 v1, v28;
	v24 =	vld.idx.msk [tilespmem:v24+s29+$0x0], $0xffff  }
0x139: {  	v26 =	vld.idx.msk [tilespmem:v26+s31+$0x0], $0xffff;
	_ =	sdelay $0x3  }
0x13a: {  	s24 =	sand.u32 @!p0 $0xFFFFF80, s24;
	s29 =	rddreg [dreg:$0x1];
	[tilespmem:v28+s18+$0x0] =	vst.idx.msk $0xffff, v24  }
0x13b: {  	s24 =	sadd.s32 @!p0 s29, s24;
	s29 =	simm.s32 @!p0 $0x2C00;
	[tilespmem:v28+s19+$0x0] =	vst.idx.msk $0xffff, v26  }
0x13c: {  	[tilespmem:s29], [sflag:$0x1] =	stream.strided.gather @!p0 [hbm4b:s24+s21], $0x800, s22, s21, $0x38;
	[tilespmem:$0x14600] =	vst v63  }
0x13d: {  	s24 =	sand.u32 @!p0 $0xFFFFF80, s25;
	s25 =	rddreg [dreg:$0x2]  }
0x13e: {  	s24 =	sadd.s32 @!p0 s25, s24;
	s25 =	simm.s32 @!p0 $0xAC00  }
0x13f: {  	v59 =	vbroadcast v25, $0xF;
	[tilespmem:s25], [sflag:$0x2] =	stream.strided.gather @!p0 [hbm4b:s24+s21], $0x800, s22, s21, $0x38;
	[tilespmem:$0x14600] =	vst v63  }
0x140: {  	v60 =	vbroadcast v27, $0xF;
	_ =	swait.ge [sflag:s16], $0x800  }
0x141: {  	s31 =	simm.s32 $0x6;
	v24 =	vadd.s32 v2, v59;
	[sflag:s16] =	ssyncset.done $0x0  }
0x142: {  	v25 =	vadd.s32 v2, v60;
	v61 =	vmov s31;
	[sflag:s16] =	ssyncadd.s32 $0xFFFFF800  }
0x143: {  	v62 =	vshll.u32 v61, $0x3;
	_ =	swait.ge [sflag:s17], $0x800  }
0x144: {  	v27 =	vand.u32 $0xC00, v62;
	v26 =	vand.u32 $0x76, v61;
	[sflag:s17] =	ssyncset.done $0x0  }
0x145: {  	v26 =	vor.u32 v27, v26;
	s25 =	simm.s32 $0x3400;
	[sflag:s17] =	ssyncadd.s32 $0xFFFFF800  }
0x146: {  	s29 =	simm.s32 $0xB400;
	v26 =	vor.u32 v1, v26;
	v24 =	vld.idx.msk [tilespmem:v24+s25+$0x0], $0xffff  }
0x147: {  	v25 =	vld.idx.msk [tilespmem:v25+s29+$0x0], $0xffff;
	_ =	sdelay $0x3  }
0x148: {  	s15 =	sand.u32 @!p0 $0xFFFFF80, s15;
	s24 =	rddreg [dreg:$0x1];
	[tilespmem:v26+s18+$0x0] =	vst.idx.msk $0xffff, v24  }
0x149: {  	s15 =	sadd.s32 @!p0 s24, s15;
	s24 =	simm.s32 @!p0 $0x3400;
	[tilespmem:v26+s19+$0x0] =	vst.idx.msk $0xffff, v25  }
0x14a: {  	[tilespmem:s24], [sflag:$0x1] =	stream.strided.gather @!p0 [hbm4b:s15+s21], $0x800, s22, s21, $0x38;
	[tilespmem:$0x14600] =	vst v63  }
0x14b: {  	s14 =	sand.u32 @!p0 $0xFFFFF80, s14;
	s15 =	rddreg [dreg:$0x2]  }
0x14c: {  	s14 =	sadd.s32 @!p0 s15, s14;
	s15 =	simm.s32 @!p0 $0xB400  }
0x14d: {  	v22 =	vbroadcast v22, $0xF;
	[tilespmem:s15], [sflag:$0x2] =	stream.strided.gather @!p0 [hbm4b:s14+s21], $0x800, s22, s21, $0x38;
	[tilespmem:$0x14600] =	vst v63  }
0x14e: {  	v23 =	vbroadcast v23, $0xF;
	s24 =	rddreg [dreg:$0x1];
	_ =	swait.ge [sflag:s16], $0x800  }
0x14f: {  	v22 =	vadd.s32 v2, v22;
	s31 =	simm.s32 $0x7;
	[sflag:s16] =	ssyncset.done $0x0  }
0x150: {  	v23 =	vadd.s32 v2, v23;
	v63 =	vmov s31;
	[sflag:s16] =	ssyncadd.s32 $0xFFFFF800  }
0x151: {  	v28 =	vshll.u32 v63, $0x3;
	_ =	swait.ge [sflag:s17], $0x800  }
0x152: {  	v24 =	vand.u32 $0x77, v63;
	v25 =	vand.u32 $0xC00, v28;
	[sflag:s17] =	ssyncset.done $0x0  }
0x153: {  	v24 =	vor.u32 v25, v24;
	s15 =	simm.s32 $0x3C00;
	[sflag:s17] =	ssyncadd.s32 $0xFFFFF800  }
0x154: {  	s25 =	simm.s32 $0xBC00;
	v24 =	vor.u32 v1, v24;
	v22 =	vld.idx.msk [tilespmem:v22+s15+$0x0], $0xffff  }
0x155: {  	v23 =	vld.idx.msk [tilespmem:v23+s25+$0x0], $0xffff;
	_ =	sdelay $0x3  }
0x156: {  	s14 =	sand.u32 @!p0 $0xFFFFF80, s28;
	[tilespmem:v24+s18+$0x0] =	vst.idx.msk $0xffff, v22  }
0x157: {  	s14 =	sadd.s32 @!p0 s24, s14;
	s15 =	simm.s32 @!p0 $0x3C00;
	[tilespmem:v24+s19+$0x0] =	vst.idx.msk $0xffff, v23  }
0x158: {  	[tilespmem:s15], [sflag:$0x1] =	stream.strided.gather @!p0 [hbm4b:s14+s21], $0x800, s22, s21, $0x38;
	[tilespmem:$0x14600] =	vst v63  }
0x159: {  	s14 =	sand.u32 @!p0 $0xFFFFF80, s26;
	s15 =	rddreg [dreg:$0x2]  }
0x15a: {  	s14 =	sadd.s32 @!p0 s15, s14;
	s15 =	simm.s32 @!p0 $0xBC00  }
0x15b: {  	v18 =	vbroadcast v18, $0xF;
	[tilespmem:s15], [sflag:$0x2] =	stream.strided.gather @!p0 [hbm4b:s14+s21], $0x800, s22, s21, $0x38;
	[tilespmem:$0x14600] =	vst v63  }
0x15c: {  	v21 =	vbroadcast v21, $0xF;
	_ =	swait.ge [sflag:s16], $0x800  }
0x15d: {  	v18 =	vadd.s32 v2, v18;
	s26 =	simm.s32 $0x8;
	[sflag:s16] =	ssyncset.done $0x0  }
0x15e: {  	v21 =	vadd.s32 v2, v21;
	v29 =	vmov s26;
	[sflag:s16] =	ssyncadd.s32 $0xFFFFF800  }
0x15f: {  	v30 =	vshll.u32 v29, $0x3;
	_ =	swait.ge [sflag:s17], $0x800  }
0x160: {  	v22 =	vand.u32 $0x78, v29;
	v23 =	vand.u32 $0xC00, v30;
	[sflag:s17] =	ssyncset.done $0x0  }
0x161: {  	s28 =	simm.s32 $0x4400;
	v22 =	vor.u32 v23, v22;
	[sflag:s17] =	ssyncadd.s32 $0xFFFFF800  }
0x162: {  	s29 =	simm.s32 $0xC400;
	v22 =	vor.u32 v1, v22;
	v18 =	vld.idx.msk [tilespmem:v18+s28+$0x0], $0xffff  }
0x163: {  	v21 =	vld.idx.msk [tilespmem:v21+s29+$0x0], $0xffff;
	_ =	sdelay $0x3  }
0x164: {  	s14 =	sand.u32 @!p0 $0xFFFFF80, s20;
	[tilespmem:v22+s18+$0x0] =	vst.idx.msk $0xffff, v18  }
0x165: {  	s15 =	simm.s32 @!p0 $0x4400;
	s14 =	sadd.s32 @!p0 s24, s14;
	[tilespmem:v22+s19+$0x0] =	vst.idx.msk $0xffff, v21  }
0x166: {  	[tilespmem:s15], [sflag:$0x1] =	stream.strided.gather @!p0 [hbm4b:s14+s21], $0x800, s22, s21, $0x38;
	[tilespmem:$0x14600] =	vst v63  }
0x167: {  	s14 =	sand.u32 @!p0 $0xFFFFF80, s23;
	s15 =	rddreg [dreg:$0x2]  }
0x168: {  	s14 =	sadd.s32 @!p0 s15, s14;
	s15 =	simm.s32 @!p0 $0xC400  }
0x169: {  	v17 =	vbroadcast v17, $0xF;
	[tilespmem:s15], [sflag:$0x2] =	stream.strided.gather @!p0 [hbm4b:s14+s21], $0x800, s22, s21, $0x38;
	[tilespmem:$0x14600] =	vst v63  }
0x16a: {  	v31 =	vbroadcast v20, $0xF;
	_ =	swait.ge [sflag:s16], $0x800  }
0x16b: {  	v17 =	vadd.s32 v2, v17;
	s31 =	simm.s32 $0x9;
	[sflag:s16] =	ssyncset.done $0x0  }
0x16c: {  	v32 =	vmov s31;
	v18 =	vadd.s32 v2, v31;
	[sflag:s16] =	ssyncadd.s32 $0xFFFFF800  }
0x16d: {  	v33 =	vshll.u32 v32, $0x3;
	_ =	swait.ge [sflag:s17], $0x800  }
0x16e: {  	v20 =	vand.u32 $0x79, v32;
	v21 =	vand.u32 $0xC00, v33;
	[sflag:s17] =	ssyncset.done $0x0  }
0x16f: {  	v20 =	vor.u32 v21, v20;
	s15 =	simm.s32 $0x4C00;
	[sflag:s17] =	ssyncadd.s32 $0xFFFFF800  }
0x170: {  	s20 =	simm.s32 $0xCC00;
	v20 =	vor.u32 v1, v20;
	v17 =	vld.idx.msk [tilespmem:v17+s15+$0x0], $0xffff  }
0x171: {  	v18 =	vld.idx.msk [tilespmem:v18+s20+$0x0], $0xffff;
	_ =	sdelay $0x3  }
0x172: {  	s12 =	sand.u32 @!p0 $0xFFFFF80, s12;
	[tilespmem:v20+s18+$0x0] =	vst.idx.msk $0xffff, v17  }
0x173: {  	s12 =	sadd.s32 @!p0 s24, s12;
	s14 =	simm.s32 @!p0 $0x4C00;
	[tilespmem:v20+s19+$0x0] =	vst.idx.msk $0xffff, v18  }
0x174: {  	[tilespmem:s14], [sflag:$0x1] =	stream.strided.gather @!p0 [hbm4b:s12+s21], $0x800, s22, s21, $0x38;
	[tilespmem:$0x14600] =	vst v63  }
0x175: {  	s12 =	sand.u32 @!p0 $0xFFFFF80, s13;
	s13 =	rddreg [dreg:$0x2]  }
0x176: {  	s12 =	sadd.s32 @!p0 s13, s12;
	s13 =	simm.s32 @!p0 $0xCC00  }
0x177: {  	v15 =	vbroadcast v15, $0xF;
	[tilespmem:s13], [sflag:$0x2] =	stream.strided.gather @!p0 [hbm4b:s12+s21], $0x800, s22, s21, $0x38;
	[tilespmem:$0x14600] =	vst v63  }
0x178: {  	v34 =	vbroadcast v19, $0xF;
	_ =	swait.ge [sflag:s16], $0x800  }
0x179: {  	v15 =	vadd.s32 v2, v15;
	s23 =	simm.s32 $0xA;
	[sflag:s16] =	ssyncset.done $0x0  }
0x17a: {  	v35 =	vmov s23;
	v17 =	vadd.s32 v2, v34;
	[sflag:s16] =	ssyncadd.s32 $0xFFFFF800  }
0x17b: {  	v36 =	vshll.u32 v35, $0x3;
	_ =	swait.ge [sflag:s17], $0x800  }
0x17c: {  	v19 =	vand.u32 $0xC00, v36;
	v18 =	vand.u32 $0x7A, v35;
	[sflag:s17] =	ssyncset.done $0x0  }
0x17d: {  	s25 =	simm.s32 $0x5400;
	v18 =	vor.u32 v19, v18;
	[sflag:s17] =	ssyncadd.s32 $0xFFFFF800  }
0x17e: {  	s26 =	simm.s32 $0xD400;
	v18 =	vor.u32 v1, v18;
	v15 =	vld.idx.msk [tilespmem:v15+s25+$0x0], $0xffff  }
0x17f: {  	v17 =	vld.idx.msk [tilespmem:v17+s26+$0x0], $0xffff;
	_ =	sdelay $0x3  }
0x180: {  	s10 =	sand.u32 @!p0 $0xFFFFF80, s10;
	[tilespmem:v18+s18+$0x0] =	vst.idx.msk $0xffff, v15  }
0x181: {  	s10 =	sadd.s32 @!p0 s24, s10;
	s12 =	simm.s32 @!p0 $0x5400;
	[tilespmem:v18+s19+$0x0] =	vst.idx.msk $0xffff, v17  }
0x182: {  	[tilespmem:s12], [sflag:$0x1] =	stream.strided.gather @!p0 [hbm4b:s10+s21], $0x800, s22, s21, $0x38;
	[tilespmem:$0x14600] =	vst v63  }
0x183: {  	s10 =	sand.u32 @!p0 $0xFFFFF80, s11;
	s11 =	rddreg [dreg:$0x2]  }
0x184: {  	s10 =	sadd.s32 @!p0 s11, s10;
	s11 =	simm.s32 @!p0 $0xD400  }
0x185: {  	v14 =	vbroadcast v14, $0xF;
	[tilespmem:s11], [sflag:$0x2] =	stream.strided.gather @!p0 [hbm4b:s10+s21], $0x800, s22, s21, $0x38;
	[tilespmem:$0x14600] =	vst v63  }
0x186: {  	v37 =	vbroadcast v16, $0xF;
	_ =	swait.ge [sflag:s16], $0x800  }
0x187: {  	v14 =	vadd.s32 v2, v14;
	s28 =	simm.s32 $0xB;
	[sflag:s16] =	ssyncset.done $0x0  }
0x188: {  	v38 =	vmov s28;
	v15 =	vadd.s32 v2, v37;
	[sflag:s16] =	ssyncadd.s32 $0xFFFFF800  }
0x189: {  	v39 =	vshll.u32 v38, $0x3;
	_ =	swait.ge [sflag:s17], $0x800  }
0x18a: {  	v16 =	vand.u32 $0x7B, v38;
	v17 =	vand.u32 $0xC00, v39;
	[sflag:s17] =	ssyncset.done $0x0  }
0x18b: {  	s29 =	simm.s32 $0x5C00;
	v16 =	vor.u32 v17, v16;
	[sflag:s17] =	ssyncadd.s32 $0xFFFFF800  }
0x18c: {  	s31 =	simm.s32 $0xDC00;
	v16 =	vor.u32 v1, v16;
	v14 =	vld.idx.msk [tilespmem:v14+s29+$0x0], $0xffff  }
0x18d: {  	v15 =	vld.idx.msk [tilespmem:v15+s31+$0x0], $0xffff;
	_ =	sdelay $0x3  }
0x18e: {  	s9 =	sand.u32 @!p0 $0xFFFFF80, s9;
	[tilespmem:v16+s18+$0x0] =	vst.idx.msk $0xffff, v14  }
0x18f: {  	s9 =	sadd.s32 @!p0 s24, s9;
	s10 =	simm.s32 @!p0 $0x5C00;
	[tilespmem:v16+s19+$0x0] =	vst.idx.msk $0xffff, v15  }
0x190: {  	[tilespmem:s10], [sflag:$0x1] =	stream.strided.gather @!p0 [hbm4b:s9+s21], $0x800, s22, s21, $0x38;
	[tilespmem:$0x14600] =	vst v63  }
0x191: {  	s8 =	sand.u32 @!p0 $0xFFFFF80, s8;
	s9 =	rddreg [dreg:$0x2]  }
0x192: {  	s8 =	sadd.s32 @!p0 s9, s8;
	s9 =	simm.s32 @!p0 $0xDC00  }
0x193: {  	v10 =	vbroadcast v10, $0xF;
	[tilespmem:s9], [sflag:$0x2] =	stream.strided.gather @!p0 [hbm4b:s8+s21], $0x800, s22, s21, $0x38;
	[tilespmem:$0x14600] =	vst v63  }
0x194: {  	v13 =	vbroadcast v13, $0xF;
	_ =	swait.ge [sflag:s16], $0x800  }
0x195: {  	v10 =	vadd.s32 v2, v10;
	s11 =	simm.s32 $0xC;
	[sflag:s16] =	ssyncset.done $0x0  }
0x196: {  	v13 =	vadd.s32 v2, v13;
	v40 =	vmov s11;
	[sflag:s16] =	ssyncadd.s32 $0xFFFFF800  }
0x197: {  	v41 =	vshll.u32 v40, $0x3;
	_ =	swait.ge [sflag:s17], $0x800  }
0x198: {  	v14 =	vand.u32 $0x7C, v40;
	v15 =	vand.u32 $0xC00, v41;
	[sflag:s17] =	ssyncset.done $0x0  }
0x199: {  	s12 =	simm.s32 $0x6400;
	v14 =	vor.u32 v15, v14;
	[sflag:s17] =	ssyncadd.s32 $0xFFFFF800  }
0x19a: {  	s13 =	simm.s32 $0xE400;
	v14 =	vor.u32 v1, v14;
	v10 =	vld.idx.msk [tilespmem:v10+s12+$0x0], $0xffff  }
0x19b: {  	v13 =	vld.idx.msk [tilespmem:v13+s13+$0x0], $0xffff;
	_ =	sdelay $0x3  }
0x19c: {  	s7 =	sand.u32 @!p0 $0xFFFFF80, s7;
	[tilespmem:v14+s18+$0x0] =	vst.idx.msk $0xffff, v10  }
0x19d: {  	s7 =	sadd.s32 @!p0 s24, s7;
	s8 =	simm.s32 @!p0 $0x6400;
	[tilespmem:v14+s19+$0x0] =	vst.idx.msk $0xffff, v13  }
0x19e: {  	[tilespmem:s8], [sflag:$0x1] =	stream.strided.gather @!p0 [hbm4b:s7+s21], $0x800, s22, s21, $0x38;
	[tilespmem:$0x14600] =	vst v63  }
0x19f: {  	s3 =	sand.u32 @!p0 $0xFFFFF80, s3;
	s7 =	rddreg [dreg:$0x2]  }
0x1a0: {  	s3 =	sadd.s32 @!p0 s7, s3;
	s7 =	simm.s32 @!p0 $0xE400  }
0x1a1: {  	v9 =	vbroadcast v9, $0xF;
	[tilespmem:s7], [sflag:$0x2] =	stream.strided.gather @!p0 [hbm4b:s3+s21], $0x800, s22, s21, $0x38;
	[tilespmem:$0x14600] =	vst v63  }
0x1a2: {  	v42 =	vbroadcast v12, $0xF;
	_ =	swait.ge [sflag:s16], $0x800  }
0x1a3: {  	v9 =	vadd.s32 v2, v9;
	s14 =	simm.s32 $0xD;
	[sflag:s16] =	ssyncset.done $0x0  }
0x1a4: {  	v43 =	vmov s14;
	v10 =	vadd.s32 v2, v42;
	[sflag:s16] =	ssyncadd.s32 $0xFFFFF800  }
0x1a5: {  	v44 =	vshll.u32 v43, $0x3;
	_ =	swait.ge [sflag:s17], $0x800  }
0x1a6: {  	v12 =	vand.u32 $0x7D, v43;
	v13 =	vand.u32 $0xC00, v44;
	[sflag:s17] =	ssyncset.done $0x0  }
0x1a7: {  	s15 =	simm.s32 $0x6C00;
	v12 =	vor.u32 v13, v12;
	[sflag:s17] =	ssyncadd.s32 $0xFFFFF800  }
0x1a8: {  	s20 =	simm.s32 $0xEC00;
	v12 =	vor.u32 v1, v12;
	v9 =	vld.idx.msk [tilespmem:v9+s15+$0x0], $0xffff  }
0x1a9: {  	v10 =	vld.idx.msk [tilespmem:v10+s20+$0x0], $0xffff;
	_ =	sdelay $0x3  }
0x1aa: {  	s3 =	sand.u32 @!p0 $0xFFFFF80, s6;
	[tilespmem:v12+s18+$0x0] =	vst.idx.msk $0xffff, v9  }
0x1ab: {  	s6 =	simm.s32 @!p0 $0x6C00;
	s3 =	sadd.s32 @!p0 s24, s3;
	[tilespmem:v12+s19+$0x0] =	vst.idx.msk $0xffff, v10  }
0x1ac: {  	[tilespmem:s6], [sflag:$0x1] =	stream.strided.gather @!p0 [hbm4b:s3+s21], $0x800, s22, s21, $0x38;
	[tilespmem:$0x14600] =	vst v63  }
0x1ad: {  	s1 =	sand.u32 @!p0 $0xFFFFF80, s1;
	s6 =	rddreg [dreg:$0x2]  }
0x1ae: {  	s3 =	simm.s32 @!p0 $0xEC00;
	s1 =	sadd.s32 @!p0 s6, s1  }
0x1af: {  	v6 =	vbroadcast v6, $0xF;
	[tilespmem:s3], [sflag:$0x2] =	stream.strided.gather @!p0 [hbm4b:s1+s21], $0x800, s22, s21, $0x38;
	[tilespmem:$0x14600] =	vst v63  }
0x1b0: {  	v7 =	vbroadcast v45, $0xF;
	_ =	swait.ge [sflag:s16], $0x800  }
0x1b1: {  	v6 =	vadd.s32 v2, v6;
	s23 =	simm.s32 $0xE;
	[sflag:s16] =	ssyncset.done $0x0  }
0x1b2: {  	v7 =	vadd.s32 v2, v7;
	v45 =	vmov s23;
	[sflag:s16] =	ssyncadd.s32 $0xFFFFF800  }
0x1b3: {  	v46 =	vshll.u32 v45, $0x3;
	_ =	swait.ge [sflag:s17], $0x800  }
0x1b4: {  	v9 =	vand.u32 $0x7E, v45;
	v10 =	vand.u32 $0xC00, v46;
	[sflag:s17] =	ssyncset.done $0x0  }
0x1b5: {  	s25 =	simm.s32 $0x7400;
	v9 =	vor.u32 v10, v9;
	[sflag:s17] =	ssyncadd.s32 $0xFFFFF800  }
0x1b6: {  	s26 =	simm.s32 $0xF400;
	v9 =	vor.u32 v1, v9;
	v6 =	vld.idx.msk [tilespmem:v6+s25+$0x0], $0xffff  }
0x1b7: {  	v7 =	vld.idx.msk [tilespmem:v7+s26+$0x0], $0xffff;
	_ =	sdelay $0x3  }
0x1b8: {  	s0 =	sand.u32 @!p0 $0xFFFFF80, s0;
	[tilespmem:v9+s18+$0x0] =	vst.idx.msk $0xffff, v6  }
0x1b9: {  	s0 =	sadd.s32 @!p0 s24, s0;
	s1 =	simm.s32 @!p0 $0x7400;
	[tilespmem:v9+s19+$0x0] =	vst.idx.msk $0xffff, v7  }
0x1ba: {  	[tilespmem:s1], [sflag:$0x1] =	stream.strided.gather @!p0 [hbm4b:s0+s21], $0x800, s22, s21, $0x38;
	[tilespmem:$0x14600] =	vst v63  }
0x1bb: {  	s0 =	sand.u32 @!p0 $0xFFFFF80, s5  }
0x1bc: {  	s1 =	simm.s32 @!p0 $0xF400;
	s0 =	sadd.s32 @!p0 s6, s0  }
0x1bd: {  	v47 =	vbroadcast v51, $0xF;
	[tilespmem:s1], [sflag:$0x2] =	stream.strided.gather @!p0 [hbm4b:s0+s21], $0x800, s22, s21, $0x38;
	[tilespmem:$0x14600] =	vst v63  }
0x1be: {  	v48 =	vbroadcast v53, $0xF;
	_ =	swait.ge [sflag:s16], $0x800  }
0x1bf: {  	s28 =	simm.s32 $0xF;
	v6 =	vadd.s32 v2, v47;
	[sflag:s16] =	ssyncset.done $0x0  }
0x1c0: {  	v49 =	vmov s28;
	v7 =	vadd.s32 v2, v48;
	[sflag:s16] =	ssyncadd.s32 $0xFFFFF800  }
0x1c1: {  	v50 =	vshll.u32 v49, $0x3;
	_ =	swait.ge [sflag:s17], $0x800  }
0x1c2: {  	v8 =	vand.u32 $0x7F, v49;
	v9 =	vand.u32 $0xC00, v50;
	[sflag:s17] =	ssyncset.done $0x0  }
0x1c3: {  	s29 =	simm.s32 $0x7C00;
	v8 =	vor.u32 v9, v8;
	[sflag:s17] =	ssyncadd.s32 $0xFFFFF800  }
0x1c4: {  	s31 =	simm.s32 $0xFC00;
	v8 =	vor.u32 v1, v8;
	v6 =	vld.idx.msk [tilespmem:v6+s29+$0x0], $0xffff  }
0x1c5: {  	v7 =	vld.idx.msk [tilespmem:v7+s31+$0x0], $0xffff  }
0x1c6: {  	v4 =	vor.u32 v0, v4  }
0x1c7: {  	v4 =	vand.u32 $0x7F, v4  }
0x1c8: {  	v5 =	vor.u32 v4, v5  }
0x1c9: {  	v51 =	vor.u32 $0x80, v5;
	s0 =	sand.u32 @!p0 $0xFFFFF80, s2;
	[tilespmem:v8+s18+$0x0] =	vst.idx.msk $0xffff, v6  }
0x1ca: {  	s1 =	sand.u32 @!p0 $0xFFFFF80, s4;
	s2 =	simm.s32 @!p0 $0x7C00;
	s0 =	sadd.s32 @!p0 s24, s0;
	[tilespmem:v8+s19+$0x0] =	vst.idx.msk $0xffff, v7  }
0x1cb: {  	[tilespmem:s2], [sflag:$0x1] =	stream.strided.gather @!p0 [hbm4b:s0+s21], $0x800, s22, s21, $0x38;
	[tilespmem:$0x14600] =	vst v63  }
0x1cc: {  	s0 =	sadd.s32 @!p0 s6, s1;
	s1 =	simm.s32 @!p0 $0xFC00  }
0x1cd: {  	v52 =	vor.u32 $0x100, v5;
	[tilespmem:s1], [sflag:$0x2] =	stream.strided.gather @!p0 [hbm4b:s0+s21], $0x800, s22, s21, $0x38;
	[tilespmem:$0x14600] =	vst v63  }
0x1ce: {  	v8 =	vld.idx.msk [tilespmem:v51+s19+$0x0], $0xffff  }
0x1cf: {  	v53 =	vor.u32 $0x180, v5;
	v6 =	vld.idx.msk [tilespmem:v51+s18+$0x0], $0xffff  }
0x1d0: {  	v10 =	vld.idx.msk [tilespmem:v5+s18+$0x0], $0xffff  }
0x1d1: {  	v54 =	vor.u32 $0x200, v5;
	v12 =	vld.idx.msk [tilespmem:v5+s19+$0x0], $0xffff  }
0x1d2: {  	v13 =	vld.idx.msk [tilespmem:v52+s18+$0x0], $0xffff  }
0x1d3: {  	v55 =	vor.u32 $0x280, v5;
	v7 =	vld.idx.msk [tilespmem:v52+s19+$0x0], $0xffff  }
0x1d4: {  	v15 =	vld.idx.msk [tilespmem:v53+s18+$0x0], $0xffff  }
0x1d5: {  	v56 =	vor.u32 $0x300, v5;
	v9 =	vld.idx.msk [tilespmem:v53+s19+$0x0], $0xffff;
	v57 =	vmul.f32 v10, v10;
	v58 =	vmul.f32 v6, v6  }
0x1d6: {  	v3 =	vor.u32 v4, v3;
	v19 =	vld.idx.msk [tilespmem:v54+s18+$0x0], $0xffff;
	v4 =	vmul.f32 v8, v8;
	v59 =	vmul.f32 v12, v12  }
0x1d7: {  	v60 =	vor.u32 $0x380, v3;
	v11 =	vld.idx.msk [tilespmem:v54+s19+$0x0], $0xffff;
	v61 =	vmul.f32 v13, v13;
	v17 =	vadd.f32 v58, v57  }
0x1d8: {  	v22 =	vld.idx.msk [tilespmem:v55+s18+$0x0], $0xffff;
	v62 =	vmul.f32 v7, v7;
	v4 =	vadd.f32 v4, v59  }
0x1d9: {  	v63 =	vor.u32 $0x1000, v5;
	v14 =	vld.idx.msk [tilespmem:v55+s19+$0x0], $0xffff;
	v32 =	vmul.f32 v15, v15;
	v17 =	vadd.f32 v61, v17  }
0x1da: {  	v24 =	vld.idx.msk [tilespmem:v56+s18+$0x0], $0xffff;
	v33 =	vmul.f32 v9, v9;
	v4 =	vadd.f32 v62, v4  }
0x1db: {  	v34 =	vor.u32 $0x1080, v5;
	v16 =	vld.idx.msk [tilespmem:v56+s19+$0x0], $0xffff;
	v35 =	vmul.f32 v19, v19;
	v17 =	vadd.f32 v32, v17  }
0x1dc: {  	v26 =	vld.idx.msk [tilespmem:v60+s18+$0x0], $0xffff;
	v36 =	vmul.f32 v11, v11;
	v4 =	vadd.f32 v33, v4  }
0x1dd: {  	v37 =	vor.u32 $0x1100, v5;
	v21 =	vld.idx.msk [tilespmem:v60+s19+$0x0], $0xffff;
	v38 =	vmul.f32 v22, v22;
	v17 =	vadd.f32 v35, v17  }
0x1de: {  	v28 =	vld.idx.msk [tilespmem:v63+s18+$0x0], $0xffff;
	v39 =	vmul.f32 v14, v14;
	v4 =	vadd.f32 v36, v4  }
0x1df: {  	v40 =	vor.u32 $0x1180, v5;
	v20 =	vld.idx.msk [tilespmem:v63+s19+$0x0], $0xffff;
	v41 =	vmul.f32 v24, v24;
	v17 =	vadd.f32 v38, v17  }
0x1e0: {  	v30 =	vld.idx.msk [tilespmem:v34+s18+$0x0], $0xffff;
	v42 =	vmul.f32 v16, v16;
	v4 =	vadd.f32 v39, v4  }
0x1e1: {  	v43 =	vor.u32 $0x1200, v5;
	v23 =	vld.idx.msk [tilespmem:v34+s19+$0x0], $0xffff;
	v44 =	vmul.f32 v26, v26;
	v17 =	vadd.f32 v41, v17  }
0x1e2: {  	v45 =	vmul.f32 v21, v21;
	v32 =	vld.idx.msk [tilespmem:v37+s18+$0x0], $0xffff;
	v4 =	vadd.f32 v42, v4  }
0x1e3: {  	v46 =	vor.u32 $0x1280, v5;
	v25 =	vld.idx.msk [tilespmem:v37+s19+$0x0], $0xffff;
	v47 =	vmul.f32 v28, v28;
	v17 =	vadd.f32 v44, v17  }
0x1e4: {  	v34 =	vld.idx.msk [tilespmem:v40+s18+$0x0], $0xffff;
	v48 =	vmul.f32 v20, v20;
	v4 =	vadd.f32 v45, v4  }
0x1e5: {  	v5 =	vor.u32 $0x1300, v5;
	v27 =	vld.idx.msk [tilespmem:v40+s19+$0x0], $0xffff;
	v49 =	vmul.f32 v30, v30;
	v17 =	vadd.f32 v47, v17  }
0x1e6: {  	v50 =	vmul.f32 v23, v23;
	v33 =	vld.idx.msk [tilespmem:v43+s18+$0x0], $0xffff;
	v4 =	vadd.f32 v48, v4  }
0x1e7: {  	v3 =	vor.u32 $0x1380, v3;
	v29 =	vld.idx.msk [tilespmem:v43+s19+$0x0], $0xffff;
	v51 =	vmul.f32 v32, v32;
	v17 =	vadd.f32 v49, v17  }
0x1e8: {  	v52 =	vmul.f32 v25, v25;
	v35 =	vld.idx.msk [tilespmem:v46+s18+$0x0], $0xffff;
	v4 =	vadd.f32 v50, v4  }
0x1e9: {  	v31 =	vld.idx.msk [tilespmem:v46+s19+$0x0], $0xffff;
	v53 =	vmul.f32 v34, v34;
	v17 =	vadd.f32 v51, v17  }
0x1ea: {  	v54 =	vmul.f32 v27, v27;
	v36 =	vld.idx.msk [tilespmem:v5+s18+$0x0], $0xffff;
	v4 =	vadd.f32 v52, v4  }
0x1eb: {  	v5 =	vld.idx.msk [tilespmem:v5+s19+$0x0], $0xffff;
	v55 =	vmul.f32 v33, v33;
	v17 =	vadd.f32 v53, v17  }
0x1ec: {  	v37 =	vld.idx.msk [tilespmem:v3+s18+$0x0], $0xffff;
	v39 =	vmul.f32 v29, v29;
	v4 =	vadd.f32 v54, v4  }
0x1ed: {  	v3 =	vld.idx.msk [tilespmem:v3+s19+$0x0], $0xffff;
	v56 =	vmul.f32 v35, v35;
	v17 =	vadd.f32 v55, v17  }
0x1ee: {  	v57 =	vmul.f32 v31, v31;
	v4 =	vadd.f32 v39, v4  }
0x1ef: {  	v58 =	vmul.f32 v36, v36;
	v17 =	vadd.f32 v56, v17  }
0x1f0: {  	v59 =	vmul.f32 v5, v5;
	v4 =	vadd.f32 v57, v4  }
0x1f1: {  	v60 =	vmul.f32 v37, v37;
	v17 =	vadd.f32 v58, v17  }
0x1f2: {  	v61 =	vmul.f32 v3, v3;
	v4 =	vadd.f32 v59, v4  }
0x1f3: {  	v17 =	vadd.f32 v60, v17  }
0x1f4: {  	v4 =	vadd.f32 v61, v4  }
0x1f5: {  	v18 =	vshrl.u32 v17, $0x1  }
0x1f6: {  	v62 =	vmul.f32 $5.000000000e-01, v17;
	v63 =	vshrl.u32 v4, $0x1;
	v40 =	vmul.f32 $5.000000000e-01, v4  }
0x1f7: {  	v18 =	vsub.s32 $0x5F3759DF, v18;
	v39 =	vsub.s32 $0x5F3759DF, v63  }
0x1f8: {  	v41 =	vmul.f32 v18, v62;
	v42 =	vmul.f32 v39, v40;
	_ =	sdelay $0x1  }
0x1f9: {  	v41 =	vmul.f32 v18, v41;
	v42 =	vmul.f32 v39, v42  }
0x1fa: {  	v10 =	vmul.f32 v12, v10  }
0x1fb: {  	v41 =	vsub.f32 $1.500000000e+00, v41;
	v42 =	vsub.f32 $1.500000000e+00, v42  }
0x1fc: {  	v6 =	vmul.f32 v8, v6;
	v45 =	vadd.f32 $0.0e+00, v10  }
0x1fd: {  	v43 =	vmul.f32 v18, v41;
	v44 =	vmul.f32 v39, v42  }
0x1fe: {  	v7 =	vmul.f32 v7, v13;
	v6 =	vadd.f32 v6, v45  }
0x1ff: {  	v46 =	vmul.f32 v43, v62;
	v39 =	vmul.f32 v44, v40  }
0x200: {  	v9 =	vmul.f32 v9, v15;
	v6 =	vadd.f32 v7, v6  }
0x201: {  	v47 =	vmul.f32 v46, v43;
	v48 =	vmul.f32 v39, v44  }
0x202: {  	v51 =	vmul.f32 v11, v19;
	v6 =	vadd.f32 v9, v6  }
0x203: {  	v49 =	vsub.f32 $1.500000000e+00, v47;
	v50 =	vsub.f32 $1.500000000e+00, v48  }
0x204: {  	v52 =	vmul.f32 v14, v22;
	v6 =	vadd.f32 v51, v6  }
0x205: {  	v7 =	vmul.f32 v49, v43;
	v8 =	vmul.f32 v50, v44  }
0x206: {  	v55 =	vmul.f32 v16, v24;
	v6 =	vadd.f32 v52, v6  }
0x207: {  	v53 =	vmul.f32 v7, v62;
	v54 =	vmul.f32 v8, v40  }
0x208: {  	v6 =	vadd.f32 v55, v6;
	v58 =	vmul.f32 v21, v26  }
0x209: {  	v56 =	vmul.f32 v53, v7;
	v57 =	vmul.f32 v54, v8  }
0x20a: {  	v59 =	vmul.f32 v20, v28;
	v6 =	vadd.f32 v58, v6  }
0x20b: {  	v9 =	vsub.f32 $1.500000000e+00, v56;
	v10 =	vsub.f32 $1.500000000e+00, v57  }
0x20c: {  	v60 =	vmul.f32 v23, v30;
	v6 =	vadd.f32 v59, v6  }
0x20d: {  	v7 =	vmul.f32 v9, v7;
	v8 =	vmul.f32 v10, v8  }
0x20e: {  	v61 =	vmul.f32 v25, v32;
	v6 =	vadd.f32 v60, v6  }
0x20f: {  	v7 =	vmul.f32 v7, v17;
	v4 =	vmul.f32 v8, v4  }
0x210: {  	v6 =	vadd.f32 v61, v6  }
0x211: {  	v62 =	vmul.f32 v27, v34;
	v7 =	vmax.f32 v7, $9.999999930e-09;
	v4 =	vmax.f32 v4, $9.999999930e-09  }
0x212: {  	v4 =	vmul.f32 v4, v7  }
0x213: {  	v63 =	vmul.f32 v29, v33;
	v6 =	vadd.f32 v62, v6  }
0x214: {  	(erf) = vrcp.f32 v4  }
0x215: {  	v6 =	vadd.f32 v63, v6;
	v4 =	vmul.f32 v31, v35;
	_ =	sdelay $0x1  }
0x216: {  	v5 =	vmul.f32 v5, v36;
	v4 =	vadd.f32 v4, v6;
	_ =	sdelay $0x1  }
0x217: {  	v4 =	vadd.f32 v5, v4  }
0x218: {  	v3 =	vmul.f32 v3, v37;
	_ =	sdelay $0x1  }
0x219: {  	v3 =	vadd.f32 v3, v4  }
0x21a: {  	s3 =	simm.s32 $0x2;
	s4 =	simm.s32 $0x0;
	v4 =	vpop (erf)  }
0x21b: {  	s2 =	simm.s32 $0x14400;
	s21 =	simm.s32 $0x1F;
	s0 =	simm.s32 $0x14410;
	v3 =	vmul.f32 v4, v3  }
.LBB2_2:
0x21c: {  	_ = 	snop  }
0x21d: {  	v3 =	vmul.f32 $2.500000000e+00, v3;
	_ =	sdelay $0x1  }
0x21e: {  	v3 =	vadd.f32 $2.750000000e+00, v3  }
0x21f: {  	[dreg:$0x7] =	wrdreg s3  }
0x220: {  	[dreg:$0x6] =	wrdreg s0;
	s4 =	sadd.s32 $0x10, s4;
	[tilespmem:s2+$0x0] =	vst v3  }
0x221: {  	s1 =	rddreg [dreg:$0x5];
	s10 =	smov.u32 s0;
	v3 =	vld [tilespmem:s4+$0x0]  }
0x222: {  	s11 =	smin.u32 s3, $0x1F;
	[dreg:$0x8] =	wrdreg s4;
	s1 =	sadd.s32 $0x10, s1  }
0x223: {  	[dreg:$0x9] =	wrdreg s10;
	s0 =	sshll.u32 s11, $0x4;
	v4 =	vld [tilespmem:s1+$0x0]  }
0x224: {  	[dreg:$0x5] =	wrdreg s1;
	v6 =	vld [tilespmem:s0+$0x0]  }
0x225: {  	v7 =	vld [tilespmem:s0+$0x200];
	_ =	swait.ge [sflag:s16], $0x800  }
0x226: {  	v5 =	vand.u32 $0x7F, v3;
	v3 =	vld [tilespmem:$0x1FFE0]  }
0x227: {  	vm15 =	vmmov vm13  }
0x228: {  	vm13 =	vmmov vm12;
	vm12 =	vmmov vm11;
	vm11 =	vmmov vm10  }
0x229: {  	vm10 =	vmmov vm9;
	vm9 =	vmmov vm8;
	vm8 =	vmmov vm7  }
0x22a: {  	vm7 =	vmmov vm6;
	vm6 =	vmmov vm5;
	vm5 =	vmmov vm4  }
0x22b: {  	s26 =	smov.u32 s21;
	vm4 =	vmmov vm3;
	vm3 =	vmmov vm2;
	vm14 =	vnez.u8 v3  }
0x22c: {  	vm2 =	vmmov vm1;
	p1 =	seq.s32 s26, $0x1FF;
	v4 =	vand.u32 $0x7F, v4;
	v3 =	vnsel vm14, $0x0, v5  }
0x22d: {  	vm1 =	vmmov @!p1 $0x1;
	v9 =	vand.u32 $0xFFFFFF80, v6;
	v43 =	vnsel vm14, $0x0, v4;
	(xrf0) =	vadd.scan.msk.s32 $0xffff, v3  }
0x22e: {  	v8 =	vand.u32 $0xFFFFFF80, v7;
	v7 =	vnsel @!p1 vm1, $0x0, v9;
	(xrf0) =	vadd.scan.msk.s32 $0xffff, v43  }
0x22f: {  	v12 =	vnsel @!p1 vm1, $0x0, v8;
	(xrf0) =	vadd.scan.msk.s32 @!p1 $0xffff, v7  }
0x230: {  	v3 =	vsel vm0, $0x0, v9;
	(xrf0) =	vadd.scan.msk.s32 @!p1 $0xffff, v12  }
0x231: {  	v11 =	vsel vm0, $0x0, v8;
	(xrf0) =	vadd.scan.msk.s32 $0xffff, v3  }
0x232: {  	v10 =	vsel vm0, $0x0, v5;
	(xrf0) =	vadd.scan.msk.s32 $0xffff, v11  }
0x233: {  	s12 =	sadd.s32 $0xFFFFFFF1, s26;
	v49 =	vsel vm0, $0x0, v4;
	v20, _, _ =	vpop (xrf0);
	(xrf0) =	vadd.scan.msk.s32 $0xffff, v10  }
0x234: {  	v24 =	vmov s12;
	v44 =	vsel vm2, $0x0, v9;
	vm1 =	vmmov vm2;
	v50, _, _ =	vpop (xrf0);
	(xrf0) =	vadd.scan.msk.s32 $0xffff, v49  }
0x235: {  	v60 =	vand.u32 $0x70, v24;
	v45 =	vsel vm1, $0x0, v8;
	(xrf0) =	vadd.scan.msk.s32 $0xffff, v44;
	v6, _, _ =	vpop @!p1 (xrf0)  }
0x236: {  	vm2 =	vmmov vm3;
	v46 =	vsel vm1, $0x0, v5;
	(xrf0) =	vadd.scan.msk.s32 $0xffff, v45;
	v7, _, _ =	vpop @!p1 (xrf0);
	(v2sf) =	vpush @!p1 v6, $0xF  }
0x237: {  	vm3 =	vmmov vm4;
	vm4 =	vmmov vm5;
	v14 =	vsel vm1, $0x0, v4;
	v53, _, _ =	vpop (xrf0);
	(xrf0) =	vadd.scan.msk.s32 $0xffff, v46  }
0x238: {  	vm5 =	vmmov vm6;
	v47 =	vsel vm2, $0x0, v9;
	(v2sf) =	vpush @!p1 v7, $0xF;
	v54, _, _ =	vpop (xrf0);
	(xrf0) =	vadd.scan.msk.s32 $0xffff, v14  }
0x239: {  	vm6 =	vmmov vm7;
	vm7 =	vmmov vm8;
	v15 =	vsel vm2, $0x0, v8;
	(xrf0) =	vadd.scan.msk.s32 $0xffff, v47;
	v55, _, _ =	vpop (xrf0)  }
0x23a: {  	v16 =	vsel vm2, $0x0, v5;
	v18 =	vsel vm2, $0x0, v4;
	v21 =	vbroadcast v20, $0xF;
	(xrf0) =	vadd.scan.msk.s32 $0xffff, v15;
	v56, _, _ =	vpop (xrf0)  }
0x23b: {  	[sflag:s16] =	ssyncset.done $0x0;
	v3 =	vsel vm3, $0x0, v9;
	v51 =	vbroadcast v50, $0xF;
	(v2sf) =	vpush v53, $0xF;
	v57, _, _ =	vpop (xrf0);
	(xrf0) =	vadd.scan.msk.s32 $0xffff, v16  }
0x23c: {  	[sflag:s16] =	ssyncadd.s32 $0xFFFFF800;
	vm8 =	vmmov vm9;
	v36 =	vadd.s32 v2, v21;
	(v2sf) =	vpush v54, $0xF;
	v58, _, _ =	vpop (xrf0);
	(xrf0) =	vadd.scan.msk.s32 $0xffff, v18  }
0x23d: {  	v13 =	vld [tilespmem:$0x1FFF0];
	vm9 =	vmmov vm10;
	vm10 =	vmmov vm11;
	v52 =	vadd.s32 v2, v51;
	_ =	swait.ge [sflag:s17], $0x800  }
0x23e: {  	v17 =	vsel vm3, $0x0, v8;
	v19 =	vsel vm3, $0x0, v5;
	v21 =	vshll.u32 v24, $0x3;
	(xrf0) =	vadd.scan.msk.s32 $0xffff, v3;
	v3, _, _ =	vpop (xrf0)  }
0x23f: {  	v26 =	vsel vm4, $0x0, v9;
	[sflag:s17] =	ssyncset.done $0x0;
	v10 =	vbroadcast v3, $0xF;
	(xrf0) =	vadd.scan.msk.s32 $0xffff, v17;
	v59, _, _ =	vpop (xrf0);
	v3 =	vand.u32 $0xC00, v21  }
0x240: {  	v23 =	vsel vm3, $0x0, v4;
	(v2sf) =	vpush v57, $0xF;
	[sflag:s17] =	ssyncadd.s32 $0xFFFFF800;
	v61, _, _ =	vpop (xrf0);
	(xrf0) =	vadd.scan.msk.s32 $0xffff, v19;
	v12 =	vor.u32 v3, v60  }
0x241: {  	s13 =	simm.s32 $0x8400;
	vm11 =	vmmov vm12;
	(v2sf) =	vpush v58, $0xF;
	v36 =	vld.idx.msk [tilespmem:v36+s30+$0x0], $0xffff;
	v62, _, _ =	vpop (xrf0);
	(xrf0) =	vadd.scan.msk.s32 $0xffff, v23;
	v12 =	vor.u32 v1, v12  }
0x242: {  	vm12 =	vmmov vm13;
	v28 =	vsel vm4, $0x0, v8;
	v29 =	vsel vm4, $0x0, v5;
	v63 =	vld.idx.msk [tilespmem:v52+s13+$0x0], $0xffff;
	(xrf0) =	vadd.scan.msk.s32 $0xffff, v26;
	v26, _, _ =	vpop (xrf0)  }
0x243: {  	v34 =	vsel vm4, $0x0, v4;
	v35 =	vsel vm5, $0x0, v9;
	v37 =	vsel vm5, $0x0, v8;
	(xrf0) =	vadd.scan.msk.s32 $0xffff, v28;
	v49, _, _ =	vpop (xrf0)  }
0x244: {  	v38 =	vsel vm5, $0x0, v5;
	v42 =	vsel vm5, $0x0, v4;
	v48 =	vsel vm6, $0x0, v9;
	v50, _, _ =	vpop (xrf0);
	(xrf0) =	vadd.scan.msk.s32 $0xffff, v29  }
0x245: {  	v31 =	vsel vm6, $0x0, v5;
	v30 =	vsel vm6, $0x0, v4;
	v25 =	vsel vm7, $0x0, v9;
	v51, _, _ =	vpop (xrf0);
	(xrf0) =	vadd.scan.msk.s32 $0xffff, v34;
	s0 =	spop @!p1 (v2sf)  }
0x246: {  	s28 =	simm.s32 @!p1 $0x400;
	v27 =	vsel vm7, $0x0, v8;
	(v2sf) =	vpush v61, $0xF;
	(xrf0) =	vadd.scan.msk.s32 $0xffff, v35;
	v53, _, _ =	vpop (xrf0);
	[tilespmem:v12+s18+$0x0] =	vst.idx.msk $0xffff, v36;
	s0 =	sand.u32 @!p1 $0xFFFFF80, s0  }
0x247: {  	s29 =	simm.s32 @!p1 $0x7A1400;
	v32 =	vbroadcast v55, $0xF;
	(v2sf) =	vpush v62, $0xF;
	s2 =	spop @!p1 (v2sf);
	(xrf0) =	vadd.scan.msk.s32 $0xffff, v37;
	v55, _, _ =	vpop (xrf0);
	[tilespmem:v12+s19+$0x0] =	vst.idx.msk $0xffff, v63;
	s0 =	sadd.s32 @!p1 s24, s0  }
0x248: {  	v22 =	vsel vm7, $0x0, v5;
	v41 =	vsel vm9, $0x0, v8;
	v39 =	vsel vm9, $0x0, v5;
	v58, _, _ =	vpop (xrf0);
	[tilespmem:s28], [sflag:$0x1] =	stream.strided.gather @!p1 [hbm4b:s0+s28], $0x800, s29, s28, $0x38;
	[tilespmem:$0x14600] =	vst v63  }
0x249: {  	v40 =	vsel vm11, $0x0, v8;
	v11 =	vbroadcast v59, $0xF;
	(v2sf) =	vpush v50, $0xF;
	s2 =	sand.u32 @!p1 $0xFFFFF80, s2;
	v59, _, _ =	vpop (xrf0);
	(xrf0) =	vadd.scan.msk.s32 $0xffff, v38  }
0x24a: {  	s1 =	simm.s32 @!p1 $0x8400;
	vm14 =	vnez.u8 v13;
	v13 =	vsel vm6, $0x0, v8;
	(v2sf) =	vpush v51, $0xF;
	s3 =	spop (v2sf);
	s0 =	sadd.s32 @!p1 s6, s2;
	v60, _, _ =	vpop (xrf0);
	(xrf0) =	vadd.scan.msk.s32 $0xffff, v42  }
0x24b: {  	v43 =	vsel vm8, $0x0, v5;
	v20 =	vsel vm7, $0x0, v4;
	(v2sf) =	vpush v58, $0xF;
	[tilespmem:s1], [sflag:$0x2] =	stream.strided.gather @!p1 [hbm4b:s0+s28], $0x800, s29, s28, $0x38;
	[tilespmem:$0x14600] =	vst v63  }
0x24c: {  	v44 =	vsel vm8, $0x0, v4;
	v14 =	vsel vm8, $0x0, v9;
	s2 =	sand.u32 @!p1 $0xFFFFF80, s3;
	s3 =	spop (v2sf);
	(v2sf) =	vpush v59, $0xF;
	(xrf0) =	vadd.scan.msk.s32 $0xffff, v48;
	v61, _, _ =	vpop (xrf0)  }
0x24d: {  	s14 =	sadd.s32 $0xFFFFFFF2, s26;
	v47 =	vsel vm10, $0x0, v4;
	v15 =	vsel vm8, $0x0, v8;
	v33 =	vbroadcast v56, $0xF;
	_ =	swait.ge [sflag:s16], $0x800  }
0x24e: {  	v16 =	vsel vm10, $0x0, v8;
	v17 =	vsel vm10, $0x0, v5;
	v52 =	vmov s14;
	v62, _, _ =	vpop (xrf0);
	(xrf0) =	vadd.scan.msk.s32 $0xffff, v13  }
0x24f: {  	v19 =	vsel vm9, $0x0, v4;
	v54 =	vshll.u32 v52, $0x3;
	v56 =	vand.u32 $0x71, v52;
	s0 =	sadd.s32 @!p1 s24, s2;
	[sflag:s16] =	ssyncset.done $0x0;
	s2 =	spop (v2sf);
	v50, _, _ =	vpop (xrf0);
	(xrf0) =	vadd.scan.msk.s32 $0xffff, v31  }
0x250: {  	v57 =	vand.u32 $0xC00, v54;
	v63 =	vadd.s32 v2, v32;
	s1 =	sand.u32 @!p1 $0xFFFFF80, s3;
	[sflag:s16] =	ssyncadd.s32 $0xFFFFF800;
	(v2sf) =	vpush v62, $0xF;
	s3 =	spop (v2sf);
	(xrf0) =	vadd.scan.msk.s32 $0xffff, v30  }
0x251: {  	v6 =	vbroadcast v49, $0xF;
	v49 =	vor.u32 v57, v56;
	v51 =	vadd.s32 v2, v33;
	_ =	swait.ge [sflag:s17], $0x800  }
0x252: {  	s5 =	simm.s32 $0xC00;
	v34 =	vsel vm15, $0x0, v4;
	v36 =	vsel vm12, $0x0, v5;
	v28 =	vbroadcast v53, $0xF;
	s2 =	sand.u32 @!p1 $0xFFFFF80, s2;
	(xrf0) =	vadd.scan.msk.s32 $0xffff, v25;
	v53, _, _ =	vpop (xrf0)  }
0x253: {  	v35 =	vsel vm15, $0x0, v8;
	v33 =	vsel vm15, $0x0, v5;
	v12 =	vsel vm12, $0x0, v8;
	s1 =	sadd.s32 @!p1 s6, s1;
	s6 =	sadd.s32 @!p1 s24, s2;
	[sflag:s17] =	ssyncset.done $0x0;
	(xrf0) =	vadd.scan.msk.s32 $0xffff, v27;
	v54, _, _ =	vpop (xrf0)  }
0x254: {  	v42 =	vsel vm11, $0x0, v5;
	v31 =	vsel vm14, $0x0, v8;
	v8 =	vsel vm14, $0x0, v5;
	s2 =	sand.u32 @!p1 $0xFFFFF80, s3;
	s3 =	rddreg [dreg:$0x2];
	[sflag:s17] =	ssyncadd.s32 $0xFFFFF800;
	v5, _, _ =	vpop (xrf0);
	(xrf0) =	vadd.scan.msk.s32 $0xffff, v22  }
0x255: {  	s15 =	simm.s32 $0x8C00;
	v49 =	vor.u32 v1, v49;
	v29 =	vbroadcast v55, $0xF;
	v38 =	vsel vm11, $0x0, v4;
	s4 =	sadd.s32 @!p1 s3, s2;
	s2 =	spop (v2sf);
	v48 =	vld.idx.msk [tilespmem:v63+s5+$0x0], $0xffff;
	v55, _, _ =	vpop (xrf0);
	(xrf0) =	vadd.scan.msk.s32 $0xffff, v20  }
0x256: {  	v13 =	vsel vm12, $0x0, v4;
	v30 =	vsel vm14, $0x0, v4;
	(v2sf) =	vpush v50, $0xF;
	v56 =	vld.idx.msk [tilespmem:v51+s15+$0x0], $0xffff;
	s2 =	sand.u32 @!p1 $0xFFFFF80, s2;
	s3 =	spop (v2sf);
	(xrf0) =	vadd.scan.msk.s32 $0xffff, v14;
	v4, _, _ =	vpop (xrf0)  }
0x257: {  	s5 =	sadd.s32 @!p1 s24, s2;
	s2 =	sand.u32 @!p1 $0xFFFFF80, s3;
	s3 =	rddreg [dreg:$0x2];
	(xrf0) =	vadd.scan.msk.s32 $0xffff, v15;
	v57, _, _ =	vpop (xrf0)  }
0x258: {  	s2 =	sadd.s32 @!p1 s3, s2;
	s3 =	spop (v2sf);
	v58, _, _ =	vpop (xrf0);
	(xrf0) =	vadd.scan.msk.s32 $0xffff, v43  }
0x259: {  	v46 =	vsel vm9, $0x0, v9;
	s3 =	sand.u32 @!p1 $0xFFFFF80, s3;
	s7 =	spop (v2sf);
	v59, _, _ =	vpop (xrf0);
	(xrf0) =	vadd.scan.msk.s32 $0xffff, v44  }
0x25a: {  	s31 =	sadd.s32 @!p1 s24, s3;
	s3 =	sand.u32 @!p1 $0xFFFFF80, s7;
	s7 =	rddreg [dreg:$0x2];
	[tilespmem:v49+s18+$0x0] =	vst.idx.msk $0xffff, v48;
	(xrf0) =	vadd.scan.msk.s32 $0xffff, v46  }
0x25b: {  	v23 =	vbroadcast v60, $0xF;
	(v2sf) =	vpush v5, $0xF;
	s30 =	sadd.s32 @!p1 s7, s3;
	v60, _, _ =	vpop (xrf0);
	[tilespmem:v49+s19+$0x0] =	vst.idx.msk $0xffff, v56;
	s7 =	simm.s32 @!p1 $0xC00;
	(xrf0) =	vadd.scan.msk.s32 $0xffff, v41  }
0x25c: {  	v7 =	vbroadcast v26, $0xF;
	v26 =	vbroadcast v61, $0xF;
	(v2sf) =	vpush v55, $0xF;
	v61, _, _ =	vpop (xrf0);
	[tilespmem:s7], [sflag:$0x1] =	stream.strided.gather @!p1 [hbm4b:s0+s28], $0x800, s29, s28, $0x38;
	[tilespmem:$0x14600] =	vst v63  }
0x25d: {  	v18 =	vsel vm10, $0x0, v9;
	v62, _, _ =	vpop (xrf0);
	(xrf0) =	vadd.scan.msk.s32 $0xffff, v39  }
0x25e: {  	(v2sf) =	vpush v58, $0xF;
	s3 =	spop (v2sf);
	s7 =	simm.s32 @!p1 $0x8C00;
	v63, _, _ =	vpop (xrf0);
	(xrf0) =	vadd.scan.msk.s32 $0xffff, v19  }
0x25f: {  	(v2sf) =	vpush v59, $0xF;
	[tilespmem:s7], [sflag:$0x2] =	stream.strided.gather @!p1 [hbm4b:s1+s28], $0x800, s29, s28, $0x38;
	[tilespmem:$0x14600] =	vst v63  }
0x260: {  	s8 =	spop (v2sf);
	(v2sf) =	vpush v62, $0xF;
	(xrf0) =	vadd.scan.msk.s32 $0xffff, v18;
	v18, _, _ =	vpop (xrf0)  }
0x261: {  	(v2sf) =	vpush v63, $0xF;
	(xrf0) =	vadd.scan.msk.s32 $0xffff, v16;
	v19, _, _ =	vpop (xrf0)  }
0x262: {  	s3 =	sand.u32 @!p1 $0xFFFFF80, s3;
	_ =	swait.ge [sflag:s16], $0x800  }
0x263: {  	s0 =	sadd.s32 @!p1 s24, s3;
	s3 =	sand.u32 @!p1 $0xFFFFF80, s8;
	s1 =	rddreg [dreg:$0x2];
	v39, _, _ =	vpop (xrf0);
	(xrf0) =	vadd.scan.msk.s32 $0xffff, v17  }
0x264: {  	v45 =	vsel vm11, $0x0, v9;
	[sflag:s16] =	ssyncset.done $0x0;
	s22 =	sadd.s32 @!p1 s1, s3;
	s1 =	spop (v2sf);
	v41, _, _ =	vpop (xrf0);
	(xrf0) =	vadd.scan.msk.s32 $0xffff, v47  }
0x265: {  	s20 =	sadd.s32 $0xFFFFFFF3, s26;
	v10 =	vadd.s32 v2, v10;
	[sflag:s16] =	ssyncadd.s32 $0xFFFFF800;
	s3 =	spop (v2sf);
	(v2sf) =	vpush v39, $0xF;
	(xrf0) =	vadd.scan.msk.s32 $0xffff, v45;
	v16, _, _ =	vpop (xrf0)  }
0x266: {  	v11 =	vadd.s32 v2, v11;
	v43 =	vmov s20;
	_ =	swait.ge [sflag:s17], $0x800  }
0x267: {  	v45 =	vshll.u32 v43, $0x3;
	(xrf0) =	vadd.scan.msk.s32 $0xffff, v40;
	v44, _, _ =	vpop (xrf0)  }
0x268: {  	s9 =	simm.s32 $0x1400;
	v14 =	vand.u32 $0x72, v43;
	v39 =	vand.u32 $0xC00, v45;
	[sflag:s17] =	ssyncset.done $0x0;
	v46, _, _ =	vpop (xrf0);
	(xrf0) =	vadd.scan.msk.s32 $0xffff, v42  }
0x269: {  	v37 =	vsel vm12, $0x0, v9;
	s3 =	sand.u32 @!p1 $0xFFFFF80, s3;
	v14 =	vor.u32 v39, v14;
	s7 =	rddreg [dreg:$0x2];
	[sflag:s17] =	ssyncadd.s32 $0xFFFFF800;
	v47, _, _ =	vpop (xrf0);
	(xrf0) =	vadd.scan.msk.s32 $0xffff, v38  }
0x26a: {  	s23 =	simm.s32 $0x9400;
	v49 =	vor.u32 v1, v14;
	s3 =	sadd.s32 @!p1 s7, s3;
	s7 =	spop (v2sf);
	v10 =	vld.idx.msk [tilespmem:v10+s9+$0x0], $0xffff;
	(xrf0) =	vadd.scan.msk.s32 $0xffff, v37;
	v48, _, _ =	vpop (xrf0)  }
0x26b: {  	(v2sf) =	vpush v41, $0xF;
	v11 =	vld.idx.msk [tilespmem:v11+s23+$0x0], $0xffff;
	s7 =	sand.u32 @!p1 $0xFFFFF80, s7;
	s8 =	spop (v2sf);
	(xrf0) =	vadd.scan.msk.s32 $0xffff, v12;
	v50, _, _ =	vpop (xrf0)  }
0x26c: {  	s20 =	sadd.s32 @!p1 s24, s7;
	s7 =	sand.u32 @!p1 $0xFFFFF80, s8;
	s8 =	rddreg [dreg:$0x2];
	v51, _, _ =	vpop (xrf0);
	(xrf0) =	vadd.scan.msk.s32 $0xffff, v36  }
0x26d: {  	v32 =	vsel vm15, $0x0, v9;
	s23 =	sadd.s32 @!p1 s8, s7;
	s7 =	spop (v2sf);
	v52, _, _ =	vpop (xrf0);
	(xrf0) =	vadd.scan.msk.s32 $0xffff, v13  }
0x26e: {  	(v2sf) =	vpush v46, $0xF;
	s7 =	sand.u32 @!p1 $0xFFFFF80, s7;
	s8 =	spop (v2sf);
	(xrf0) =	vadd.scan.msk.s32 $0xffff, v32;
	v13, _, _ =	vpop (xrf0)  }
0x26f: {  	v25 =	vbroadcast v53, $0xF;
	s15 =	sadd.s32 @!p1 s24, s7;
	s7 =	sand.u32 @!p1 $0xFFFFF80, s8;
	s8 =	rddreg [dreg:$0x2];
	[tilespmem:v49+s18+$0x0] =	vst.idx.msk $0xffff, v10;
	(xrf0) =	vadd.scan.msk.s32 $0xffff, v35;
	v53, _, _ =	vpop (xrf0)  }
0x270: {  	v27 =	vbroadcast v54, $0xF;
	(v2sf) =	vpush v47, $0xF;
	s10 =	sadd.s32 @!p1 s8, s7;
	[tilespmem:v49+s19+$0x0] =	vst.idx.msk $0xffff, v11;
	s8 =	simm.s32 @!p1 $0x1400;
	v54, _, _ =	vpop (xrf0);
	(xrf0) =	vadd.scan.msk.s32 $0xffff, v33  }
0x271: {  	[tilespmem:s8], [sflag:$0x1] =	stream.strided.gather @!p1 [hbm4b:s6+s28], $0x800, s29, s28, $0x38;
	[tilespmem:$0x14600] =	vst v63  }
0x272: {  	v9 =	vsel vm14, $0x0, v9;
	(v2sf) =	vpush v51, $0xF;
	v55, _, _ =	vpop (xrf0);
	(xrf0) =	vadd.scan.msk.s32 $0xffff, v34  }
0x273: {  	(v2sf) =	vpush v52, $0xF;
	s6 =	simm.s32 @!p1 $0x9400;
	(xrf0) =	vadd.scan.msk.s32 $0xffff, v9  }
0x274: {  	v24 =	vor.u32 v0, v24;
	v56, _, _ =	vpop (xrf0);
	[tilespmem:s6], [sflag:$0x2] =	stream.strided.gather @!p1 [hbm4b:s4+s28], $0x800, s29, s28, $0x38;
	[tilespmem:$0x14600] =	vst v63  }
0x275: {  	v5 =	vand.u32 $0x7F, v24;
	v24 =	vbroadcast v57, $0xF;
	s7 =	spop (v2sf);
	(v2sf) =	vpush v54, $0xF;
	(xrf0) =	vadd.scan.msk.s32 $0xffff, v31;
	v57, _, _ =	vpop (xrf0)  }
0x276: {  	s11 =	spop (v2sf);
	(v2sf) =	vpush v55, $0xF;
	v58, _, _ =	vpop (xrf0);
	(xrf0) =	vadd.scan.msk.s32 $0xffff, v8  }
0x277: {  	s7 =	sand.u32 @!p1 $0xFFFFF80, s7;
	_ =	swait.ge [sflag:s16], $0x800  }
0x278: {  	s13 =	sadd.s32 @!p1 s24, s7;
	s7 =	sand.u32 @!p1 $0xFFFFF80, s11;
	s4 =	rddreg [dreg:$0x2];
	v59, _, _ =	vpop (xrf0)  }
0x279: {  	v20 =	vbroadcast v60, $0xF;
	[sflag:s16] =	ssyncset.done $0x0;
	s14 =	sadd.s32 @!p1 s4, s7;
	s4 =	spop (v2sf);
	(v2sf) =	vpush v58, $0xF;
	v60, _, _ =	vpop (xrf0)  }
0x27a: {  	(xrf0) =	vadd.scan.msk.s32 $0xffff, v30;
	[sflag:s16] =	ssyncadd.s32 $0xFFFFF800;
	s6 =	spop (v2sf);
	(v2sf) =	vpush v59, $0xF;
	v62, _, _ =	vpop (xrf0)  }
0x27b: {  	s4 =	sand.u32 @!p1 $0xFFFFF80, s4;
	_ =	swait.ge [sflag:s17], $0x800  }
0x27c: {  	s25 =	sadd.s32 $0xFFFFFFF4, s26;
	v7 =	vadd.s32 v2, v7;
	v22 =	vbroadcast v4, $0xF;
	v4 =	vor.u32 v5, v21;
	s11 =	sadd.s32 @!p1 s24, s4;
	[sflag:s17] =	ssyncset.done $0x0  }
0x27d: {  	v21 =	vbroadcast v61, $0xF;
	v61 =	vadd.s32 v2, v6;
	v63 =	vmov s25;
	s4 =	sand.u32 @!p1 $0xFFFFF80, s6;
	s6 =	spop (v2sf);
	s7 =	rddreg [dreg:$0x2]  }
0x27e: {  	v37 =	vshll.u32 v63, $0x3;
	s12 =	sadd.s32 @!p1 s7, s4;
	s4 =	sand.u32 @!p1 $0xFFFFF80, s6  }
0x27f: {  	v39 =	vand.u32 $0x73, v63;
	v32 =	vand.u32 $0xC00, v37;
	[sflag:s17] =	ssyncadd.s32 $0xFFFFF800;
	s8 =	sadd.s32 @!p1 s24, s4;
	s4 =	spop (v2sf)  }
0x280: {  	v42 =	vor.u32 v32, v39;
	s7 =	simm.s32 $0x1C00;
	s6 =	rddreg [dreg:$0x2];
	s4 =	sand.u32 @!p1 $0xFFFFF80, s4  }
0x281: {  	s9 =	simm.s32 $0x9C00;
	v32 =	vor.u32 v1, v42;
	v41 =	vld.idx.msk [tilespmem:v7+s7+$0x0], $0xffff;
	s4 =	sadd.s32 @!p1 s6, s4;
	s6 =	spop (v2sf)  }
0x282: {  	v30 =	vld.idx.msk [tilespmem:v61+s9+$0x0], $0xffff;
	s6 =	sand.u32 @!p1 $0xFFFFF80, s6;
	s9 =	spop (v2sf)  }
0x283: {  	v36, _, _ =	vpop (xrf0);
	s7 =	sadd.s32 @!p1 s24, s6;
	s6 =	sand.u32 @!p1 $0xFFFFF80, s9;
	s9 =	rddreg [dreg:$0x2]  }
0x284: {  	v38, _, _ =	vpop (xrf0);
	(v2sf) =	vpush v36, $0xF;
	s6 =	sadd.s32 @!p1 s9, s6  }
0x285: {  	(v2sf) =	vpush v38, $0xF;
	s9 =	spop (v2sf);
	[dreg:$0xd] =	wrdreg s6  }
0x286: {  	[tilespmem:v32+s18+$0x0] =	vst.idx.msk $0xffff, v41;
	s9 =	sand.u32 @!p1 $0xFFFFF80, s9;
	s6 =	rddreg [dreg:$0x1]  }
0x287: {  	s25 =	simm.s32 @!p1 $0x1C00;
	s1 =	sand.u32 @!p1 $0xFFFFF80, s1;
	[tilespmem:v32+s19+$0x0] =	vst.idx.msk $0xffff, v30;
	s6 =	sadd.s32 @!p1 s6, s9  }
0x288: {  	[tilespmem:s25], [sflag:$0x1] =	stream.strided.gather @!p1 [hbm4b:s5+s28], $0x800, s29, s28, $0x38;
	[tilespmem:$0x14600] =	vst v63  }
0x289: {  	s1 =	sadd.s32 @!p1 s24, s1;
	s24 =	spop (v2sf);
	[dreg:$0xc] =	wrdreg s6  }
0x28a: {  	s9 =	sand.u32 @!p1 $0xFFFFF80, s24;
	s6 =	rddreg [dreg:$0x2]  }
0x28b: {  	v40, _, _ =	vpop (xrf0);
	s24 =	simm.s32 @!p1 $0x9C00;
	s5 =	sadd.s32 @!p1 s6, s9;
	s9 =	spop (v2sf)  }
0x28c: {  	v43, _, _ =	vpop (xrf0);
	[tilespmem:s24], [sflag:$0x2] =	stream.strided.gather @!p1 [hbm4b:s2+s28], $0x800, s29, s28, $0x38;
	[tilespmem:$0x14600] =	vst v63  }
0x28d: {  	s24 =	rddreg [dreg:$0x1];
	_ =	swait.ge [sflag:s16], $0x800;
	s2 =	sand.u32 @!p1 $0xFFFFF80, s9  }
0x28e: {  	s9 =	spop (v2sf);
	s2 =	sadd.s32 @!p1 s24, s2  }
0x28f: {  	[dreg:$0xa] =	wrdreg s2;
	s2 =	sand.u32 @!p1 $0xFFFFF80, s9  }
0x290: {  	[sflag:s16] =	ssyncset.done $0x0;
	s2 =	sadd.s32 @!p1 s6, s2  }
0x291: {  	v28 =	vadd.s32 v2, v28;
	s25 =	sadd.s32 $0xFFFFFFF5, s26;
	[sflag:s16] =	ssyncadd.s32 $0xFFFFF800;
	[dreg:$0xb] =	wrdreg s2  }
0x292: {  	v29 =	vadd.s32 v2, v29;
	v45 =	vmov s25;
	_ =	swait.ge [sflag:s17], $0x800  }
0x293: {  	v46 =	vshll.u32 v45, $0x3;
	s2 =	spop (v2sf);
	[sflag:s17] =	ssyncset.done $0x0  }
0x294: {  	v30 =	vand.u32 $0x74, v45;
	v31 =	vand.u32 $0xC00, v46;
	s2 =	sand.u32 @!p1 $0xFFFFF80, s2;
	s9 =	spop (v2sf);
	[sflag:s17] =	ssyncadd.s32 $0xFFFFF800  }
0x295: {  	v30 =	vor.u32 v31, v30;
	s25 =	sadd.s32 @!p1 s24, s2;
	s2 =	sand.u32 @!p1 $0xFFFFF80, s9;
	s9 =	simm.s32 $0x2400  }
0x296: {  	v30 =	vor.u32 v1, v30;
	v28 =	vld.idx.msk [tilespmem:v28+s9+$0x0], $0xffff;
	s9 =	sadd.s32 @!p1 s6, s2;
	s2 =	simm.s32 $0xA400  }
0x297: {  	v29 =	vld.idx.msk [tilespmem:v29+s2+$0x0], $0xffff;
	_ =	sdelay $0x3  }
0x298: {  	[tilespmem:v30+s18+$0x0] =	vst.idx.msk $0xffff, v28  }
0x299: {  	s2 =	simm.s32 @!p1 $0x2400;
	[tilespmem:v30+s19+$0x0] =	vst.idx.msk $0xffff, v29  }
0x29a: {  	[tilespmem:s2], [sflag:$0x1] =	stream.strided.gather @!p1 [hbm4b:s31+s28], $0x800, s29, s28, $0x38;
	[tilespmem:$0x14600] =	vst v63  }
0x29b: {  	s2 =	simm.s32 @!p1 $0xA400  }
0x29c: {  	[tilespmem:s2], [sflag:$0x2] =	stream.strided.gather @!p1 [hbm4b:s30+s28], $0x800, s29, s28, $0x38;
	[tilespmem:$0x14600] =	vst v63  }
0x29d: {  	_ =	swait.ge [sflag:s16], $0x800  }
0x29e: {  	v23 =	vadd.s32 v2, v23;
	s31 =	sadd.s32 $0xFFFFFFF6, s26;
	[sflag:s16] =	ssyncset.done $0x0  }
0x29f: {  	v26 =	vadd.s32 v2, v26;
	v47 =	vmov s31;
	[sflag:s16] =	ssyncadd.s32 $0xFFFFF800  }
0x2a0: {  	v14 =	vbroadcast v48, $0xF;
	v48 =	vshll.u32 v47, $0x3;
	_ =	swait.ge [sflag:s17], $0x800  }
0x2a1: {  	v28 =	vand.u32 $0x75, v47;
	v29 =	vand.u32 $0xC00, v48;
	[sflag:s17] =	ssyncset.done $0x0  }
0x2a2: {  	s31 =	simm.s32 $0x2C00;
	v28 =	vor.u32 v29, v28;
	[sflag:s17] =	ssyncadd.s32 $0xFFFFF800  }
0x2a3: {  	v28 =	vor.u32 v1, v28;
	v23 =	vld.idx.msk [tilespmem:v23+s31+$0x0], $0xffff;
	s31 =	simm.s32 $0xAC00  }
0x2a4: {  	v26 =	vld.idx.msk [tilespmem:v26+s31+$0x0], $0xffff;
	_ =	sdelay $0x3  }
0x2a5: {  	[tilespmem:v28+s18+$0x0] =	vst.idx.msk $0xffff, v23  }
0x2a6: {  	s2 =	simm.s32 @!p1 $0x2C00;
	[tilespmem:v28+s19+$0x0] =	vst.idx.msk $0xffff, v26  }
0x2a7: {  	[tilespmem:s2], [sflag:$0x1] =	stream.strided.gather @!p1 [hbm4b:s0+s28], $0x800, s29, s28, $0x38;
	[tilespmem:$0x14600] =	vst v63  }
0x2a8: {  	s0 =	simm.s32 @!p1 $0xAC00  }
0x2a9: {  	[tilespmem:s0], [sflag:$0x2] =	stream.strided.gather @!p1 [hbm4b:s22+s28], $0x800, s29, s28, $0x38;
	[tilespmem:$0x14600] =	vst v63  }
0x2aa: {  	s2 =	rddreg [dreg:$0x9];
	_ =	swait.ge [sflag:s16], $0x800  }
0x2ab: {  	v49 =	vadd.s32 v2, v25;
	s31 =	sadd.s32 $0xFFFFFFF7, s26;
	[sflag:s16] =	ssyncset.done $0x0  }
0x2ac: {  	v15 =	vbroadcast v50, $0xF;
	v50 =	vadd.s32 v2, v27;
	v51 =	vmov s31;
	[sflag:s16] =	ssyncadd.s32 $0xFFFFF800  }
0x2ad: {  	v52 =	vshll.u32 v51, $0x3;
	_ =	swait.ge [sflag:s17], $0x800  }
0x2ae: {  	v27 =	vand.u32 $0xC00, v52;
	v26 =	vand.u32 $0x76, v51;
	[sflag:s17] =	ssyncset.done $0x0  }
0x2af: {  	v26 =	vor.u32 v27, v26;
	s22 =	simm.s32 $0x3400;
	[sflag:s17] =	ssyncadd.s32 $0xFFFFF800  }
0x2b0: {  	s31 =	simm.s32 $0xB400;
	v26 =	vor.u32 v1, v26;
	v23 =	vld.idx.msk [tilespmem:v49+s22+$0x0], $0xffff  }
0x2b1: {  	v25 =	vld.idx.msk [tilespmem:v50+s31+$0x0], $0xffff;
	_ =	sdelay $0x3  }
0x2b2: {  	[tilespmem:v26+s18+$0x0] =	vst.idx.msk $0xffff, v23  }
0x2b3: {  	s0 =	simm.s32 @!p1 $0x3400;
	[tilespmem:v26+s19+$0x0] =	vst.idx.msk $0xffff, v25  }
0x2b4: {  	[tilespmem:s0], [sflag:$0x1] =	stream.strided.gather @!p1 [hbm4b:s1+s28], $0x800, s29, s28, $0x38;
	[tilespmem:$0x14600] =	vst v63  }
0x2b5: {  	s0 =	simm.s32 @!p1 $0xB400  }
0x2b6: {  	[tilespmem:s0], [sflag:$0x2] =	stream.strided.gather @!p1 [hbm4b:s3+s28], $0x800, s29, s28, $0x38;
	[tilespmem:$0x14600] =	vst v63  }
0x2b7: {  	s3 =	rddreg [dreg:$0x7];
	_ =	swait.ge [sflag:s16], $0x800  }
0x2b8: {  	v22 =	vadd.s32 v2, v22;
	s22 =	sadd.s32 $0xFFFFFFF8, s26;
	[sflag:s16] =	ssyncset.done $0x0  }
0x2b9: {  	v12 =	vbroadcast v53, $0xF;
	v53 =	vadd.s32 v2, v24;
	v54 =	vmov s22;
	[sflag:s16] =	ssyncadd.s32 $0xFFFFF800  }
0x2ba: {  	v55 =	vshll.u32 v54, $0x3;
	_ =	swait.ge [sflag:s17], $0x800  }
0x2bb: {  	v24 =	vand.u32 $0x77, v54;
	v25 =	vand.u32 $0xC00, v55;
	[sflag:s17] =	ssyncset.done $0x0  }
0x2bc: {  	s31 =	simm.s32 $0x3C00;
	v24 =	vor.u32 v25, v24;
	[sflag:s17] =	ssyncadd.s32 $0xFFFFF800  }
0x2bd: {  	s1 =	simm.s32 $0xBC00;
	v24 =	vor.u32 v1, v24;
	v22 =	vld.idx.msk [tilespmem:v22+s31+$0x0], $0xffff  }
0x2be: {  	v23 =	vld.idx.msk [tilespmem:v53+s1+$0x0], $0xffff;
	_ =	sdelay $0x3  }
0x2bf: {  	[tilespmem:v24+s18+$0x0] =	vst.idx.msk $0xffff, v22  }
0x2c0: {  	s0 =	simm.s32 @!p1 $0x3C00;
	[tilespmem:v24+s19+$0x0] =	vst.idx.msk $0xffff, v23  }
0x2c1: {  	[tilespmem:s0], [sflag:$0x1] =	stream.strided.gather @!p1 [hbm4b:s20+s28], $0x800, s29, s28, $0x38;
	[tilespmem:$0x14600] =	vst v63  }
0x2c2: {  	s0 =	simm.s32 @!p1 $0xBC00  }
0x2c3: {  	[tilespmem:s0], [sflag:$0x2] =	stream.strided.gather @!p1 [hbm4b:s23+s28], $0x800, s29, s28, $0x38;
	[tilespmem:$0x14600] =	vst v63  }
0x2c4: {  	_ =	swait.ge [sflag:s16], $0x800  }
0x2c5: {  	v20 =	vadd.s32 v2, v20;
	s20 =	sadd.s32 $0xFFFFFFF9, s26;
	[sflag:s16] =	ssyncset.done $0x0  }
0x2c6: {  	v21 =	vadd.s32 v2, v21;
	v10 =	vbroadcast v56, $0xF;
	v56 =	vmov s20;
	[sflag:s16] =	ssyncadd.s32 $0xFFFFF800  }
0x2c7: {  	v11 =	vbroadcast v57, $0xF;
	v57 =	vshll.u32 v56, $0x3;
	_ =	swait.ge [sflag:s17], $0x800  }
0x2c8: {  	v22 =	vand.u32 $0x78, v56;
	v23 =	vand.u32 $0xC00, v57;
	[sflag:s17] =	ssyncset.done $0x0  }
0x2c9: {  	s22 =	simm.s32 $0x4400;
	v22 =	vor.u32 v23, v22;
	[sflag:s17] =	ssyncadd.s32 $0xFFFFF800  }
0x2ca: {  	s23 =	simm.s32 $0xC400;
	v22 =	vor.u32 v1, v22;
	v20 =	vld.idx.msk [tilespmem:v20+s22+$0x0], $0xffff  }
0x2cb: {  	v21 =	vld.idx.msk [tilespmem:v21+s23+$0x0], $0xffff;
	_ =	sdelay $0x3  }
0x2cc: {  	[tilespmem:v22+s18+$0x0] =	vst.idx.msk $0xffff, v20  }
0x2cd: {  	s0 =	simm.s32 @!p1 $0x4400;
	[tilespmem:v22+s19+$0x0] =	vst.idx.msk $0xffff, v21  }
0x2ce: {  	[tilespmem:s0], [sflag:$0x1] =	stream.strided.gather @!p1 [hbm4b:s15+s28], $0x800, s29, s28, $0x38;
	[tilespmem:$0x14600] =	vst v63  }
0x2cf: {  	s0 =	simm.s32 @!p1 $0xC400  }
0x2d0: {  	v18 =	vbroadcast v18, $0xF;
	[tilespmem:s0], [sflag:$0x2] =	stream.strided.gather @!p1 [hbm4b:s10+s28], $0x800, s29, s28, $0x38;
	[tilespmem:$0x14600] =	vst v63  }
0x2d1: {  	v19 =	vbroadcast v19, $0xF;
	_ =	swait.ge [sflag:s16], $0x800  }
0x2d2: {  	v18 =	vadd.s32 v2, v18;
	s31 =	sadd.s32 $0xFFFFFFFA, s26;
	[sflag:s16] =	ssyncset.done $0x0  }
0x2d3: {  	v19 =	vadd.s32 v2, v19;
	v58 =	vmov s31;
	[sflag:s16] =	ssyncadd.s32 $0xFFFFF800  }
0x2d4: {  	v59 =	vshll.u32 v58, $0x3;
	_ =	swait.ge [sflag:s17], $0x800  }
0x2d5: {  	v20 =	vand.u32 $0x79, v58;
	v21 =	vand.u32 $0xC00, v59;
	[sflag:s17] =	ssyncset.done $0x0  }
0x2d6: {  	s1 =	simm.s32 $0x4C00;
	v20 =	vor.u32 v21, v20;
	[sflag:s17] =	ssyncadd.s32 $0xFFFFF800  }
0x2d7: {  	v20 =	vor.u32 v1, v20;
	s10 =	simm.s32 $0xCC00;
	v18 =	vld.idx.msk [tilespmem:v18+s1+$0x0], $0xffff  }
0x2d8: {  	v19 =	vld.idx.msk [tilespmem:v19+s10+$0x0], $0xffff;
	_ =	sdelay $0x3  }
0x2d9: {  	[tilespmem:v20+s18+$0x0] =	vst.idx.msk $0xffff, v18  }
0x2da: {  	s0 =	simm.s32 @!p1 $0x4C00;
	[tilespmem:v20+s19+$0x0] =	vst.idx.msk $0xffff, v19  }
0x2db: {  	[tilespmem:s0], [sflag:$0x1] =	stream.strided.gather @!p1 [hbm4b:s13+s28], $0x800, s29, s28, $0x38;
	[tilespmem:$0x14600] =	vst v63  }
0x2dc: {  	s0 =	simm.s32 @!p1 $0xCC00  }
0x2dd: {  	v16 =	vbroadcast v16, $0xF;
	[tilespmem:s0], [sflag:$0x2] =	stream.strided.gather @!p1 [hbm4b:s14+s28], $0x800, s29, s28, $0x38;
	[tilespmem:$0x14600] =	vst v63  }
0x2de: {  	v17 =	vbroadcast v44, $0xF;
	_ =	swait.ge [sflag:s16], $0x800  }
0x2df: {  	v16 =	vadd.s32 v2, v16;
	s15 =	sadd.s32 $0xFFFFFFFB, s26;
	[sflag:s16] =	ssyncset.done $0x0  }
0x2e0: {  	v17 =	vadd.s32 v2, v17;
	v8 =	vbroadcast v60, $0xF;
	v60 =	vmov s15;
	[sflag:s16] =	ssyncadd.s32 $0xFFFFF800  }
0x2e1: {  	v61 =	vshll.u32 v60, $0x3;
	_ =	swait.ge [sflag:s17], $0x800  }
0x2e2: {  	v18 =	vand.u32 $0x7A, v60;
	v19 =	vand.u32 $0xC00, v61;
	[sflag:s17] =	ssyncset.done $0x0  }
0x2e3: {  	s20 =	simm.s32 $0x5400;
	v18 =	vor.u32 v19, v18;
	[sflag:s17] =	ssyncadd.s32 $0xFFFFF800  }
0x2e4: {  	s22 =	simm.s32 $0xD400;
	v18 =	vor.u32 v1, v18;
	v16 =	vld.idx.msk [tilespmem:v16+s20+$0x0], $0xffff  }
0x2e5: {  	v17 =	vld.idx.msk [tilespmem:v17+s22+$0x0], $0xffff;
	_ =	sdelay $0x3  }
0x2e6: {  	[tilespmem:v18+s18+$0x0] =	vst.idx.msk $0xffff, v16  }
0x2e7: {  	s0 =	simm.s32 @!p1 $0x5400;
	[tilespmem:v18+s19+$0x0] =	vst.idx.msk $0xffff, v17  }
0x2e8: {  	[tilespmem:s0], [sflag:$0x1] =	stream.strided.gather @!p1 [hbm4b:s11+s28], $0x800, s29, s28, $0x38;
	[tilespmem:$0x14600] =	vst v63  }
0x2e9: {  	s0 =	simm.s32 @!p1 $0xD400  }
0x2ea: {  	[tilespmem:s0], [sflag:$0x2] =	stream.strided.gather @!p1 [hbm4b:s12+s28], $0x800, s29, s28, $0x38;
	[tilespmem:$0x14600] =	vst v63  }
0x2eb: {  	_ =	swait.ge [sflag:s16], $0x800  }
0x2ec: {  	v14 =	vadd.s32 v2, v14;
	s23 =	sadd.s32 $0xFFFFFFFC, s26;
	[sflag:s16] =	ssyncset.done $0x0  }
0x2ed: {  	v15 =	vadd.s32 v2, v15;
	v9 =	vbroadcast v62, $0xF;
	v62 =	vmov s23;
	[sflag:s16] =	ssyncadd.s32 $0xFFFFF800  }
0x2ee: {  	v63 =	vshll.u32 v62, $0x3;
	_ =	swait.ge [sflag:s17], $0x800  }
0x2ef: {  	v16 =	vand.u32 $0x7B, v62;
	v17 =	vand.u32 $0xC00, v63;
	[sflag:s17] =	ssyncset.done $0x0  }
0x2f0: {  	s31 =	simm.s32 $0x5C00;
	v16 =	vor.u32 v17, v16;
	[sflag:s17] =	ssyncadd.s32 $0xFFFFF800  }
0x2f1: {  	s1 =	simm.s32 $0xDC00;
	v16 =	vor.u32 v1, v16;
	v14 =	vld.idx.msk [tilespmem:v14+s31+$0x0], $0xffff  }
0x2f2: {  	v15 =	vld.idx.msk [tilespmem:v15+s1+$0x0], $0xffff;
	_ =	sdelay $0x3  }
0x2f3: {  	[tilespmem:v16+s18+$0x0] =	vst.idx.msk $0xffff, v14  }
0x2f4: {  	s0 =	simm.s32 @!p1 $0x5C00;
	[tilespmem:v16+s19+$0x0] =	vst.idx.msk $0xffff, v15  }
0x2f5: {  	[tilespmem:s0], [sflag:$0x1] =	stream.strided.gather @!p1 [hbm4b:s8+s28], $0x800, s29, s28, $0x38;
	[tilespmem:$0x14600] =	vst v63  }
0x2f6: {  	s0 =	simm.s32 @!p1 $0xDC00  }
0x2f7: {  	v13 =	vbroadcast v13, $0xF;
	[tilespmem:s0], [sflag:$0x2] =	stream.strided.gather @!p1 [hbm4b:s4+s28], $0x800, s29, s28, $0x38;
	[tilespmem:$0x14600] =	vst v63  }
0x2f8: {  	s4 =	rddreg [dreg:$0x8];
	_ =	swait.ge [sflag:s16], $0x800  }
0x2f9: {  	v13 =	vadd.s32 v2, v13;
	s8 =	sadd.s32 $0xFFFFFFFD, s26;
	[sflag:s16] =	ssyncset.done $0x0  }
0x2fa: {  	v12 =	vadd.s32 v2, v12;
	v18 =	vmov s8;
	[sflag:s16] =	ssyncadd.s32 $0xFFFFF800  }
0x2fb: {  	v19 =	vshll.u32 v18, $0x3;
	_ =	swait.ge [sflag:s17], $0x800  }
0x2fc: {  	v14 =	vand.u32 $0x7C, v18;
	v15 =	vand.u32 $0xC00, v19;
	[sflag:s17] =	ssyncset.done $0x0  }
0x2fd: {  	s10 =	simm.s32 $0x6400;
	v14 =	vor.u32 v15, v14;
	[sflag:s17] =	ssyncadd.s32 $0xFFFFF800  }
0x2fe: {  	s11 =	simm.s32 $0xE400;
	v14 =	vor.u32 v1, v14;
	v13 =	vld.idx.msk [tilespmem:v13+s10+$0x0], $0xffff  }
0x2ff: {  	v12 =	vld.idx.msk [tilespmem:v12+s11+$0x0], $0xffff;
	_ =	sdelay $0x3  }
0x300: {  	[tilespmem:v14+s18+$0x0] =	vst.idx.msk $0xffff, v13  }
0x301: {  	s0 =	simm.s32 @!p1 $0x6400;
	[tilespmem:v14+s19+$0x0] =	vst.idx.msk $0xffff, v12  }
0x302: {  	[tilespmem:s0], [sflag:$0x1] =	stream.strided.gather @!p1 [hbm4b:s7+s28], $0x800, s29, s28, $0x38;
	[tilespmem:$0x14600] =	vst v63  }
0x303: {  	s1 =	rddreg [dreg:$0xd];
	s0 =	simm.s32 @!p1 $0xE400  }
0x304: {  	[tilespmem:s0], [sflag:$0x2] =	stream.strided.gather @!p1 [hbm4b:s1+s28], $0x800, s29, s28, $0x38;
	[tilespmem:$0x14600] =	vst v63  }
0x305: {  	_ =	swait.ge [sflag:s16], $0x800  }
0x306: {  	v10 =	vadd.s32 v2, v10;
	s12 =	sadd.s32 $0xFFFFFFFE, s26;
	[sflag:s16] =	ssyncset.done $0x0  }
0x307: {  	v11 =	vadd.s32 v2, v11;
	v20 =	vmov s12;
	[sflag:s16] =	ssyncadd.s32 $0xFFFFF800  }
0x308: {  	v21 =	vshll.u32 v20, $0x3;
	_ =	swait.ge [sflag:s17], $0x800  }
0x309: {  	v13 =	vand.u32 $0xC00, v21;
	v12 =	vand.u32 $0x7D, v20;
	[sflag:s17] =	ssyncset.done $0x0  }
0x30a: {  	s13 =	simm.s32 $0x6C00;
	v12 =	vor.u32 v13, v12;
	[sflag:s17] =	ssyncadd.s32 $0xFFFFF800  }
0x30b: {  	s14 =	simm.s32 $0xEC00;
	v12 =	vor.u32 v1, v12;
	v10 =	vld.idx.msk [tilespmem:v10+s13+$0x0], $0xffff  }
0x30c: {  	v11 =	vld.idx.msk [tilespmem:v11+s14+$0x0], $0xffff;
	_ =	sdelay $0x3  }
0x30d: {  	[tilespmem:v12+s18+$0x0] =	vst.idx.msk $0xffff, v10  }
0x30e: {  	s0 =	simm.s32 @!p1 $0x6C00;
	s1 =	rddreg [dreg:$0xc];
	[tilespmem:v12+s19+$0x0] =	vst.idx.msk $0xffff, v11  }
0x30f: {  	[tilespmem:s0], [sflag:$0x1] =	stream.strided.gather @!p1 [hbm4b:s1+s28], $0x800, s29, s28, $0x38;
	[tilespmem:$0x14600] =	vst v63  }
0x310: {  	s0 =	simm.s32 @!p1 $0xEC00  }
0x311: {  	[tilespmem:s0], [sflag:$0x2] =	stream.strided.gather @!p1 [hbm4b:s5+s28], $0x800, s29, s28, $0x38;
	[tilespmem:$0x14600] =	vst v63  }
0x312: {  	_ =	swait.ge [sflag:s16], $0x800  }
0x313: {  	v8 =	vadd.s32 v2, v8;
	s15 =	sadd.s32 $0xFFFFFFFF, s26;
	[sflag:s16] =	ssyncset.done $0x0  }
0x314: {  	v9 =	vadd.s32 v2, v9;
	v22 =	vmov s15;
	[sflag:s16] =	ssyncadd.s32 $0xFFFFF800  }
0x315: {  	v10 =	vshll.u32 v22, $0x3;
	_ =	swait.ge [sflag:s17], $0x800  }
0x316: {  	v23 =	vand.u32 $0x7E, v22;
	v10 =	vand.u32 $0xC00, v10;
	[sflag:s17] =	ssyncset.done $0x0  }
0x317: {  	s20 =	simm.s32 $0x7400;
	v10 =	vor.u32 v10, v23;
	[sflag:s17] =	ssyncadd.s32 $0xFFFFF800  }
0x318: {  	s22 =	simm.s32 $0xF400;
	v10 =	vor.u32 v1, v10;
	v8 =	vld.idx.msk [tilespmem:v8+s20+$0x0], $0xffff  }
0x319: {  	v9 =	vld.idx.msk [tilespmem:v9+s22+$0x0], $0xffff;
	_ =	sdelay $0x3  }
0x31a: {  	[tilespmem:v10+s18+$0x0] =	vst.idx.msk $0xffff, v8  }
0x31b: {  	s0 =	simm.s32 @!p1 $0x7400;
	s1 =	rddreg [dreg:$0xa];
	[tilespmem:v10+s19+$0x0] =	vst.idx.msk $0xffff, v9  }
0x31c: {  	[tilespmem:s0], [sflag:$0x1] =	stream.strided.gather @!p1 [hbm4b:s1+s28], $0x800, s29, s28, $0x38;
	[tilespmem:$0x14600] =	vst v63  }
0x31d: {  	s0 =	simm.s32 @!p1 $0xF400;
	s1 =	rddreg [dreg:$0xb]  }
0x31e: {  	v6 =	vbroadcast v40, $0xF;
	[tilespmem:s0], [sflag:$0x2] =	stream.strided.gather @!p1 [hbm4b:s1+s28], $0x800, s29, s28, $0x38;
	[tilespmem:$0x14600] =	vst v63  }
0x31f: {  	v44 =	vbroadcast v43, $0xF;
	_ =	swait.ge [sflag:s16], $0x800  }
0x320: {  	v6 =	vadd.s32 v2, v6;
	[sflag:s16] =	ssyncset.done $0x0  }
0x321: {  	v7 =	vadd.s32 v2, v44;
	v24 =	vmov s26;
	[sflag:s16] =	ssyncadd.s32 $0xFFFFF800  }
0x322: {  	v25 =	vshll.u32 v24, $0x3;
	_ =	swait.ge [sflag:s17], $0x800  }
0x323: {  	v8 =	vand.u32 $0x7F, v24;
	v9 =	vand.u32 $0xC00, v25;
	[sflag:s17] =	ssyncset.done $0x0  }
0x324: {  	s23 =	simm.s32 $0x7C00;
	v8 =	vor.u32 v9, v8;
	[sflag:s17] =	ssyncadd.s32 $0xFFFFF800  }
0x325: {  	s26 =	simm.s32 $0xFC00;
	v8 =	vor.u32 v1, v8;
	v6 =	vld.idx.msk [tilespmem:v6+s23+$0x0], $0xffff  }
0x326: {  	v7 =	vld.idx.msk [tilespmem:v7+s26+$0x0], $0xffff;
	_ =	sdelay $0x2  }
0x327: {  	v5 =	vor.u32 v5, v3  }
0x328: {  	v3 =	vor.u32 $0x100, v5;
	[tilespmem:v8+s18+$0x0] =	vst.idx.msk $0xffff, v6  }
0x329: {  	v26 =	vor.u32 $0x80, v5;
	s0 =	simm.s32 @!p1 $0x7C00;
	[tilespmem:v8+s19+$0x0] =	vst.idx.msk $0xffff, v7  }
0x32a: {  	[tilespmem:s0], [sflag:$0x1] =	stream.strided.gather @!p1 [hbm4b:s25+s28], $0x800, s29, s28, $0x38;
	[tilespmem:$0x14600] =	vst v63  }
0x32b: {  	s0 =	simm.s32 @!p1 $0xFC00  }
0x32c: {  	[tilespmem:s0], [sflag:$0x2] =	stream.strided.gather @!p1 [hbm4b:s9+s28], $0x800, s29, s28, $0x38;
	[tilespmem:$0x14600] =	vst v63  }
0x32d: {  	v7 =	vld.idx.msk [tilespmem:v3+s19+$0x0], $0xffff  }
0x32e: {  	v27 =	vor.u32 $0x180, v5;
	v8 =	vld.idx.msk [tilespmem:v26+s19+$0x0], $0xffff  }
0x32f: {  	v6 =	vld.idx.msk [tilespmem:v26+s18+$0x0], $0xffff  }
0x330: {  	v29 =	vor.u32 $0x200, v5;
	v28 =	vld.idx.msk [tilespmem:v5+s18+$0x0], $0xffff  }
0x331: {  	v37 =	vor.u32 $0x1180, v5;
	v30 =	vld.idx.msk [tilespmem:v5+s19+$0x0], $0xffff  }
0x332: {  	v35 =	vor.u32 $0x300, v5;
	v34 =	vor.u32 $0x1080, v5;
	v32 =	vor.u32 $0x280, v5;
	v31 =	vld.idx.msk [tilespmem:v3+s18+$0x0], $0xffff  }
0x333: {  	v36 =	vor.u32 $0x1000, v5;
	v41 =	vor.u32 $0x1200, v5;
	v17 =	vor.u32 $0x1280, v5;
	v33 =	vld.idx.msk [tilespmem:v27+s18+$0x0], $0xffff  }
0x334: {  	v18 =	vor.u32 $0x1300, v5;
	v9 =	vld.idx.msk [tilespmem:v27+s19+$0x0], $0xffff;
	v38 =	vmul.f32 v8, v8;
	v8 =	vmul.f32 v8, v6  }
0x335: {  	v3 =	vor.u32 $0x1380, v4;
	v39 =	vld.idx.msk [tilespmem:v29+s18+$0x0], $0xffff;
	v40 =	vmul.f32 v28, v28;
	v6 =	vmul.f32 v6, v6  }
0x336: {  	v4 =	vor.u32 $0x380, v4;
	v11 =	vld.idx.msk [tilespmem:v29+s19+$0x0], $0xffff;
	v42 =	vmul.f32 v30, v30;
	v10 =	vmul.f32 v30, v28  }
0x337: {  	v43 =	vld.idx.msk [tilespmem:v32+s18+$0x0], $0xffff;
	v5 =	vor.u32 $0x1100, v5;
	v44 =	vmul.f32 v31, v31;
	v6 =	vadd.f32 v6, v40  }
0x338: {  	v14 =	vld.idx.msk [tilespmem:v32+s19+$0x0], $0xffff;
	v45 =	vmul.f32 v7, v7;
	v10 =	vadd.f32 $0.0e+00, v10;
	v22 =	vadd.f32 v38, v42  }
0x339: {  	v46 =	vld.idx.msk [tilespmem:v35+s18+$0x0], $0xffff;
	v7 =	vmul.f32 v7, v31;
	v47 =	vmul.f32 v33, v33;
	v6 =	vadd.f32 v44, v6  }
0x33a: {  	v19 =	vld.idx.msk [tilespmem:v35+s19+$0x0], $0xffff;
	v48 =	vmul.f32 v9, v9;
	v8 =	vadd.f32 v8, v10;
	v49 =	vadd.f32 v45, v22  }
0x33b: {  	v55 =	vld.idx.msk [tilespmem:v36+s18+$0x0], $0xffff;
	v9 =	vmul.f32 v9, v33;
	v51 =	vmul.f32 v39, v39;
	v6 =	vadd.f32 v47, v6  }
0x33c: {  	v50 =	vld.idx.msk [tilespmem:v4+s18+$0x0], $0xffff;
	v52 =	vmul.f32 v11, v11;
	v7 =	vadd.f32 v7, v8;
	v53 =	vadd.f32 v48, v49  }
0x33d: {  	v4 =	vld.idx.msk [tilespmem:v4+s19+$0x0], $0xffff;
	v54 =	vmul.f32 v11, v39;
	v56 =	vmul.f32 v43, v43;
	v6 =	vadd.f32 v51, v6  }
0x33e: {  	v20 =	vld.idx.msk [tilespmem:v36+s19+$0x0], $0xffff;
	v57 =	vmul.f32 v14, v14;
	v7 =	vadd.f32 v9, v7;
	v8 =	vadd.f32 v52, v53  }
0x33f: {  	v59 =	vld.idx.msk [tilespmem:v34+s18+$0x0], $0xffff;
	v58 =	vmul.f32 v14, v43;
	v60 =	vmul.f32 v46, v46;
	v6 =	vadd.f32 v56, v6  }
0x340: {  	v16 =	vld.idx.msk [tilespmem:v34+s19+$0x0], $0xffff;
	v61 =	vmul.f32 v19, v19;
	v7 =	vadd.f32 v54, v7;
	v8 =	vadd.f32 v57, v8  }
0x341: {  	v26 =	vld.idx.msk [tilespmem:v37+s18+$0x0], $0xffff;
	v62 =	vmul.f32 v19, v46;
	v23 =	vmul.f32 v50, v50;
	v6 =	vadd.f32 v60, v6  }
0x342: {  	v63 =	vld.idx.msk [tilespmem:v5+s18+$0x0], $0xffff;
	v24 =	vmul.f32 v4, v4;
	v7 =	vadd.f32 v58, v7;
	v8 =	vadd.f32 v61, v8  }
0x343: {  	v5 =	vld.idx.msk [tilespmem:v5+s19+$0x0], $0xffff;
	v27 =	vmul.f32 v55, v55;
	v28 =	vmul.f32 v20, v20;
	v6 =	vadd.f32 v23, v6  }
0x344: {  	v21 =	vld.idx.msk [tilespmem:v37+s19+$0x0], $0xffff;
	v4 =	vmul.f32 v4, v50;
	v7 =	vadd.f32 v62, v7;
	v8 =	vadd.f32 v24, v8  }
0x345: {  	v29 =	vmul.f32 v20, v55;
	v31 =	vmul.f32 v59, v59;
	v6 =	vadd.f32 v27, v6  }
0x346: {  	v30 =	vld.idx.msk [tilespmem:v41+s18+$0x0], $0xffff;
	v32 =	vmul.f32 v16, v16;
	v4 =	vadd.f32 v4, v7;
	v34 =	vadd.f32 v28, v8  }
0x347: {  	v33 =	vld.idx.msk [tilespmem:v41+s19+$0x0], $0xffff;
	v35 =	vmul.f32 v16, v59;
	v37 =	vmul.f32 v63, v63;
	v6 =	vadd.f32 v31, v6  }
0x348: {  	v36 =	vld.idx.msk [tilespmem:v17+s18+$0x0], $0xffff;
	v38 =	vmul.f32 v5, v5;
	v4 =	vadd.f32 v29, v4;
	v7 =	vadd.f32 v32, v34  }
0x349: {  	v39 =	vld.idx.msk [tilespmem:v17+s19+$0x0], $0xffff;
	v41 =	vmul.f32 v26, v26;
	v42 =	vmul.f32 v21, v21;
	v6 =	vadd.f32 v37, v6  }
0x34a: {  	v40 =	vld.idx.msk [tilespmem:v18+s18+$0x0], $0xffff;
	v5 =	vmul.f32 v5, v63;
	v4 =	vadd.f32 v35, v4;
	v7 =	vadd.f32 v38, v7  }
0x34b: {  	v43 =	vld.idx.msk [tilespmem:v18+s19+$0x0], $0xffff;
	v46 =	vmul.f32 v30, v30;
	v6 =	vadd.f32 v41, v6  }
0x34c: {  	v45 =	vld.idx.msk [tilespmem:v3+s18+$0x0], $0xffff;
	v47 =	vmul.f32 v33, v33;
	v4 =	vadd.f32 v5, v4;
	v5 =	vadd.f32 v42, v7  }
0x34d: {  	v3 =	vld.idx.msk [tilespmem:v3+s19+$0x0], $0xffff;
	v49 =	vmul.f32 v36, v36;
	v6 =	vadd.f32 v46, v6  }
0x34e: {  	v50 =	vmul.f32 v39, v39;
	v5 =	vadd.f32 v47, v5  }
0x34f: {  	v52 =	vmul.f32 v40, v40;
	v6 =	vadd.f32 v49, v6  }
0x350: {  	v53 =	vmul.f32 v43, v43;
	v5 =	vadd.f32 v50, v5  }
0x351: {  	v55 =	vmul.f32 v45, v45;
	v6 =	vadd.f32 v52, v6  }
0x352: {  	v56 =	vmul.f32 v3, v3;
	v5 =	vadd.f32 v53, v5  }
0x353: {  	v6 =	vadd.f32 v55, v6  }
0x354: {  	v5 =	vadd.f32 v56, v5  }
0x355: {  	v57 =	vshrl.u32 v6, $0x1  }
0x356: {  	v58 =	vmul.f32 $5.000000000e-01, v6;
	v59 =	vshrl.u32 v5, $0x1;
	v60 =	vmul.f32 $5.000000000e-01, v5  }
0x357: {  	v7 =	vsub.s32 $0x5F3759DF, v57;
	v9 =	vsub.s32 $0x5F3759DF, v59  }
0x358: {  	v61 =	vmul.f32 v7, v58;
	v62 =	vmul.f32 v9, v60;
	_ =	sdelay $0x1  }
0x359: {  	v11 =	vmul.f32 v7, v61;
	v12 =	vmul.f32 v9, v62;
	_ =	sdelay $0x1  }
0x35a: {  	v11 =	vsub.f32 $1.500000000e+00, v11;
	v12 =	vsub.f32 $1.500000000e+00, v12;
	_ =	sdelay $0x1  }
0x35b: {  	v7 =	vmul.f32 v7, v11;
	v9 =	vmul.f32 v9, v12;
	_ =	sdelay $0x1  }
0x35c: {  	v11 =	vmul.f32 v7, v58;
	v12 =	vmul.f32 v9, v60;
	_ =	sdelay $0x1  }
0x35d: {  	v11 =	vmul.f32 v11, v7;
	v12 =	vmul.f32 v12, v9;
	_ =	sdelay $0x1  }
0x35e: {  	v11 =	vsub.f32 $1.500000000e+00, v11;
	v12 =	vsub.f32 $1.500000000e+00, v12;
	_ =	sdelay $0x1  }
0x35f: {  	v7 =	vmul.f32 v11, v7;
	v9 =	vmul.f32 v12, v9;
	_ =	sdelay $0x1  }
0x360: {  	v8 =	vmul.f32 v7, v58;
	v10 =	vmul.f32 v9, v60;
	_ =	sdelay $0x1  }
0x361: {  	v8 =	vmul.f32 v8, v7;
	v10 =	vmul.f32 v10, v9;
	_ =	sdelay $0x1  }
0x362: {  	v8 =	vsub.f32 $1.500000000e+00, v8;
	v10 =	vsub.f32 $1.500000000e+00, v10;
	_ =	sdelay $0x1  }
0x363: {  	v7 =	vmul.f32 v8, v7;
	v63 =	vmul.f32 v10, v9;
	_ =	sdelay $0x1  }
0x364: {  	v6 =	vmul.f32 v7, v6;
	v5 =	vmul.f32 v63, v5;
	_ =	sdelay $0x1  }
0x365: {  	v44 =	vmul.f32 v21, v26;
	v6 =	vmax.f32 v6, $9.999999930e-09;
	v5 =	vmax.f32 v5, $9.999999930e-09  }
0x366: {  	v5 =	vmul.f32 v5, v6  }
0x367: {  	v48 =	vmul.f32 v33, v30;
	v4 =	vadd.f32 v44, v4  }
0x368: {  	(erf) = vrcp.f32 v5  }
0x369: {  	v51 =	vmul.f32 v39, v36;
	v4 =	vadd.f32 v48, v4;
	_ =	sdelay $0x1  }
0x36a: {  	v54 =	vmul.f32 v43, v40;
	v4 =	vadd.f32 v51, v4  }
0x36b: {  	s21 =	sadd.s32 $0x10, s21  }
0x36c: {  	p0 =	sne.s32 s21, $0x20F;
	v4 =	vadd.f32 v54, v4  }
.Ltmp0:
0x36d: {  	v3 =	vmul.f32 v3, v45;
	(pc) =	sbr.rel @p0 .LBB2_2-.Ltmp0, $4  }
0x36e: {  	_ = 	snop  }
0x36f: {  	v3 =	vadd.f32 v3, v4  }
0x370: {  	s31 =	rddreg [dreg:$0x6];
	v4 =	vpop (erf)  }
0x371: {  	vm13 =	vmmov vm15;
	s30 =	simm.s32 $0x400;
	s3 =	sadd.s32 $0x1, s3;
	s0 =	sadd.s32 $0x10, s31;
	v3 =	vmul.f32 v4, v3  }
0x372: {  	_ = 	snop  }
0x373: {  	v3 =	vmul.f32 $2.500000000e+00, v3;
	_ =	sdelay $0x1  }
0x374: {  	v3 =	vadd.f32 $2.750000000e+00, v3  }
0x375: {  	s6 =	simm.s32 $0x0  }
0x376: {  	s0 =	rddreg [dreg:$0x10];
	s1 =	simm.s32 $0x14400;
	[tilespmem:s2+$0x0] =	vst v3;
	s2 =	simm.s32 $0x3  }
0x377: {  	[hbm4b:s0+s6] =	stream.linear.scatter [tilespmem:s1], [sflag:$0x3], $0x200, $0x38;
	[tilespmem:$0x14600] =	vst v63  }
0x378: {  	_ =	swait.ge [sflag:s2], $0x200  }
0x379: {  	s29 =	rddreg [dreg:$0x12]  }
0x37a: {  	s31 =	rddreg [dreg:$0x11];
	s1 =	sadd.s32 $0x1, s29  }
0x37b: {  	p0 =	sne.s32 s1, s31  }
.Ltmp1:
0x37c: {  	_ = 	snop;
	(pc) =	sbr.rel @p0 .LBB2_1-.Ltmp1, $3  }
0x37d: {  	_ =	sdelay $0x1  }
0x37e: {  	[sflag:s2] =	ssyncset.done $0x0  }
0x37f: {  	[sflag:s2] =	ssyncadd.s32 $0xFFFFFE00  }
0x380: {  	_ =	sfence.sel $0x180000  }
0x381: {  	[bflag:$0x0] =	sbarrier.arrive $0xFFFF  }
0x382: {  	_ =	strace $0x90000047  }
0x383: {  	s0 =	stileid.u32;
	[bflag:$0x2] =	sbarrier.arrive $0xFFFF  }
0x384: {  	p0 =	sne.s32 s0, $0x0;
	s0 =	rddreg [dreg:$0x4]  }
0x385: {  	s0 =	sadd.s32 @!p0 $0x100000, s0  }
0x386: {  	[sflag:s0] =	ssyncadd.tile.s32 @!p0 $0x1;
	_ =	shalt  }
.Lfunc_end2:
_tile_overlayer_lowered:
.L_overlay_start_2:
0x387: {  	(tag) =	ssettag $0x2  }
0x388: {  	s0 =	rddreg [dreg:$0x0];
	s2 =	stileid.u32  }
0x389: {  	s1 =	rddreg [dreg:$0x1];
	p0 =	sne.s32 s2, $0x0  }
0x38a: {  	s3 =	rddreg [dreg:$0x2];
	[bflag:$0x3] =	sbarrier.arrive $0xFFFF;
	s2 =	simm.s32 @!p0 $0x1C03  }
0x38b: {  	[timem:s3], [sflag:s2] =	dma.local @!p0 [hbm:s0], s1  }
0x38c: {  	s0 =	simm.s32 @!p0 $0x3  }
0x38d: {  	_ =	swait.ge @!p0 [sflag:s0], s1  }
0x38e: {  	s1 =	ssub.s32 @!p0 $0x0, s1;
	[sflag:s0] =	ssyncset.done @!p0 $0x0  }
0x38f: {  	[sflag:s0] =	ssyncadd.s32 @!p0 s1  }
0x390: {  	[bflag:$0x3] =	sbarrier.arrive $0xFFFF  }
0x391: {  	_ =	shalt  }

</sc_bundles>
